<compile_context>
chip_gen: v7x
topology: tpu7x:2x2x1
jax: 0.10.2.dev20260603
libtpu: 0.0.44.dev20260713+nightly
codegen_flags: <defaults>
</compile_context>

<pallas_src>
import functools

import jax
import jax.numpy as jnp
from jax import lax
from jax.experimental import pallas as pl
from jax.experimental.pallas import tpu as pltpu
from jax.experimental.pallas import tpu_sc as plsc

B = 16384
N_TAB = 100000
D_IV = 128
D_GMF = 64
D_SIDE = 358
BM = 1024
NC = 2
NS = 16
NW = NC * NS
BPW = B // NW
CH = 64
NCH = BPW // CH
NB = 2
HB = 4096
TPW = D_GMF // (NW // 2)


def _sc_pipeline(gather_fn, write_fn):
  pend_g = [None] * NB
  pend_w = [None] * NB

  def fire_writes(c):
    b = c % NB
    for g in pend_g[b]:
      g.wait()
    pend_w[b] = write_fn(c, b)

  for c in range(NCH):
    b = c % NB
    if pend_w[b] is not None:
      for w in pend_w[b]:
        w.wait()
    pend_g[b] = gather_fn(c, b)
    if c >= 1:
      fire_writes(c - 1)
  fire_writes(NCH - 1)
  for pw in pend_w:
    if pw is not None:
      for w in pw:
        w.wait()


@functools.lru_cache(maxsize=1)
def _build_sc_k1():
  mesh = plsc.VectorSubcoreMesh(core_axis_name="c", subcore_axis_name="s")

  @functools.partial(
      pl.kernel,
      out_type=jax.ShapeDtypeStruct((B, 2 * D_IV), jnp.float32),
      mesh=mesh,
      scratch_types=[
          pltpu.VMEM((BPW,), jnp.int32),
          pltpu.VMEM((BPW,), jnp.int32),
          pltpu.VMEM((NB, CH, D_IV), jnp.float32),
          pltpu.VMEM((NB, CH, D_IV), jnp.float32),
          pltpu.SemaphoreType.DMA,
          pltpu.SemaphoreType.DMA,
      ],
  )
  def k1(x1_hbm, x2_hbm, item_hbm, user_hbm, xiu_out,
         idx1_v, idx2_v, iv_v, uv_v, sg, sw):
    wid = lax.axis_index("s") * NC + lax.axis_index("c")
    base = wid * BPW
    pltpu.sync_copy(x1_hbm.at[pl.ds(base, BPW)], idx1_v)
    pltpu.sync_copy(x2_hbm.at[pl.ds(base, BPW)], idx2_v)

    def gather(c, b):
      loc = c * CH
      return (
          pltpu.async_copy(item_hbm.at[idx1_v.at[pl.ds(loc, CH)]],
                           iv_v.at[b], sg),
          pltpu.async_copy(user_hbm.at[idx2_v.at[pl.ds(loc, CH)]],
                           uv_v.at[b], sg),
      )

    def write(c, b):
      off = base + c * CH
      return (
          pltpu.async_copy(iv_v.at[b],
                           xiu_out.at[pl.ds(off, CH), pl.ds(0, D_IV)], sw),
          pltpu.async_copy(uv_v.at[b],
                           xiu_out.at[pl.ds(off, CH), pl.ds(D_IV, D_IV)],
                           sw),
      )

    _sc_pipeline(gather, write)

  return k1


@functools.lru_cache(maxsize=1)
def _build_sc_gmf():
  mesh = plsc.VectorSubcoreMesh(core_axis_name="c", subcore_axis_name="s")

  @functools.partial(
      pl.kernel,
      out_type=jax.ShapeDtypeStruct((2 * D_GMF, B), jnp.float32),
      mesh=mesh,
      scratch_types=[
          pltpu.VMEM((N_TAB,), jnp.float32),
          pltpu.VMEM((B,), jnp.int32),
          pltpu.VMEM((2, HB), jnp.float32),
          pltpu.SemaphoreType.DMA,
      ],
      compiler_params=pltpu.CompilerParams(needs_layout_passes=False),
  )
  def gmf(xx_hbm, it_hbm, ut_hbm, o1, row_v, idx_v, out_v, sem):
    wid = lax.axis_index("s") * NC + lax.axis_index("c")
    is_item = wid < NW // 2
    lw = lax.rem(wid, NW // 2)
    ioff = jnp.where(is_item, 0, B).astype(jnp.int32)
    pltpu.sync_copy(xx_hbm.at[pl.ds(ioff, B)], idx_v)
    pending = [None, None]

    for t in range(TPW):
      d = lw * TPW + t

      @pl.when(is_item)
      def _():
        pltpu.sync_copy(it_hbm.at[d], row_v)

      @pl.when(jnp.logical_not(is_item))
      def _():
        pltpu.sync_copy(ut_hbm.at[d], row_v)

      dout = d + jnp.where(is_item, 0, D_GMF).astype(jnp.int32)
      for half in range(B // HB):
        base = half * HB
        nb = (t * (B // HB) + half) % 2
        if pending[nb] is not None:
          pending[nb].wait()

        def body(i, _):
          idx16 = idx_v[pl.ds(base + i * 16, 16)]
          out_v[nb, pl.ds(i * 16, 16)] = plsc.load_gather(row_v, [idx16])
          return 0

        lax.fori_loop(0, HB // 16, body, 0)
        pending[nb] = pltpu.async_copy(
            out_v.at[nb], o1.at[dout, pl.ds(base, HB)], sem)
    for p in pending:
      if p is not None:
        p.wait()

  return gmf


def _mlp_body(xiu_ref, x3t_ref, gv_ref,
              w1ab_ref, w1c_ref, b1_ref, w2_ref, b2_ref, w3_ref, b3_ref,
              w4_ref, b4_ref, wo_ref, wfg_ref, c0_ref, out_ref):
  f32 = jnp.float32
  bf16 = jnp.bfloat16
  h = jnp.dot(xiu_ref[...].astype(bf16), w1ab_ref[...],
              preferred_element_type=f32)
  h = h + lax.dot_general(x3t_ref[...].astype(bf16), w1c_ref[...],
                          (((0,), (0,)), ((), ())),
                          preferred_element_type=f32)
  h = jnp.maximum(h + b1_ref[...], 0.0).astype(bf16)
  h = jnp.maximum(jnp.dot(h, w2_ref[...], preferred_element_type=f32)
                  + b2_ref[...], 0.0).astype(bf16)
  h = jnp.maximum(jnp.dot(h, w3_ref[...], preferred_element_type=f32)
                  + b3_ref[...], 0.0).astype(bf16)
  h = jnp.maximum(jnp.dot(h, w4_ref[...], preferred_element_type=f32)
                  + b4_ref[...], 0.0)
  mlp = jnp.sum(h * wo_ref[...], axis=1, keepdims=True)
  gv = gv_ref[...]
  g = jnp.sum(gv[:D_GMF] * gv[D_GMF:] * wfg_ref[...], axis=0,
              keepdims=True)
  z = jnp.transpose(mlp + c0_ref[...]) + g
  out_ref[...] = 1.0 / (1.0 + jnp.exp(-z))


def _tc_mlp(xiu, x3t, gv, w1ab, w1c, b1r, w2, b2r, w3, b3r, w4, b4r,
            wo_s, wfg, c0, interpret=False):
  h1, h2, h3, h4 = 1024, 1024, 512, 256
  return pl.pallas_call(
      _mlp_body,
      grid=(B // BM,),
      in_specs=[
          pl.BlockSpec((BM, 2 * D_IV), lambda i: (i, 0)),
          pl.BlockSpec((D_SIDE, BM), lambda i: (0, i)),
          pl.BlockSpec((2 * D_GMF, BM), lambda i: (0, i)),
          pl.BlockSpec((2 * D_IV, h1), lambda i: (0, 0)),
          pl.BlockSpec((D_SIDE, h1), lambda i: (0, 0)),
          pl.BlockSpec((1, h1), lambda i: (0, 0)),
          pl.BlockSpec((h1, h2), lambda i: (0, 0)),
          pl.BlockSpec((1, h2), lambda i: (0, 0)),
          pl.BlockSpec((h2, h3), lambda i: (0, 0)),
          pl.BlockSpec((1, h3), lambda i: (0, 0)),
          pl.BlockSpec((h3, h4), lambda i: (0, 0)),
          pl.BlockSpec((1, h4), lambda i: (0, 0)),
          pl.BlockSpec((1, h4), lambda i: (0, 0)),
          pl.BlockSpec((D_GMF, 1), lambda i: (0, 0)),
          pl.BlockSpec((1, 1), lambda i: (0, 0)),
      ],
      out_specs=pl.BlockSpec((1, BM), lambda i: (0, i)),
      out_shape=jax.ShapeDtypeStruct((1, B), jnp.float32),
      compiler_params=pltpu.CompilerParams(
          dimension_semantics=("arbitrary",)),
      interpret=interpret,
  )(xiu, x3t, gv, w1ab, w1c, b1r, w2, b2r, w3, b3r, w4, b4r,
    wo_s, wfg, c0)


def kernel(x1, x2, x3, item_emb, user_emb, W1, b1, W2, b2, W3, b3, W4, b4,
           Wo, bo, item_emb1, user_emb1, Wf, bf):
  x1 = x1.astype(jnp.int32)
  x2 = x2.astype(jnp.int32)
  xiu = _build_sc_k1()(x1, x2, item_emb, user_emb)
  xx = jnp.concatenate([x1, x2])
  gv = _build_sc_gmf()(xx, item_emb1.T, user_emb1.T)
  bf16 = jnp.bfloat16
  w1ab = W1[:2 * D_IV].astype(bf16)
  w1c = W1[2 * D_IV:].astype(bf16)
  wf0 = Wf[0, 0]
  wo_s = (Wo[:, 0] * wf0)[None, :]
  wfg = Wf[1:, :1]
  c0 = (bo[0] * wf0 + bf[0])[None, None]
  out = _tc_mlp(xiu, x3.T, gv, w1ab, w1c, b1[None, :],
                W2.astype(bf16), b2[None, :], W3.astype(bf16), b3[None, :],
                W4.astype(bf16), b4[None, :], wo_s, wfg, c0)
  return out.T

# --- scband reference (transcript-rebuilt; emitter-appended) ---
"""Pipeline reference for scband-nhyb-f-88313117540958 (READ-ONLY COPY).

The authoritative reference and input builder live on the scoring server;
editing this copy changes nothing except your own understanding.
"""

import jax, jax.numpy as jnp
import numpy as np

NUM_ITEMS = 100000
NUM_USERS = 100000
B = 16384
D_ITEM = 128
D_USER = 128
D_GMF = 64
D_SIDE = 358
H = (1024, 1024, 512, 256)
OUT = 1


def setup_inputs(seed: int = 0):
    key = jax.random.key(seed)
    ks = jax.random.split(key, 24)
    x1 = jax.random.randint(ks[0], (B,), 0, NUM_ITEMS, dtype=jnp.int32).astype(jnp.int64) if False else jax.random.randint(ks[0], (B,), 0, NUM_ITEMS)
    x2 = jax.random.randint(ks[1], (B,), 0, NUM_USERS)
    x3 = jax.random.normal(ks[2], (B, D_SIDE), dtype=jnp.float32)
    s = 0.02
    item_emb = jax.random.normal(ks[3], (NUM_ITEMS, D_ITEM), dtype=jnp.float32) * s
    user_emb = jax.random.normal(ks[4], (NUM_USERS, D_USER), dtype=jnp.float32) * s
    d_in = D_ITEM + D_USER + D_SIDE
    W1 = jax.random.normal(ks[5], (d_in, H[0]), dtype=jnp.float32) * s
    b1 = jnp.zeros((H[0],), dtype=jnp.float32)
    W2 = jax.random.normal(ks[6], (H[0], H[1]), dtype=jnp.float32) * s
    b2 = jnp.zeros((H[1],), dtype=jnp.float32)
    W3 = jax.random.normal(ks[7], (H[1], H[2]), dtype=jnp.float32) * s
    b3 = jnp.zeros((H[2],), dtype=jnp.float32)
    W4 = jax.random.normal(ks[8], (H[2], H[3]), dtype=jnp.float32) * s
    b4 = jnp.zeros((H[3],), dtype=jnp.float32)
    Wo = jax.random.normal(ks[9], (H[3], OUT), dtype=jnp.float32) * s
    bo = jnp.zeros((OUT,), dtype=jnp.float32)
    item_emb1 = jax.random.normal(ks[10], (NUM_ITEMS, D_GMF), dtype=jnp.float32) * s
    user_emb1 = jax.random.normal(ks[11], (NUM_USERS, D_GMF), dtype=jnp.float32) * s
    Wf = jax.random.normal(ks[12], (OUT + D_GMF, 1), dtype=jnp.float32) * s
    bf = jnp.zeros((1,), dtype=jnp.float32)
    return {"x1": x1, "x2": x2, "x3": x3, "item_emb": item_emb, "user_emb": user_emb,
            "W1": W1, "b1": b1, "W2": W2, "b2": b2, "W3": W3, "b3": b3, "W4": W4, "b4": b4,
            "Wo": Wo, "bo": bo, "item_emb1": item_emb1, "user_emb1": user_emb1, "Wf": Wf, "bf": bf}


def reference(x1, x2, x3, item_emb, user_emb, W1, b1, W2, b2, W3, b3, W4, b4, Wo, bo, item_emb1, user_emb1, Wf, bf):
    # dropout layers are identity in eval mode
    item_vector = jnp.take(item_emb, x1, axis=0)
    user_vector = jnp.take(user_emb, x2, axis=0)
    concatenation = jnp.concatenate([item_vector, user_vector, x3], axis=1)
    relu1 = jax.nn.relu(concatenation @ W1 + b1)
    relu2 = jax.nn.relu(relu1 @ W2 + b2)
    relu3 = jax.nn.relu(relu2 @ W3 + b3)
    relu4 = jax.nn.relu(relu3 @ W4 + b4)
    mlp_out = relu4 @ Wo + bo
    gmf_item = jnp.take(item_emb1, x1, axis=0)
    gmf_user = jnp.take(user_emb1, x2, axis=0)
    gmf = gmf_item * gmf_user
    cc = jnp.concatenate([mlp_out, gmf], axis=1)
    return jax.nn.sigmoid(cc @ Wf + bf)

if __name__ == "__main__":
    import jax
    _d = setup_inputs()
    print(jax.jit(kernel)(*tuple(_d.values())))

</pallas_src>

<mosaic_0001>
#map = affine_map<(d0, d1) -> (0)>
#map1 = affine_map<(d0, d1) -> (0, 0)>
module attributes {stable_mosaic.version = 14 : i64} {
  func.func @k1(%arg0: i32, %arg1: i32, %arg2: memref<16384xi32, #tpu.memory_space<hbm>>, %arg3: memref<16384xi32, #tpu.memory_space<hbm>>, %arg4: memref<100000x128xf32, #tpu.memory_space<hbm>>, %arg5: memref<100000x128xf32, #tpu.memory_space<hbm>>, %arg6: memref<16384x256xf32, #tpu.memory_space<hbm>>, %arg7: memref<512xi32, #tpu.memory_space<vmem>>, %arg8: memref<512xi32, #tpu.memory_space<vmem>>, %arg9: memref<2x64x128xf32, #tpu.memory_space<vmem>>, %arg10: memref<2x64x128xf32, #tpu.memory_space<vmem>>, %arg11: memref<!tpu.dma_semaphore, #tpu.memory_space<semaphore_mem>>, %arg12: memref<!tpu.dma_semaphore, #tpu.memory_space<semaphore_mem>>) attributes {dimension_semantics = [#tpu.dimension_semantics<core_parallel>, #tpu.dimension_semantics<subcore_parallel>], iteration_bounds = array<i64: 2, 16>, scalar_prefetch = 0 : i64, scratch_operands = 6 : i64, tpu.core_type = #tpu.core_type<sc_vector_subcore>, window_params = [{transform_indices = #map}, {transform_indices = #map}, {transform_indices = #map1}, {transform_indices = #map1}, {transform_indices = #map1}]} {
    %mul3A = arith.constant 2 : i32
    %mul3A_0 = arith.muli %arg1, %mul3A : i32
    %add3A = arith.addi %mul3A_0, %arg0 : i32
    %mul3A_1 = arith.constant 512 : i32
    %mul3A_2 = arith.muli %add3A, %mul3A_1 : i32
    "tpu.region"() ({
      %run_scoped3A = tpu.sem_alloc : memref<!tpu.dma_semaphore, #tpu.memory_space<semaphore_mem>>
      %dma_start3A_753 = tpu.memref_slice %arg2[%mul3A_2] : memref<16384xi32, #tpu.memory_space<hbm>> -> memref<512xi32, #tpu.memory_space<hbm>>
      %dma_start3A_754 = tpu.memref_slice %arg2[%mul3A_2] : memref<16384xi32, #tpu.memory_space<hbm>> -> memref<512xi32, #tpu.memory_space<hbm>>
      tpu.enqueue_dma source(%dma_start3A_754 : memref<512xi32, #tpu.memory_space<hbm>>) target(%arg7 : memref<512xi32, #tpu.memory_space<vmem>>) target_semaphore(%run_scoped3A : memref<!tpu.dma_semaphore, #tpu.memory_space<semaphore_mem>>)
      %dma_wait3A_755 = tpu.memref_slice %arg2[%mul3A_2] : memref<16384xi32, #tpu.memory_space<hbm>> -> memref<512xi32, #tpu.memory_space<hbm>>
      %dma_wait3A_756 = tpu.memref_slice %arg2[%mul3A_2] : memref<16384xi32, #tpu.memory_space<hbm>> -> memref<512xi32, #tpu.memory_space<hbm>>
      tpu.wait_dma2 semaphore(%run_scoped3A : memref<!tpu.dma_semaphore, #tpu.memory_space<semaphore_mem>>) src(%dma_wait3A_756 : memref<512xi32, #tpu.memory_space<hbm>>) dst(%arg7 : memref<512xi32, #tpu.memory_space<vmem>>)
      tpu.yield
    }) : () -> ()
    "tpu.region"() ({
      %run_scoped3A = tpu.sem_alloc : memref<!tpu.dma_semaphore, #tpu.memory_space<semaphore_mem>>
      %dma_start3A_753 = tpu.memref_slice %arg3[%mul3A_2] : memref<16384xi32, #tpu.memory_space<hbm>> -> memref<512xi32, #tpu.memory_space<hbm>>
      %dma_start3A_754 = tpu.memref_slice %arg3[%mul3A_2] : memref<16384xi32, #tpu.memory_space<hbm>> -> memref<512xi32, #tpu.memory_space<hbm>>
      tpu.enqueue_dma source(%dma_start3A_754 : memref<512xi32, #tpu.memory_space<hbm>>) target(%arg8 : memref<512xi32, #tpu.memory_space<vmem>>) target_semaphore(%run_scoped3A : memref<!tpu.dma_semaphore, #tpu.memory_space<semaphore_mem>>)
      %dma_wait3A_755 = tpu.memref_slice %arg3[%mul3A_2] : memref<16384xi32, #tpu.memory_space<hbm>> -> memref<512xi32, #tpu.memory_space<hbm>>
      %dma_wait3A_756 = tpu.memref_slice %arg3[%mul3A_2] : memref<16384xi32, #tpu.memory_space<hbm>> -> memref<512xi32, #tpu.memory_space<hbm>>
      tpu.wait_dma2 semaphore(%run_scoped3A : memref<!tpu.dma_semaphore, #tpu.memory_space<semaphore_mem>>) src(%dma_wait3A_756 : memref<512xi32, #tpu.memory_space<hbm>>) dst(%arg8 : memref<512xi32, #tpu.memory_space<vmem>>)
      tpu.yield
    }) : () -> ()
    %dma_start3A = arith.constant 0 : i32
    %dma_start3A_3 = arith.constant 0 : i32
    %dma_start3A_4 = arith.constant 0 : i32
    %dma_start3A_5 = tpu.memref_slice %arg9[%dma_start3A, %dma_start3A_3, %dma_start3A_4] : memref<2x64x128xf32, #tpu.memory_space<vmem>> -> memref<1x64x128xf32, #tpu.memory_space<vmem>>
    %dma_start3A_6 = tpu.memref_squeeze %dma_start3A_5 : memref<1x64x128xf32, #tpu.memory_space<vmem>> -> memref<64x128xf32, #tpu.memory_space<vmem>>
    %dma_start3A_7 = arith.constant 0 : i32
    %dma_start3A_8 = tpu.memref_slice %arg7[%dma_start3A_7] : memref<512xi32, #tpu.memory_space<vmem>> -> memref<64xi32, #tpu.memory_space<vmem>>
    %dma_start3A_9 = arith.constant 0 : i32
    %dma_start3A_10 = arith.constant 0 : i32
    %dma_start3A_11 = tpu.memref_slice %arg4[%dma_start3A_9, %dma_start3A_10] : memref<100000x128xf32, #tpu.memory_space<hbm>> -> memref<100000x128xf32, #tpu.memory_space<hbm>>
    tpu.enqueue_indirect_dma source(%dma_start3A_11 : memref<100000x128xf32, #tpu.memory_space<hbm>>) target(%dma_start3A_6 : memref<64x128xf32, #tpu.memory_space<vmem>>) offsets(%dma_start3A_8 : memref<64xi32, #tpu.memory_space<vmem>>) semaphore(%arg11 : memref<!tpu.dma_semaphore, #tpu.memory_space<semaphore_mem>>)
    %dma_start3A_12 = arith.constant 0 : i32
    %dma_start3A_13 = arith.constant 0 : i32
    %dma_start3A_14 = arith.constant 0 : i32
    %dma_start3A_15 = tpu.memref_slice %arg10[%dma_start3A_12, %dma_start3A_13, %dma_start3A_14] : memref<2x64x128xf32, #tpu.memory_space<vmem>> -> memref<1x64x128xf32, #tpu.memory_space<vmem>>
    %dma_start3A_16 = tpu.memref_squeeze %dma_start3A_15 : memref<1x64x128xf32, #tpu.memory_space<vmem>> -> memref<64x128xf32, #tpu.memory_space<vmem>>
    %dma_start3A_17 = arith.constant 0 : i32
    %dma_start3A_18 = tpu.memref_slice %arg8[%dma_start3A_17] : memref<512xi32, #tpu.memory_space<vmem>> -> memref<64xi32, #tpu.memory_space<vmem>>
    %dma_start3A_19 = arith.constant 0 : i32
    %dma_start3A_20 = arith.constant 0 : i32
    %dma_start3A_21 = tpu.memref_slice %arg5[%dma_start3A_19, %dma_start3A_20] : memref<100000x128xf32, #tpu.memory_space<hbm>> -> memref<100000x128xf32, #tpu.memory_space<hbm>>
    tpu.enqueue_indirect_dma source(%dma_start3A_21 : memref<100000x128xf32, #tpu.memory_space<hbm>>) target(%dma_start3A_16 : memref<64x128xf32, #tpu.memory_space<vmem>>) offsets(%dma_start3A_18 : memref<64xi32, #tpu.memory_space<vmem>>) semaphore(%arg11 : memref<!tpu.dma_semaphore, #tpu.memory_space<semaphore_mem>>)
    %dma_start3A_22 = arith.constant 1 : i32
    %dma_start3A_23 = arith.constant 0 : i32
    %dma_start3A_24 = arith.constant 0 : i32
    %dma_start3A_25 = tpu.memref_slice %arg9[%dma_start3A_22, %dma_start3A_23, %dma_start3A_24] : memref<2x64x128xf32, #tpu.memory_space<vmem>> -> memref<1x64x128xf32, #tpu.memory_space<vmem>>
    %dma_start3A_26 = tpu.memref_squeeze %dma_start3A_25 : memref<1x64x128xf32, #tpu.memory_space<vmem>> -> memref<64x128xf32, #tpu.memory_space<vmem>>
    %dma_start3A_27 = arith.constant 64 : i32
    %dma_start3A_28 = tpu.memref_slice %arg7[%dma_start3A_27] : memref<512xi32, #tpu.memory_space<vmem>> -> memref<64xi32, #tpu.memory_space<vmem>>
    %dma_start3A_29 = arith.constant 0 : i32
    %dma_start3A_30 = arith.constant 0 : i32
    %dma_start3A_31 = tpu.memref_slice %arg4[%dma_start3A_29, %dma_start3A_30] : memref<100000x128xf32, #tpu.memory_space<hbm>> -> memref<100000x128xf32, #tpu.memory_space<hbm>>
    tpu.enqueue_indirect_dma source(%dma_start3A_31 : memref<100000x128xf32, #tpu.memory_space<hbm>>) target(%dma_start3A_26 : memref<64x128xf32, #tpu.memory_space<vmem>>) offsets(%dma_start3A_28 : memref<64xi32, #tpu.memory_space<vmem>>) semaphore(%arg11 : memref<!tpu.dma_semaphore, #tpu.memory_space<semaphore_mem>>)
    %dma_start3A_32 = arith.constant 1 : i32
    %dma_start3A_33 = arith.constant 0 : i32
    %dma_start3A_34 = arith.constant 0 : i32
    %dma_start3A_35 = tpu.memref_slice %arg10[%dma_start3A_32, %dma_start3A_33, %dma_start3A_34] : memref<2x64x128xf32, #tpu.memory_space<vmem>> -> memref<1x64x128xf32, #tpu.memory_space<vmem>>
    %dma_start3A_36 = tpu.memref_squeeze %dma_start3A_35 : memref<1x64x128xf32, #tpu.memory_space<vmem>> -> memref<64x128xf32, #tpu.memory_space<vmem>>
    %dma_start3A_37 = arith.constant 64 : i32
    %dma_start3A_38 = tpu.memref_slice %arg8[%dma_start3A_37] : memref<512xi32, #tpu.memory_space<vmem>> -> memref<64xi32, #tpu.memory_space<vmem>>
    %dma_start3A_39 = arith.constant 0 : i32
    %dma_start3A_40 = arith.constant 0 : i32
    %dma_start3A_41 = tpu.memref_slice %arg5[%dma_start3A_39, %dma_start3A_40] : memref<100000x128xf32, #tpu.memory_space<hbm>> -> memref<100000x128xf32, #tpu.memory_space<hbm>>
    tpu.enqueue_indirect_dma source(%dma_start3A_41 : memref<100000x128xf32, #tpu.memory_space<hbm>>) target(%dma_start3A_36 : memref<64x128xf32, #tpu.memory_space<vmem>>) offsets(%dma_start3A_38 : memref<64xi32, #tpu.memory_space<vmem>>) semaphore(%arg11 : memref<!tpu.dma_semaphore, #tpu.memory_space<semaphore_mem>>)
    %dma_wait3A = arith.constant 0 : i32
    %dma_wait3A_42 = arith.constant 0 : i32
    %dma_wait3A_43 = arith.constant 0 : i32
    %dma_wait3A_44 = tpu.memref_slice %arg9[%dma_wait3A, %dma_wait3A_42, %dma_wait3A_43] : memref<2x64x128xf32, #tpu.memory_space<vmem>> -> memref<1x64x128xf32, #tpu.memory_space<vmem>>
    %dma_wait3A_45 = tpu.memref_squeeze %dma_wait3A_44 : memref<1x64x128xf32, #tpu.memory_space<vmem>> -> memref<64x128xf32, #tpu.memory_space<vmem>>
    %dma_wait3A_46 = arith.constant 0 : i32
    %dma_wait3A_47 = tpu.memref_slice %arg7[%dma_wait3A_46] : memref<512xi32, #tpu.memory_space<vmem>> -> memref<64xi32, #tpu.memory_space<vmem>>
    %dma_wait3A_48 = arith.constant 0 : i32
    %dma_wait3A_49 = arith.constant 0 : i32
    %dma_wait3A_50 = tpu.memref_slice %arg4[%dma_wait3A_48, %dma_wait3A_49] : memref<100000x128xf32, #tpu.memory_space<hbm>> -> memref<100000x128xf32, #tpu.memory_space<hbm>>
    tpu.wait_indirect_dma semaphore(%arg11 : memref<!tpu.dma_semaphore, #tpu.memory_space<semaphore_mem>>) src(%dma_wait3A_50 : memref<100000x128xf32, #tpu.memory_space<hbm>>) dst(%dma_wait3A_45 : memref<64x128xf32, #tpu.memory_space<vmem>>)
    %dma_wait3A_51 = arith.constant 0 : i32
    %dma_wait3A_52 = arith.constant 0 : i32
    %dma_wait3A_53 = arith.constant 0 : i32
    %dma_wait3A_54 = tpu.memref_slice %arg10[%dma_wait3A_51, %dma_wait3A_52, %dma_wait3A_53] : memref<2x64x128xf32, #tpu.memory_space<vmem>> -> memref<1x64x128xf32, #tpu.memory_space<vmem>>
    %dma_wait3A_55 = tpu.memref_squeeze %dma_wait3A_54 : memref<1x64x128xf32, #tpu.memory_space<vmem>> -> memref<64x128xf32, #tpu.memory_space<vmem>>
    %dma_wait3A_56 = arith.constant 0 : i32
    %dma_wait3A_57 = tpu.memref_slice %arg8[%dma_wait3A_56] : memref<512xi32, #tpu.memory_space<vmem>> -> memref<64xi32, #tpu.memory_space<vmem>>
    %dma_wait3A_58 = arith.constant 0 : i32
    %dma_wait3A_59 = arith.constant 0 : i32
    %dma_wait3A_60 = tpu.memref_slice %arg5[%dma_wait3A_58, %dma_wait3A_59] : memref<100000x128xf32, #tpu.memory_space<hbm>> -> memref<100000x128xf32, #tpu.memory_space<hbm>>
    tpu.wait_indirect_dma semaphore(%arg11 : memref<!tpu.dma_semaphore, #tpu.memory_space<semaphore_mem>>) src(%dma_wait3A_60 : memref<100000x128xf32, #tpu.memory_space<hbm>>) dst(%dma_wait3A_55 : memref<64x128xf32, #tpu.memory_space<vmem>>)
    %add3A_61 = arith.constant 0 : i32
    %add3A_62 = arith.addi %mul3A_2, %add3A_61 : i32
    %dma_start3A_63 = arith.constant 0 : i32
    %dma_start3A_64 = arith.constant 0 : i32
    %dma_start3A_65 = arith.constant 0 : i32
    %dma_start3A_66 = tpu.memref_slice %arg9[%dma_start3A_63, %dma_start3A_64, %dma_start3A_65] : memref<2x64x128xf32, #tpu.memory_space<vmem>> -> memref<1x64x128xf32, #tpu.memory_space<vmem>>
    %dma_start3A_67 = tpu.memref_squeeze %dma_start3A_66 : memref<1x64x128xf32, #tpu.memory_space<vmem>> -> memref<64x128xf32, #tpu.memory_space<vmem>>
    %dma_start3A_68 = arith.constant 0 : i32
    %dma_start3A_69 = tpu.memref_slice %arg6[%add3A_62, %dma_start3A_68] : memref<16384x256xf32, #tpu.memory_space<hbm>> -> memref<64x128xf32, #tpu.memory_space<hbm>>
    %dma_start3A_70 = arith.constant 0 : i32
    %dma_start3A_71 = tpu.memref_slice %arg6[%add3A_62, %dma_start3A_70] : memref<16384x256xf32, #tpu.memory_space<hbm>> -> memref<64x128xf32, #tpu.memory_space<hbm>>
    %dma_start3A_72 = arith.constant 0 : i32
    %dma_start3A_73 = arith.constant 0 : i32
    %dma_start3A_74 = tpu.memref_slice %arg9[%dma_start3A_63, %dma_start3A_72, %dma_start3A_73] : memref<2x64x128xf32, #tpu.memory_space<vmem>> -> memref<1x64x128xf32, #tpu.memory_space<vmem>>
    %dma_start3A_75 = tpu.memref_squeeze %dma_start3A_74 : memref<1x64x128xf32, #tpu.memory_space<vmem>> -> memref<64x128xf32, #tpu.memory_space<vmem>>
    tpu.enqueue_dma source(%dma_start3A_75 : memref<64x128xf32, #tpu.memory_space<vmem>>) target(%dma_start3A_71 : memref<64x128xf32, #tpu.memory_space<hbm>>) target_semaphore(%arg12 : memref<!tpu.dma_semaphore, #tpu.memory_space<semaphore_mem>>)
    %dma_start3A_76 = arith.constant 0 : i32
    %dma_start3A_77 = arith.constant 0 : i32
    %dma_start3A_78 = arith.constant 0 : i32
    %dma_start3A_79 = tpu.memref_slice %arg10[%dma_start3A_76, %dma_start3A_77, %dma_start3A_78] : memref<2x64x128xf32, #tpu.memory_space<vmem>> -> memref<1x64x128xf32, #tpu.memory_space<vmem>>
    %dma_start3A_80 = tpu.memref_squeeze %dma_start3A_79 : memref<1x64x128xf32, #tpu.memory_space<vmem>> -> memref<64x128xf32, #tpu.memory_space<vmem>>
    %dma_start3A_81 = arith.constant 128 : i32
    %dma_start3A_82 = tpu.memref_slice %arg6[%add3A_62, %dma_start3A_81] : memref<16384x256xf32, #tpu.memory_space<hbm>> -> memref<64x128xf32, #tpu.memory_space<hbm>>
    %dma_start3A_83 = arith.constant 128 : i32
    %dma_start3A_84 = tpu.memref_slice %arg6[%add3A_62, %dma_start3A_83] : memref<16384x256xf32, #tpu.memory_space<hbm>> -> memref<64x128xf32, #tpu.memory_space<hbm>>
    %dma_start3A_85 = arith.constant 0 : i32
    %dma_start3A_86 = arith.constant 0 : i32
    %dma_start3A_87 = tpu.memref_slice %arg10[%dma_start3A_76, %dma_start3A_85, %dma_start3A_86] : memref<2x64x128xf32, #tpu.memory_space<vmem>> -> memref<1x64x128xf32, #tpu.memory_space<vmem>>
    %dma_start3A_88 = tpu.memref_squeeze %dma_start3A_87 : memref<1x64x128xf32, #tpu.memory_space<vmem>> -> memref<64x128xf32, #tpu.memory_space<vmem>>
    tpu.enqueue_dma source(%dma_start3A_88 : memref<64x128xf32, #tpu.memory_space<vmem>>) target(%dma_start3A_84 : memref<64x128xf32, #tpu.memory_space<hbm>>) target_semaphore(%arg12 : memref<!tpu.dma_semaphore, #tpu.memory_space<semaphore_mem>>)
    %dma_wait3A_89 = arith.constant 0 : i32
    %dma_wait3A_90 = arith.constant 0 : i32
    %dma_wait3A_91 = arith.constant 0 : i32
    %dma_wait3A_92 = tpu.memref_slice %arg9[%dma_wait3A_89, %dma_wait3A_90, %dma_wait3A_91] : memref<2x64x128xf32, #tpu.memory_space<vmem>> -> memref<1x64x128xf32, #tpu.memory_space<vmem>>
    %dma_wait3A_93 = tpu.memref_squeeze %dma_wait3A_92 : memref<1x64x128xf32, #tpu.memory_space<vmem>> -> memref<64x128xf32, #tpu.memory_space<vmem>>
    %dma_wait3A_94 = arith.constant 0 : i32
    %dma_wait3A_95 = tpu.memref_slice %arg6[%add3A_62, %dma_wait3A_94] : memref<16384x256xf32, #tpu.memory_space<hbm>> -> memref<64x128xf32, #tpu.memory_space<hbm>>
    %dma_wait3A_96 = arith.constant 0 : i32
    %dma_wait3A_97 = tpu.memref_slice %arg6[%add3A_62, %dma_wait3A_96] : memref<16384x256xf32, #tpu.memory_space<hbm>> -> memref<64x128xf32, #tpu.memory_space<hbm>>
    %dma_wait3A_98 = arith.constant 0 : i32
    %dma_wait3A_99 = arith.constant 0 : i32
    %dma_wait3A_100 = tpu.memref_slice %arg9[%dma_wait3A_89, %dma_wait3A_98, %dma_wait3A_99] : memref<2x64x128xf32, #tpu.memory_space<vmem>> -> memref<1x64x128xf32, #tpu.memory_space<vmem>>
    %dma_wait3A_101 = tpu.memref_squeeze %dma_wait3A_100 : memref<1x64x128xf32, #tpu.memory_space<vmem>> -> memref<64x128xf32, #tpu.memory_space<vmem>>
    tpu.wait_dma2 semaphore(%arg12 : memref<!tpu.dma_semaphore, #tpu.memory_space<semaphore_mem>>) src(%dma_wait3A_101 : memref<64x128xf32, #tpu.memory_space<vmem>>) dst(%dma_wait3A_97 : memref<64x128xf32, #tpu.memory_space<hbm>>)
    %dma_wait3A_102 = arith.constant 0 : i32
    %dma_wait3A_103 = arith.constant 0 : i32
    %dma_wait3A_104 = arith.constant 0 : i32
    %dma_wait3A_105 = tpu.memref_slice %arg10[%dma_wait3A_102, %dma_wait3A_103, %dma_wait3A_104] : memref<2x64x128xf32, #tpu.memory_space<vmem>> -> memref<1x64x128xf32, #tpu.memory_space<vmem>>
    %dma_wait3A_106 = tpu.memref_squeeze %dma_wait3A_105 : memref<1x64x128xf32, #tpu.memory_space<vmem>> -> memref<64x128xf32, #tpu.memory_space<vmem>>
    %dma_wait3A_107 = arith.constant 128 : i32
    %dma_wait3A_108 = tpu.memref_slice %arg6[%add3A_62, %dma_wait3A_107] : memref<16384x256xf32, #tpu.memory_space<hbm>> -> memref<64x128xf32, #tpu.memory_space<hbm>>
    %dma_wait3A_109 = arith.constant 128 : i32
    %dma_wait3A_110 = tpu.memref_slice %arg6[%add3A_62, %dma_wait3A_109] : memref<16384x256xf32, #tpu.memory_space<hbm>> -> memref<64x128xf32, #tpu.memory_space<hbm>>
    %dma_wait3A_111 = arith.constant 0 : i32
    %dma_wait3A_112 = arith.constant 0 : i32
    %dma_wait3A_113 = tpu.memref_slice %arg10[%dma_wait3A_102, %dma_wait3A_111, %dma_wait3A_112] : memref<2x64x128xf32, #tpu.memory_space<vmem>> -> memref<1x64x128xf32, #tpu.memory_space<vmem>>
    %dma_wait3A_114 = tpu.memref_squeeze %dma_wait3A_113 : memref<1x64x128xf32, #tpu.memory_space<vmem>> -> memref<64x128xf32, #tpu.memory_space<vmem>>
    tpu.wait_dma2 semaphore(%arg12 : memref<!tpu.dma_semaphore, #tpu.memory_space<semaphore_mem>>) src(%dma_wait3A_114 : memref<64x128xf32, #tpu.memory_space<vmem>>) dst(%dma_wait3A_110 : memref<64x128xf32, #tpu.memory_space<hbm>>)
    %dma_start3A_115 = arith.constant 0 : i32
    %dma_start3A_116 = arith.constant 0 : i32
    %dma_start3A_117 = arith.constant 0 : i32
    %dma_start3A_118 = tpu.memref_slice %arg9[%dma_start3A_115, %dma_start3A_116, %dma_start3A_117] : memref<2x64x128xf32, #tpu.memory_space<vmem>> -> memref<1x64x128xf32, #tpu.memory_space<vmem>>
    %dma_start3A_119 = tpu.memref_squeeze %dma_start3A_118 : memref<1x64x128xf32, #tpu.memory_space<vmem>> -> memref<64x128xf32, #tpu.memory_space<vmem>>
    %dma_start3A_120 = arith.constant 128 : i32
    %dma_start3A_121 = tpu.memref_slice %arg7[%dma_start3A_120] : memref<512xi32, #tpu.memory_space<vmem>> -> memref<64xi32, #tpu.memory_space<vmem>>
    %dma_start3A_122 = arith.constant 0 : i32
    %dma_start3A_123 = arith.constant 0 : i32
    %dma_start3A_124 = tpu.memref_slice %arg4[%dma_start3A_122, %dma_start3A_123] : memref<100000x128xf32, #tpu.memory_space<hbm>> -> memref<100000x128xf32, #tpu.memory_space<hbm>>
    tpu.enqueue_indirect_dma source(%dma_start3A_124 : memref<100000x128xf32, #tpu.memory_space<hbm>>) target(%dma_start3A_119 : memref<64x128xf32, #tpu.memory_space<vmem>>) offsets(%dma_start3A_121 : memref<64xi32, #tpu.memory_space<vmem>>) semaphore(%arg11 : memref<!tpu.dma_semaphore, #tpu.memory_space<semaphore_mem>>)
    %dma_start3A_125 = arith.constant 0 : i32
    %dma_start3A_126 = arith.constant 0 : i32
    %dma_start3A_127 = arith.constant 0 : i32
    %dma_start3A_128 = tpu.memref_slice %arg10[%dma_start3A_125, %dma_start3A_126, %dma_start3A_127] : memref<2x64x128xf32, #tpu.memory_space<vmem>> -> memref<1x64x128xf32, #tpu.memory_space<vmem>>
    %dma_start3A_129 = tpu.memref_squeeze %dma_start3A_128 : memref<1x64x128xf32, #tpu.memory_space<vmem>> -> memref<64x128xf32, #tpu.memory_space<vmem>>
    %dma_start3A_130 = arith.constant 128 : i32
    %dma_start3A_131 = tpu.memref_slice %arg8[%dma_start3A_130] : memref<512xi32, #tpu.memory_space<vmem>> -> memref<64xi32, #tpu.memory_space<vmem>>
    %dma_start3A_132 = arith.constant 0 : i32
    %dma_start3A_133 = arith.constant 0 : i32
    %dma_start3A_134 = tpu.memref_slice %arg5[%dma_start3A_132, %dma_start3A_133] : memref<100000x128xf32, #tpu.memory_space<hbm>> -> memref<100000x128xf32, #tpu.memory_space<hbm>>
    tpu.enqueue_indirect_dma source(%dma_start3A_134 : memref<100000x128xf32, #tpu.memory_space<hbm>>) target(%dma_start3A_129 : memref<64x128xf32, #tpu.memory_space<vmem>>) offsets(%dma_start3A_131 : memref<64xi32, #tpu.memory_space<vmem>>) semaphore(%arg11 : memref<!tpu.dma_semaphore, #tpu.memory_space<semaphore_mem>>)
    %dma_wait3A_135 = arith.constant 1 : i32
    %dma_wait3A_136 = arith.constant 0 : i32
    %dma_wait3A_137 = arith.constant 0 : i32
    %dma_wait3A_138 = tpu.memref_slice %arg9[%dma_wait3A_135, %dma_wait3A_136, %dma_wait3A_137] : memref<2x64x128xf32, #tpu.memory_space<vmem>> -> memref<1x64x128xf32, #tpu.memory_space<vmem>>
    %dma_wait3A_139 = tpu.memref_squeeze %dma_wait3A_138 : memref<1x64x128xf32, #tpu.memory_space<vmem>> -> memref<64x128xf32, #tpu.memory_space<vmem>>
    %dma_wait3A_140 = arith.constant 64 : i32
    %dma_wait3A_141 = tpu.memref_slice %arg7[%dma_wait3A_140] : memref<512xi32, #tpu.memory_space<vmem>> -> memref<64xi32, #tpu.memory_space<vmem>>
    %dma_wait3A_142 = arith.constant 0 : i32
    %dma_wait3A_143 = arith.constant 0 : i32
    %dma_wait3A_144 = tpu.memref_slice %arg4[%dma_wait3A_142, %dma_wait3A_143] : memref<100000x128xf32, #tpu.memory_space<hbm>> -> memref<100000x128xf32, #tpu.memory_space<hbm>>
    tpu.wait_indirect_dma semaphore(%arg11 : memref<!tpu.dma_semaphore, #tpu.memory_space<semaphore_mem>>) src(%dma_wait3A_144 : memref<100000x128xf32, #tpu.memory_space<hbm>>) dst(%dma_wait3A_139 : memref<64x128xf32, #tpu.memory_space<vmem>>)
    %dma_wait3A_145 = arith.constant 1 : i32
    %dma_wait3A_146 = arith.constant 0 : i32
    %dma_wait3A_147 = arith.constant 0 : i32
    %dma_wait3A_148 = tpu.memref_slice %arg10[%dma_wait3A_145, %dma_wait3A_146, %dma_wait3A_147] : memref<2x64x128xf32, #tpu.memory_space<vmem>> -> memref<1x64x128xf32, #tpu.memory_space<vmem>>
    %dma_wait3A_149 = tpu.memref_squeeze %dma_wait3A_148 : memref<1x64x128xf32, #tpu.memory_space<vmem>> -> memref<64x128xf32, #tpu.memory_space<vmem>>
    %dma_wait3A_150 = arith.constant 64 : i32
    %dma_wait3A_151 = tpu.memref_slice %arg8[%dma_wait3A_150] : memref<512xi32, #tpu.memory_space<vmem>> -> memref<64xi32, #tpu.memory_space<vmem>>
    %dma_wait3A_152 = arith.constant 0 : i32
    %dma_wait3A_153 = arith.constant 0 : i32
    %dma_wait3A_154 = tpu.memref_slice %arg5[%dma_wait3A_152, %dma_wait3A_153] : memref<100000x128xf32, #tpu.memory_space<hbm>> -> memref<100000x128xf32, #tpu.memory_space<hbm>>
    tpu.wait_indirect_dma semaphore(%arg11 : memref<!tpu.dma_semaphore, #tpu.memory_space<semaphore_mem>>) src(%dma_wait3A_154 : memref<100000x128xf32, #tpu.memory_space<hbm>>) dst(%dma_wait3A_149 : memref<64x128xf32, #tpu.memory_space<vmem>>)
    %add3A_155 = arith.constant 64 : i32
    %add3A_156 = arith.addi %mul3A_2, %add3A_155 : i32
    %dma_start3A_157 = arith.constant 1 : i32
    %dma_start3A_158 = arith.constant 0 : i32
    %dma_start3A_159 = arith.constant 0 : i32
    %dma_start3A_160 = tpu.memref_slice %arg9[%dma_start3A_157, %dma_start3A_158, %dma_start3A_159] : memref<2x64x128xf32, #tpu.memory_space<vmem>> -> memref<1x64x128xf32, #tpu.memory_space<vmem>>
    %dma_start3A_161 = tpu.memref_squeeze %dma_start3A_160 : memref<1x64x128xf32, #tpu.memory_space<vmem>> -> memref<64x128xf32, #tpu.memory_space<vmem>>
    %dma_start3A_162 = arith.constant 0 : i32
    %dma_start3A_163 = tpu.memref_slice %arg6[%add3A_156, %dma_start3A_162] : memref<16384x256xf32, #tpu.memory_space<hbm>> -> memref<64x128xf32, #tpu.memory_space<hbm>>
    %dma_start3A_164 = arith.constant 0 : i32
    %dma_start3A_165 = tpu.memref_slice %arg6[%add3A_156, %dma_start3A_164] : memref<16384x256xf32, #tpu.memory_space<hbm>> -> memref<64x128xf32, #tpu.memory_space<hbm>>
    %dma_start3A_166 = arith.constant 0 : i32
    %dma_start3A_167 = arith.constant 0 : i32
    %dma_start3A_168 = tpu.memref_slice %arg9[%dma_start3A_157, %dma_start3A_166, %dma_start3A_167] : memref<2x64x128xf32, #tpu.memory_space<vmem>> -> memref<1x64x128xf32, #tpu.memory_space<vmem>>
    %dma_start3A_169 = tpu.memref_squeeze %dma_start3A_168 : memref<1x64x128xf32, #tpu.memory_space<vmem>> -> memref<64x128xf32, #tpu.memory_space<vmem>>
    tpu.enqueue_dma source(%dma_start3A_169 : memref<64x128xf32, #tpu.memory_space<vmem>>) target(%dma_start3A_165 : memref<64x128xf32, #tpu.memory_space<hbm>>) target_semaphore(%arg12 : memref<!tpu.dma_semaphore, #tpu.memory_space<semaphore_mem>>)
    %dma_start3A_170 = arith.constant 1 : i32
    %dma_start3A_171 = arith.constant 0 : i32
    %dma_start3A_172 = arith.constant 0 : i32
    %dma_start3A_173 = tpu.memref_slice %arg10[%dma_start3A_170, %dma_start3A_171, %dma_start3A_172] : memref<2x64x128xf32, #tpu.memory_space<vmem>> -> memref<1x64x128xf32, #tpu.memory_space<vmem>>
    %dma_start3A_174 = tpu.memref_squeeze %dma_start3A_173 : memref<1x64x128xf32, #tpu.memory_space<vmem>> -> memref<64x128xf32, #tpu.memory_space<vmem>>
    %dma_start3A_175 = arith.constant 128 : i32
    %dma_start3A_176 = tpu.memref_slice %arg6[%add3A_156, %dma_start3A_175] : memref<16384x256xf32, #tpu.memory_space<hbm>> -> memref<64x128xf32, #tpu.memory_space<hbm>>
    %dma_start3A_177 = arith.constant 128 : i32
    %dma_start3A_178 = tpu.memref_slice %arg6[%add3A_156, %dma_start3A_177] : memref<16384x256xf32, #tpu.memory_space<hbm>> -> memref<64x128xf32, #tpu.memory_space<hbm>>
    %dma_start3A_179 = arith.constant 0 : i32
    %dma_start3A_180 = arith.constant 0 : i32
    %dma_start3A_181 = tpu.memref_slice %arg10[%dma_start3A_170, %dma_start3A_179, %dma_start3A_180] : memref<2x64x128xf32, #tpu.memory_space<vmem>> -> memref<1x64x128xf32, #tpu.memory_space<vmem>>
    %dma_start3A_182 = tpu.memref_squeeze %dma_start3A_181 : memref<1x64x128xf32, #tpu.memory_space<vmem>> -> memref<64x128xf32, #tpu.memory_space<vmem>>
    tpu.enqueue_dma source(%dma_start3A_182 : memref<64x128xf32, #tpu.memory_space<vmem>>) target(%dma_start3A_178 : memref<64x128xf32, #tpu.memory_space<hbm>>) target_semaphore(%arg12 : memref<!tpu.dma_semaphore, #tpu.memory_space<semaphore_mem>>)
    %dma_wait3A_183 = arith.constant 1 : i32
    %dma_wait3A_184 = arith.constant 0 : i32
    %dma_wait3A_185 = arith.constant 0 : i32
    %dma_wait3A_186 = tpu.memref_slice %arg9[%dma_wait3A_183, %dma_wait3A_184, %dma_wait3A_185] : memref<2x64x128xf32, #tpu.memory_space<vmem>> -> memref<1x64x128xf32, #tpu.memory_space<vmem>>
    %dma_wait3A_187 = tpu.memref_squeeze %dma_wait3A_186 : memref<1x64x128xf32, #tpu.memory_space<vmem>> -> memref<64x128xf32, #tpu.memory_space<vmem>>
    %dma_wait3A_188 = arith.constant 0 : i32
    %dma_wait3A_189 = tpu.memref_slice %arg6[%add3A_156, %dma_wait3A_188] : memref<16384x256xf32, #tpu.memory_space<hbm>> -> memref<64x128xf32, #tpu.memory_space<hbm>>
    %dma_wait3A_190 = arith.constant 0 : i32
    %dma_wait3A_191 = tpu.memref_slice %arg6[%add3A_156, %dma_wait3A_190] : memref<16384x256xf32, #tpu.memory_space<hbm>> -> memref<64x128xf32, #tpu.memory_space<hbm>>
    %dma_wait3A_192 = arith.constant 0 : i32
    %dma_wait3A_193 = arith.constant 0 : i32
    %dma_wait3A_194 = tpu.memref_slice %arg9[%dma_wait3A_183, %dma_wait3A_192, %dma_wait3A_193] : memref<2x64x128xf32, #tpu.memory_space<vmem>> -> memref<1x64x128xf32, #tpu.memory_space<vmem>>
    %dma_wait3A_195 = tpu.memref_squeeze %dma_wait3A_194 : memref<1x64x128xf32, #tpu.memory_space<vmem>> -> memref<64x128xf32, #tpu.memory_space<vmem>>
    tpu.wait_dma2 semaphore(%arg12 : memref<!tpu.dma_semaphore, #tpu.memory_space<semaphore_mem>>) src(%dma_wait3A_195 : memref<64x128xf32, #tpu.memory_space<vmem>>) dst(%dma_wait3A_191 : memref<64x128xf32, #tpu.memory_space<hbm>>)
    %dma_wait3A_196 = arith.constant 1 : i32
    %dma_wait3A_197 = arith.constant 0 : i32
    %dma_wait3A_198 = arith.constant 0 : i32
    %dma_wait3A_199 = tpu.memref_slice %arg10[%dma_wait3A_196, %dma_wait3A_197, %dma_wait3A_198] : memref<2x64x128xf32, #tpu.memory_space<vmem>> -> memref<1x64x128xf32, #tpu.memory_space<vmem>>
    %dma_wait3A_200 = tpu.memref_squeeze %dma_wait3A_199 : memref<1x64x128xf32, #tpu.memory_space<vmem>> -> memref<64x128xf32, #tpu.memory_space<vmem>>
    %dma_wait3A_201 = arith.constant 128 : i32
    %dma_wait3A_202 = tpu.memref_slice %arg6[%add3A_156, %dma_wait3A_201] : memref<16384x256xf32, #tpu.memory_space<hbm>> -> memref<64x128xf32, #tpu.memory_space<hbm>>
    %dma_wait3A_203 = arith.constant 128 : i32
    %dma_wait3A_204 = tpu.memref_slice %arg6[%add3A_156, %dma_wait3A_203] : memref<16384x256xf32, #tpu.memory_space<hbm>> -> memref<64x128xf32, #tpu.memory_space<hbm>>
    %dma_wait3A_205 = arith.constant 0 : i32
    %dma_wait3A_206 = arith.constant 0 : i32
    %dma_wait3A_207 = tpu.memref_slice %arg10[%dma_wait3A_196, %dma_wait3A_205, %dma_wait3A_206] : memref<2x64x128xf32, #tpu.memory_space<vmem>> -> memref<1x64x128xf32, #tpu.memory_space<vmem>>
    %dma_wait3A_208 = tpu.memref_squeeze %dma_wait3A_207 : memref<1x64x128xf32, #tpu.memory_space<vmem>> -> memref<64x128xf32, #tpu.memory_space<vmem>>
    tpu.wait_dma2 semaphore(%arg12 : memref<!tpu.dma_semaphore, #tpu.memory_space<semaphore_mem>>) src(%dma_wait3A_208 : memref<64x128xf32, #tpu.memory_space<vmem>>) dst(%dma_wait3A_204 : memref<64x128xf32, #tpu.memory_space<hbm>>)
    %dma_start3A_209 = arith.constant 1 : i32
    %dma_start3A_210 = arith.constant 0 : i32
    %dma_start3A_211 = arith.constant 0 : i32
    %dma_start3A_212 = tpu.memref_slice %arg9[%dma_start3A_209, %dma_start3A_210, %dma_start3A_211] : memref<2x64x128xf32, #tpu.memory_space<vmem>> -> memref<1x64x128xf32, #tpu.memory_space<vmem>>
    %dma_start3A_213 = tpu.memref_squeeze %dma_start3A_212 : memref<1x64x128xf32, #tpu.memory_space<vmem>> -> memref<64x128xf32, #tpu.memory_space<vmem>>
    %dma_start3A_214 = arith.constant 192 : i32
    %dma_start3A_215 = tpu.memref_slice %arg7[%dma_start3A_214] : memref<512xi32, #tpu.memory_space<vmem>> -> memref<64xi32, #tpu.memory_space<vmem>>
    %dma_start3A_216 = arith.constant 0 : i32
    %dma_start3A_217 = arith.constant 0 : i32
    %dma_start3A_218 = tpu.memref_slice %arg4[%dma_start3A_216, %dma_start3A_217] : memref<100000x128xf32, #tpu.memory_space<hbm>> -> memref<100000x128xf32, #tpu.memory_space<hbm>>
    tpu.enqueue_indirect_dma source(%dma_start3A_218 : memref<100000x128xf32, #tpu.memory_space<hbm>>) target(%dma_start3A_213 : memref<64x128xf32, #tpu.memory_space<vmem>>) offsets(%dma_start3A_215 : memref<64xi32, #tpu.memory_space<vmem>>) semaphore(%arg11 : memref<!tpu.dma_semaphore, #tpu.memory_space<semaphore_mem>>)
    %dma_start3A_219 = arith.constant 1 : i32
    %dma_start3A_220 = arith.constant 0 : i32
    %dma_start3A_221 = arith.constant 0 : i32
    %dma_start3A_222 = tpu.memref_slice %arg10[%dma_start3A_219, %dma_start3A_220, %dma_start3A_221] : memref<2x64x128xf32, #tpu.memory_space<vmem>> -> memref<1x64x128xf32, #tpu.memory_space<vmem>>
    %dma_start3A_223 = tpu.memref_squeeze %dma_start3A_222 : memref<1x64x128xf32, #tpu.memory_space<vmem>> -> memref<64x128xf32, #tpu.memory_space<vmem>>
    %dma_start3A_224 = arith.constant 192 : i32
    %dma_start3A_225 = tpu.memref_slice %arg8[%dma_start3A_224] : memref<512xi32, #tpu.memory_space<vmem>> -> memref<64xi32, #tpu.memory_space<vmem>>
    %dma_start3A_226 = arith.constant 0 : i32
    %dma_start3A_227 = arith.constant 0 : i32
    %dma_start3A_228 = tpu.memref_slice %arg5[%dma_start3A_226, %dma_start3A_227] : memref<100000x128xf32, #tpu.memory_space<hbm>> -> memref<100000x128xf32, #tpu.memory_space<hbm>>
    tpu.enqueue_indirect_dma source(%dma_start3A_228 : memref<100000x128xf32, #tpu.memory_space<hbm>>) target(%dma_start3A_223 : memref<64x128xf32, #tpu.memory_space<vmem>>) offsets(%dma_start3A_225 : memref<64xi32, #tpu.memory_space<vmem>>) semaphore(%arg11 : memref<!tpu.dma_semaphore, #tpu.memory_space<semaphore_mem>>)
    %dma_wait3A_229 = arith.constant 0 : i32
    %dma_wait3A_230 = arith.constant 0 : i32
    %dma_wait3A_231 = arith.constant 0 : i32
    %dma_wait3A_232 = tpu.memref_slice %arg9[%dma_wait3A_229, %dma_wait3A_230, %dma_wait3A_231] : memref<2x64x128xf32, #tpu.memory_space<vmem>> -> memref<1x64x128xf32, #tpu.memory_space<vmem>>
    %dma_wait3A_233 = tpu.memref_squeeze %dma_wait3A_232 : memref<1x64x128xf32, #tpu.memory_space<vmem>> -> memref<64x128xf32, #tpu.memory_space<vmem>>
    %dma_wait3A_234 = arith.constant 128 : i32
    %dma_wait3A_235 = tpu.memref_slice %arg7[%dma_wait3A_234] : memref<512xi32, #tpu.memory_space<vmem>> -> memref<64xi32, #tpu.memory_space<vmem>>
    %dma_wait3A_236 = arith.constant 0 : i32
    %dma_wait3A_237 = arith.constant 0 : i32
    %dma_wait3A_238 = tpu.memref_slice %arg4[%dma_wait3A_236, %dma_wait3A_237] : memref<100000x128xf32, #tpu.memory_space<hbm>> -> memref<100000x128xf32, #tpu.memory_space<hbm>>
    tpu.wait_indirect_dma semaphore(%arg11 : memref<!tpu.dma_semaphore, #tpu.memory_space<semaphore_mem>>) src(%dma_wait3A_238 : memref<100000x128xf32, #tpu.memory_space<hbm>>) dst(%dma_wait3A_233 : memref<64x128xf32, #tpu.memory_space<vmem>>)
    %dma_wait3A_239 = arith.constant 0 : i32
    %dma_wait3A_240 = arith.constant 0 : i32
    %dma_wait3A_241 = arith.constant 0 : i32
    %dma_wait3A_242 = tpu.memref_slice %arg10[%dma_wait3A_239, %dma_wait3A_240, %dma_wait3A_241] : memref<2x64x128xf32, #tpu.memory_space<vmem>> -> memref<1x64x128xf32, #tpu.memory_space<vmem>>
    %dma_wait3A_243 = tpu.memref_squeeze %dma_wait3A_242 : memref<1x64x128xf32, #tpu.memory_space<vmem>> -> memref<64x128xf32, #tpu.memory_space<vmem>>
    %dma_wait3A_244 = arith.constant 128 : i32
    %dma_wait3A_245 = tpu.memref_slice %arg8[%dma_wait3A_244] : memref<512xi32, #tpu.memory_space<vmem>> -> memref<64xi32, #tpu.memory_space<vmem>>
    %dma_wait3A_246 = arith.constant 0 : i32
    %dma_wait3A_247 = arith.constant 0 : i32
    %dma_wait3A_248 = tpu.memref_slice %arg5[%dma_wait3A_246, %dma_wait3A_247] : memref<100000x128xf32, #tpu.memory_space<hbm>> -> memref<100000x128xf32, #tpu.memory_space<hbm>>
    tpu.wait_indirect_dma semaphore(%arg11 : memref<!tpu.dma_semaphore, #tpu.memory_space<semaphore_mem>>) src(%dma_wait3A_248 : memref<100000x128xf32, #tpu.memory_space<hbm>>) dst(%dma_wait3A_243 : memref<64x128xf32, #tpu.memory_space<vmem>>)
    %add3A_249 = arith.constant 128 : i32
    %add3A_250 = arith.addi %mul3A_2, %add3A_249 : i32
    %dma_start3A_251 = arith.constant 0 : i32
    %dma_start3A_252 = arith.constant 0 : i32
    %dma_start3A_253 = arith.constant 0 : i32
    %dma_start3A_254 = tpu.memref_slice %arg9[%dma_start3A_251, %dma_start3A_252, %dma_start3A_253] : memref<2x64x128xf32, #tpu.memory_space<vmem>> -> memref<1x64x128xf32, #tpu.memory_space<vmem>>
    %dma_start3A_255 = tpu.memref_squeeze %dma_start3A_254 : memref<1x64x128xf32, #tpu.memory_space<vmem>> -> memref<64x128xf32, #tpu.memory_space<vmem>>
    %dma_start3A_256 = arith.constant 0 : i32
    %dma_start3A_257 = tpu.memref_slice %arg6[%add3A_250, %dma_start3A_256] : memref<16384x256xf32, #tpu.memory_space<hbm>> -> memref<64x128xf32, #tpu.memory_space<hbm>>
    %dma_start3A_258 = arith.constant 0 : i32
    %dma_start3A_259 = tpu.memref_slice %arg6[%add3A_250, %dma_start3A_258] : memref<16384x256xf32, #tpu.memory_space<hbm>> -> memref<64x128xf32, #tpu.memory_space<hbm>>
    %dma_start3A_260 = arith.constant 0 : i32
    %dma_start3A_261 = arith.constant 0 : i32
    %dma_start3A_262 = tpu.memref_slice %arg9[%dma_start3A_251, %dma_start3A_260, %dma_start3A_261] : memref<2x64x128xf32, #tpu.memory_space<vmem>> -> memref<1x64x128xf32, #tpu.memory_space<vmem>>
    %dma_start3A_263 = tpu.memref_squeeze %dma_start3A_262 : memref<1x64x128xf32, #tpu.memory_space<vmem>> -> memref<64x128xf32, #tpu.memory_space<vmem>>
    tpu.enqueue_dma source(%dma_start3A_263 : memref<64x128xf32, #tpu.memory_space<vmem>>) target(%dma_start3A_259 : memref<64x128xf32, #tpu.memory_space<hbm>>) target_semaphore(%arg12 : memref<!tpu.dma_semaphore, #tpu.memory_space<semaphore_mem>>)
    %dma_start3A_264 = arith.constant 0 : i32
    %dma_start3A_265 = arith.constant 0 : i32
    %dma_start3A_266 = arith.constant 0 : i32
    %dma_start3A_267 = tpu.memref_slice %arg10[%dma_start3A_264, %dma_start3A_265, %dma_start3A_266] : memref<2x64x128xf32, #tpu.memory_space<vmem>> -> memref<1x64x128xf32, #tpu.memory_space<vmem>>
    %dma_start3A_268 = tpu.memref_squeeze %dma_start3A_267 : memref<1x64x128xf32, #tpu.memory_space<vmem>> -> memref<64x128xf32, #tpu.memory_space<vmem>>
    %dma_start3A_269 = arith.constant 128 : i32
    %dma_start3A_270 = tpu.memref_slice %arg6[%add3A_250, %dma_start3A_269] : memref<16384x256xf32, #tpu.memory_space<hbm>> -> memref<64x128xf32, #tpu.memory_space<hbm>>
    %dma_start3A_271 = arith.constant 128 : i32
    %dma_start3A_272 = tpu.memref_slice %arg6[%add3A_250, %dma_start3A_271] : memref<16384x256xf32, #tpu.memory_space<hbm>> -> memref<64x128xf32, #tpu.memory_space<hbm>>
    %dma_start3A_273 = arith.constant 0 : i32
    %dma_start3A_274 = arith.constant 0 : i32
    %dma_start3A_275 = tpu.memref_slice %arg10[%dma_start3A_264, %dma_start3A_273, %dma_start3A_274] : memref<2x64x128xf32, #tpu.memory_space<vmem>> -> memref<1x64x128xf32, #tpu.memory_space<vmem>>
    %dma_start3A_276 = tpu.memref_squeeze %dma_start3A_275 : memref<1x64x128xf32, #tpu.memory_space<vmem>> -> memref<64x128xf32, #tpu.memory_space<vmem>>
    tpu.enqueue_dma source(%dma_start3A_276 : memref<64x128xf32, #tpu.memory_space<vmem>>) target(%dma_start3A_272 : memref<64x128xf32, #tpu.memory_space<hbm>>) target_semaphore(%arg12 : memref<!tpu.dma_semaphore, #tpu.memory_space<semaphore_mem>>)
    %dma_wait3A_277 = arith.constant 0 : i32
    %dma_wait3A_278 = arith.constant 0 : i32
    %dma_wait3A_279 = arith.constant 0 : i32
    %dma_wait3A_280 = tpu.memref_slice %arg9[%dma_wait3A_277, %dma_wait3A_278, %dma_wait3A_279] : memref<2x64x128xf32, #tpu.memory_space<vmem>> -> memref<1x64x128xf32, #tpu.memory_space<vmem>>
    %dma_wait3A_281 = tpu.memref_squeeze %dma_wait3A_280 : memref<1x64x128xf32, #tpu.memory_space<vmem>> -> memref<64x128xf32, #tpu.memory_space<vmem>>
    %dma_wait3A_282 = arith.constant 0 : i32
    %dma_wait3A_283 = tpu.memref_slice %arg6[%add3A_250, %dma_wait3A_282] : memref<16384x256xf32, #tpu.memory_space<hbm>> -> memref<64x128xf32, #tpu.memory_space<hbm>>
    %dma_wait3A_284 = arith.constant 0 : i32
    %dma_wait3A_285 = tpu.memref_slice %arg6[%add3A_250, %dma_wait3A_284] : memref<16384x256xf32, #tpu.memory_space<hbm>> -> memref<64x128xf32, #tpu.memory_space<hbm>>
    %dma_wait3A_286 = arith.constant 0 : i32
    %dma_wait3A_287 = arith.constant 0 : i32
    %dma_wait3A_288 = tpu.memref_slice %arg9[%dma_wait3A_277, %dma_wait3A_286, %dma_wait3A_287] : memref<2x64x128xf32, #tpu.memory_space<vmem>> -> memref<1x64x128xf32, #tpu.memory_space<vmem>>
    %dma_wait3A_289 = tpu.memref_squeeze %dma_wait3A_288 : memref<1x64x128xf32, #tpu.memory_space<vmem>> -> memref<64x128xf32, #tpu.memory_space<vmem>>
    tpu.wait_dma2 semaphore(%arg12 : memref<!tpu.dma_semaphore, #tpu.memory_space<semaphore_mem>>) src(%dma_wait3A_289 : memref<64x128xf32, #tpu.memory_space<vmem>>) dst(%dma_wait3A_285 : memref<64x128xf32, #tpu.memory_space<hbm>>)
    %dma_wait3A_290 = arith.constant 0 : i32
    %dma_wait3A_291 = arith.constant 0 : i32
    %dma_wait3A_292 = arith.constant 0 : i32
    %dma_wait3A_293 = tpu.memref_slice %arg10[%dma_wait3A_290, %dma_wait3A_291, %dma_wait3A_292] : memref<2x64x128xf32, #tpu.memory_space<vmem>> -> memref<1x64x128xf32, #tpu.memory_space<vmem>>
    %dma_wait3A_294 = tpu.memref_squeeze %dma_wait3A_293 : memref<1x64x128xf32, #tpu.memory_space<vmem>> -> memref<64x128xf32, #tpu.memory_space<vmem>>
    %dma_wait3A_295 = arith.constant 128 : i32
    %dma_wait3A_296 = tpu.memref_slice %arg6[%add3A_250, %dma_wait3A_295] : memref<16384x256xf32, #tpu.memory_space<hbm>> -> memref<64x128xf32, #tpu.memory_space<hbm>>
    %dma_wait3A_297 = arith.constant 128 : i32
    %dma_wait3A_298 = tpu.memref_slice %arg6[%add3A_250, %dma_wait3A_297] : memref<16384x256xf32, #tpu.memory_space<hbm>> -> memref<64x128xf32, #tpu.memory_space<hbm>>
    %dma_wait3A_299 = arith.constant 0 : i32
    %dma_wait3A_300 = arith.constant 0 : i32
    %dma_wait3A_301 = tpu.memref_slice %arg10[%dma_wait3A_290, %dma_wait3A_299, %dma_wait3A_300] : memref<2x64x128xf32, #tpu.memory_space<vmem>> -> memref<1x64x128xf32, #tpu.memory_space<vmem>>
    %dma_wait3A_302 = tpu.memref_squeeze %dma_wait3A_301 : memref<1x64x128xf32, #tpu.memory_space<vmem>> -> memref<64x128xf32, #tpu.memory_space<vmem>>
    tpu.wait_dma2 semaphore(%arg12 : memref<!tpu.dma_semaphore, #tpu.memory_space<semaphore_mem>>) src(%dma_wait3A_302 : memref<64x128xf32, #tpu.memory_space<vmem>>) dst(%dma_wait3A_298 : memref<64x128xf32, #tpu.memory_space<hbm>>)
    %dma_start3A_303 = arith.constant 0 : i32
    %dma_start3A_304 = arith.constant 0 : i32
    %dma_start3A_305 = arith.constant 0 : i32
    %dma_start3A_306 = tpu.memref_slice %arg9[%dma_start3A_303, %dma_start3A_304, %dma_start3A_305] : memref<2x64x128xf32, #tpu.memory_space<vmem>> -> memref<1x64x128xf32, #tpu.memory_space<vmem>>
    %dma_start3A_307 = tpu.memref_squeeze %dma_start3A_306 : memref<1x64x128xf32, #tpu.memory_space<vmem>> -> memref<64x128xf32, #tpu.memory_space<vmem>>
    %dma_start3A_308 = arith.constant 256 : i32
    %dma_start3A_309 = tpu.memref_slice %arg7[%dma_start3A_308] : memref<512xi32, #tpu.memory_space<vmem>> -> memref<64xi32, #tpu.memory_space<vmem>>
    %dma_start3A_310 = arith.constant 0 : i32
    %dma_start3A_311 = arith.constant 0 : i32
    %dma_start3A_312 = tpu.memref_slice %arg4[%dma_start3A_310, %dma_start3A_311] : memref<100000x128xf32, #tpu.memory_space<hbm>> -> memref<100000x128xf32, #tpu.memory_space<hbm>>
    tpu.enqueue_indirect_dma source(%dma_start3A_312 : memref<100000x128xf32, #tpu.memory_space<hbm>>) target(%dma_start3A_307 : memref<64x128xf32, #tpu.memory_space<vmem>>) offsets(%dma_start3A_309 : memref<64xi32, #tpu.memory_space<vmem>>) semaphore(%arg11 : memref<!tpu.dma_semaphore, #tpu.memory_space<semaphore_mem>>)
    %dma_start3A_313 = arith.constant 0 : i32
    %dma_start3A_314 = arith.constant 0 : i32
    %dma_start3A_315 = arith.constant 0 : i32
    %dma_start3A_316 = tpu.memref_slice %arg10[%dma_start3A_313, %dma_start3A_314, %dma_start3A_315] : memref<2x64x128xf32, #tpu.memory_space<vmem>> -> memref<1x64x128xf32, #tpu.memory_space<vmem>>
    %dma_start3A_317 = tpu.memref_squeeze %dma_start3A_316 : memref<1x64x128xf32, #tpu.memory_space<vmem>> -> memref<64x128xf32, #tpu.memory_space<vmem>>
    %dma_start3A_318 = arith.constant 256 : i32
    %dma_start3A_319 = tpu.memref_slice %arg8[%dma_start3A_318] : memref<512xi32, #tpu.memory_space<vmem>> -> memref<64xi32, #tpu.memory_space<vmem>>
    %dma_start3A_320 = arith.constant 0 : i32
    %dma_start3A_321 = arith.constant 0 : i32
    %dma_start3A_322 = tpu.memref_slice %arg5[%dma_start3A_320, %dma_start3A_321] : memref<100000x128xf32, #tpu.memory_space<hbm>> -> memref<100000x128xf32, #tpu.memory_space<hbm>>
    tpu.enqueue_indirect_dma source(%dma_start3A_322 : memref<100000x128xf32, #tpu.memory_space<hbm>>) target(%dma_start3A_317 : memref<64x128xf32, #tpu.memory_space<vmem>>) offsets(%dma_start3A_319 : memref<64xi32, #tpu.memory_space<vmem>>) semaphore(%arg11 : memref<!tpu.dma_semaphore, #tpu.memory_space<semaphore_mem>>)
    %dma_wait3A_323 = arith.constant 1 : i32
    %dma_wait3A_324 = arith.constant 0 : i32
    %dma_wait3A_325 = arith.constant 0 : i32
    %dma_wait3A_326 = tpu.memref_slice %arg9[%dma_wait3A_323, %dma_wait3A_324, %dma_wait3A_325] : memref<2x64x128xf32, #tpu.memory_space<vmem>> -> memref<1x64x128xf32, #tpu.memory_space<vmem>>
    %dma_wait3A_327 = tpu.memref_squeeze %dma_wait3A_326 : memref<1x64x128xf32, #tpu.memory_space<vmem>> -> memref<64x128xf32, #tpu.memory_space<vmem>>
    %dma_wait3A_328 = arith.constant 192 : i32
    %dma_wait3A_329 = tpu.memref_slice %arg7[%dma_wait3A_328] : memref<512xi32, #tpu.memory_space<vmem>> -> memref<64xi32, #tpu.memory_space<vmem>>
    %dma_wait3A_330 = arith.constant 0 : i32
    %dma_wait3A_331 = arith.constant 0 : i32
    %dma_wait3A_332 = tpu.memref_slice %arg4[%dma_wait3A_330, %dma_wait3A_331] : memref<100000x128xf32, #tpu.memory_space<hbm>> -> memref<100000x128xf32, #tpu.memory_space<hbm>>
    tpu.wait_indirect_dma semaphore(%arg11 : memref<!tpu.dma_semaphore, #tpu.memory_space<semaphore_mem>>) src(%dma_wait3A_332 : memref<100000x128xf32, #tpu.memory_space<hbm>>) dst(%dma_wait3A_327 : memref<64x128xf32, #tpu.memory_space<vmem>>)
    %dma_wait3A_333 = arith.constant 1 : i32
    %dma_wait3A_334 = arith.constant 0 : i32
    %dma_wait3A_335 = arith.constant 0 : i32
    %dma_wait3A_336 = tpu.memref_slice %arg10[%dma_wait3A_333, %dma_wait3A_334, %dma_wait3A_335] : memref<2x64x128xf32, #tpu.memory_space<vmem>> -> memref<1x64x128xf32, #tpu.memory_space<vmem>>
    %dma_wait3A_337 = tpu.memref_squeeze %dma_wait3A_336 : memref<1x64x128xf32, #tpu.memory_space<vmem>> -> memref<64x128xf32, #tpu.memory_space<vmem>>
    %dma_wait3A_338 = arith.constant 192 : i32
    %dma_wait3A_339 = tpu.memref_slice %arg8[%dma_wait3A_338] : memref<512xi32, #tpu.memory_space<vmem>> -> memref<64xi32, #tpu.memory_space<vmem>>
    %dma_wait3A_340 = arith.constant 0 : i32
    %dma_wait3A_341 = arith.constant 0 : i32
    %dma_wait3A_342 = tpu.memref_slice %arg5[%dma_wait3A_340, %dma_wait3A_341] : memref<100000x128xf32, #tpu.memory_space<hbm>> -> memref<100000x128xf32, #tpu.memory_space<hbm>>
    tpu.wait_indirect_dma semaphore(%arg11 : memref<!tpu.dma_semaphore, #tpu.memory_space<semaphore_mem>>) src(%dma_wait3A_342 : memref<100000x128xf32, #tpu.memory_space<hbm>>) dst(%dma_wait3A_337 : memref<64x128xf32, #tpu.memory_space<vmem>>)
    %add3A_343 = arith.constant 192 : i32
    %add3A_344 = arith.addi %mul3A_2, %add3A_343 : i32
    %dma_start3A_345 = arith.constant 1 : i32
    %dma_start3A_346 = arith.constant 0 : i32
    %dma_start3A_347 = arith.constant 0 : i32
    %dma_start3A_348 = tpu.memref_slice %arg9[%dma_start3A_345, %dma_start3A_346, %dma_start3A_347] : memref<2x64x128xf32, #tpu.memory_space<vmem>> -> memref<1x64x128xf32, #tpu.memory_space<vmem>>
    %dma_start3A_349 = tpu.memref_squeeze %dma_start3A_348 : memref<1x64x128xf32, #tpu.memory_space<vmem>> -> memref<64x128xf32, #tpu.memory_space<vmem>>
    %dma_start3A_350 = arith.constant 0 : i32
    %dma_start3A_351 = tpu.memref_slice %arg6[%add3A_344, %dma_start3A_350] : memref<16384x256xf32, #tpu.memory_space<hbm>> -> memref<64x128xf32, #tpu.memory_space<hbm>>
    %dma_start3A_352 = arith.constant 0 : i32
    %dma_start3A_353 = tpu.memref_slice %arg6[%add3A_344, %dma_start3A_352] : memref<16384x256xf32, #tpu.memory_space<hbm>> -> memref<64x128xf32, #tpu.memory_space<hbm>>
    %dma_start3A_354 = arith.constant 0 : i32
    %dma_start3A_355 = arith.constant 0 : i32
    %dma_start3A_356 = tpu.memref_slice %arg9[%dma_start3A_345, %dma_start3A_354, %dma_start3A_355] : memref<2x64x128xf32, #tpu.memory_space<vmem>> -> memref<1x64x128xf32, #tpu.memory_space<vmem>>
    %dma_start3A_357 = tpu.memref_squeeze %dma_start3A_356 : memref<1x64x128xf32, #tpu.memory_space<vmem>> -> memref<64x128xf32, #tpu.memory_space<vmem>>
    tpu.enqueue_dma source(%dma_start3A_357 : memref<64x128xf32, #tpu.memory_space<vmem>>) target(%dma_start3A_353 : memref<64x128xf32, #tpu.memory_space<hbm>>) target_semaphore(%arg12 : memref<!tpu.dma_semaphore, #tpu.memory_space<semaphore_mem>>)
    %dma_start3A_358 = arith.constant 1 : i32
    %dma_start3A_359 = arith.constant 0 : i32
    %dma_start3A_360 = arith.constant 0 : i32
    %dma_start3A_361 = tpu.memref_slice %arg10[%dma_start3A_358, %dma_start3A_359, %dma_start3A_360] : memref<2x64x128xf32, #tpu.memory_space<vmem>> -> memref<1x64x128xf32, #tpu.memory_space<vmem>>
    %dma_start3A_362 = tpu.memref_squeeze %dma_start3A_361 : memref<1x64x128xf32, #tpu.memory_space<vmem>> -> memref<64x128xf32, #tpu.memory_space<vmem>>
    %dma_start3A_363 = arith.constant 128 : i32
    %dma_start3A_364 = tpu.memref_slice %arg6[%add3A_344, %dma_start3A_363] : memref<16384x256xf32, #tpu.memory_space<hbm>> -> memref<64x128xf32, #tpu.memory_space<hbm>>
    %dma_start3A_365 = arith.constant 128 : i32
    %dma_start3A_366 = tpu.memref_slice %arg6[%add3A_344, %dma_start3A_365] : memref<16384x256xf32, #tpu.memory_space<hbm>> -> memref<64x128xf32, #tpu.memory_space<hbm>>
    %dma_start3A_367 = arith.constant 0 : i32
    %dma_start3A_368 = arith.constant 0 : i32
    %dma_start3A_369 = tpu.memref_slice %arg10[%dma_start3A_358, %dma_start3A_367, %dma_start3A_368] : memref<2x64x128xf32, #tpu.memory_space<vmem>> -> memref<1x64x128xf32, #tpu.memory_space<vmem>>
    %dma_start3A_370 = tpu.memref_squeeze %dma_start3A_369 : memref<1x64x128xf32, #tpu.memory_space<vmem>> -> memref<64x128xf32, #tpu.memory_space<vmem>>
    tpu.enqueue_dma source(%dma_start3A_370 : memref<64x128xf32, #tpu.memory_space<vmem>>) target(%dma_start3A_366 : memref<64x128xf32, #tpu.memory_space<hbm>>) target_semaphore(%arg12 : memref<!tpu.dma_semaphore, #tpu.memory_space<semaphore_mem>>)
    %dma_wait3A_371 = arith.constant 1 : i32
    %dma_wait3A_372 = arith.constant 0 : i32
    %dma_wait3A_373 = arith.constant 0 : i32
    %dma_wait3A_374 = tpu.memref_slice %arg9[%dma_wait3A_371, %dma_wait3A_372, %dma_wait3A_373] : memref<2x64x128xf32, #tpu.memory_space<vmem>> -> memref<1x64x128xf32, #tpu.memory_space<vmem>>
    %dma_wait3A_375 = tpu.memref_squeeze %dma_wait3A_374 : memref<1x64x128xf32, #tpu.memory_space<vmem>> -> memref<64x128xf32, #tpu.memory_space<vmem>>
    %dma_wait3A_376 = arith.constant 0 : i32
    %dma_wait3A_377 = tpu.memref_slice %arg6[%add3A_344, %dma_wait3A_376] : memref<16384x256xf32, #tpu.memory_space<hbm>> -> memref<64x128xf32, #tpu.memory_space<hbm>>
    %dma_wait3A_378 = arith.constant 0 : i32
    %dma_wait3A_379 = tpu.memref_slice %arg6[%add3A_344, %dma_wait3A_378] : memref<16384x256xf32, #tpu.memory_space<hbm>> -> memref<64x128xf32, #tpu.memory_space<hbm>>
    %dma_wait3A_380 = arith.constant 0 : i32
    %dma_wait3A_381 = arith.constant 0 : i32
    %dma_wait3A_382 = tpu.memref_slice %arg9[%dma_wait3A_371, %dma_wait3A_380, %dma_wait3A_381] : memref<2x64x128xf32, #tpu.memory_space<vmem>> -> memref<1x64x128xf32, #tpu.memory_space<vmem>>
    %dma_wait3A_383 = tpu.memref_squeeze %dma_wait3A_382 : memref<1x64x128xf32, #tpu.memory_space<vmem>> -> memref<64x128xf32, #tpu.memory_space<vmem>>
    tpu.wait_dma2 semaphore(%arg12 : memref<!tpu.dma_semaphore, #tpu.memory_space<semaphore_mem>>) src(%dma_wait3A_383 : memref<64x128xf32, #tpu.memory_space<vmem>>) dst(%dma_wait3A_379 : memref<64x128xf32, #tpu.memory_space<hbm>>)
    %dma_wait3A_384 = arith.constant 1 : i32
    %dma_wait3A_385 = arith.constant 0 : i32
    %dma_wait3A_386 = arith.constant 0 : i32
    %dma_wait3A_387 = tpu.memref_slice %arg10[%dma_wait3A_384, %dma_wait3A_385, %dma_wait3A_386] : memref<2x64x128xf32, #tpu.memory_space<vmem>> -> memref<1x64x128xf32, #tpu.memory_space<vmem>>
    %dma_wait3A_388 = tpu.memref_squeeze %dma_wait3A_387 : memref<1x64x128xf32, #tpu.memory_space<vmem>> -> memref<64x128xf32, #tpu.memory_space<vmem>>
    %dma_wait3A_389 = arith.constant 128 : i32
    %dma_wait3A_390 = tpu.memref_slice %arg6[%add3A_344, %dma_wait3A_389] : memref<16384x256xf32, #tpu.memory_space<hbm>> -> memref<64x128xf32, #tpu.memory_space<hbm>>
    %dma_wait3A_391 = arith.constant 128 : i32
    %dma_wait3A_392 = tpu.memref_slice %arg6[%add3A_344, %dma_wait3A_391] : memref<16384x256xf32, #tpu.memory_space<hbm>> -> memref<64x128xf32, #tpu.memory_space<hbm>>
    %dma_wait3A_393 = arith.constant 0 : i32
    %dma_wait3A_394 = arith.constant 0 : i32
    %dma_wait3A_395 = tpu.memref_slice %arg10[%dma_wait3A_384, %dma_wait3A_393, %dma_wait3A_394] : memref<2x64x128xf32, #tpu.memory_space<vmem>> -> memref<1x64x128xf32, #tpu.memory_space<vmem>>
    %dma_wait3A_396 = tpu.memref_squeeze %dma_wait3A_395 : memref<1x64x128xf32, #tpu.memory_space<vmem>> -> memref<64x128xf32, #tpu.memory_space<vmem>>
    tpu.wait_dma2 semaphore(%arg12 : memref<!tpu.dma_semaphore, #tpu.memory_space<semaphore_mem>>) src(%dma_wait3A_396 : memref<64x128xf32, #tpu.memory_space<vmem>>) dst(%dma_wait3A_392 : memref<64x128xf32, #tpu.memory_space<hbm>>)
    %dma_start3A_397 = arith.constant 1 : i32
    %dma_start3A_398 = arith.constant 0 : i32
    %dma_start3A_399 = arith.constant 0 : i32
    %dma_start3A_400 = tpu.memref_slice %arg9[%dma_start3A_397, %dma_start3A_398, %dma_start3A_399] : memref<2x64x128xf32, #tpu.memory_space<vmem>> -> memref<1x64x128xf32, #tpu.memory_space<vmem>>
    %dma_start3A_401 = tpu.memref_squeeze %dma_start3A_400 : memref<1x64x128xf32, #tpu.memory_space<vmem>> -> memref<64x128xf32, #tpu.memory_space<vmem>>
    %dma_start3A_402 = arith.constant 320 : i32
    %dma_start3A_403 = tpu.memref_slice %arg7[%dma_start3A_402] : memref<512xi32, #tpu.memory_space<vmem>> -> memref<64xi32, #tpu.memory_space<vmem>>
    %dma_start3A_404 = arith.constant 0 : i32
    %dma_start3A_405 = arith.constant 0 : i32
    %dma_start3A_406 = tpu.memref_slice %arg4[%dma_start3A_404, %dma_start3A_405] : memref<100000x128xf32, #tpu.memory_space<hbm>> -> memref<100000x128xf32, #tpu.memory_space<hbm>>
    tpu.enqueue_indirect_dma source(%dma_start3A_406 : memref<100000x128xf32, #tpu.memory_space<hbm>>) target(%dma_start3A_401 : memref<64x128xf32, #tpu.memory_space<vmem>>) offsets(%dma_start3A_403 : memref<64xi32, #tpu.memory_space<vmem>>) semaphore(%arg11 : memref<!tpu.dma_semaphore, #tpu.memory_space<semaphore_mem>>)
    %dma_start3A_407 = arith.constant 1 : i32
    %dma_start3A_408 = arith.constant 0 : i32
    %dma_start3A_409 = arith.constant 0 : i32
    %dma_start3A_410 = tpu.memref_slice %arg10[%dma_start3A_407, %dma_start3A_408, %dma_start3A_409] : memref<2x64x128xf32, #tpu.memory_space<vmem>> -> memref<1x64x128xf32, #tpu.memory_space<vmem>>
    %dma_start3A_411 = tpu.memref_squeeze %dma_start3A_410 : memref<1x64x128xf32, #tpu.memory_space<vmem>> -> memref<64x128xf32, #tpu.memory_space<vmem>>
    %dma_start3A_412 = arith.constant 320 : i32
    %dma_start3A_413 = tpu.memref_slice %arg8[%dma_start3A_412] : memref<512xi32, #tpu.memory_space<vmem>> -> memref<64xi32, #tpu.memory_space<vmem>>
    %dma_start3A_414 = arith.constant 0 : i32
    %dma_start3A_415 = arith.constant 0 : i32
    %dma_start3A_416 = tpu.memref_slice %arg5[%dma_start3A_414, %dma_start3A_415] : memref<100000x128xf32, #tpu.memory_space<hbm>> -> memref<100000x128xf32, #tpu.memory_space<hbm>>
    tpu.enqueue_indirect_dma source(%dma_start3A_416 : memref<100000x128xf32, #tpu.memory_space<hbm>>) target(%dma_start3A_411 : memref<64x128xf32, #tpu.memory_space<vmem>>) offsets(%dma_start3A_413 : memref<64xi32, #tpu.memory_space<vmem>>) semaphore(%arg11 : memref<!tpu.dma_semaphore, #tpu.memory_space<semaphore_mem>>)
    %dma_wait3A_417 = arith.constant 0 : i32
    %dma_wait3A_418 = arith.constant 0 : i32
    %dma_wait3A_419 = arith.constant 0 : i32
    %dma_wait3A_420 = tpu.memref_slice %arg9[%dma_wait3A_417, %dma_wait3A_418, %dma_wait3A_419] : memref<2x64x128xf32, #tpu.memory_space<vmem>> -> memref<1x64x128xf32, #tpu.memory_space<vmem>>
    %dma_wait3A_421 = tpu.memref_squeeze %dma_wait3A_420 : memref<1x64x128xf32, #tpu.memory_space<vmem>> -> memref<64x128xf32, #tpu.memory_space<vmem>>
    %dma_wait3A_422 = arith.constant 256 : i32
    %dma_wait3A_423 = tpu.memref_slice %arg7[%dma_wait3A_422] : memref<512xi32, #tpu.memory_space<vmem>> -> memref<64xi32, #tpu.memory_space<vmem>>
    %dma_wait3A_424 = arith.constant 0 : i32
    %dma_wait3A_425 = arith.constant 0 : i32
    %dma_wait3A_426 = tpu.memref_slice %arg4[%dma_wait3A_424, %dma_wait3A_425] : memref<100000x128xf32, #tpu.memory_space<hbm>> -> memref<100000x128xf32, #tpu.memory_space<hbm>>
    tpu.wait_indirect_dma semaphore(%arg11 : memref<!tpu.dma_semaphore, #tpu.memory_space<semaphore_mem>>) src(%dma_wait3A_426 : memref<100000x128xf32, #tpu.memory_space<hbm>>) dst(%dma_wait3A_421 : memref<64x128xf32, #tpu.memory_space<vmem>>)
    %dma_wait3A_427 = arith.constant 0 : i32
    %dma_wait3A_428 = arith.constant 0 : i32
    %dma_wait3A_429 = arith.constant 0 : i32
    %dma_wait3A_430 = tpu.memref_slice %arg10[%dma_wait3A_427, %dma_wait3A_428, %dma_wait3A_429] : memref<2x64x128xf32, #tpu.memory_space<vmem>> -> memref<1x64x128xf32, #tpu.memory_space<vmem>>
    %dma_wait3A_431 = tpu.memref_squeeze %dma_wait3A_430 : memref<1x64x128xf32, #tpu.memory_space<vmem>> -> memref<64x128xf32, #tpu.memory_space<vmem>>
    %dma_wait3A_432 = arith.constant 256 : i32
    %dma_wait3A_433 = tpu.memref_slice %arg8[%dma_wait3A_432] : memref<512xi32, #tpu.memory_space<vmem>> -> memref<64xi32, #tpu.memory_space<vmem>>
    %dma_wait3A_434 = arith.constant 0 : i32
    %dma_wait3A_435 = arith.constant 0 : i32
    %dma_wait3A_436 = tpu.memref_slice %arg5[%dma_wait3A_434, %dma_wait3A_435] : memref<100000x128xf32, #tpu.memory_space<hbm>> -> memref<100000x128xf32, #tpu.memory_space<hbm>>
    tpu.wait_indirect_dma semaphore(%arg11 : memref<!tpu.dma_semaphore, #tpu.memory_space<semaphore_mem>>) src(%dma_wait3A_436 : memref<100000x128xf32, #tpu.memory_space<hbm>>) dst(%dma_wait3A_431 : memref<64x128xf32, #tpu.memory_space<vmem>>)
    %add3A_437 = arith.constant 256 : i32
    %add3A_438 = arith.addi %mul3A_2, %add3A_437 : i32
    %dma_start3A_439 = arith.constant 0 : i32
    %dma_start3A_440 = arith.constant 0 : i32
    %dma_start3A_441 = arith.constant 0 : i32
    %dma_start3A_442 = tpu.memref_slice %arg9[%dma_start3A_439, %dma_start3A_440, %dma_start3A_441] : memref<2x64x128xf32, #tpu.memory_space<vmem>> -> memref<1x64x128xf32, #tpu.memory_space<vmem>>
    %dma_start3A_443 = tpu.memref_squeeze %dma_start3A_442 : memref<1x64x128xf32, #tpu.memory_space<vmem>> -> memref<64x128xf32, #tpu.memory_space<vmem>>
    %dma_start3A_444 = arith.constant 0 : i32
    %dma_start3A_445 = tpu.memref_slice %arg6[%add3A_438, %dma_start3A_444] : memref<16384x256xf32, #tpu.memory_space<hbm>> -> memref<64x128xf32, #tpu.memory_space<hbm>>
    %dma_start3A_446 = arith.constant 0 : i32
    %dma_start3A_447 = tpu.memref_slice %arg6[%add3A_438, %dma_start3A_446] : memref<16384x256xf32, #tpu.memory_space<hbm>> -> memref<64x128xf32, #tpu.memory_space<hbm>>
    %dma_start3A_448 = arith.constant 0 : i32
    %dma_start3A_449 = arith.constant 0 : i32
    %dma_start3A_450 = tpu.memref_slice %arg9[%dma_start3A_439, %dma_start3A_448, %dma_start3A_449] : memref<2x64x128xf32, #tpu.memory_space<vmem>> -> memref<1x64x128xf32, #tpu.memory_space<vmem>>
    %dma_start3A_451 = tpu.memref_squeeze %dma_start3A_450 : memref<1x64x128xf32, #tpu.memory_space<vmem>> -> memref<64x128xf32, #tpu.memory_space<vmem>>
    tpu.enqueue_dma source(%dma_start3A_451 : memref<64x128xf32, #tpu.memory_space<vmem>>) target(%dma_start3A_447 : memref<64x128xf32, #tpu.memory_space<hbm>>) target_semaphore(%arg12 : memref<!tpu.dma_semaphore, #tpu.memory_space<semaphore_mem>>)
    %dma_start3A_452 = arith.constant 0 : i32
    %dma_start3A_453 = arith.constant 0 : i32
    %dma_start3A_454 = arith.constant 0 : i32
    %dma_start3A_455 = tpu.memref_slice %arg10[%dma_start3A_452, %dma_start3A_453, %dma_start3A_454] : memref<2x64x128xf32, #tpu.memory_space<vmem>> -> memref<1x64x128xf32, #tpu.memory_space<vmem>>
    %dma_start3A_456 = tpu.memref_squeeze %dma_start3A_455 : memref<1x64x128xf32, #tpu.memory_space<vmem>> -> memref<64x128xf32, #tpu.memory_space<vmem>>
    %dma_start3A_457 = arith.constant 128 : i32
    %dma_start3A_458 = tpu.memref_slice %arg6[%add3A_438, %dma_start3A_457] : memref<16384x256xf32, #tpu.memory_space<hbm>> -> memref<64x128xf32, #tpu.memory_space<hbm>>
    %dma_start3A_459 = arith.constant 128 : i32
    %dma_start3A_460 = tpu.memref_slice %arg6[%add3A_438, %dma_start3A_459] : memref<16384x256xf32, #tpu.memory_space<hbm>> -> memref<64x128xf32, #tpu.memory_space<hbm>>
    %dma_start3A_461 = arith.constant 0 : i32
    %dma_start3A_462 = arith.constant 0 : i32
    %dma_start3A_463 = tpu.memref_slice %arg10[%dma_start3A_452, %dma_start3A_461, %dma_start3A_462] : memref<2x64x128xf32, #tpu.memory_space<vmem>> -> memref<1x64x128xf32, #tpu.memory_space<vmem>>
    %dma_start3A_464 = tpu.memref_squeeze %dma_start3A_463 : memref<1x64x128xf32, #tpu.memory_space<vmem>> -> memref<64x128xf32, #tpu.memory_space<vmem>>
    tpu.enqueue_dma source(%dma_start3A_464 : memref<64x128xf32, #tpu.memory_space<vmem>>) target(%dma_start3A_460 : memref<64x128xf32, #tpu.memory_space<hbm>>) target_semaphore(%arg12 : memref<!tpu.dma_semaphore, #tpu.memory_space<semaphore_mem>>)
    %dma_wait3A_465 = arith.constant 0 : i32
    %dma_wait3A_466 = arith.constant 0 : i32
    %dma_wait3A_467 = arith.constant 0 : i32
    %dma_wait3A_468 = tpu.memref_slice %arg9[%dma_wait3A_465, %dma_wait3A_466, %dma_wait3A_467] : memref<2x64x128xf32, #tpu.memory_space<vmem>> -> memref<1x64x128xf32, #tpu.memory_space<vmem>>
    %dma_wait3A_469 = tpu.memref_squeeze %dma_wait3A_468 : memref<1x64x128xf32, #tpu.memory_space<vmem>> -> memref<64x128xf32, #tpu.memory_space<vmem>>
    %dma_wait3A_470 = arith.constant 0 : i32
    %dma_wait3A_471 = tpu.memref_slice %arg6[%add3A_438, %dma_wait3A_470] : memref<16384x256xf32, #tpu.memory_space<hbm>> -> memref<64x128xf32, #tpu.memory_space<hbm>>
    %dma_wait3A_472 = arith.constant 0 : i32
    %dma_wait3A_473 = tpu.memref_slice %arg6[%add3A_438, %dma_wait3A_472] : memref<16384x256xf32, #tpu.memory_space<hbm>> -> memref<64x128xf32, #tpu.memory_space<hbm>>
    %dma_wait3A_474 = arith.constant 0 : i32
    %dma_wait3A_475 = arith.constant 0 : i32
    %dma_wait3A_476 = tpu.memref_slice %arg9[%dma_wait3A_465, %dma_wait3A_474, %dma_wait3A_475] : memref<2x64x128xf32, #tpu.memory_space<vmem>> -> memref<1x64x128xf32, #tpu.memory_space<vmem>>
    %dma_wait3A_477 = tpu.memref_squeeze %dma_wait3A_476 : memref<1x64x128xf32, #tpu.memory_space<vmem>> -> memref<64x128xf32, #tpu.memory_space<vmem>>
    tpu.wait_dma2 semaphore(%arg12 : memref<!tpu.dma_semaphore, #tpu.memory_space<semaphore_mem>>) src(%dma_wait3A_477 : memref<64x128xf32, #tpu.memory_space<vmem>>) dst(%dma_wait3A_473 : memref<64x128xf32, #tpu.memory_space<hbm>>)
    %dma_wait3A_478 = arith.constant 0 : i32
    %dma_wait3A_479 = arith.constant 0 : i32
    %dma_wait3A_480 = arith.constant 0 : i32
    %dma_wait3A_481 = tpu.memref_slice %arg10[%dma_wait3A_478, %dma_wait3A_479, %dma_wait3A_480] : memref<2x64x128xf32, #tpu.memory_space<vmem>> -> memref<1x64x128xf32, #tpu.memory_space<vmem>>
    %dma_wait3A_482 = tpu.memref_squeeze %dma_wait3A_481 : memref<1x64x128xf32, #tpu.memory_space<vmem>> -> memref<64x128xf32, #tpu.memory_space<vmem>>
    %dma_wait3A_483 = arith.constant 128 : i32
    %dma_wait3A_484 = tpu.memref_slice %arg6[%add3A_438, %dma_wait3A_483] : memref<16384x256xf32, #tpu.memory_space<hbm>> -> memref<64x128xf32, #tpu.memory_space<hbm>>
    %dma_wait3A_485 = arith.constant 128 : i32
    %dma_wait3A_486 = tpu.memref_slice %arg6[%add3A_438, %dma_wait3A_485] : memref<16384x256xf32, #tpu.memory_space<hbm>> -> memref<64x128xf32, #tpu.memory_space<hbm>>
    %dma_wait3A_487 = arith.constant 0 : i32
    %dma_wait3A_488 = arith.constant 0 : i32
    %dma_wait3A_489 = tpu.memref_slice %arg10[%dma_wait3A_478, %dma_wait3A_487, %dma_wait3A_488] : memref<2x64x128xf32, #tpu.memory_space<vmem>> -> memref<1x64x128xf32, #tpu.memory_space<vmem>>
    %dma_wait3A_490 = tpu.memref_squeeze %dma_wait3A_489 : memref<1x64x128xf32, #tpu.memory_space<vmem>> -> memref<64x128xf32, #tpu.memory_space<vmem>>
    tpu.wait_dma2 semaphore(%arg12 : memref<!tpu.dma_semaphore, #tpu.memory_space<semaphore_mem>>) src(%dma_wait3A_490 : memref<64x128xf32, #tpu.memory_space<vmem>>) dst(%dma_wait3A_486 : memref<64x128xf32, #tpu.memory_space<hbm>>)
    %dma_start3A_491 = arith.constant 0 : i32
    %dma_start3A_492 = arith.constant 0 : i32
    %dma_start3A_493 = arith.constant 0 : i32
    %dma_start3A_494 = tpu.memref_slice %arg9[%dma_start3A_491, %dma_start3A_492, %dma_start3A_493] : memref<2x64x128xf32, #tpu.memory_space<vmem>> -> memref<1x64x128xf32, #tpu.memory_space<vmem>>
    %dma_start3A_495 = tpu.memref_squeeze %dma_start3A_494 : memref<1x64x128xf32, #tpu.memory_space<vmem>> -> memref<64x128xf32, #tpu.memory_space<vmem>>
    %dma_start3A_496 = arith.constant 384 : i32
    %dma_start3A_497 = tpu.memref_slice %arg7[%dma_start3A_496] : memref<512xi32, #tpu.memory_space<vmem>> -> memref<64xi32, #tpu.memory_space<vmem>>
    %dma_start3A_498 = arith.constant 0 : i32
    %dma_start3A_499 = arith.constant 0 : i32
    %dma_start3A_500 = tpu.memref_slice %arg4[%dma_start3A_498, %dma_start3A_499] : memref<100000x128xf32, #tpu.memory_space<hbm>> -> memref<100000x128xf32, #tpu.memory_space<hbm>>
    tpu.enqueue_indirect_dma source(%dma_start3A_500 : memref<100000x128xf32, #tpu.memory_space<hbm>>) target(%dma_start3A_495 : memref<64x128xf32, #tpu.memory_space<vmem>>) offsets(%dma_start3A_497 : memref<64xi32, #tpu.memory_space<vmem>>) semaphore(%arg11 : memref<!tpu.dma_semaphore, #tpu.memory_space<semaphore_mem>>)
    %dma_start3A_501 = arith.constant 0 : i32
    %dma_start3A_502 = arith.constant 0 : i32
    %dma_start3A_503 = arith.constant 0 : i32
    %dma_start3A_504 = tpu.memref_slice %arg10[%dma_start3A_501, %dma_start3A_502, %dma_start3A_503] : memref<2x64x128xf32, #tpu.memory_space<vmem>> -> memref<1x64x128xf32, #tpu.memory_space<vmem>>
    %dma_start3A_505 = tpu.memref_squeeze %dma_start3A_504 : memref<1x64x128xf32, #tpu.memory_space<vmem>> -> memref<64x128xf32, #tpu.memory_space<vmem>>
    %dma_start3A_506 = arith.constant 384 : i32
    %dma_start3A_507 = tpu.memref_slice %arg8[%dma_start3A_506] : memref<512xi32, #tpu.memory_space<vmem>> -> memref<64xi32, #tpu.memory_space<vmem>>
    %dma_start3A_508 = arith.constant 0 : i32
    %dma_start3A_509 = arith.constant 0 : i32
    %dma_start3A_510 = tpu.memref_slice %arg5[%dma_start3A_508, %dma_start3A_509] : memref<100000x128xf32, #tpu.memory_space<hbm>> -> memref<100000x128xf32, #tpu.memory_space<hbm>>
    tpu.enqueue_indirect_dma source(%dma_start3A_510 : memref<100000x128xf32, #tpu.memory_space<hbm>>) target(%dma_start3A_505 : memref<64x128xf32, #tpu.memory_space<vmem>>) offsets(%dma_start3A_507 : memref<64xi32, #tpu.memory_space<vmem>>) semaphore(%arg11 : memref<!tpu.dma_semaphore, #tpu.memory_space<semaphore_mem>>)
    %dma_wait3A_511 = arith.constant 1 : i32
    %dma_wait3A_512 = arith.constant 0 : i32
    %dma_wait3A_513 = arith.constant 0 : i32
    %dma_wait3A_514 = tpu.memref_slice %arg9[%dma_wait3A_511, %dma_wait3A_512, %dma_wait3A_513] : memref<2x64x128xf32, #tpu.memory_space<vmem>> -> memref<1x64x128xf32, #tpu.memory_space<vmem>>
    %dma_wait3A_515 = tpu.memref_squeeze %dma_wait3A_514 : memref<1x64x128xf32, #tpu.memory_space<vmem>> -> memref<64x128xf32, #tpu.memory_space<vmem>>
    %dma_wait3A_516 = arith.constant 320 : i32
    %dma_wait3A_517 = tpu.memref_slice %arg7[%dma_wait3A_516] : memref<512xi32, #tpu.memory_space<vmem>> -> memref<64xi32, #tpu.memory_space<vmem>>
    %dma_wait3A_518 = arith.constant 0 : i32
    %dma_wait3A_519 = arith.constant 0 : i32
    %dma_wait3A_520 = tpu.memref_slice %arg4[%dma_wait3A_518, %dma_wait3A_519] : memref<100000x128xf32, #tpu.memory_space<hbm>> -> memref<100000x128xf32, #tpu.memory_space<hbm>>
    tpu.wait_indirect_dma semaphore(%arg11 : memref<!tpu.dma_semaphore, #tpu.memory_space<semaphore_mem>>) src(%dma_wait3A_520 : memref<100000x128xf32, #tpu.memory_space<hbm>>) dst(%dma_wait3A_515 : memref<64x128xf32, #tpu.memory_space<vmem>>)
    %dma_wait3A_521 = arith.constant 1 : i32
    %dma_wait3A_522 = arith.constant 0 : i32
    %dma_wait3A_523 = arith.constant 0 : i32
    %dma_wait3A_524 = tpu.memref_slice %arg10[%dma_wait3A_521, %dma_wait3A_522, %dma_wait3A_523] : memref<2x64x128xf32, #tpu.memory_space<vmem>> -> memref<1x64x128xf32, #tpu.memory_space<vmem>>
    %dma_wait3A_525 = tpu.memref_squeeze %dma_wait3A_524 : memref<1x64x128xf32, #tpu.memory_space<vmem>> -> memref<64x128xf32, #tpu.memory_space<vmem>>
    %dma_wait3A_526 = arith.constant 320 : i32
    %dma_wait3A_527 = tpu.memref_slice %arg8[%dma_wait3A_526] : memref<512xi32, #tpu.memory_space<vmem>> -> memref<64xi32, #tpu.memory_space<vmem>>
    %dma_wait3A_528 = arith.constant 0 : i32
    %dma_wait3A_529 = arith.constant 0 : i32
    %dma_wait3A_530 = tpu.memref_slice %arg5[%dma_wait3A_528, %dma_wait3A_529] : memref<100000x128xf32, #tpu.memory_space<hbm>> -> memref<100000x128xf32, #tpu.memory_space<hbm>>
    tpu.wait_indirect_dma semaphore(%arg11 : memref<!tpu.dma_semaphore, #tpu.memory_space<semaphore_mem>>) src(%dma_wait3A_530 : memref<100000x128xf32, #tpu.memory_space<hbm>>) dst(%dma_wait3A_525 : memref<64x128xf32, #tpu.memory_space<vmem>>)
    %add3A_531 = arith.constant 320 : i32
    %add3A_532 = arith.addi %mul3A_2, %add3A_531 : i32
    %dma_start3A_533 = arith.constant 1 : i32
    %dma_start3A_534 = arith.constant 0 : i32
    %dma_start3A_535 = arith.constant 0 : i32
    %dma_start3A_536 = tpu.memref_slice %arg9[%dma_start3A_533, %dma_start3A_534, %dma_start3A_535] : memref<2x64x128xf32, #tpu.memory_space<vmem>> -> memref<1x64x128xf32, #tpu.memory_space<vmem>>
    %dma_start3A_537 = tpu.memref_squeeze %dma_start3A_536 : memref<1x64x128xf32, #tpu.memory_space<vmem>> -> memref<64x128xf32, #tpu.memory_space<vmem>>
    %dma_start3A_538 = arith.constant 0 : i32
    %dma_start3A_539 = tpu.memref_slice %arg6[%add3A_532, %dma_start3A_538] : memref<16384x256xf32, #tpu.memory_space<hbm>> -> memref<64x128xf32, #tpu.memory_space<hbm>>
    %dma_start3A_540 = arith.constant 0 : i32
    %dma_start3A_541 = tpu.memref_slice %arg6[%add3A_532, %dma_start3A_540] : memref<16384x256xf32, #tpu.memory_space<hbm>> -> memref<64x128xf32, #tpu.memory_space<hbm>>
    %dma_start3A_542 = arith.constant 0 : i32
    %dma_start3A_543 = arith.constant 0 : i32
    %dma_start3A_544 = tpu.memref_slice %arg9[%dma_start3A_533, %dma_start3A_542, %dma_start3A_543] : memref<2x64x128xf32, #tpu.memory_space<vmem>> -> memref<1x64x128xf32, #tpu.memory_space<vmem>>
    %dma_start3A_545 = tpu.memref_squeeze %dma_start3A_544 : memref<1x64x128xf32, #tpu.memory_space<vmem>> -> memref<64x128xf32, #tpu.memory_space<vmem>>
    tpu.enqueue_dma source(%dma_start3A_545 : memref<64x128xf32, #tpu.memory_space<vmem>>) target(%dma_start3A_541 : memref<64x128xf32, #tpu.memory_space<hbm>>) target_semaphore(%arg12 : memref<!tpu.dma_semaphore, #tpu.memory_space<semaphore_mem>>)
    %dma_start3A_546 = arith.constant 1 : i32
    %dma_start3A_547 = arith.constant 0 : i32
    %dma_start3A_548 = arith.constant 0 : i32
    %dma_start3A_549 = tpu.memref_slice %arg10[%dma_start3A_546, %dma_start3A_547, %dma_start3A_548] : memref<2x64x128xf32, #tpu.memory_space<vmem>> -> memref<1x64x128xf32, #tpu.memory_space<vmem>>
    %dma_start3A_550 = tpu.memref_squeeze %dma_start3A_549 : memref<1x64x128xf32, #tpu.memory_space<vmem>> -> memref<64x128xf32, #tpu.memory_space<vmem>>
    %dma_start3A_551 = arith.constant 128 : i32
    %dma_start3A_552 = tpu.memref_slice %arg6[%add3A_532, %dma_start3A_551] : memref<16384x256xf32, #tpu.memory_space<hbm>> -> memref<64x128xf32, #tpu.memory_space<hbm>>
    %dma_start3A_553 = arith.constant 128 : i32
    %dma_start3A_554 = tpu.memref_slice %arg6[%add3A_532, %dma_start3A_553] : memref<16384x256xf32, #tpu.memory_space<hbm>> -> memref<64x128xf32, #tpu.memory_space<hbm>>
    %dma_start3A_555 = arith.constant 0 : i32
    %dma_start3A_556 = arith.constant 0 : i32
    %dma_start3A_557 = tpu.memref_slice %arg10[%dma_start3A_546, %dma_start3A_555, %dma_start3A_556] : memref<2x64x128xf32, #tpu.memory_space<vmem>> -> memref<1x64x128xf32, #tpu.memory_space<vmem>>
    %dma_start3A_558 = tpu.memref_squeeze %dma_start3A_557 : memref<1x64x128xf32, #tpu.memory_space<vmem>> -> memref<64x128xf32, #tpu.memory_space<vmem>>
    tpu.enqueue_dma source(%dma_start3A_558 : memref<64x128xf32, #tpu.memory_space<vmem>>) target(%dma_start3A_554 : memref<64x128xf32, #tpu.memory_space<hbm>>) target_semaphore(%arg12 : memref<!tpu.dma_semaphore, #tpu.memory_space<semaphore_mem>>)
    %dma_wait3A_559 = arith.constant 1 : i32
    %dma_wait3A_560 = arith.constant 0 : i32
    %dma_wait3A_561 = arith.constant 0 : i32
    %dma_wait3A_562 = tpu.memref_slice %arg9[%dma_wait3A_559, %dma_wait3A_560, %dma_wait3A_561] : memref<2x64x128xf32, #tpu.memory_space<vmem>> -> memref<1x64x128xf32, #tpu.memory_space<vmem>>
    %dma_wait3A_563 = tpu.memref_squeeze %dma_wait3A_562 : memref<1x64x128xf32, #tpu.memory_space<vmem>> -> memref<64x128xf32, #tpu.memory_space<vmem>>
    %dma_wait3A_564 = arith.constant 0 : i32
    %dma_wait3A_565 = tpu.memref_slice %arg6[%add3A_532, %dma_wait3A_564] : memref<16384x256xf32, #tpu.memory_space<hbm>> -> memref<64x128xf32, #tpu.memory_space<hbm>>
    %dma_wait3A_566 = arith.constant 0 : i32
    %dma_wait3A_567 = tpu.memref_slice %arg6[%add3A_532, %dma_wait3A_566] : memref<16384x256xf32, #tpu.memory_space<hbm>> -> memref<64x128xf32, #tpu.memory_space<hbm>>
    %dma_wait3A_568 = arith.constant 0 : i32
    %dma_wait3A_569 = arith.constant 0 : i32
    %dma_wait3A_570 = tpu.memref_slice %arg9[%dma_wait3A_559, %dma_wait3A_568, %dma_wait3A_569] : memref<2x64x128xf32, #tpu.memory_space<vmem>> -> memref<1x64x128xf32, #tpu.memory_space<vmem>>
    %dma_wait3A_571 = tpu.memref_squeeze %dma_wait3A_570 : memref<1x64x128xf32, #tpu.memory_space<vmem>> -> memref<64x128xf32, #tpu.memory_space<vmem>>
    tpu.wait_dma2 semaphore(%arg12 : memref<!tpu.dma_semaphore, #tpu.memory_space<semaphore_mem>>) src(%dma_wait3A_571 : memref<64x128xf32, #tpu.memory_space<vmem>>) dst(%dma_wait3A_567 : memref<64x128xf32, #tpu.memory_space<hbm>>)
    %dma_wait3A_572 = arith.constant 1 : i32
    %dma_wait3A_573 = arith.constant 0 : i32
    %dma_wait3A_574 = arith.constant 0 : i32
    %dma_wait3A_575 = tpu.memref_slice %arg10[%dma_wait3A_572, %dma_wait3A_573, %dma_wait3A_574] : memref<2x64x128xf32, #tpu.memory_space<vmem>> -> memref<1x64x128xf32, #tpu.memory_space<vmem>>
    %dma_wait3A_576 = tpu.memref_squeeze %dma_wait3A_575 : memref<1x64x128xf32, #tpu.memory_space<vmem>> -> memref<64x128xf32, #tpu.memory_space<vmem>>
    %dma_wait3A_577 = arith.constant 128 : i32
    %dma_wait3A_578 = tpu.memref_slice %arg6[%add3A_532, %dma_wait3A_577] : memref<16384x256xf32, #tpu.memory_space<hbm>> -> memref<64x128xf32, #tpu.memory_space<hbm>>
    %dma_wait3A_579 = arith.constant 128 : i32
    %dma_wait3A_580 = tpu.memref_slice %arg6[%add3A_532, %dma_wait3A_579] : memref<16384x256xf32, #tpu.memory_space<hbm>> -> memref<64x128xf32, #tpu.memory_space<hbm>>
    %dma_wait3A_581 = arith.constant 0 : i32
    %dma_wait3A_582 = arith.constant 0 : i32
    %dma_wait3A_583 = tpu.memref_slice %arg10[%dma_wait3A_572, %dma_wait3A_581, %dma_wait3A_582] : memref<2x64x128xf32, #tpu.memory_space<vmem>> -> memref<1x64x128xf32, #tpu.memory_space<vmem>>
    %dma_wait3A_584 = tpu.memref_squeeze %dma_wait3A_583 : memref<1x64x128xf32, #tpu.memory_space<vmem>> -> memref<64x128xf32, #tpu.memory_space<vmem>>
    tpu.wait_dma2 semaphore(%arg12 : memref<!tpu.dma_semaphore, #tpu.memory_space<semaphore_mem>>) src(%dma_wait3A_584 : memref<64x128xf32, #tpu.memory_space<vmem>>) dst(%dma_wait3A_580 : memref<64x128xf32, #tpu.memory_space<hbm>>)
    %dma_start3A_585 = arith.constant 1 : i32
    %dma_start3A_586 = arith.constant 0 : i32
    %dma_start3A_587 = arith.constant 0 : i32
    %dma_start3A_588 = tpu.memref_slice %arg9[%dma_start3A_585, %dma_start3A_586, %dma_start3A_587] : memref<2x64x128xf32, #tpu.memory_space<vmem>> -> memref<1x64x128xf32, #tpu.memory_space<vmem>>
    %dma_start3A_589 = tpu.memref_squeeze %dma_start3A_588 : memref<1x64x128xf32, #tpu.memory_space<vmem>> -> memref<64x128xf32, #tpu.memory_space<vmem>>
    %dma_start3A_590 = arith.constant 448 : i32
    %dma_start3A_591 = tpu.memref_slice %arg7[%dma_start3A_590] : memref<512xi32, #tpu.memory_space<vmem>> -> memref<64xi32, #tpu.memory_space<vmem>>
    %dma_start3A_592 = arith.constant 0 : i32
    %dma_start3A_593 = arith.constant 0 : i32
    %dma_start3A_594 = tpu.memref_slice %arg4[%dma_start3A_592, %dma_start3A_593] : memref<100000x128xf32, #tpu.memory_space<hbm>> -> memref<100000x128xf32, #tpu.memory_space<hbm>>
    tpu.enqueue_indirect_dma source(%dma_start3A_594 : memref<100000x128xf32, #tpu.memory_space<hbm>>) target(%dma_start3A_589 : memref<64x128xf32, #tpu.memory_space<vmem>>) offsets(%dma_start3A_591 : memref<64xi32, #tpu.memory_space<vmem>>) semaphore(%arg11 : memref<!tpu.dma_semaphore, #tpu.memory_space<semaphore_mem>>)
    %dma_start3A_595 = arith.constant 1 : i32
    %dma_start3A_596 = arith.constant 0 : i32
    %dma_start3A_597 = arith.constant 0 : i32
    %dma_start3A_598 = tpu.memref_slice %arg10[%dma_start3A_595, %dma_start3A_596, %dma_start3A_597] : memref<2x64x128xf32, #tpu.memory_space<vmem>> -> memref<1x64x128xf32, #tpu.memory_space<vmem>>
    %dma_start3A_599 = tpu.memref_squeeze %dma_start3A_598 : memref<1x64x128xf32, #tpu.memory_space<vmem>> -> memref<64x128xf32, #tpu.memory_space<vmem>>
    %dma_start3A_600 = arith.constant 448 : i32
    %dma_start3A_601 = tpu.memref_slice %arg8[%dma_start3A_600] : memref<512xi32, #tpu.memory_space<vmem>> -> memref<64xi32, #tpu.memory_space<vmem>>
    %dma_start3A_602 = arith.constant 0 : i32
    %dma_start3A_603 = arith.constant 0 : i32
    %dma_start3A_604 = tpu.memref_slice %arg5[%dma_start3A_602, %dma_start3A_603] : memref<100000x128xf32, #tpu.memory_space<hbm>> -> memref<100000x128xf32, #tpu.memory_space<hbm>>
    tpu.enqueue_indirect_dma source(%dma_start3A_604 : memref<100000x128xf32, #tpu.memory_space<hbm>>) target(%dma_start3A_599 : memref<64x128xf32, #tpu.memory_space<vmem>>) offsets(%dma_start3A_601 : memref<64xi32, #tpu.memory_space<vmem>>) semaphore(%arg11 : memref<!tpu.dma_semaphore, #tpu.memory_space<semaphore_mem>>)
    %dma_wait3A_605 = arith.constant 0 : i32
    %dma_wait3A_606 = arith.constant 0 : i32
    %dma_wait3A_607 = arith.constant 0 : i32
    %dma_wait3A_608 = tpu.memref_slice %arg9[%dma_wait3A_605, %dma_wait3A_606, %dma_wait3A_607] : memref<2x64x128xf32, #tpu.memory_space<vmem>> -> memref<1x64x128xf32, #tpu.memory_space<vmem>>
    %dma_wait3A_609 = tpu.memref_squeeze %dma_wait3A_608 : memref<1x64x128xf32, #tpu.memory_space<vmem>> -> memref<64x128xf32, #tpu.memory_space<vmem>>
    %dma_wait3A_610 = arith.constant 384 : i32
    %dma_wait3A_611 = tpu.memref_slice %arg7[%dma_wait3A_610] : memref<512xi32, #tpu.memory_space<vmem>> -> memref<64xi32, #tpu.memory_space<vmem>>
    %dma_wait3A_612 = arith.constant 0 : i32
    %dma_wait3A_613 = arith.constant 0 : i32
    %dma_wait3A_614 = tpu.memref_slice %arg4[%dma_wait3A_612, %dma_wait3A_613] : memref<100000x128xf32, #tpu.memory_space<hbm>> -> memref<100000x128xf32, #tpu.memory_space<hbm>>
    tpu.wait_indirect_dma semaphore(%arg11 : memref<!tpu.dma_semaphore, #tpu.memory_space<semaphore_mem>>) src(%dma_wait3A_614 : memref<100000x128xf32, #tpu.memory_space<hbm>>) dst(%dma_wait3A_609 : memref<64x128xf32, #tpu.memory_space<vmem>>)
    %dma_wait3A_615 = arith.constant 0 : i32
    %dma_wait3A_616 = arith.constant 0 : i32
    %dma_wait3A_617 = arith.constant 0 : i32
    %dma_wait3A_618 = tpu.memref_slice %arg10[%dma_wait3A_615, %dma_wait3A_616, %dma_wait3A_617] : memref<2x64x128xf32, #tpu.memory_space<vmem>> -> memref<1x64x128xf32, #tpu.memory_space<vmem>>
    %dma_wait3A_619 = tpu.memref_squeeze %dma_wait3A_618 : memref<1x64x128xf32, #tpu.memory_space<vmem>> -> memref<64x128xf32, #tpu.memory_space<vmem>>
    %dma_wait3A_620 = arith.constant 384 : i32
    %dma_wait3A_621 = tpu.memref_slice %arg8[%dma_wait3A_620] : memref<512xi32, #tpu.memory_space<vmem>> -> memref<64xi32, #tpu.memory_space<vmem>>
    %dma_wait3A_622 = arith.constant 0 : i32
    %dma_wait3A_623 = arith.constant 0 : i32
    %dma_wait3A_624 = tpu.memref_slice %arg5[%dma_wait3A_622, %dma_wait3A_623] : memref<100000x128xf32, #tpu.memory_space<hbm>> -> memref<100000x128xf32, #tpu.memory_space<hbm>>
    tpu.wait_indirect_dma semaphore(%arg11 : memref<!tpu.dma_semaphore, #tpu.memory_space<semaphore_mem>>) src(%dma_wait3A_624 : memref<100000x128xf32, #tpu.memory_space<hbm>>) dst(%dma_wait3A_619 : memref<64x128xf32, #tpu.memory_space<vmem>>)
    %add3A_625 = arith.constant 384 : i32
    %add3A_626 = arith.addi %mul3A_2, %add3A_625 : i32
    %dma_start3A_627 = arith.constant 0 : i32
    %dma_start3A_628 = arith.constant 0 : i32
    %dma_start3A_629 = arith.constant 0 : i32
    %dma_start3A_630 = tpu.memref_slice %arg9[%dma_start3A_627, %dma_start3A_628, %dma_start3A_629] : memref<2x64x128xf32, #tpu.memory_space<vmem>> -> memref<1x64x128xf32, #tpu.memory_space<vmem>>
    %dma_start3A_631 = tpu.memref_squeeze %dma_start3A_630 : memref<1x64x128xf32, #tpu.memory_space<vmem>> -> memref<64x128xf32, #tpu.memory_space<vmem>>
    %dma_start3A_632 = arith.constant 0 : i32
    %dma_start3A_633 = tpu.memref_slice %arg6[%add3A_626, %dma_start3A_632] : memref<16384x256xf32, #tpu.memory_space<hbm>> -> memref<64x128xf32, #tpu.memory_space<hbm>>
    %dma_start3A_634 = arith.constant 0 : i32
    %dma_start3A_635 = tpu.memref_slice %arg6[%add3A_626, %dma_start3A_634] : memref<16384x256xf32, #tpu.memory_space<hbm>> -> memref<64x128xf32, #tpu.memory_space<hbm>>
    %dma_start3A_636 = arith.constant 0 : i32
    %dma_start3A_637 = arith.constant 0 : i32
    %dma_start3A_638 = tpu.memref_slice %arg9[%dma_start3A_627, %dma_start3A_636, %dma_start3A_637] : memref<2x64x128xf32, #tpu.memory_space<vmem>> -> memref<1x64x128xf32, #tpu.memory_space<vmem>>
    %dma_start3A_639 = tpu.memref_squeeze %dma_start3A_638 : memref<1x64x128xf32, #tpu.memory_space<vmem>> -> memref<64x128xf32, #tpu.memory_space<vmem>>
    tpu.enqueue_dma source(%dma_start3A_639 : memref<64x128xf32, #tpu.memory_space<vmem>>) target(%dma_start3A_635 : memref<64x128xf32, #tpu.memory_space<hbm>>) target_semaphore(%arg12 : memref<!tpu.dma_semaphore, #tpu.memory_space<semaphore_mem>>)
    %dma_start3A_640 = arith.constant 0 : i32
    %dma_start3A_641 = arith.constant 0 : i32
    %dma_start3A_642 = arith.constant 0 : i32
    %dma_start3A_643 = tpu.memref_slice %arg10[%dma_start3A_640, %dma_start3A_641, %dma_start3A_642] : memref<2x64x128xf32, #tpu.memory_space<vmem>> -> memref<1x64x128xf32, #tpu.memory_space<vmem>>
    %dma_start3A_644 = tpu.memref_squeeze %dma_start3A_643 : memref<1x64x128xf32, #tpu.memory_space<vmem>> -> memref<64x128xf32, #tpu.memory_space<vmem>>
    %dma_start3A_645 = arith.constant 128 : i32
    %dma_start3A_646 = tpu.memref_slice %arg6[%add3A_626, %dma_start3A_645] : memref<16384x256xf32, #tpu.memory_space<hbm>> -> memref<64x128xf32, #tpu.memory_space<hbm>>
    %dma_start3A_647 = arith.constant 128 : i32
    %dma_start3A_648 = tpu.memref_slice %arg6[%add3A_626, %dma_start3A_647] : memref<16384x256xf32, #tpu.memory_space<hbm>> -> memref<64x128xf32, #tpu.memory_space<hbm>>
    %dma_start3A_649 = arith.constant 0 : i32
    %dma_start3A_650 = arith.constant 0 : i32
    %dma_start3A_651 = tpu.memref_slice %arg10[%dma_start3A_640, %dma_start3A_649, %dma_start3A_650] : memref<2x64x128xf32, #tpu.memory_space<vmem>> -> memref<1x64x128xf32, #tpu.memory_space<vmem>>
    %dma_start3A_652 = tpu.memref_squeeze %dma_start3A_651 : memref<1x64x128xf32, #tpu.memory_space<vmem>> -> memref<64x128xf32, #tpu.memory_space<vmem>>
    tpu.enqueue_dma source(%dma_start3A_652 : memref<64x128xf32, #tpu.memory_space<vmem>>) target(%dma_start3A_648 : memref<64x128xf32, #tpu.memory_space<hbm>>) target_semaphore(%arg12 : memref<!tpu.dma_semaphore, #tpu.memory_space<semaphore_mem>>)
    %dma_wait3A_653 = arith.constant 1 : i32
    %dma_wait3A_654 = arith.constant 0 : i32
    %dma_wait3A_655 = arith.constant 0 : i32
    %dma_wait3A_656 = tpu.memref_slice %arg9[%dma_wait3A_653, %dma_wait3A_654, %dma_wait3A_655] : memref<2x64x128xf32, #tpu.memory_space<vmem>> -> memref<1x64x128xf32, #tpu.memory_space<vmem>>
    %dma_wait3A_657 = tpu.memref_squeeze %dma_wait3A_656 : memref<1x64x128xf32, #tpu.memory_space<vmem>> -> memref<64x128xf32, #tpu.memory_space<vmem>>
    %dma_wait3A_658 = arith.constant 448 : i32
    %dma_wait3A_659 = tpu.memref_slice %arg7[%dma_wait3A_658] : memref<512xi32, #tpu.memory_space<vmem>> -> memref<64xi32, #tpu.memory_space<vmem>>
    %dma_wait3A_660 = arith.constant 0 : i32
    %dma_wait3A_661 = arith.constant 0 : i32
    %dma_wait3A_662 = tpu.memref_slice %arg4[%dma_wait3A_660, %dma_wait3A_661] : memref<100000x128xf32, #tpu.memory_space<hbm>> -> memref<100000x128xf32, #tpu.memory_space<hbm>>
    tpu.wait_indirect_dma semaphore(%arg11 : memref<!tpu.dma_semaphore, #tpu.memory_space<semaphore_mem>>) src(%dma_wait3A_662 : memref<100000x128xf32, #tpu.memory_space<hbm>>) dst(%dma_wait3A_657 : memref<64x128xf32, #tpu.memory_space<vmem>>)
    %dma_wait3A_663 = arith.constant 1 : i32
    %dma_wait3A_664 = arith.constant 0 : i32
    %dma_wait3A_665 = arith.constant 0 : i32
    %dma_wait3A_666 = tpu.memref_slice %arg10[%dma_wait3A_663, %dma_wait3A_664, %dma_wait3A_665] : memref<2x64x128xf32, #tpu.memory_space<vmem>> -> memref<1x64x128xf32, #tpu.memory_space<vmem>>
    %dma_wait3A_667 = tpu.memref_squeeze %dma_wait3A_666 : memref<1x64x128xf32, #tpu.memory_space<vmem>> -> memref<64x128xf32, #tpu.memory_space<vmem>>
    %dma_wait3A_668 = arith.constant 448 : i32
    %dma_wait3A_669 = tpu.memref_slice %arg8[%dma_wait3A_668] : memref<512xi32, #tpu.memory_space<vmem>> -> memref<64xi32, #tpu.memory_space<vmem>>
    %dma_wait3A_670 = arith.constant 0 : i32
    %dma_wait3A_671 = arith.constant 0 : i32
    %dma_wait3A_672 = tpu.memref_slice %arg5[%dma_wait3A_670, %dma_wait3A_671] : memref<100000x128xf32, #tpu.memory_space<hbm>> -> memref<100000x128xf32, #tpu.memory_space<hbm>>
    tpu.wait_indirect_dma semaphore(%arg11 : memref<!tpu.dma_semaphore, #tpu.memory_space<semaphore_mem>>) src(%dma_wait3A_672 : memref<100000x128xf32, #tpu.memory_space<hbm>>) dst(%dma_wait3A_667 : memref<64x128xf32, #tpu.memory_space<vmem>>)
    %add3A_673 = arith.constant 448 : i32
    %add3A_674 = arith.addi %mul3A_2, %add3A_673 : i32
    %dma_start3A_675 = arith.constant 1 : i32
    %dma_start3A_676 = arith.constant 0 : i32
    %dma_start3A_677 = arith.constant 0 : i32
    %dma_start3A_678 = tpu.memref_slice %arg9[%dma_start3A_675, %dma_start3A_676, %dma_start3A_677] : memref<2x64x128xf32, #tpu.memory_space<vmem>> -> memref<1x64x128xf32, #tpu.memory_space<vmem>>
    %dma_start3A_679 = tpu.memref_squeeze %dma_start3A_678 : memref<1x64x128xf32, #tpu.memory_space<vmem>> -> memref<64x128xf32, #tpu.memory_space<vmem>>
    %dma_start3A_680 = arith.constant 0 : i32
    %dma_start3A_681 = tpu.memref_slice %arg6[%add3A_674, %dma_start3A_680] : memref<16384x256xf32, #tpu.memory_space<hbm>> -> memref<64x128xf32, #tpu.memory_space<hbm>>
    %dma_start3A_682 = arith.constant 0 : i32
    %dma_start3A_683 = tpu.memref_slice %arg6[%add3A_674, %dma_start3A_682] : memref<16384x256xf32, #tpu.memory_space<hbm>> -> memref<64x128xf32, #tpu.memory_space<hbm>>
    %dma_start3A_684 = arith.constant 0 : i32
    %dma_start3A_685 = arith.constant 0 : i32
    %dma_start3A_686 = tpu.memref_slice %arg9[%dma_start3A_675, %dma_start3A_684, %dma_start3A_685] : memref<2x64x128xf32, #tpu.memory_space<vmem>> -> memref<1x64x128xf32, #tpu.memory_space<vmem>>
    %dma_start3A_687 = tpu.memref_squeeze %dma_start3A_686 : memref<1x64x128xf32, #tpu.memory_space<vmem>> -> memref<64x128xf32, #tpu.memory_space<vmem>>
    tpu.enqueue_dma source(%dma_start3A_687 : memref<64x128xf32, #tpu.memory_space<vmem>>) target(%dma_start3A_683 : memref<64x128xf32, #tpu.memory_space<hbm>>) target_semaphore(%arg12 : memref<!tpu.dma_semaphore, #tpu.memory_space<semaphore_mem>>)
    %dma_start3A_688 = arith.constant 1 : i32
    %dma_start3A_689 = arith.constant 0 : i32
    %dma_start3A_690 = arith.constant 0 : i32
    %dma_start3A_691 = tpu.memref_slice %arg10[%dma_start3A_688, %dma_start3A_689, %dma_start3A_690] : memref<2x64x128xf32, #tpu.memory_space<vmem>> -> memref<1x64x128xf32, #tpu.memory_space<vmem>>
    %dma_start3A_692 = tpu.memref_squeeze %dma_start3A_691 : memref<1x64x128xf32, #tpu.memory_space<vmem>> -> memref<64x128xf32, #tpu.memory_space<vmem>>
    %dma_start3A_693 = arith.constant 128 : i32
    %dma_start3A_694 = tpu.memref_slice %arg6[%add3A_674, %dma_start3A_693] : memref<16384x256xf32, #tpu.memory_space<hbm>> -> memref<64x128xf32, #tpu.memory_space<hbm>>
    %dma_start3A_695 = arith.constant 128 : i32
    %dma_start3A_696 = tpu.memref_slice %arg6[%add3A_674, %dma_start3A_695] : memref<16384x256xf32, #tpu.memory_space<hbm>> -> memref<64x128xf32, #tpu.memory_space<hbm>>
    %dma_start3A_697 = arith.constant 0 : i32
    %dma_start3A_698 = arith.constant 0 : i32
    %dma_start3A_699 = tpu.memref_slice %arg10[%dma_start3A_688, %dma_start3A_697, %dma_start3A_698] : memref<2x64x128xf32, #tpu.memory_space<vmem>> -> memref<1x64x128xf32, #tpu.memory_space<vmem>>
    %dma_start3A_700 = tpu.memref_squeeze %dma_start3A_699 : memref<1x64x128xf32, #tpu.memory_space<vmem>> -> memref<64x128xf32, #tpu.memory_space<vmem>>
    tpu.enqueue_dma source(%dma_start3A_700 : memref<64x128xf32, #tpu.memory_space<vmem>>) target(%dma_start3A_696 : memref<64x128xf32, #tpu.memory_space<hbm>>) target_semaphore(%arg12 : memref<!tpu.dma_semaphore, #tpu.memory_space<semaphore_mem>>)
    %dma_wait3A_701 = arith.constant 0 : i32
    %dma_wait3A_702 = arith.constant 0 : i32
    %dma_wait3A_703 = arith.constant 0 : i32
    %dma_wait3A_704 = tpu.memref_slice %arg9[%dma_wait3A_701, %dma_wait3A_702, %dma_wait3A_703] : memref<2x64x128xf32, #tpu.memory_space<vmem>> -> memref<1x64x128xf32, #tpu.memory_space<vmem>>
    %dma_wait3A_705 = tpu.memref_squeeze %dma_wait3A_704 : memref<1x64x128xf32, #tpu.memory_space<vmem>> -> memref<64x128xf32, #tpu.memory_space<vmem>>
    %dma_wait3A_706 = arith.constant 0 : i32
    %dma_wait3A_707 = tpu.memref_slice %arg6[%add3A_626, %dma_wait3A_706] : memref<16384x256xf32, #tpu.memory_space<hbm>> -> memref<64x128xf32, #tpu.memory_space<hbm>>
    %dma_wait3A_708 = arith.constant 0 : i32
    %dma_wait3A_709 = tpu.memref_slice %arg6[%add3A_626, %dma_wait3A_708] : memref<16384x256xf32, #tpu.memory_space<hbm>> -> memref<64x128xf32, #tpu.memory_space<hbm>>
    %dma_wait3A_710 = arith.constant 0 : i32
    %dma_wait3A_711 = arith.constant 0 : i32
    %dma_wait3A_712 = tpu.memref_slice %arg9[%dma_wait3A_701, %dma_wait3A_710, %dma_wait3A_711] : memref<2x64x128xf32, #tpu.memory_space<vmem>> -> memref<1x64x128xf32, #tpu.memory_space<vmem>>
    %dma_wait3A_713 = tpu.memref_squeeze %dma_wait3A_712 : memref<1x64x128xf32, #tpu.memory_space<vmem>> -> memref<64x128xf32, #tpu.memory_space<vmem>>
    tpu.wait_dma2 semaphore(%arg12 : memref<!tpu.dma_semaphore, #tpu.memory_space<semaphore_mem>>) src(%dma_wait3A_713 : memref<64x128xf32, #tpu.memory_space<vmem>>) dst(%dma_wait3A_709 : memref<64x128xf32, #tpu.memory_space<hbm>>)
    %dma_wait3A_714 = arith.constant 0 : i32
    %dma_wait3A_715 = arith.constant 0 : i32
    %dma_wait3A_716 = arith.constant 0 : i32
    %dma_wait3A_717 = tpu.memref_slice %arg10[%dma_wait3A_714, %dma_wait3A_715, %dma_wait3A_716] : memref<2x64x128xf32, #tpu.memory_space<vmem>> -> memref<1x64x128xf32, #tpu.memory_space<vmem>>
    %dma_wait3A_718 = tpu.memref_squeeze %dma_wait3A_717 : memref<1x64x128xf32, #tpu.memory_space<vmem>> -> memref<64x128xf32, #tpu.memory_space<vmem>>
    %dma_wait3A_719 = arith.constant 128 : i32
    %dma_wait3A_720 = tpu.memref_slice %arg6[%add3A_626, %dma_wait3A_719] : memref<16384x256xf32, #tpu.memory_space<hbm>> -> memref<64x128xf32, #tpu.memory_space<hbm>>
    %dma_wait3A_721 = arith.constant 128 : i32
    %dma_wait3A_722 = tpu.memref_slice %arg6[%add3A_626, %dma_wait3A_721] : memref<16384x256xf32, #tpu.memory_space<hbm>> -> memref<64x128xf32, #tpu.memory_space<hbm>>
    %dma_wait3A_723 = arith.constant 0 : i32
    %dma_wait3A_724 = arith.constant 0 : i32
    %dma_wait3A_725 = tpu.memref_slice %arg10[%dma_wait3A_714, %dma_wait3A_723, %dma_wait3A_724] : memref<2x64x128xf32, #tpu.memory_space<vmem>> -> memref<1x64x128xf32, #tpu.memory_space<vmem>>
    %dma_wait3A_726 = tpu.memref_squeeze %dma_wait3A_725 : memref<1x64x128xf32, #tpu.memory_space<vmem>> -> memref<64x128xf32, #tpu.memory_space<vmem>>
    tpu.wait_dma2 semaphore(%arg12 : memref<!tpu.dma_semaphore, #tpu.memory_space<semaphore_mem>>) src(%dma_wait3A_726 : memref<64x128xf32, #tpu.memory_space<vmem>>) dst(%dma_wait3A_722 : memref<64x128xf32, #tpu.memory_space<hbm>>)
    %dma_wait3A_727 = arith.constant 1 : i32
    %dma_wait3A_728 = arith.constant 0 : i32
    %dma_wait3A_729 = arith.constant 0 : i32
    %dma_wait3A_730 = tpu.memref_slice %arg9[%dma_wait3A_727, %dma_wait3A_728, %dma_wait3A_729] : memref<2x64x128xf32, #tpu.memory_space<vmem>> -> memref<1x64x128xf32, #tpu.memory_space<vmem>>
    %dma_wait3A_731 = tpu.memref_squeeze %dma_wait3A_730 : memref<1x64x128xf32, #tpu.memory_space<vmem>> -> memref<64x128xf32, #tpu.memory_space<vmem>>
    %dma_wait3A_732 = arith.constant 0 : i32
    %dma_wait3A_733 = tpu.memref_slice %arg6[%add3A_674, %dma_wait3A_732] : memref<16384x256xf32, #tpu.memory_space<hbm>> -> memref<64x128xf32, #tpu.memory_space<hbm>>
    %dma_wait3A_734 = arith.constant 0 : i32
    %dma_wait3A_735 = tpu.memref_slice %arg6[%add3A_674, %dma_wait3A_734] : memref<16384x256xf32, #tpu.memory_space<hbm>> -> memref<64x128xf32, #tpu.memory_space<hbm>>
    %dma_wait3A_736 = arith.constant 0 : i32
    %dma_wait3A_737 = arith.constant 0 : i32
    %dma_wait3A_738 = tpu.memref_slice %arg9[%dma_wait3A_727, %dma_wait3A_736, %dma_wait3A_737] : memref<2x64x128xf32, #tpu.memory_space<vmem>> -> memref<1x64x128xf32, #tpu.memory_space<vmem>>
    %dma_wait3A_739 = tpu.memref_squeeze %dma_wait3A_738 : memref<1x64x128xf32, #tpu.memory_space<vmem>> -> memref<64x128xf32, #tpu.memory_space<vmem>>
    tpu.wait_dma2 semaphore(%arg12 : memref<!tpu.dma_semaphore, #tpu.memory_space<semaphore_mem>>) src(%dma_wait3A_739 : memref<64x128xf32, #tpu.memory_space<vmem>>) dst(%dma_wait3A_735 : memref<64x128xf32, #tpu.memory_space<hbm>>)
    %dma_wait3A_740 = arith.constant 1 : i32
    %dma_wait3A_741 = arith.constant 0 : i32
    %dma_wait3A_742 = arith.constant 0 : i32
    %dma_wait3A_743 = tpu.memref_slice %arg10[%dma_wait3A_740, %dma_wait3A_741, %dma_wait3A_742] : memref<2x64x128xf32, #tpu.memory_space<vmem>> -> memref<1x64x128xf32, #tpu.memory_space<vmem>>
    %dma_wait3A_744 = tpu.memref_squeeze %dma_wait3A_743 : memref<1x64x128xf32, #tpu.memory_space<vmem>> -> memref<64x128xf32, #tpu.memory_space<vmem>>
    %dma_wait3A_745 = arith.constant 128 : i32
    %dma_wait3A_746 = tpu.memref_slice %arg6[%add3A_674, %dma_wait3A_745] : memref<16384x256xf32, #tpu.memory_space<hbm>> -> memref<64x128xf32, #tpu.memory_space<hbm>>
    %dma_wait3A_747 = arith.constant 128 : i32
    %dma_wait3A_748 = tpu.memref_slice %arg6[%add3A_674, %dma_wait3A_747] : memref<16384x256xf32, #tpu.memory_space<hbm>> -> memref<64x128xf32, #tpu.memory_space<hbm>>
    %dma_wait3A_749 = arith.constant 0 : i32
    %dma_wait3A_750 = arith.constant 0 : i32
    %dma_wait3A_751 = tpu.memref_slice %arg10[%dma_wait3A_740, %dma_wait3A_749, %dma_wait3A_750] : memref<2x64x128xf32, #tpu.memory_space<vmem>> -> memref<1x64x128xf32, #tpu.memory_space<vmem>>
    %dma_wait3A_752 = tpu.memref_squeeze %dma_wait3A_751 : memref<1x64x128xf32, #tpu.memory_space<vmem>> -> memref<64x128xf32, #tpu.memory_space<vmem>>
    tpu.wait_dma2 semaphore(%arg12 : memref<!tpu.dma_semaphore, #tpu.memory_space<semaphore_mem>>) src(%dma_wait3A_752 : memref<64x128xf32, #tpu.memory_space<vmem>>) dst(%dma_wait3A_748 : memref<64x128xf32, #tpu.memory_space<hbm>>)
    return
  }
}

#map = affine_map<(d0, d1) -> (0)>
#map1 = affine_map<(d0, d1) -> (0, 0)>
module attributes {stable_mosaic.version = 14 : i64} {
  func.func @gmf(%arg0: i32, %arg1: i32, %arg2: memref<32768xi32, #tpu.memory_space<hbm>>, %arg3: memref<64x100000xf32, #tpu.memory_space<hbm>>, %arg4: memref<64x100000xf32, #tpu.memory_space<hbm>>, %arg5: memref<128x16384xf32, #tpu.memory_space<hbm>>, %arg6: memref<100000xf32, #tpu.memory_space<vmem>>, %arg7: memref<16384xi32, #tpu.memory_space<vmem>>, %arg8: memref<2x4096xf32, #tpu.memory_space<vmem>>, %arg9: memref<!tpu.dma_semaphore, #tpu.memory_space<semaphore_mem>>) attributes {dimension_semantics = [#tpu.dimension_semantics<core_parallel>, #tpu.dimension_semantics<subcore_parallel>], iteration_bounds = array<i64: 2, 16>, scalar_prefetch = 0 : i64, scratch_operands = 4 : i64, tpu.core_type = #tpu.core_type<sc_vector_subcore>, window_params = [{transform_indices = #map}, {transform_indices = #map1}, {transform_indices = #map1}, {transform_indices = #map1}]} {
    %mul3A = arith.constant 2 : i32
    %mul3A_0 = arith.muli %arg1, %mul3A : i32
    %add3A = arith.addi %mul3A_0, %arg0 : i32
    %lt3A = arith.constant 16 : i32
    %lt3A_1 = arith.cmpi slt, %add3A, %lt3A : i32
    %rem3A = arith.constant 16 : i32
    %rem3A_2 = arith.remsi %add3A, %rem3A : i32
    %jit3A = arith.constant 0 : i32
    %jit3A_3 = arith.constant 16384 : i32
    %select_n3A = arith.select %lt3A_1, %jit3A, %jit3A_3 : i32
    "tpu.region"() ({
      %run_scoped3A = tpu.sem_alloc : memref<!tpu.dma_semaphore, #tpu.memory_space<semaphore_mem>>
      %dma_start3A_590 = tpu.memref_slice %arg2[%select_n3A] : memref<32768xi32, #tpu.memory_space<hbm>> -> memref<16384xi32, #tpu.memory_space<hbm>>
      %dma_start3A_591 = tpu.memref_slice %arg2[%select_n3A] : memref<32768xi32, #tpu.memory_space<hbm>> -> memref<16384xi32, #tpu.memory_space<hbm>>
      tpu.enqueue_dma source(%dma_start3A_591 : memref<16384xi32, #tpu.memory_space<hbm>>) target(%arg7 : memref<16384xi32, #tpu.memory_space<vmem>>) target_semaphore(%run_scoped3A : memref<!tpu.dma_semaphore, #tpu.memory_space<semaphore_mem>>)
      %dma_wait3A_592 = tpu.memref_slice %arg2[%select_n3A] : memref<32768xi32, #tpu.memory_space<hbm>> -> memref<16384xi32, #tpu.memory_space<hbm>>
      %dma_wait3A_593 = tpu.memref_slice %arg2[%select_n3A] : memref<32768xi32, #tpu.memory_space<hbm>> -> memref<16384xi32, #tpu.memory_space<hbm>>
      tpu.wait_dma2 semaphore(%run_scoped3A : memref<!tpu.dma_semaphore, #tpu.memory_space<semaphore_mem>>) src(%dma_wait3A_593 : memref<16384xi32, #tpu.memory_space<hbm>>) dst(%arg7 : memref<16384xi32, #tpu.memory_space<vmem>>)
      tpu.yield
    }) : () -> ()
    %mul3A_4 = arith.constant 4 : i32
    %mul3A_5 = arith.muli %rem3A_2, %mul3A_4 : i32
    %add3A_6 = arith.constant 0 : i32
    %add3A_7 = arith.addi %mul3A_5, %add3A_6 : i32
    %convert_element_type3A = arith.extui %lt3A_1 : i1 to i32
    %cond3A = arith.constant 0 : i32
    %cond3A_8 = arith.cmpi ne, %convert_element_type3A, %cond3A : i32
    scf.if %cond3A_8 {
      "tpu.region"() ({
        %run_scoped3A = tpu.sem_alloc : memref<!tpu.dma_semaphore, #tpu.memory_space<semaphore_mem>>
        %dma_start3A_590 = arith.constant 0 : i32
        %dma_start3A_591 = tpu.memref_slice %arg3[%add3A_7, %dma_start3A_590] : memref<64x100000xf32, #tpu.memory_space<hbm>> -> memref<1x100000xf32, #tpu.memory_space<hbm>>
        %dma_start3A_592 = tpu.memref_squeeze %dma_start3A_591 : memref<1x100000xf32, #tpu.memory_space<hbm>> -> memref<100000xf32, #tpu.memory_space<hbm>>
        %dma_start3A_593 = arith.constant 0 : i32
        %dma_start3A_594 = tpu.memref_slice %arg3[%add3A_7, %dma_start3A_593] : memref<64x100000xf32, #tpu.memory_space<hbm>> -> memref<1x100000xf32, #tpu.memory_space<hbm>>
        %dma_start3A_595 = tpu.memref_squeeze %dma_start3A_594 : memref<1x100000xf32, #tpu.memory_space<hbm>> -> memref<100000xf32, #tpu.memory_space<hbm>>
        tpu.enqueue_dma source(%dma_start3A_595 : memref<100000xf32, #tpu.memory_space<hbm>>) target(%arg6 : memref<100000xf32, #tpu.memory_space<vmem>>) target_semaphore(%run_scoped3A : memref<!tpu.dma_semaphore, #tpu.memory_space<semaphore_mem>>)
        %dma_wait3A_596 = arith.constant 0 : i32
        %dma_wait3A_597 = tpu.memref_slice %arg3[%add3A_7, %dma_wait3A_596] : memref<64x100000xf32, #tpu.memory_space<hbm>> -> memref<1x100000xf32, #tpu.memory_space<hbm>>
        %dma_wait3A_598 = tpu.memref_squeeze %dma_wait3A_597 : memref<1x100000xf32, #tpu.memory_space<hbm>> -> memref<100000xf32, #tpu.memory_space<hbm>>
        %dma_wait3A_599 = arith.constant 0 : i32
        %dma_wait3A_600 = tpu.memref_slice %arg3[%add3A_7, %dma_wait3A_599] : memref<64x100000xf32, #tpu.memory_space<hbm>> -> memref<1x100000xf32, #tpu.memory_space<hbm>>
        %dma_wait3A_601 = tpu.memref_squeeze %dma_wait3A_600 : memref<1x100000xf32, #tpu.memory_space<hbm>> -> memref<100000xf32, #tpu.memory_space<hbm>>
        tpu.wait_dma2 semaphore(%run_scoped3A : memref<!tpu.dma_semaphore, #tpu.memory_space<semaphore_mem>>) src(%dma_wait3A_601 : memref<100000xf32, #tpu.memory_space<hbm>>) dst(%arg6 : memref<100000xf32, #tpu.memory_space<vmem>>)
        tpu.yield
      }) : () -> ()
    } else {
    }
    %not3A = arith.constant true
    %not3A_9 = arith.xori %lt3A_1, %not3A : i1
    %convert_element_type3A_10 = arith.extui %not3A_9 : i1 to i32
    %cond3A_11 = arith.constant 0 : i32
    %cond3A_12 = arith.cmpi ne, %convert_element_type3A_10, %cond3A_11 : i32
    scf.if %cond3A_12 {
      "tpu.region"() ({
        %run_scoped3A = tpu.sem_alloc : memref<!tpu.dma_semaphore, #tpu.memory_space<semaphore_mem>>
        %dma_start3A_590 = arith.constant 0 : i32
        %dma_start3A_591 = tpu.memref_slice %arg4[%add3A_7, %dma_start3A_590] : memref<64x100000xf32, #tpu.memory_space<hbm>> -> memref<1x100000xf32, #tpu.memory_space<hbm>>
        %dma_start3A_592 = tpu.memref_squeeze %dma_start3A_591 : memref<1x100000xf32, #tpu.memory_space<hbm>> -> memref<100000xf32, #tpu.memory_space<hbm>>
        %dma_start3A_593 = arith.constant 0 : i32
        %dma_start3A_594 = tpu.memref_slice %arg4[%add3A_7, %dma_start3A_593] : memref<64x100000xf32, #tpu.memory_space<hbm>> -> memref<1x100000xf32, #tpu.memory_space<hbm>>
        %dma_start3A_595 = tpu.memref_squeeze %dma_start3A_594 : memref<1x100000xf32, #tpu.memory_space<hbm>> -> memref<100000xf32, #tpu.memory_space<hbm>>
        tpu.enqueue_dma source(%dma_start3A_595 : memref<100000xf32, #tpu.memory_space<hbm>>) target(%arg6 : memref<100000xf32, #tpu.memory_space<vmem>>) target_semaphore(%run_scoped3A : memref<!tpu.dma_semaphore, #tpu.memory_space<semaphore_mem>>)
        %dma_wait3A_596 = arith.constant 0 : i32
        %dma_wait3A_597 = tpu.memref_slice %arg4[%add3A_7, %dma_wait3A_596] : memref<64x100000xf32, #tpu.memory_space<hbm>> -> memref<1x100000xf32, #tpu.memory_space<hbm>>
        %dma_wait3A_598 = tpu.memref_squeeze %dma_wait3A_597 : memref<1x100000xf32, #tpu.memory_space<hbm>> -> memref<100000xf32, #tpu.memory_space<hbm>>
        %dma_wait3A_599 = arith.constant 0 : i32
        %dma_wait3A_600 = tpu.memref_slice %arg4[%add3A_7, %dma_wait3A_599] : memref<64x100000xf32, #tpu.memory_space<hbm>> -> memref<1x100000xf32, #tpu.memory_space<hbm>>
        %dma_wait3A_601 = tpu.memref_squeeze %dma_wait3A_600 : memref<1x100000xf32, #tpu.memory_space<hbm>> -> memref<100000xf32, #tpu.memory_space<hbm>>
        tpu.wait_dma2 semaphore(%run_scoped3A : memref<!tpu.dma_semaphore, #tpu.memory_space<semaphore_mem>>) src(%dma_wait3A_601 : memref<100000xf32, #tpu.memory_space<hbm>>) dst(%arg6 : memref<100000xf32, #tpu.memory_space<vmem>>)
        tpu.yield
      }) : () -> ()
    } else {
    }
    %jit3A_13 = arith.constant 0 : i32
    %jit3A_14 = arith.constant 64 : i32
    %select_n3A_15 = arith.select %lt3A_1, %jit3A_13, %jit3A_14 : i32
    %add3A_16 = arith.addi %add3A_7, %select_n3A_15 : i32
    %scan3A = arith.constant 0 : i32
    %scan3A_17 = arith.constant 0 : i32
    %scan3A_18 = arith.constant 256 : i32
    %scan3A_19 = arith.addi %scan3A_17, %scan3A_18 : i32
    %scan3A_20 = arith.constant 1 : i32
    %scan3A_21 = scf.for %scan3A_590 = %scan3A_17 to %scan3A_19 step %scan3A_20 iter_args(%scan3A_591 = %scan3A) -> (i32)  : i32 {
      %mul3A_592 = arith.constant 16 : i32
      %mul3A_593 = arith.muli %scan3A_590, %mul3A_592 : i32
      %add3A_594 = arith.constant 0 : i32
      %add3A_595 = arith.addi %add3A_594, %mul3A_593 : i32
      %get3A = arith.index_cast %add3A_595 : i32 to index
      %get3A_596 = tpu.vector_load %arg7[%get3A] {strides = array<i32>} : memref<16384xi32, #tpu.memory_space<vmem>>, vector<16xi32>,
      %gather3A = tpu.vector_load_idx %arg6[%get3A_596] : memref<100000xf32, #tpu.memory_space<vmem>>[vector<16xi32>], vector<16xf32>,
      %mul3A_597 = arith.constant 16 : i32
      %mul3A_598 = arith.muli %scan3A_590, %mul3A_597 : i32
      %swap3A = arith.constant 0 : i32
      %swap3A_599 = arith.index_cast %swap3A : i32 to index
      %swap3A_600 = arith.index_cast %mul3A_598 : i32 to index
      %swap3A_601 = tpu.vector_load %arg8[%swap3A_599, %swap3A_600] {strides = array<i32>} : memref<2x4096xf32, #tpu.memory_space<vmem>>, vector<16xf32>,
      tpu.vector_store %arg8[%swap3A_599, %swap3A_600], %gather3A {strides = array<i32>} : memref<2x4096xf32, #tpu.memory_space<vmem>>, vector<16xf32>,
      %scan3A_602 = arith.constant 0 : i32
      scf.yield %scan3A_602 : i32
    }
    %scan3A_22 = arith.constant 256 : i32
    %dma_start3A = arith.constant 0 : i32
    %dma_start3A_23 = arith.constant 0 : i32
    %dma_start3A_24 = tpu.memref_slice %arg8[%dma_start3A, %dma_start3A_23] : memref<2x4096xf32, #tpu.memory_space<vmem>> -> memref<1x4096xf32, #tpu.memory_space<vmem>>
    %dma_start3A_25 = tpu.memref_squeeze %dma_start3A_24 : memref<1x4096xf32, #tpu.memory_space<vmem>> -> memref<4096xf32, #tpu.memory_space<vmem>>
    %dma_start3A_26 = arith.constant 0 : i32
    %dma_start3A_27 = tpu.memref_slice %arg5[%add3A_16, %dma_start3A_26] : memref<128x16384xf32, #tpu.memory_space<hbm>> -> memref<1x4096xf32, #tpu.memory_space<hbm>>
    %dma_start3A_28 = tpu.memref_squeeze %dma_start3A_27 : memref<1x4096xf32, #tpu.memory_space<hbm>> -> memref<4096xf32, #tpu.memory_space<hbm>>
    %dma_start3A_29 = arith.constant 0 : i32
    %dma_start3A_30 = tpu.memref_slice %arg5[%add3A_16, %dma_start3A_29] : memref<128x16384xf32, #tpu.memory_space<hbm>> -> memref<1x4096xf32, #tpu.memory_space<hbm>>
    %dma_start3A_31 = tpu.memref_squeeze %dma_start3A_30 : memref<1x4096xf32, #tpu.memory_space<hbm>> -> memref<4096xf32, #tpu.memory_space<hbm>>
    %dma_start3A_32 = arith.constant 0 : i32
    %dma_start3A_33 = tpu.memref_slice %arg8[%dma_start3A, %dma_start3A_32] : memref<2x4096xf32, #tpu.memory_space<vmem>> -> memref<1x4096xf32, #tpu.memory_space<vmem>>
    %dma_start3A_34 = tpu.memref_squeeze %dma_start3A_33 : memref<1x4096xf32, #tpu.memory_space<vmem>> -> memref<4096xf32, #tpu.memory_space<vmem>>
    tpu.enqueue_dma source(%dma_start3A_34 : memref<4096xf32, #tpu.memory_space<vmem>>) target(%dma_start3A_31 : memref<4096xf32, #tpu.memory_space<hbm>>) target_semaphore(%arg9 : memref<!tpu.dma_semaphore, #tpu.memory_space<semaphore_mem>>)
    %scan3A_35 = arith.constant 0 : i32
    %scan3A_36 = arith.constant 0 : i32
    %scan3A_37 = arith.constant 256 : i32
    %scan3A_38 = arith.addi %scan3A_36, %scan3A_37 : i32
    %scan3A_39 = arith.constant 1 : i32
    %scan3A_40 = scf.for %scan3A_590 = %scan3A_36 to %scan3A_38 step %scan3A_39 iter_args(%scan3A_591 = %scan3A_35) -> (i32)  : i32 {
      %mul3A_592 = arith.constant 16 : i32
      %mul3A_593 = arith.muli %scan3A_590, %mul3A_592 : i32
      %add3A_594 = arith.constant 4096 : i32
      %add3A_595 = arith.addi %add3A_594, %mul3A_593 : i32
      %get3A = arith.index_cast %add3A_595 : i32 to index
      %get3A_596 = tpu.vector_load %arg7[%get3A] {strides = array<i32>} : memref<16384xi32, #tpu.memory_space<vmem>>, vector<16xi32>,
      %gather3A = tpu.vector_load_idx %arg6[%get3A_596] : memref<100000xf32, #tpu.memory_space<vmem>>[vector<16xi32>], vector<16xf32>,
      %mul3A_597 = arith.constant 16 : i32
      %mul3A_598 = arith.muli %scan3A_590, %mul3A_597 : i32
      %swap3A = arith.constant 1 : i32
      %swap3A_599 = arith.index_cast %swap3A : i32 to index
      %swap3A_600 = arith.index_cast %mul3A_598 : i32 to index
      %swap3A_601 = tpu.vector_load %arg8[%swap3A_599, %swap3A_600] {strides = array<i32>} : memref<2x4096xf32, #tpu.memory_space<vmem>>, vector<16xf32>,
      tpu.vector_store %arg8[%swap3A_599, %swap3A_600], %gather3A {strides = array<i32>} : memref<2x4096xf32, #tpu.memory_space<vmem>>, vector<16xf32>,
      %scan3A_602 = arith.constant 0 : i32
      scf.yield %scan3A_602 : i32
    }
    %scan3A_41 = arith.constant 256 : i32
    %dma_start3A_42 = arith.constant 1 : i32
    %dma_start3A_43 = arith.constant 0 : i32
    %dma_start3A_44 = tpu.memref_slice %arg8[%dma_start3A_42, %dma_start3A_43] : memref<2x4096xf32, #tpu.memory_space<vmem>> -> memref<1x4096xf32, #tpu.memory_space<vmem>>
    %dma_start3A_45 = tpu.memref_squeeze %dma_start3A_44 : memref<1x4096xf32, #tpu.memory_space<vmem>> -> memref<4096xf32, #tpu.memory_space<vmem>>
    %dma_start3A_46 = arith.constant 4096 : i32
    %dma_start3A_47 = tpu.memref_slice %arg5[%add3A_16, %dma_start3A_46] : memref<128x16384xf32, #tpu.memory_space<hbm>> -> memref<1x4096xf32, #tpu.memory_space<hbm>>
    %dma_start3A_48 = tpu.memref_squeeze %dma_start3A_47 : memref<1x4096xf32, #tpu.memory_space<hbm>> -> memref<4096xf32, #tpu.memory_space<hbm>>
    %dma_start3A_49 = arith.constant 4096 : i32
    %dma_start3A_50 = tpu.memref_slice %arg5[%add3A_16, %dma_start3A_49] : memref<128x16384xf32, #tpu.memory_space<hbm>> -> memref<1x4096xf32, #tpu.memory_space<hbm>>
    %dma_start3A_51 = tpu.memref_squeeze %dma_start3A_50 : memref<1x4096xf32, #tpu.memory_space<hbm>> -> memref<4096xf32, #tpu.memory_space<hbm>>
    %dma_start3A_52 = arith.constant 0 : i32
    %dma_start3A_53 = tpu.memref_slice %arg8[%dma_start3A_42, %dma_start3A_52] : memref<2x4096xf32, #tpu.memory_space<vmem>> -> memref<1x4096xf32, #tpu.memory_space<vmem>>
    %dma_start3A_54 = tpu.memref_squeeze %dma_start3A_53 : memref<1x4096xf32, #tpu.memory_space<vmem>> -> memref<4096xf32, #tpu.memory_space<vmem>>
    tpu.enqueue_dma source(%dma_start3A_54 : memref<4096xf32, #tpu.memory_space<vmem>>) target(%dma_start3A_51 : memref<4096xf32, #tpu.memory_space<hbm>>) target_semaphore(%arg9 : memref<!tpu.dma_semaphore, #tpu.memory_space<semaphore_mem>>)
    %dma_wait3A = arith.constant 0 : i32
    %dma_wait3A_55 = arith.constant 0 : i32
    %dma_wait3A_56 = tpu.memref_slice %arg8[%dma_wait3A, %dma_wait3A_55] : memref<2x4096xf32, #tpu.memory_space<vmem>> -> memref<1x4096xf32, #tpu.memory_space<vmem>>
    %dma_wait3A_57 = tpu.memref_squeeze %dma_wait3A_56 : memref<1x4096xf32, #tpu.memory_space<vmem>> -> memref<4096xf32, #tpu.memory_space<vmem>>
    %dma_wait3A_58 = arith.constant 0 : i32
    %dma_wait3A_59 = tpu.memref_slice %arg5[%add3A_16, %dma_wait3A_58] : memref<128x16384xf32, #tpu.memory_space<hbm>> -> memref<1x4096xf32, #tpu.memory_space<hbm>>
    %dma_wait3A_60 = tpu.memref_squeeze %dma_wait3A_59 : memref<1x4096xf32, #tpu.memory_space<hbm>> -> memref<4096xf32, #tpu.memory_space<hbm>>
    %dma_wait3A_61 = arith.constant 0 : i32
    %dma_wait3A_62 = tpu.memref_slice %arg5[%add3A_16, %dma_wait3A_61] : memref<128x16384xf32, #tpu.memory_space<hbm>> -> memref<1x4096xf32, #tpu.memory_space<hbm>>
    %dma_wait3A_63 = tpu.memref_squeeze %dma_wait3A_62 : memref<1x4096xf32, #tpu.memory_space<hbm>> -> memref<4096xf32, #tpu.memory_space<hbm>>
    %dma_wait3A_64 = arith.constant 0 : i32
    %dma_wait3A_65 = tpu.memref_slice %arg8[%dma_wait3A, %dma_wait3A_64] : memref<2x4096xf32, #tpu.memory_space<vmem>> -> memref<1x4096xf32, #tpu.memory_space<vmem>>
    %dma_wait3A_66 = tpu.memref_squeeze %dma_wait3A_65 : memref<1x4096xf32, #tpu.memory_space<vmem>> -> memref<4096xf32, #tpu.memory_space<vmem>>
    tpu.wait_dma2 semaphore(%arg9 : memref<!tpu.dma_semaphore, #tpu.memory_space<semaphore_mem>>) src(%dma_wait3A_66 : memref<4096xf32, #tpu.memory_space<vmem>>) dst(%dma_wait3A_63 : memref<4096xf32, #tpu.memory_space<hbm>>)
    %scan3A_67 = arith.constant 0 : i32
    %scan3A_68 = arith.constant 0 : i32
    %scan3A_69 = arith.constant 256 : i32
    %scan3A_70 = arith.addi %scan3A_68, %scan3A_69 : i32
    %scan3A_71 = arith.constant 1 : i32
    %scan3A_72 = scf.for %scan3A_590 = %scan3A_68 to %scan3A_70 step %scan3A_71 iter_args(%scan3A_591 = %scan3A_67) -> (i32)  : i32 {
      %mul3A_592 = arith.constant 16 : i32
      %mul3A_593 = arith.muli %scan3A_590, %mul3A_592 : i32
      %add3A_594 = arith.constant 8192 : i32
      %add3A_595 = arith.addi %add3A_594, %mul3A_593 : i32
      %get3A = arith.index_cast %add3A_595 : i32 to index
      %get3A_596 = tpu.vector_load %arg7[%get3A] {strides = array<i32>} : memref<16384xi32, #tpu.memory_space<vmem>>, vector<16xi32>,
      %gather3A = tpu.vector_load_idx %arg6[%get3A_596] : memref<100000xf32, #tpu.memory_space<vmem>>[vector<16xi32>], vector<16xf32>,
      %mul3A_597 = arith.constant 16 : i32
      %mul3A_598 = arith.muli %scan3A_590, %mul3A_597 : i32
      %swap3A = arith.constant 0 : i32
      %swap3A_599 = arith.index_cast %swap3A : i32 to index
      %swap3A_600 = arith.index_cast %mul3A_598 : i32 to index
      %swap3A_601 = tpu.vector_load %arg8[%swap3A_599, %swap3A_600] {strides = array<i32>} : memref<2x4096xf32, #tpu.memory_space<vmem>>, vector<16xf32>,
      tpu.vector_store %arg8[%swap3A_599, %swap3A_600], %gather3A {strides = array<i32>} : memref<2x4096xf32, #tpu.memory_space<vmem>>, vector<16xf32>,
      %scan3A_602 = arith.constant 0 : i32
      scf.yield %scan3A_602 : i32
    }
    %scan3A_73 = arith.constant 256 : i32
    %dma_start3A_74 = arith.constant 0 : i32
    %dma_start3A_75 = arith.constant 0 : i32
    %dma_start3A_76 = tpu.memref_slice %arg8[%dma_start3A_74, %dma_start3A_75] : memref<2x4096xf32, #tpu.memory_space<vmem>> -> memref<1x4096xf32, #tpu.memory_space<vmem>>
    %dma_start3A_77 = tpu.memref_squeeze %dma_start3A_76 : memref<1x4096xf32, #tpu.memory_space<vmem>> -> memref<4096xf32, #tpu.memory_space<vmem>>
    %dma_start3A_78 = arith.constant 8192 : i32
    %dma_start3A_79 = tpu.memref_slice %arg5[%add3A_16, %dma_start3A_78] : memref<128x16384xf32, #tpu.memory_space<hbm>> -> memref<1x4096xf32, #tpu.memory_space<hbm>>
    %dma_start3A_80 = tpu.memref_squeeze %dma_start3A_79 : memref<1x4096xf32, #tpu.memory_space<hbm>> -> memref<4096xf32, #tpu.memory_space<hbm>>
    %dma_start3A_81 = arith.constant 8192 : i32
    %dma_start3A_82 = tpu.memref_slice %arg5[%add3A_16, %dma_start3A_81] : memref<128x16384xf32, #tpu.memory_space<hbm>> -> memref<1x4096xf32, #tpu.memory_space<hbm>>
    %dma_start3A_83 = tpu.memref_squeeze %dma_start3A_82 : memref<1x4096xf32, #tpu.memory_space<hbm>> -> memref<4096xf32, #tpu.memory_space<hbm>>
    %dma_start3A_84 = arith.constant 0 : i32
    %dma_start3A_85 = tpu.memref_slice %arg8[%dma_start3A_74, %dma_start3A_84] : memref<2x4096xf32, #tpu.memory_space<vmem>> -> memref<1x4096xf32, #tpu.memory_space<vmem>>
    %dma_start3A_86 = tpu.memref_squeeze %dma_start3A_85 : memref<1x4096xf32, #tpu.memory_space<vmem>> -> memref<4096xf32, #tpu.memory_space<vmem>>
    tpu.enqueue_dma source(%dma_start3A_86 : memref<4096xf32, #tpu.memory_space<vmem>>) target(%dma_start3A_83 : memref<4096xf32, #tpu.memory_space<hbm>>) target_semaphore(%arg9 : memref<!tpu.dma_semaphore, #tpu.memory_space<semaphore_mem>>)
    %dma_wait3A_87 = arith.constant 1 : i32
    %dma_wait3A_88 = arith.constant 0 : i32
    %dma_wait3A_89 = tpu.memref_slice %arg8[%dma_wait3A_87, %dma_wait3A_88] : memref<2x4096xf32, #tpu.memory_space<vmem>> -> memref<1x4096xf32, #tpu.memory_space<vmem>>
    %dma_wait3A_90 = tpu.memref_squeeze %dma_wait3A_89 : memref<1x4096xf32, #tpu.memory_space<vmem>> -> memref<4096xf32, #tpu.memory_space<vmem>>
    %dma_wait3A_91 = arith.constant 4096 : i32
    %dma_wait3A_92 = tpu.memref_slice %arg5[%add3A_16, %dma_wait3A_91] : memref<128x16384xf32, #tpu.memory_space<hbm>> -> memref<1x4096xf32, #tpu.memory_space<hbm>>
    %dma_wait3A_93 = tpu.memref_squeeze %dma_wait3A_92 : memref<1x4096xf32, #tpu.memory_space<hbm>> -> memref<4096xf32, #tpu.memory_space<hbm>>
    %dma_wait3A_94 = arith.constant 4096 : i32
    %dma_wait3A_95 = tpu.memref_slice %arg5[%add3A_16, %dma_wait3A_94] : memref<128x16384xf32, #tpu.memory_space<hbm>> -> memref<1x4096xf32, #tpu.memory_space<hbm>>
    %dma_wait3A_96 = tpu.memref_squeeze %dma_wait3A_95 : memref<1x4096xf32, #tpu.memory_space<hbm>> -> memref<4096xf32, #tpu.memory_space<hbm>>
    %dma_wait3A_97 = arith.constant 0 : i32
    %dma_wait3A_98 = tpu.memref_slice %arg8[%dma_wait3A_87, %dma_wait3A_97] : memref<2x4096xf32, #tpu.memory_space<vmem>> -> memref<1x4096xf32, #tpu.memory_space<vmem>>
    %dma_wait3A_99 = tpu.memref_squeeze %dma_wait3A_98 : memref<1x4096xf32, #tpu.memory_space<vmem>> -> memref<4096xf32, #tpu.memory_space<vmem>>
    tpu.wait_dma2 semaphore(%arg9 : memref<!tpu.dma_semaphore, #tpu.memory_space<semaphore_mem>>) src(%dma_wait3A_99 : memref<4096xf32, #tpu.memory_space<vmem>>) dst(%dma_wait3A_96 : memref<4096xf32, #tpu.memory_space<hbm>>)
    %scan3A_100 = arith.constant 0 : i32
    %scan3A_101 = arith.constant 0 : i32
    %scan3A_102 = arith.constant 256 : i32
    %scan3A_103 = arith.addi %scan3A_101, %scan3A_102 : i32
    %scan3A_104 = arith.constant 1 : i32
    %scan3A_105 = scf.for %scan3A_590 = %scan3A_101 to %scan3A_103 step %scan3A_104 iter_args(%scan3A_591 = %scan3A_100) -> (i32)  : i32 {
      %mul3A_592 = arith.constant 16 : i32
      %mul3A_593 = arith.muli %scan3A_590, %mul3A_592 : i32
      %add3A_594 = arith.constant 12288 : i32
      %add3A_595 = arith.addi %add3A_594, %mul3A_593 : i32
      %get3A = arith.index_cast %add3A_595 : i32 to index
      %get3A_596 = tpu.vector_load %arg7[%get3A] {strides = array<i32>} : memref<16384xi32, #tpu.memory_space<vmem>>, vector<16xi32>,
      %gather3A = tpu.vector_load_idx %arg6[%get3A_596] : memref<100000xf32, #tpu.memory_space<vmem>>[vector<16xi32>], vector<16xf32>,
      %mul3A_597 = arith.constant 16 : i32
      %mul3A_598 = arith.muli %scan3A_590, %mul3A_597 : i32
      %swap3A = arith.constant 1 : i32
      %swap3A_599 = arith.index_cast %swap3A : i32 to index
      %swap3A_600 = arith.index_cast %mul3A_598 : i32 to index
      %swap3A_601 = tpu.vector_load %arg8[%swap3A_599, %swap3A_600] {strides = array<i32>} : memref<2x4096xf32, #tpu.memory_space<vmem>>, vector<16xf32>,
      tpu.vector_store %arg8[%swap3A_599, %swap3A_600], %gather3A {strides = array<i32>} : memref<2x4096xf32, #tpu.memory_space<vmem>>, vector<16xf32>,
      %scan3A_602 = arith.constant 0 : i32
      scf.yield %scan3A_602 : i32
    }
    %scan3A_106 = arith.constant 256 : i32
    %dma_start3A_107 = arith.constant 1 : i32
    %dma_start3A_108 = arith.constant 0 : i32
    %dma_start3A_109 = tpu.memref_slice %arg8[%dma_start3A_107, %dma_start3A_108] : memref<2x4096xf32, #tpu.memory_space<vmem>> -> memref<1x4096xf32, #tpu.memory_space<vmem>>
    %dma_start3A_110 = tpu.memref_squeeze %dma_start3A_109 : memref<1x4096xf32, #tpu.memory_space<vmem>> -> memref<4096xf32, #tpu.memory_space<vmem>>
    %dma_start3A_111 = arith.constant 12288 : i32
    %dma_start3A_112 = tpu.memref_slice %arg5[%add3A_16, %dma_start3A_111] : memref<128x16384xf32, #tpu.memory_space<hbm>> -> memref<1x4096xf32, #tpu.memory_space<hbm>>
    %dma_start3A_113 = tpu.memref_squeeze %dma_start3A_112 : memref<1x4096xf32, #tpu.memory_space<hbm>> -> memref<4096xf32, #tpu.memory_space<hbm>>
    %dma_start3A_114 = arith.constant 12288 : i32
    %dma_start3A_115 = tpu.memref_slice %arg5[%add3A_16, %dma_start3A_114] : memref<128x16384xf32, #tpu.memory_space<hbm>> -> memref<1x4096xf32, #tpu.memory_space<hbm>>
    %dma_start3A_116 = tpu.memref_squeeze %dma_start3A_115 : memref<1x4096xf32, #tpu.memory_space<hbm>> -> memref<4096xf32, #tpu.memory_space<hbm>>
    %dma_start3A_117 = arith.constant 0 : i32
    %dma_start3A_118 = tpu.memref_slice %arg8[%dma_start3A_107, %dma_start3A_117] : memref<2x4096xf32, #tpu.memory_space<vmem>> -> memref<1x4096xf32, #tpu.memory_space<vmem>>
    %dma_start3A_119 = tpu.memref_squeeze %dma_start3A_118 : memref<1x4096xf32, #tpu.memory_space<vmem>> -> memref<4096xf32, #tpu.memory_space<vmem>>
    tpu.enqueue_dma source(%dma_start3A_119 : memref<4096xf32, #tpu.memory_space<vmem>>) target(%dma_start3A_116 : memref<4096xf32, #tpu.memory_space<hbm>>) target_semaphore(%arg9 : memref<!tpu.dma_semaphore, #tpu.memory_space<semaphore_mem>>)
    %mul3A_120 = arith.constant 4 : i32
    %mul3A_121 = arith.muli %rem3A_2, %mul3A_120 : i32
    %add3A_122 = arith.constant 1 : i32
    %add3A_123 = arith.addi %mul3A_121, %add3A_122 : i32
    %convert_element_type3A_124 = arith.extui %lt3A_1 : i1 to i32
    %cond3A_125 = arith.constant 0 : i32
    %cond3A_126 = arith.cmpi ne, %convert_element_type3A_124, %cond3A_125 : i32
    scf.if %cond3A_126 {
      "tpu.region"() ({
        %run_scoped3A = tpu.sem_alloc : memref<!tpu.dma_semaphore, #tpu.memory_space<semaphore_mem>>
        %dma_start3A_590 = arith.constant 0 : i32
        %dma_start3A_591 = tpu.memref_slice %arg3[%add3A_123, %dma_start3A_590] : memref<64x100000xf32, #tpu.memory_space<hbm>> -> memref<1x100000xf32, #tpu.memory_space<hbm>>
        %dma_start3A_592 = tpu.memref_squeeze %dma_start3A_591 : memref<1x100000xf32, #tpu.memory_space<hbm>> -> memref<100000xf32, #tpu.memory_space<hbm>>
        %dma_start3A_593 = arith.constant 0 : i32
        %dma_start3A_594 = tpu.memref_slice %arg3[%add3A_123, %dma_start3A_593] : memref<64x100000xf32, #tpu.memory_space<hbm>> -> memref<1x100000xf32, #tpu.memory_space<hbm>>
        %dma_start3A_595 = tpu.memref_squeeze %dma_start3A_594 : memref<1x100000xf32, #tpu.memory_space<hbm>> -> memref<100000xf32, #tpu.memory_space<hbm>>
        tpu.enqueue_dma source(%dma_start3A_595 : memref<100000xf32, #tpu.memory_space<hbm>>) target(%arg6 : memref<100000xf32, #tpu.memory_space<vmem>>) target_semaphore(%run_scoped3A : memref<!tpu.dma_semaphore, #tpu.memory_space<semaphore_mem>>)
        %dma_wait3A_596 = arith.constant 0 : i32
        %dma_wait3A_597 = tpu.memref_slice %arg3[%add3A_123, %dma_wait3A_596] : memref<64x100000xf32, #tpu.memory_space<hbm>> -> memref<1x100000xf32, #tpu.memory_space<hbm>>
        %dma_wait3A_598 = tpu.memref_squeeze %dma_wait3A_597 : memref<1x100000xf32, #tpu.memory_space<hbm>> -> memref<100000xf32, #tpu.memory_space<hbm>>
        %dma_wait3A_599 = arith.constant 0 : i32
        %dma_wait3A_600 = tpu.memref_slice %arg3[%add3A_123, %dma_wait3A_599] : memref<64x100000xf32, #tpu.memory_space<hbm>> -> memref<1x100000xf32, #tpu.memory_space<hbm>>
        %dma_wait3A_601 = tpu.memref_squeeze %dma_wait3A_600 : memref<1x100000xf32, #tpu.memory_space<hbm>> -> memref<100000xf32, #tpu.memory_space<hbm>>
        tpu.wait_dma2 semaphore(%run_scoped3A : memref<!tpu.dma_semaphore, #tpu.memory_space<semaphore_mem>>) src(%dma_wait3A_601 : memref<100000xf32, #tpu.memory_space<hbm>>) dst(%arg6 : memref<100000xf32, #tpu.memory_space<vmem>>)
        tpu.yield
      }) : () -> ()
    } else {
    }
    %not3A_127 = arith.constant true
    %not3A_128 = arith.xori %lt3A_1, %not3A_127 : i1
    %convert_element_type3A_129 = arith.extui %not3A_128 : i1 to i32
    %cond3A_130 = arith.constant 0 : i32
    %cond3A_131 = arith.cmpi ne, %convert_element_type3A_129, %cond3A_130 : i32
    scf.if %cond3A_131 {
      "tpu.region"() ({
        %run_scoped3A = tpu.sem_alloc : memref<!tpu.dma_semaphore, #tpu.memory_space<semaphore_mem>>
        %dma_start3A_590 = arith.constant 0 : i32
        %dma_start3A_591 = tpu.memref_slice %arg4[%add3A_123, %dma_start3A_590] : memref<64x100000xf32, #tpu.memory_space<hbm>> -> memref<1x100000xf32, #tpu.memory_space<hbm>>
        %dma_start3A_592 = tpu.memref_squeeze %dma_start3A_591 : memref<1x100000xf32, #tpu.memory_space<hbm>> -> memref<100000xf32, #tpu.memory_space<hbm>>
        %dma_start3A_593 = arith.constant 0 : i32
        %dma_start3A_594 = tpu.memref_slice %arg4[%add3A_123, %dma_start3A_593] : memref<64x100000xf32, #tpu.memory_space<hbm>> -> memref<1x100000xf32, #tpu.memory_space<hbm>>
        %dma_start3A_595 = tpu.memref_squeeze %dma_start3A_594 : memref<1x100000xf32, #tpu.memory_space<hbm>> -> memref<100000xf32, #tpu.memory_space<hbm>>
        tpu.enqueue_dma source(%dma_start3A_595 : memref<100000xf32, #tpu.memory_space<hbm>>) target(%arg6 : memref<100000xf32, #tpu.memory_space<vmem>>) target_semaphore(%run_scoped3A : memref<!tpu.dma_semaphore, #tpu.memory_space<semaphore_mem>>)
        %dma_wait3A_596 = arith.constant 0 : i32
        %dma_wait3A_597 = tpu.memref_slice %arg4[%add3A_123, %dma_wait3A_596] : memref<64x100000xf32, #tpu.memory_space<hbm>> -> memref<1x100000xf32, #tpu.memory_space<hbm>>
        %dma_wait3A_598 = tpu.memref_squeeze %dma_wait3A_597 : memref<1x100000xf32, #tpu.memory_space<hbm>> -> memref<100000xf32, #tpu.memory_space<hbm>>
        %dma_wait3A_599 = arith.constant 0 : i32
        %dma_wait3A_600 = tpu.memref_slice %arg4[%add3A_123, %dma_wait3A_599] : memref<64x100000xf32, #tpu.memory_space<hbm>> -> memref<1x100000xf32, #tpu.memory_space<hbm>>
        %dma_wait3A_601 = tpu.memref_squeeze %dma_wait3A_600 : memref<1x100000xf32, #tpu.memory_space<hbm>> -> memref<100000xf32, #tpu.memory_space<hbm>>
        tpu.wait_dma2 semaphore(%run_scoped3A : memref<!tpu.dma_semaphore, #tpu.memory_space<semaphore_mem>>) src(%dma_wait3A_601 : memref<100000xf32, #tpu.memory_space<hbm>>) dst(%arg6 : memref<100000xf32, #tpu.memory_space<vmem>>)
        tpu.yield
      }) : () -> ()
    } else {
    }
    %jit3A_132 = arith.constant 0 : i32
    %jit3A_133 = arith.constant 64 : i32
    %select_n3A_134 = arith.select %lt3A_1, %jit3A_132, %jit3A_133 : i32
    %add3A_135 = arith.addi %add3A_123, %select_n3A_134 : i32
    %dma_wait3A_136 = arith.constant 0 : i32
    %dma_wait3A_137 = arith.constant 0 : i32
    %dma_wait3A_138 = tpu.memref_slice %arg8[%dma_wait3A_136, %dma_wait3A_137] : memref<2x4096xf32, #tpu.memory_space<vmem>> -> memref<1x4096xf32, #tpu.memory_space<vmem>>
    %dma_wait3A_139 = tpu.memref_squeeze %dma_wait3A_138 : memref<1x4096xf32, #tpu.memory_space<vmem>> -> memref<4096xf32, #tpu.memory_space<vmem>>
    %dma_wait3A_140 = arith.constant 8192 : i32
    %dma_wait3A_141 = tpu.memref_slice %arg5[%add3A_16, %dma_wait3A_140] : memref<128x16384xf32, #tpu.memory_space<hbm>> -> memref<1x4096xf32, #tpu.memory_space<hbm>>
    %dma_wait3A_142 = tpu.memref_squeeze %dma_wait3A_141 : memref<1x4096xf32, #tpu.memory_space<hbm>> -> memref<4096xf32, #tpu.memory_space<hbm>>
    %dma_wait3A_143 = arith.constant 8192 : i32
    %dma_wait3A_144 = tpu.memref_slice %arg5[%add3A_16, %dma_wait3A_143] : memref<128x16384xf32, #tpu.memory_space<hbm>> -> memref<1x4096xf32, #tpu.memory_space<hbm>>
    %dma_wait3A_145 = tpu.memref_squeeze %dma_wait3A_144 : memref<1x4096xf32, #tpu.memory_space<hbm>> -> memref<4096xf32, #tpu.memory_space<hbm>>
    %dma_wait3A_146 = arith.constant 0 : i32
    %dma_wait3A_147 = tpu.memref_slice %arg8[%dma_wait3A_136, %dma_wait3A_146] : memref<2x4096xf32, #tpu.memory_space<vmem>> -> memref<1x4096xf32, #tpu.memory_space<vmem>>
    %dma_wait3A_148 = tpu.memref_squeeze %dma_wait3A_147 : memref<1x4096xf32, #tpu.memory_space<vmem>> -> memref<4096xf32, #tpu.memory_space<vmem>>
    tpu.wait_dma2 semaphore(%arg9 : memref<!tpu.dma_semaphore, #tpu.memory_space<semaphore_mem>>) src(%dma_wait3A_148 : memref<4096xf32, #tpu.memory_space<vmem>>) dst(%dma_wait3A_145 : memref<4096xf32, #tpu.memory_space<hbm>>)
    %scan3A_149 = arith.constant 0 : i32
    %scan3A_150 = arith.constant 0 : i32
    %scan3A_151 = arith.constant 256 : i32
    %scan3A_152 = arith.addi %scan3A_150, %scan3A_151 : i32
    %scan3A_153 = arith.constant 1 : i32
    %scan3A_154 = scf.for %scan3A_590 = %scan3A_150 to %scan3A_152 step %scan3A_153 iter_args(%scan3A_591 = %scan3A_149) -> (i32)  : i32 {
      %mul3A_592 = arith.constant 16 : i32
      %mul3A_593 = arith.muli %scan3A_590, %mul3A_592 : i32
      %add3A_594 = arith.constant 0 : i32
      %add3A_595 = arith.addi %add3A_594, %mul3A_593 : i32
      %get3A = arith.index_cast %add3A_595 : i32 to index
      %get3A_596 = tpu.vector_load %arg7[%get3A] {strides = array<i32>} : memref<16384xi32, #tpu.memory_space<vmem>>, vector<16xi32>,
      %gather3A = tpu.vector_load_idx %arg6[%get3A_596] : memref<100000xf32, #tpu.memory_space<vmem>>[vector<16xi32>], vector<16xf32>,
      %mul3A_597 = arith.constant 16 : i32
      %mul3A_598 = arith.muli %scan3A_590, %mul3A_597 : i32
      %swap3A = arith.constant 0 : i32
      %swap3A_599 = arith.index_cast %swap3A : i32 to index
      %swap3A_600 = arith.index_cast %mul3A_598 : i32 to index
      %swap3A_601 = tpu.vector_load %arg8[%swap3A_599, %swap3A_600] {strides = array<i32>} : memref<2x4096xf32, #tpu.memory_space<vmem>>, vector<16xf32>,
      tpu.vector_store %arg8[%swap3A_599, %swap3A_600], %gather3A {strides = array<i32>} : memref<2x4096xf32, #tpu.memory_space<vmem>>, vector<16xf32>,
      %scan3A_602 = arith.constant 0 : i32
      scf.yield %scan3A_602 : i32
    }
    %scan3A_155 = arith.constant 256 : i32
    %dma_start3A_156 = arith.constant 0 : i32
    %dma_start3A_157 = arith.constant 0 : i32
    %dma_start3A_158 = tpu.memref_slice %arg8[%dma_start3A_156, %dma_start3A_157] : memref<2x4096xf32, #tpu.memory_space<vmem>> -> memref<1x4096xf32, #tpu.memory_space<vmem>>
    %dma_start3A_159 = tpu.memref_squeeze %dma_start3A_158 : memref<1x4096xf32, #tpu.memory_space<vmem>> -> memref<4096xf32, #tpu.memory_space<vmem>>
    %dma_start3A_160 = arith.constant 0 : i32
    %dma_start3A_161 = tpu.memref_slice %arg5[%add3A_135, %dma_start3A_160] : memref<128x16384xf32, #tpu.memory_space<hbm>> -> memref<1x4096xf32, #tpu.memory_space<hbm>>
    %dma_start3A_162 = tpu.memref_squeeze %dma_start3A_161 : memref<1x4096xf32, #tpu.memory_space<hbm>> -> memref<4096xf32, #tpu.memory_space<hbm>>
    %dma_start3A_163 = arith.constant 0 : i32
    %dma_start3A_164 = tpu.memref_slice %arg5[%add3A_135, %dma_start3A_163] : memref<128x16384xf32, #tpu.memory_space<hbm>> -> memref<1x4096xf32, #tpu.memory_space<hbm>>
    %dma_start3A_165 = tpu.memref_squeeze %dma_start3A_164 : memref<1x4096xf32, #tpu.memory_space<hbm>> -> memref<4096xf32, #tpu.memory_space<hbm>>
    %dma_start3A_166 = arith.constant 0 : i32
    %dma_start3A_167 = tpu.memref_slice %arg8[%dma_start3A_156, %dma_start3A_166] : memref<2x4096xf32, #tpu.memory_space<vmem>> -> memref<1x4096xf32, #tpu.memory_space<vmem>>
    %dma_start3A_168 = tpu.memref_squeeze %dma_start3A_167 : memref<1x4096xf32, #tpu.memory_space<vmem>> -> memref<4096xf32, #tpu.memory_space<vmem>>
    tpu.enqueue_dma source(%dma_start3A_168 : memref<4096xf32, #tpu.memory_space<vmem>>) target(%dma_start3A_165 : memref<4096xf32, #tpu.memory_space<hbm>>) target_semaphore(%arg9 : memref<!tpu.dma_semaphore, #tpu.memory_space<semaphore_mem>>)
    %dma_wait3A_169 = arith.constant 1 : i32
    %dma_wait3A_170 = arith.constant 0 : i32
    %dma_wait3A_171 = tpu.memref_slice %arg8[%dma_wait3A_169, %dma_wait3A_170] : memref<2x4096xf32, #tpu.memory_space<vmem>> -> memref<1x4096xf32, #tpu.memory_space<vmem>>
    %dma_wait3A_172 = tpu.memref_squeeze %dma_wait3A_171 : memref<1x4096xf32, #tpu.memory_space<vmem>> -> memref<4096xf32, #tpu.memory_space<vmem>>
    %dma_wait3A_173 = arith.constant 12288 : i32
    %dma_wait3A_174 = tpu.memref_slice %arg5[%add3A_16, %dma_wait3A_173] : memref<128x16384xf32, #tpu.memory_space<hbm>> -> memref<1x4096xf32, #tpu.memory_space<hbm>>
    %dma_wait3A_175 = tpu.memref_squeeze %dma_wait3A_174 : memref<1x4096xf32, #tpu.memory_space<hbm>> -> memref<4096xf32, #tpu.memory_space<hbm>>
    %dma_wait3A_176 = arith.constant 12288 : i32
    %dma_wait3A_177 = tpu.memref_slice %arg5[%add3A_16, %dma_wait3A_176] : memref<128x16384xf32, #tpu.memory_space<hbm>> -> memref<1x4096xf32, #tpu.memory_space<hbm>>
    %dma_wait3A_178 = tpu.memref_squeeze %dma_wait3A_177 : memref<1x4096xf32, #tpu.memory_space<hbm>> -> memref<4096xf32, #tpu.memory_space<hbm>>
    %dma_wait3A_179 = arith.constant 0 : i32
    %dma_wait3A_180 = tpu.memref_slice %arg8[%dma_wait3A_169, %dma_wait3A_179] : memref<2x4096xf32, #tpu.memory_space<vmem>> -> memref<1x4096xf32, #tpu.memory_space<vmem>>
    %dma_wait3A_181 = tpu.memref_squeeze %dma_wait3A_180 : memref<1x4096xf32, #tpu.memory_space<vmem>> -> memref<4096xf32, #tpu.memory_space<vmem>>
    tpu.wait_dma2 semaphore(%arg9 : memref<!tpu.dma_semaphore, #tpu.memory_space<semaphore_mem>>) src(%dma_wait3A_181 : memref<4096xf32, #tpu.memory_space<vmem>>) dst(%dma_wait3A_178 : memref<4096xf32, #tpu.memory_space<hbm>>)
    %scan3A_182 = arith.constant 0 : i32
    %scan3A_183 = arith.constant 0 : i32
    %scan3A_184 = arith.constant 256 : i32
    %scan3A_185 = arith.addi %scan3A_183, %scan3A_184 : i32
    %scan3A_186 = arith.constant 1 : i32
    %scan3A_187 = scf.for %scan3A_590 = %scan3A_183 to %scan3A_185 step %scan3A_186 iter_args(%scan3A_591 = %scan3A_182) -> (i32)  : i32 {
      %mul3A_592 = arith.constant 16 : i32
      %mul3A_593 = arith.muli %scan3A_590, %mul3A_592 : i32
      %add3A_594 = arith.constant 4096 : i32
      %add3A_595 = arith.addi %add3A_594, %mul3A_593 : i32
      %get3A = arith.index_cast %add3A_595 : i32 to index
      %get3A_596 = tpu.vector_load %arg7[%get3A] {strides = array<i32>} : memref<16384xi32, #tpu.memory_space<vmem>>, vector<16xi32>,
      %gather3A = tpu.vector_load_idx %arg6[%get3A_596] : memref<100000xf32, #tpu.memory_space<vmem>>[vector<16xi32>], vector<16xf32>,
      %mul3A_597 = arith.constant 16 : i32
      %mul3A_598 = arith.muli %scan3A_590, %mul3A_597 : i32
      %swap3A = arith.constant 1 : i32
      %swap3A_599 = arith.index_cast %swap3A : i32 to index
      %swap3A_600 = arith.index_cast %mul3A_598 : i32 to index
      %swap3A_601 = tpu.vector_load %arg8[%swap3A_599, %swap3A_600] {strides = array<i32>} : memref<2x4096xf32, #tpu.memory_space<vmem>>, vector<16xf32>,
      tpu.vector_store %arg8[%swap3A_599, %swap3A_600], %gather3A {strides = array<i32>} : memref<2x4096xf32, #tpu.memory_space<vmem>>, vector<16xf32>,
      %scan3A_602 = arith.constant 0 : i32
      scf.yield %scan3A_602 : i32
    }
    %scan3A_188 = arith.constant 256 : i32
    %dma_start3A_189 = arith.constant 1 : i32
    %dma_start3A_190 = arith.constant 0 : i32
    %dma_start3A_191 = tpu.memref_slice %arg8[%dma_start3A_189, %dma_start3A_190] : memref<2x4096xf32, #tpu.memory_space<vmem>> -> memref<1x4096xf32, #tpu.memory_space<vmem>>
    %dma_start3A_192 = tpu.memref_squeeze %dma_start3A_191 : memref<1x4096xf32, #tpu.memory_space<vmem>> -> memref<4096xf32, #tpu.memory_space<vmem>>
    %dma_start3A_193 = arith.constant 4096 : i32
    %dma_start3A_194 = tpu.memref_slice %arg5[%add3A_135, %dma_start3A_193] : memref<128x16384xf32, #tpu.memory_space<hbm>> -> memref<1x4096xf32, #tpu.memory_space<hbm>>
    %dma_start3A_195 = tpu.memref_squeeze %dma_start3A_194 : memref<1x4096xf32, #tpu.memory_space<hbm>> -> memref<4096xf32, #tpu.memory_space<hbm>>
    %dma_start3A_196 = arith.constant 4096 : i32
    %dma_start3A_197 = tpu.memref_slice %arg5[%add3A_135, %dma_start3A_196] : memref<128x16384xf32, #tpu.memory_space<hbm>> -> memref<1x4096xf32, #tpu.memory_space<hbm>>
    %dma_start3A_198 = tpu.memref_squeeze %dma_start3A_197 : memref<1x4096xf32, #tpu.memory_space<hbm>> -> memref<4096xf32, #tpu.memory_space<hbm>>
    %dma_start3A_199 = arith.constant 0 : i32
    %dma_start3A_200 = tpu.memref_slice %arg8[%dma_start3A_189, %dma_start3A_199] : memref<2x4096xf32, #tpu.memory_space<vmem>> -> memref<1x4096xf32, #tpu.memory_space<vmem>>
    %dma_start3A_201 = tpu.memref_squeeze %dma_start3A_200 : memref<1x4096xf32, #tpu.memory_space<vmem>> -> memref<4096xf32, #tpu.memory_space<vmem>>
    tpu.enqueue_dma source(%dma_start3A_201 : memref<4096xf32, #tpu.memory_space<vmem>>) target(%dma_start3A_198 : memref<4096xf32, #tpu.memory_space<hbm>>) target_semaphore(%arg9 : memref<!tpu.dma_semaphore, #tpu.memory_space<semaphore_mem>>)
    %dma_wait3A_202 = arith.constant 0 : i32
    %dma_wait3A_203 = arith.constant 0 : i32
    %dma_wait3A_204 = tpu.memref_slice %arg8[%dma_wait3A_202, %dma_wait3A_203] : memref<2x4096xf32, #tpu.memory_space<vmem>> -> memref<1x4096xf32, #tpu.memory_space<vmem>>
    %dma_wait3A_205 = tpu.memref_squeeze %dma_wait3A_204 : memref<1x4096xf32, #tpu.memory_space<vmem>> -> memref<4096xf32, #tpu.memory_space<vmem>>
    %dma_wait3A_206 = arith.constant 0 : i32
    %dma_wait3A_207 = tpu.memref_slice %arg5[%add3A_135, %dma_wait3A_206] : memref<128x16384xf32, #tpu.memory_space<hbm>> -> memref<1x4096xf32, #tpu.memory_space<hbm>>
    %dma_wait3A_208 = tpu.memref_squeeze %dma_wait3A_207 : memref<1x4096xf32, #tpu.memory_space<hbm>> -> memref<4096xf32, #tpu.memory_space<hbm>>
    %dma_wait3A_209 = arith.constant 0 : i32
    %dma_wait3A_210 = tpu.memref_slice %arg5[%add3A_135, %dma_wait3A_209] : memref<128x16384xf32, #tpu.memory_space<hbm>> -> memref<1x4096xf32, #tpu.memory_space<hbm>>
    %dma_wait3A_211 = tpu.memref_squeeze %dma_wait3A_210 : memref<1x4096xf32, #tpu.memory_space<hbm>> -> memref<4096xf32, #tpu.memory_space<hbm>>
    %dma_wait3A_212 = arith.constant 0 : i32
    %dma_wait3A_213 = tpu.memref_slice %arg8[%dma_wait3A_202, %dma_wait3A_212] : memref<2x4096xf32, #tpu.memory_space<vmem>> -> memref<1x4096xf32, #tpu.memory_space<vmem>>
    %dma_wait3A_214 = tpu.memref_squeeze %dma_wait3A_213 : memref<1x4096xf32, #tpu.memory_space<vmem>> -> memref<4096xf32, #tpu.memory_space<vmem>>
    tpu.wait_dma2 semaphore(%arg9 : memref<!tpu.dma_semaphore, #tpu.memory_space<semaphore_mem>>) src(%dma_wait3A_214 : memref<4096xf32, #tpu.memory_space<vmem>>) dst(%dma_wait3A_211 : memref<4096xf32, #tpu.memory_space<hbm>>)
    %scan3A_215 = arith.constant 0 : i32
    %scan3A_216 = arith.constant 0 : i32
    %scan3A_217 = arith.constant 256 : i32
    %scan3A_218 = arith.addi %scan3A_216, %scan3A_217 : i32
    %scan3A_219 = arith.constant 1 : i32
    %scan3A_220 = scf.for %scan3A_590 = %scan3A_216 to %scan3A_218 step %scan3A_219 iter_args(%scan3A_591 = %scan3A_215) -> (i32)  : i32 {
      %mul3A_592 = arith.constant 16 : i32
      %mul3A_593 = arith.muli %scan3A_590, %mul3A_592 : i32
      %add3A_594 = arith.constant 8192 : i32
      %add3A_595 = arith.addi %add3A_594, %mul3A_593 : i32
      %get3A = arith.index_cast %add3A_595 : i32 to index
      %get3A_596 = tpu.vector_load %arg7[%get3A] {strides = array<i32>} : memref<16384xi32, #tpu.memory_space<vmem>>, vector<16xi32>,
      %gather3A = tpu.vector_load_idx %arg6[%get3A_596] : memref<100000xf32, #tpu.memory_space<vmem>>[vector<16xi32>], vector<16xf32>,
      %mul3A_597 = arith.constant 16 : i32
      %mul3A_598 = arith.muli %scan3A_590, %mul3A_597 : i32
      %swap3A = arith.constant 0 : i32
      %swap3A_599 = arith.index_cast %swap3A : i32 to index
      %swap3A_600 = arith.index_cast %mul3A_598 : i32 to index
      %swap3A_601 = tpu.vector_load %arg8[%swap3A_599, %swap3A_600] {strides = array<i32>} : memref<2x4096xf32, #tpu.memory_space<vmem>>, vector<16xf32>,
      tpu.vector_store %arg8[%swap3A_599, %swap3A_600], %gather3A {strides = array<i32>} : memref<2x4096xf32, #tpu.memory_space<vmem>>, vector<16xf32>,
      %scan3A_602 = arith.constant 0 : i32
      scf.yield %scan3A_602 : i32
    }
    %scan3A_221 = arith.constant 256 : i32
    %dma_start3A_222 = arith.constant 0 : i32
    %dma_start3A_223 = arith.constant 0 : i32
    %dma_start3A_224 = tpu.memref_slice %arg8[%dma_start3A_222, %dma_start3A_223] : memref<2x4096xf32, #tpu.memory_space<vmem>> -> memref<1x4096xf32, #tpu.memory_space<vmem>>
    %dma_start3A_225 = tpu.memref_squeeze %dma_start3A_224 : memref<1x4096xf32, #tpu.memory_space<vmem>> -> memref<4096xf32, #tpu.memory_space<vmem>>
    %dma_start3A_226 = arith.constant 8192 : i32
    %dma_start3A_227 = tpu.memref_slice %arg5[%add3A_135, %dma_start3A_226] : memref<128x16384xf32, #tpu.memory_space<hbm>> -> memref<1x4096xf32, #tpu.memory_space<hbm>>
    %dma_start3A_228 = tpu.memref_squeeze %dma_start3A_227 : memref<1x4096xf32, #tpu.memory_space<hbm>> -> memref<4096xf32, #tpu.memory_space<hbm>>
    %dma_start3A_229 = arith.constant 8192 : i32
    %dma_start3A_230 = tpu.memref_slice %arg5[%add3A_135, %dma_start3A_229] : memref<128x16384xf32, #tpu.memory_space<hbm>> -> memref<1x4096xf32, #tpu.memory_space<hbm>>
    %dma_start3A_231 = tpu.memref_squeeze %dma_start3A_230 : memref<1x4096xf32, #tpu.memory_space<hbm>> -> memref<4096xf32, #tpu.memory_space<hbm>>
    %dma_start3A_232 = arith.constant 0 : i32
    %dma_start3A_233 = tpu.memref_slice %arg8[%dma_start3A_222, %dma_start3A_232] : memref<2x4096xf32, #tpu.memory_space<vmem>> -> memref<1x4096xf32, #tpu.memory_space<vmem>>
    %dma_start3A_234 = tpu.memref_squeeze %dma_start3A_233 : memref<1x4096xf32, #tpu.memory_space<vmem>> -> memref<4096xf32, #tpu.memory_space<vmem>>
    tpu.enqueue_dma source(%dma_start3A_234 : memref<4096xf32, #tpu.memory_space<vmem>>) target(%dma_start3A_231 : memref<4096xf32, #tpu.memory_space<hbm>>) target_semaphore(%arg9 : memref<!tpu.dma_semaphore, #tpu.memory_space<semaphore_mem>>)
    %dma_wait3A_235 = arith.constant 1 : i32
    %dma_wait3A_236 = arith.constant 0 : i32
    %dma_wait3A_237 = tpu.memref_slice %arg8[%dma_wait3A_235, %dma_wait3A_236] : memref<2x4096xf32, #tpu.memory_space<vmem>> -> memref<1x4096xf32, #tpu.memory_space<vmem>>
    %dma_wait3A_238 = tpu.memref_squeeze %dma_wait3A_237 : memref<1x4096xf32, #tpu.memory_space<vmem>> -> memref<4096xf32, #tpu.memory_space<vmem>>
    %dma_wait3A_239 = arith.constant 4096 : i32
    %dma_wait3A_240 = tpu.memref_slice %arg5[%add3A_135, %dma_wait3A_239] : memref<128x16384xf32, #tpu.memory_space<hbm>> -> memref<1x4096xf32, #tpu.memory_space<hbm>>
    %dma_wait3A_241 = tpu.memref_squeeze %dma_wait3A_240 : memref<1x4096xf32, #tpu.memory_space<hbm>> -> memref<4096xf32, #tpu.memory_space<hbm>>
    %dma_wait3A_242 = arith.constant 4096 : i32
    %dma_wait3A_243 = tpu.memref_slice %arg5[%add3A_135, %dma_wait3A_242] : memref<128x16384xf32, #tpu.memory_space<hbm>> -> memref<1x4096xf32, #tpu.memory_space<hbm>>
    %dma_wait3A_244 = tpu.memref_squeeze %dma_wait3A_243 : memref<1x4096xf32, #tpu.memory_space<hbm>> -> memref<4096xf32, #tpu.memory_space<hbm>>
    %dma_wait3A_245 = arith.constant 0 : i32
    %dma_wait3A_246 = tpu.memref_slice %arg8[%dma_wait3A_235, %dma_wait3A_245] : memref<2x4096xf32, #tpu.memory_space<vmem>> -> memref<1x4096xf32, #tpu.memory_space<vmem>>
    %dma_wait3A_247 = tpu.memref_squeeze %dma_wait3A_246 : memref<1x4096xf32, #tpu.memory_space<vmem>> -> memref<4096xf32, #tpu.memory_space<vmem>>
    tpu.wait_dma2 semaphore(%arg9 : memref<!tpu.dma_semaphore, #tpu.memory_space<semaphore_mem>>) src(%dma_wait3A_247 : memref<4096xf32, #tpu.memory_space<vmem>>) dst(%dma_wait3A_244 : memref<4096xf32, #tpu.memory_space<hbm>>)
    %scan3A_248 = arith.constant 0 : i32
    %scan3A_249 = arith.constant 0 : i32
    %scan3A_250 = arith.constant 256 : i32
    %scan3A_251 = arith.addi %scan3A_249, %scan3A_250 : i32
    %scan3A_252 = arith.constant 1 : i32
    %scan3A_253 = scf.for %scan3A_590 = %scan3A_249 to %scan3A_251 step %scan3A_252 iter_args(%scan3A_591 = %scan3A_248) -> (i32)  : i32 {
      %mul3A_592 = arith.constant 16 : i32
      %mul3A_593 = arith.muli %scan3A_590, %mul3A_592 : i32
      %add3A_594 = arith.constant 12288 : i32
      %add3A_595 = arith.addi %add3A_594, %mul3A_593 : i32
      %get3A = arith.index_cast %add3A_595 : i32 to index
      %get3A_596 = tpu.vector_load %arg7[%get3A] {strides = array<i32>} : memref<16384xi32, #tpu.memory_space<vmem>>, vector<16xi32>,
      %gather3A = tpu.vector_load_idx %arg6[%get3A_596] : memref<100000xf32, #tpu.memory_space<vmem>>[vector<16xi32>], vector<16xf32>,
      %mul3A_597 = arith.constant 16 : i32
      %mul3A_598 = arith.muli %scan3A_590, %mul3A_597 : i32
      %swap3A = arith.constant 1 : i32
      %swap3A_599 = arith.index_cast %swap3A : i32 to index
      %swap3A_600 = arith.index_cast %mul3A_598 : i32 to index
      %swap3A_601 = tpu.vector_load %arg8[%swap3A_599, %swap3A_600] {strides = array<i32>} : memref<2x4096xf32, #tpu.memory_space<vmem>>, vector<16xf32>,
      tpu.vector_store %arg8[%swap3A_599, %swap3A_600], %gather3A {strides = array<i32>} : memref<2x4096xf32, #tpu.memory_space<vmem>>, vector<16xf32>,
      %scan3A_602 = arith.constant 0 : i32
      scf.yield %scan3A_602 : i32
    }
    %scan3A_254 = arith.constant 256 : i32
    %dma_start3A_255 = arith.constant 1 : i32
    %dma_start3A_256 = arith.constant 0 : i32
    %dma_start3A_257 = tpu.memref_slice %arg8[%dma_start3A_255, %dma_start3A_256] : memref<2x4096xf32, #tpu.memory_space<vmem>> -> memref<1x4096xf32, #tpu.memory_space<vmem>>
    %dma_start3A_258 = tpu.memref_squeeze %dma_start3A_257 : memref<1x4096xf32, #tpu.memory_space<vmem>> -> memref<4096xf32, #tpu.memory_space<vmem>>
    %dma_start3A_259 = arith.constant 12288 : i32
    %dma_start3A_260 = tpu.memref_slice %arg5[%add3A_135, %dma_start3A_259] : memref<128x16384xf32, #tpu.memory_space<hbm>> -> memref<1x4096xf32, #tpu.memory_space<hbm>>
    %dma_start3A_261 = tpu.memref_squeeze %dma_start3A_260 : memref<1x4096xf32, #tpu.memory_space<hbm>> -> memref<4096xf32, #tpu.memory_space<hbm>>
    %dma_start3A_262 = arith.constant 12288 : i32
    %dma_start3A_263 = tpu.memref_slice %arg5[%add3A_135, %dma_start3A_262] : memref<128x16384xf32, #tpu.memory_space<hbm>> -> memref<1x4096xf32, #tpu.memory_space<hbm>>
    %dma_start3A_264 = tpu.memref_squeeze %dma_start3A_263 : memref<1x4096xf32, #tpu.memory_space<hbm>> -> memref<4096xf32, #tpu.memory_space<hbm>>
    %dma_start3A_265 = arith.constant 0 : i32
    %dma_start3A_266 = tpu.memref_slice %arg8[%dma_start3A_255, %dma_start3A_265] : memref<2x4096xf32, #tpu.memory_space<vmem>> -> memref<1x4096xf32, #tpu.memory_space<vmem>>
    %dma_start3A_267 = tpu.memref_squeeze %dma_start3A_266 : memref<1x4096xf32, #tpu.memory_space<vmem>> -> memref<4096xf32, #tpu.memory_space<vmem>>
    tpu.enqueue_dma source(%dma_start3A_267 : memref<4096xf32, #tpu.memory_space<vmem>>) target(%dma_start3A_264 : memref<4096xf32, #tpu.memory_space<hbm>>) target_semaphore(%arg9 : memref<!tpu.dma_semaphore, #tpu.memory_space<semaphore_mem>>)
    %mul3A_268 = arith.constant 4 : i32
    %mul3A_269 = arith.muli %rem3A_2, %mul3A_268 : i32
    %add3A_270 = arith.constant 2 : i32
    %add3A_271 = arith.addi %mul3A_269, %add3A_270 : i32
    %convert_element_type3A_272 = arith.extui %lt3A_1 : i1 to i32
    %cond3A_273 = arith.constant 0 : i32
    %cond3A_274 = arith.cmpi ne, %convert_element_type3A_272, %cond3A_273 : i32
    scf.if %cond3A_274 {
      "tpu.region"() ({
        %run_scoped3A = tpu.sem_alloc : memref<!tpu.dma_semaphore, #tpu.memory_space<semaphore_mem>>
        %dma_start3A_590 = arith.constant 0 : i32
        %dma_start3A_591 = tpu.memref_slice %arg3[%add3A_271, %dma_start3A_590] : memref<64x100000xf32, #tpu.memory_space<hbm>> -> memref<1x100000xf32, #tpu.memory_space<hbm>>
        %dma_start3A_592 = tpu.memref_squeeze %dma_start3A_591 : memref<1x100000xf32, #tpu.memory_space<hbm>> -> memref<100000xf32, #tpu.memory_space<hbm>>
        %dma_start3A_593 = arith.constant 0 : i32
        %dma_start3A_594 = tpu.memref_slice %arg3[%add3A_271, %dma_start3A_593] : memref<64x100000xf32, #tpu.memory_space<hbm>> -> memref<1x100000xf32, #tpu.memory_space<hbm>>
        %dma_start3A_595 = tpu.memref_squeeze %dma_start3A_594 : memref<1x100000xf32, #tpu.memory_space<hbm>> -> memref<100000xf32, #tpu.memory_space<hbm>>
        tpu.enqueue_dma source(%dma_start3A_595 : memref<100000xf32, #tpu.memory_space<hbm>>) target(%arg6 : memref<100000xf32, #tpu.memory_space<vmem>>) target_semaphore(%run_scoped3A : memref<!tpu.dma_semaphore, #tpu.memory_space<semaphore_mem>>)
        %dma_wait3A_596 = arith.constant 0 : i32
        %dma_wait3A_597 = tpu.memref_slice %arg3[%add3A_271, %dma_wait3A_596] : memref<64x100000xf32, #tpu.memory_space<hbm>> -> memref<1x100000xf32, #tpu.memory_space<hbm>>
        %dma_wait3A_598 = tpu.memref_squeeze %dma_wait3A_597 : memref<1x100000xf32, #tpu.memory_space<hbm>> -> memref<100000xf32, #tpu.memory_space<hbm>>
        %dma_wait3A_599 = arith.constant 0 : i32
        %dma_wait3A_600 = tpu.memref_slice %arg3[%add3A_271, %dma_wait3A_599] : memref<64x100000xf32, #tpu.memory_space<hbm>> -> memref<1x100000xf32, #tpu.memory_space<hbm>>
        %dma_wait3A_601 = tpu.memref_squeeze %dma_wait3A_600 : memref<1x100000xf32, #tpu.memory_space<hbm>> -> memref<100000xf32, #tpu.memory_space<hbm>>
        tpu.wait_dma2 semaphore(%run_scoped3A : memref<!tpu.dma_semaphore, #tpu.memory_space<semaphore_mem>>) src(%dma_wait3A_601 : memref<100000xf32, #tpu.memory_space<hbm>>) dst(%arg6 : memref<100000xf32, #tpu.memory_space<vmem>>)
        tpu.yield
      }) : () -> ()
    } else {
    }
    %not3A_275 = arith.constant true
    %not3A_276 = arith.xori %lt3A_1, %not3A_275 : i1
    %convert_element_type3A_277 = arith.extui %not3A_276 : i1 to i32
    %cond3A_278 = arith.constant 0 : i32
    %cond3A_279 = arith.cmpi ne, %convert_element_type3A_277, %cond3A_278 : i32
    scf.if %cond3A_279 {
      "tpu.region"() ({
        %run_scoped3A = tpu.sem_alloc : memref<!tpu.dma_semaphore, #tpu.memory_space<semaphore_mem>>
        %dma_start3A_590 = arith.constant 0 : i32
        %dma_start3A_591 = tpu.memref_slice %arg4[%add3A_271, %dma_start3A_590] : memref<64x100000xf32, #tpu.memory_space<hbm>> -> memref<1x100000xf32, #tpu.memory_space<hbm>>
        %dma_start3A_592 = tpu.memref_squeeze %dma_start3A_591 : memref<1x100000xf32, #tpu.memory_space<hbm>> -> memref<100000xf32, #tpu.memory_space<hbm>>
        %dma_start3A_593 = arith.constant 0 : i32
        %dma_start3A_594 = tpu.memref_slice %arg4[%add3A_271, %dma_start3A_593] : memref<64x100000xf32, #tpu.memory_space<hbm>> -> memref<1x100000xf32, #tpu.memory_space<hbm>>
        %dma_start3A_595 = tpu.memref_squeeze %dma_start3A_594 : memref<1x100000xf32, #tpu.memory_space<hbm>> -> memref<100000xf32, #tpu.memory_space<hbm>>
        tpu.enqueue_dma source(%dma_start3A_595 : memref<100000xf32, #tpu.memory_space<hbm>>) target(%arg6 : memref<100000xf32, #tpu.memory_space<vmem>>) target_semaphore(%run_scoped3A : memref<!tpu.dma_semaphore, #tpu.memory_space<semaphore_mem>>)
        %dma_wait3A_596 = arith.constant 0 : i32
        %dma_wait3A_597 = tpu.memref_slice %arg4[%add3A_271, %dma_wait3A_596] : memref<64x100000xf32, #tpu.memory_space<hbm>> -> memref<1x100000xf32, #tpu.memory_space<hbm>>
        %dma_wait3A_598 = tpu.memref_squeeze %dma_wait3A_597 : memref<1x100000xf32, #tpu.memory_space<hbm>> -> memref<100000xf32, #tpu.memory_space<hbm>>
        %dma_wait3A_599 = arith.constant 0 : i32
        %dma_wait3A_600 = tpu.memref_slice %arg4[%add3A_271, %dma_wait3A_599] : memref<64x100000xf32, #tpu.memory_space<hbm>> -> memref<1x100000xf32, #tpu.memory_space<hbm>>
        %dma_wait3A_601 = tpu.memref_squeeze %dma_wait3A_600 : memref<1x100000xf32, #tpu.memory_space<hbm>> -> memref<100000xf32, #tpu.memory_space<hbm>>
        tpu.wait_dma2 semaphore(%run_scoped3A : memref<!tpu.dma_semaphore, #tpu.memory_space<semaphore_mem>>) src(%dma_wait3A_601 : memref<100000xf32, #tpu.memory_space<hbm>>) dst(%arg6 : memref<100000xf32, #tpu.memory_space<vmem>>)
        tpu.yield
      }) : () -> ()
    } else {
    }
    %jit3A_280 = arith.constant 0 : i32
    %jit3A_281 = arith.constant 64 : i32
    %select_n3A_282 = arith.select %lt3A_1, %jit3A_280, %jit3A_281 : i32
    %add3A_283 = arith.addi %add3A_271, %select_n3A_282 : i32
    %dma_wait3A_284 = arith.constant 0 : i32
    %dma_wait3A_285 = arith.constant 0 : i32
    %dma_wait3A_286 = tpu.memref_slice %arg8[%dma_wait3A_284, %dma_wait3A_285] : memref<2x4096xf32, #tpu.memory_space<vmem>> -> memref<1x4096xf32, #tpu.memory_space<vmem>>
    %dma_wait3A_287 = tpu.memref_squeeze %dma_wait3A_286 : memref<1x4096xf32, #tpu.memory_space<vmem>> -> memref<4096xf32, #tpu.memory_space<vmem>>
    %dma_wait3A_288 = arith.constant 8192 : i32
    %dma_wait3A_289 = tpu.memref_slice %arg5[%add3A_135, %dma_wait3A_288] : memref<128x16384xf32, #tpu.memory_space<hbm>> -> memref<1x4096xf32, #tpu.memory_space<hbm>>
    %dma_wait3A_290 = tpu.memref_squeeze %dma_wait3A_289 : memref<1x4096xf32, #tpu.memory_space<hbm>> -> memref<4096xf32, #tpu.memory_space<hbm>>
    %dma_wait3A_291 = arith.constant 8192 : i32
    %dma_wait3A_292 = tpu.memref_slice %arg5[%add3A_135, %dma_wait3A_291] : memref<128x16384xf32, #tpu.memory_space<hbm>> -> memref<1x4096xf32, #tpu.memory_space<hbm>>
    %dma_wait3A_293 = tpu.memref_squeeze %dma_wait3A_292 : memref<1x4096xf32, #tpu.memory_space<hbm>> -> memref<4096xf32, #tpu.memory_space<hbm>>
    %dma_wait3A_294 = arith.constant 0 : i32
    %dma_wait3A_295 = tpu.memref_slice %arg8[%dma_wait3A_284, %dma_wait3A_294] : memref<2x4096xf32, #tpu.memory_space<vmem>> -> memref<1x4096xf32, #tpu.memory_space<vmem>>
    %dma_wait3A_296 = tpu.memref_squeeze %dma_wait3A_295 : memref<1x4096xf32, #tpu.memory_space<vmem>> -> memref<4096xf32, #tpu.memory_space<vmem>>
    tpu.wait_dma2 semaphore(%arg9 : memref<!tpu.dma_semaphore, #tpu.memory_space<semaphore_mem>>) src(%dma_wait3A_296 : memref<4096xf32, #tpu.memory_space<vmem>>) dst(%dma_wait3A_293 : memref<4096xf32, #tpu.memory_space<hbm>>)
    %scan3A_297 = arith.constant 0 : i32
    %scan3A_298 = arith.constant 0 : i32
    %scan3A_299 = arith.constant 256 : i32
    %scan3A_300 = arith.addi %scan3A_298, %scan3A_299 : i32
    %scan3A_301 = arith.constant 1 : i32
    %scan3A_302 = scf.for %scan3A_590 = %scan3A_298 to %scan3A_300 step %scan3A_301 iter_args(%scan3A_591 = %scan3A_297) -> (i32)  : i32 {
      %mul3A_592 = arith.constant 16 : i32
      %mul3A_593 = arith.muli %scan3A_590, %mul3A_592 : i32
      %add3A_594 = arith.constant 0 : i32
      %add3A_595 = arith.addi %add3A_594, %mul3A_593 : i32
      %get3A = arith.index_cast %add3A_595 : i32 to index
      %get3A_596 = tpu.vector_load %arg7[%get3A] {strides = array<i32>} : memref<16384xi32, #tpu.memory_space<vmem>>, vector<16xi32>,
      %gather3A = tpu.vector_load_idx %arg6[%get3A_596] : memref<100000xf32, #tpu.memory_space<vmem>>[vector<16xi32>], vector<16xf32>,
      %mul3A_597 = arith.constant 16 : i32
      %mul3A_598 = arith.muli %scan3A_590, %mul3A_597 : i32
      %swap3A = arith.constant 0 : i32
      %swap3A_599 = arith.index_cast %swap3A : i32 to index
      %swap3A_600 = arith.index_cast %mul3A_598 : i32 to index
      %swap3A_601 = tpu.vector_load %arg8[%swap3A_599, %swap3A_600] {strides = array<i32>} : memref<2x4096xf32, #tpu.memory_space<vmem>>, vector<16xf32>,
      tpu.vector_store %arg8[%swap3A_599, %swap3A_600], %gather3A {strides = array<i32>} : memref<2x4096xf32, #tpu.memory_space<vmem>>, vector<16xf32>,
      %scan3A_602 = arith.constant 0 : i32
      scf.yield %scan3A_602 : i32
    }
    %scan3A_303 = arith.constant 256 : i32
    %dma_start3A_304 = arith.constant 0 : i32
    %dma_start3A_305 = arith.constant 0 : i32
    %dma_start3A_306 = tpu.memref_slice %arg8[%dma_start3A_304, %dma_start3A_305] : memref<2x4096xf32, #tpu.memory_space<vmem>> -> memref<1x4096xf32, #tpu.memory_space<vmem>>
    %dma_start3A_307 = tpu.memref_squeeze %dma_start3A_306 : memref<1x4096xf32, #tpu.memory_space<vmem>> -> memref<4096xf32, #tpu.memory_space<vmem>>
    %dma_start3A_308 = arith.constant 0 : i32
    %dma_start3A_309 = tpu.memref_slice %arg5[%add3A_283, %dma_start3A_308] : memref<128x16384xf32, #tpu.memory_space<hbm>> -> memref<1x4096xf32, #tpu.memory_space<hbm>>
    %dma_start3A_310 = tpu.memref_squeeze %dma_start3A_309 : memref<1x4096xf32, #tpu.memory_space<hbm>> -> memref<4096xf32, #tpu.memory_space<hbm>>
    %dma_start3A_311 = arith.constant 0 : i32
    %dma_start3A_312 = tpu.memref_slice %arg5[%add3A_283, %dma_start3A_311] : memref<128x16384xf32, #tpu.memory_space<hbm>> -> memref<1x4096xf32, #tpu.memory_space<hbm>>
    %dma_start3A_313 = tpu.memref_squeeze %dma_start3A_312 : memref<1x4096xf32, #tpu.memory_space<hbm>> -> memref<4096xf32, #tpu.memory_space<hbm>>
    %dma_start3A_314 = arith.constant 0 : i32
    %dma_start3A_315 = tpu.memref_slice %arg8[%dma_start3A_304, %dma_start3A_314] : memref<2x4096xf32, #tpu.memory_space<vmem>> -> memref<1x4096xf32, #tpu.memory_space<vmem>>
    %dma_start3A_316 = tpu.memref_squeeze %dma_start3A_315 : memref<1x4096xf32, #tpu.memory_space<vmem>> -> memref<4096xf32, #tpu.memory_space<vmem>>
    tpu.enqueue_dma source(%dma_start3A_316 : memref<4096xf32, #tpu.memory_space<vmem>>) target(%dma_start3A_313 : memref<4096xf32, #tpu.memory_space<hbm>>) target_semaphore(%arg9 : memref<!tpu.dma_semaphore, #tpu.memory_space<semaphore_mem>>)
    %dma_wait3A_317 = arith.constant 1 : i32
    %dma_wait3A_318 = arith.constant 0 : i32
    %dma_wait3A_319 = tpu.memref_slice %arg8[%dma_wait3A_317, %dma_wait3A_318] : memref<2x4096xf32, #tpu.memory_space<vmem>> -> memref<1x4096xf32, #tpu.memory_space<vmem>>
    %dma_wait3A_320 = tpu.memref_squeeze %dma_wait3A_319 : memref<1x4096xf32, #tpu.memory_space<vmem>> -> memref<4096xf32, #tpu.memory_space<vmem>>
    %dma_wait3A_321 = arith.constant 12288 : i32
    %dma_wait3A_322 = tpu.memref_slice %arg5[%add3A_135, %dma_wait3A_321] : memref<128x16384xf32, #tpu.memory_space<hbm>> -> memref<1x4096xf32, #tpu.memory_space<hbm>>
    %dma_wait3A_323 = tpu.memref_squeeze %dma_wait3A_322 : memref<1x4096xf32, #tpu.memory_space<hbm>> -> memref<4096xf32, #tpu.memory_space<hbm>>
    %dma_wait3A_324 = arith.constant 12288 : i32
    %dma_wait3A_325 = tpu.memref_slice %arg5[%add3A_135, %dma_wait3A_324] : memref<128x16384xf32, #tpu.memory_space<hbm>> -> memref<1x4096xf32, #tpu.memory_space<hbm>>
    %dma_wait3A_326 = tpu.memref_squeeze %dma_wait3A_325 : memref<1x4096xf32, #tpu.memory_space<hbm>> -> memref<4096xf32, #tpu.memory_space<hbm>>
    %dma_wait3A_327 = arith.constant 0 : i32
    %dma_wait3A_328 = tpu.memref_slice %arg8[%dma_wait3A_317, %dma_wait3A_327] : memref<2x4096xf32, #tpu.memory_space<vmem>> -> memref<1x4096xf32, #tpu.memory_space<vmem>>
    %dma_wait3A_329 = tpu.memref_squeeze %dma_wait3A_328 : memref<1x4096xf32, #tpu.memory_space<vmem>> -> memref<4096xf32, #tpu.memory_space<vmem>>
    tpu.wait_dma2 semaphore(%arg9 : memref<!tpu.dma_semaphore, #tpu.memory_space<semaphore_mem>>) src(%dma_wait3A_329 : memref<4096xf32, #tpu.memory_space<vmem>>) dst(%dma_wait3A_326 : memref<4096xf32, #tpu.memory_space<hbm>>)
    %scan3A_330 = arith.constant 0 : i32
    %scan3A_331 = arith.constant 0 : i32
    %scan3A_332 = arith.constant 256 : i32
    %scan3A_333 = arith.addi %scan3A_331, %scan3A_332 : i32
    %scan3A_334 = arith.constant 1 : i32
    %scan3A_335 = scf.for %scan3A_590 = %scan3A_331 to %scan3A_333 step %scan3A_334 iter_args(%scan3A_591 = %scan3A_330) -> (i32)  : i32 {
      %mul3A_592 = arith.constant 16 : i32
      %mul3A_593 = arith.muli %scan3A_590, %mul3A_592 : i32
      %add3A_594 = arith.constant 4096 : i32
      %add3A_595 = arith.addi %add3A_594, %mul3A_593 : i32
      %get3A = arith.index_cast %add3A_595 : i32 to index
      %get3A_596 = tpu.vector_load %arg7[%get3A] {strides = array<i32>} : memref<16384xi32, #tpu.memory_space<vmem>>, vector<16xi32>,
      %gather3A = tpu.vector_load_idx %arg6[%get3A_596] : memref<100000xf32, #tpu.memory_space<vmem>>[vector<16xi32>], vector<16xf32>,
      %mul3A_597 = arith.constant 16 : i32
      %mul3A_598 = arith.muli %scan3A_590, %mul3A_597 : i32
      %swap3A = arith.constant 1 : i32
      %swap3A_599 = arith.index_cast %swap3A : i32 to index
      %swap3A_600 = arith.index_cast %mul3A_598 : i32 to index
      %swap3A_601 = tpu.vector_load %arg8[%swap3A_599, %swap3A_600] {strides = array<i32>} : memref<2x4096xf32, #tpu.memory_space<vmem>>, vector<16xf32>,
      tpu.vector_store %arg8[%swap3A_599, %swap3A_600], %gather3A {strides = array<i32>} : memref<2x4096xf32, #tpu.memory_space<vmem>>, vector<16xf32>,
      %scan3A_602 = arith.constant 0 : i32
      scf.yield %scan3A_602 : i32
    }
    %scan3A_336 = arith.constant 256 : i32
    %dma_start3A_337 = arith.constant 1 : i32
    %dma_start3A_338 = arith.constant 0 : i32
    %dma_start3A_339 = tpu.memref_slice %arg8[%dma_start3A_337, %dma_start3A_338] : memref<2x4096xf32, #tpu.memory_space<vmem>> -> memref<1x4096xf32, #tpu.memory_space<vmem>>
    %dma_start3A_340 = tpu.memref_squeeze %dma_start3A_339 : memref<1x4096xf32, #tpu.memory_space<vmem>> -> memref<4096xf32, #tpu.memory_space<vmem>>
    %dma_start3A_341 = arith.constant 4096 : i32
    %dma_start3A_342 = tpu.memref_slice %arg5[%add3A_283, %dma_start3A_341] : memref<128x16384xf32, #tpu.memory_space<hbm>> -> memref<1x4096xf32, #tpu.memory_space<hbm>>
    %dma_start3A_343 = tpu.memref_squeeze %dma_start3A_342 : memref<1x4096xf32, #tpu.memory_space<hbm>> -> memref<4096xf32, #tpu.memory_space<hbm>>
    %dma_start3A_344 = arith.constant 4096 : i32
    %dma_start3A_345 = tpu.memref_slice %arg5[%add3A_283, %dma_start3A_344] : memref<128x16384xf32, #tpu.memory_space<hbm>> -> memref<1x4096xf32, #tpu.memory_space<hbm>>
    %dma_start3A_346 = tpu.memref_squeeze %dma_start3A_345 : memref<1x4096xf32, #tpu.memory_space<hbm>> -> memref<4096xf32, #tpu.memory_space<hbm>>
    %dma_start3A_347 = arith.constant 0 : i32
    %dma_start3A_348 = tpu.memref_slice %arg8[%dma_start3A_337, %dma_start3A_347] : memref<2x4096xf32, #tpu.memory_space<vmem>> -> memref<1x4096xf32, #tpu.memory_space<vmem>>
    %dma_start3A_349 = tpu.memref_squeeze %dma_start3A_348 : memref<1x4096xf32, #tpu.memory_space<vmem>> -> memref<4096xf32, #tpu.memory_space<vmem>>
    tpu.enqueue_dma source(%dma_start3A_349 : memref<4096xf32, #tpu.memory_space<vmem>>) target(%dma_start3A_346 : memref<4096xf32, #tpu.memory_space<hbm>>) target_semaphore(%arg9 : memref<!tpu.dma_semaphore, #tpu.memory_space<semaphore_mem>>)
    %dma_wait3A_350 = arith.constant 0 : i32
    %dma_wait3A_351 = arith.constant 0 : i32
    %dma_wait3A_352 = tpu.memref_slice %arg8[%dma_wait3A_350, %dma_wait3A_351] : memref<2x4096xf32, #tpu.memory_space<vmem>> -> memref<1x4096xf32, #tpu.memory_space<vmem>>
    %dma_wait3A_353 = tpu.memref_squeeze %dma_wait3A_352 : memref<1x4096xf32, #tpu.memory_space<vmem>> -> memref<4096xf32, #tpu.memory_space<vmem>>
    %dma_wait3A_354 = arith.constant 0 : i32
    %dma_wait3A_355 = tpu.memref_slice %arg5[%add3A_283, %dma_wait3A_354] : memref<128x16384xf32, #tpu.memory_space<hbm>> -> memref<1x4096xf32, #tpu.memory_space<hbm>>
    %dma_wait3A_356 = tpu.memref_squeeze %dma_wait3A_355 : memref<1x4096xf32, #tpu.memory_space<hbm>> -> memref<4096xf32, #tpu.memory_space<hbm>>
    %dma_wait3A_357 = arith.constant 0 : i32
    %dma_wait3A_358 = tpu.memref_slice %arg5[%add3A_283, %dma_wait3A_357] : memref<128x16384xf32, #tpu.memory_space<hbm>> -> memref<1x4096xf32, #tpu.memory_space<hbm>>
    %dma_wait3A_359 = tpu.memref_squeeze %dma_wait3A_358 : memref<1x4096xf32, #tpu.memory_space<hbm>> -> memref<4096xf32, #tpu.memory_space<hbm>>
    %dma_wait3A_360 = arith.constant 0 : i32
    %dma_wait3A_361 = tpu.memref_slice %arg8[%dma_wait3A_350, %dma_wait3A_360] : memref<2x4096xf32, #tpu.memory_space<vmem>> -> memref<1x4096xf32, #tpu.memory_space<vmem>>
    %dma_wait3A_362 = tpu.memref_squeeze %dma_wait3A_361 : memref<1x4096xf32, #tpu.memory_space<vmem>> -> memref<4096xf32, #tpu.memory_space<vmem>>
    tpu.wait_dma2 semaphore(%arg9 : memref<!tpu.dma_semaphore, #tpu.memory_space<semaphore_mem>>) src(%dma_wait3A_362 : memref<4096xf32, #tpu.memory_space<vmem>>) dst(%dma_wait3A_359 : memref<4096xf32, #tpu.memory_space<hbm>>)
    %scan3A_363 = arith.constant 0 : i32
    %scan3A_364 = arith.constant 0 : i32
    %scan3A_365 = arith.constant 256 : i32
    %scan3A_366 = arith.addi %scan3A_364, %scan3A_365 : i32
    %scan3A_367 = arith.constant 1 : i32
    %scan3A_368 = scf.for %scan3A_590 = %scan3A_364 to %scan3A_366 step %scan3A_367 iter_args(%scan3A_591 = %scan3A_363) -> (i32)  : i32 {
      %mul3A_592 = arith.constant 16 : i32
      %mul3A_593 = arith.muli %scan3A_590, %mul3A_592 : i32
      %add3A_594 = arith.constant 8192 : i32
      %add3A_595 = arith.addi %add3A_594, %mul3A_593 : i32
      %get3A = arith.index_cast %add3A_595 : i32 to index
      %get3A_596 = tpu.vector_load %arg7[%get3A] {strides = array<i32>} : memref<16384xi32, #tpu.memory_space<vmem>>, vector<16xi32>,
      %gather3A = tpu.vector_load_idx %arg6[%get3A_596] : memref<100000xf32, #tpu.memory_space<vmem>>[vector<16xi32>], vector<16xf32>,
      %mul3A_597 = arith.constant 16 : i32
      %mul3A_598 = arith.muli %scan3A_590, %mul3A_597 : i32
      %swap3A = arith.constant 0 : i32
      %swap3A_599 = arith.index_cast %swap3A : i32 to index
      %swap3A_600 = arith.index_cast %mul3A_598 : i32 to index
      %swap3A_601 = tpu.vector_load %arg8[%swap3A_599, %swap3A_600] {strides = array<i32>} : memref<2x4096xf32, #tpu.memory_space<vmem>>, vector<16xf32>,
      tpu.vector_store %arg8[%swap3A_599, %swap3A_600], %gather3A {strides = array<i32>} : memref<2x4096xf32, #tpu.memory_space<vmem>>, vector<16xf32>,
      %scan3A_602 = arith.constant 0 : i32
      scf.yield %scan3A_602 : i32
    }
    %scan3A_369 = arith.constant 256 : i32
    %dma_start3A_370 = arith.constant 0 : i32
    %dma_start3A_371 = arith.constant 0 : i32
    %dma_start3A_372 = tpu.memref_slice %arg8[%dma_start3A_370, %dma_start3A_371] : memref<2x4096xf32, #tpu.memory_space<vmem>> -> memref<1x4096xf32, #tpu.memory_space<vmem>>
    %dma_start3A_373 = tpu.memref_squeeze %dma_start3A_372 : memref<1x4096xf32, #tpu.memory_space<vmem>> -> memref<4096xf32, #tpu.memory_space<vmem>>
    %dma_start3A_374 = arith.constant 8192 : i32
    %dma_start3A_375 = tpu.memref_slice %arg5[%add3A_283, %dma_start3A_374] : memref<128x16384xf32, #tpu.memory_space<hbm>> -> memref<1x4096xf32, #tpu.memory_space<hbm>>
    %dma_start3A_376 = tpu.memref_squeeze %dma_start3A_375 : memref<1x4096xf32, #tpu.memory_space<hbm>> -> memref<4096xf32, #tpu.memory_space<hbm>>
    %dma_start3A_377 = arith.constant 8192 : i32
    %dma_start3A_378 = tpu.memref_slice %arg5[%add3A_283, %dma_start3A_377] : memref<128x16384xf32, #tpu.memory_space<hbm>> -> memref<1x4096xf32, #tpu.memory_space<hbm>>
    %dma_start3A_379 = tpu.memref_squeeze %dma_start3A_378 : memref<1x4096xf32, #tpu.memory_space<hbm>> -> memref<4096xf32, #tpu.memory_space<hbm>>
    %dma_start3A_380 = arith.constant 0 : i32
    %dma_start3A_381 = tpu.memref_slice %arg8[%dma_start3A_370, %dma_start3A_380] : memref<2x4096xf32, #tpu.memory_space<vmem>> -> memref<1x4096xf32, #tpu.memory_space<vmem>>
    %dma_start3A_382 = tpu.memref_squeeze %dma_start3A_381 : memref<1x4096xf32, #tpu.memory_space<vmem>> -> memref<4096xf32, #tpu.memory_space<vmem>>
    tpu.enqueue_dma source(%dma_start3A_382 : memref<4096xf32, #tpu.memory_space<vmem>>) target(%dma_start3A_379 : memref<4096xf32, #tpu.memory_space<hbm>>) target_semaphore(%arg9 : memref<!tpu.dma_semaphore, #tpu.memory_space<semaphore_mem>>)
    %dma_wait3A_383 = arith.constant 1 : i32
    %dma_wait3A_384 = arith.constant 0 : i32
    %dma_wait3A_385 = tpu.memref_slice %arg8[%dma_wait3A_383, %dma_wait3A_384] : memref<2x4096xf32, #tpu.memory_space<vmem>> -> memref<1x4096xf32, #tpu.memory_space<vmem>>
    %dma_wait3A_386 = tpu.memref_squeeze %dma_wait3A_385 : memref<1x4096xf32, #tpu.memory_space<vmem>> -> memref<4096xf32, #tpu.memory_space<vmem>>
    %dma_wait3A_387 = arith.constant 4096 : i32
    %dma_wait3A_388 = tpu.memref_slice %arg5[%add3A_283, %dma_wait3A_387] : memref<128x16384xf32, #tpu.memory_space<hbm>> -> memref<1x4096xf32, #tpu.memory_space<hbm>>
    %dma_wait3A_389 = tpu.memref_squeeze %dma_wait3A_388 : memref<1x4096xf32, #tpu.memory_space<hbm>> -> memref<4096xf32, #tpu.memory_space<hbm>>
    %dma_wait3A_390 = arith.constant 4096 : i32
    %dma_wait3A_391 = tpu.memref_slice %arg5[%add3A_283, %dma_wait3A_390] : memref<128x16384xf32, #tpu.memory_space<hbm>> -> memref<1x4096xf32, #tpu.memory_space<hbm>>
    %dma_wait3A_392 = tpu.memref_squeeze %dma_wait3A_391 : memref<1x4096xf32, #tpu.memory_space<hbm>> -> memref<4096xf32, #tpu.memory_space<hbm>>
    %dma_wait3A_393 = arith.constant 0 : i32
    %dma_wait3A_394 = tpu.memref_slice %arg8[%dma_wait3A_383, %dma_wait3A_393] : memref<2x4096xf32, #tpu.memory_space<vmem>> -> memref<1x4096xf32, #tpu.memory_space<vmem>>
    %dma_wait3A_395 = tpu.memref_squeeze %dma_wait3A_394 : memref<1x4096xf32, #tpu.memory_space<vmem>> -> memref<4096xf32, #tpu.memory_space<vmem>>
    tpu.wait_dma2 semaphore(%arg9 : memref<!tpu.dma_semaphore, #tpu.memory_space<semaphore_mem>>) src(%dma_wait3A_395 : memref<4096xf32, #tpu.memory_space<vmem>>) dst(%dma_wait3A_392 : memref<4096xf32, #tpu.memory_space<hbm>>)
    %scan3A_396 = arith.constant 0 : i32
    %scan3A_397 = arith.constant 0 : i32
    %scan3A_398 = arith.constant 256 : i32
    %scan3A_399 = arith.addi %scan3A_397, %scan3A_398 : i32
    %scan3A_400 = arith.constant 1 : i32
    %scan3A_401 = scf.for %scan3A_590 = %scan3A_397 to %scan3A_399 step %scan3A_400 iter_args(%scan3A_591 = %scan3A_396) -> (i32)  : i32 {
      %mul3A_592 = arith.constant 16 : i32
      %mul3A_593 = arith.muli %scan3A_590, %mul3A_592 : i32
      %add3A_594 = arith.constant 12288 : i32
      %add3A_595 = arith.addi %add3A_594, %mul3A_593 : i32
      %get3A = arith.index_cast %add3A_595 : i32 to index
      %get3A_596 = tpu.vector_load %arg7[%get3A] {strides = array<i32>} : memref<16384xi32, #tpu.memory_space<vmem>>, vector<16xi32>,
      %gather3A = tpu.vector_load_idx %arg6[%get3A_596] : memref<100000xf32, #tpu.memory_space<vmem>>[vector<16xi32>], vector<16xf32>,
      %mul3A_597 = arith.constant 16 : i32
      %mul3A_598 = arith.muli %scan3A_590, %mul3A_597 : i32
      %swap3A = arith.constant 1 : i32
      %swap3A_599 = arith.index_cast %swap3A : i32 to index
      %swap3A_600 = arith.index_cast %mul3A_598 : i32 to index
      %swap3A_601 = tpu.vector_load %arg8[%swap3A_599, %swap3A_600] {strides = array<i32>} : memref<2x4096xf32, #tpu.memory_space<vmem>>, vector<16xf32>,
      tpu.vector_store %arg8[%swap3A_599, %swap3A_600], %gather3A {strides = array<i32>} : memref<2x4096xf32, #tpu.memory_space<vmem>>, vector<16xf32>,
      %scan3A_602 = arith.constant 0 : i32
      scf.yield %scan3A_602 : i32
    }
    %scan3A_402 = arith.constant 256 : i32
    %dma_start3A_403 = arith.constant 1 : i32
    %dma_start3A_404 = arith.constant 0 : i32
    %dma_start3A_405 = tpu.memref_slice %arg8[%dma_start3A_403, %dma_start3A_404] : memref<2x4096xf32, #tpu.memory_space<vmem>> -> memref<1x4096xf32, #tpu.memory_space<vmem>>
    %dma_start3A_406 = tpu.memref_squeeze %dma_start3A_405 : memref<1x4096xf32, #tpu.memory_space<vmem>> -> memref<4096xf32, #tpu.memory_space<vmem>>
    %dma_start3A_407 = arith.constant 12288 : i32
    %dma_start3A_408 = tpu.memref_slice %arg5[%add3A_283, %dma_start3A_407] : memref<128x16384xf32, #tpu.memory_space<hbm>> -> memref<1x4096xf32, #tpu.memory_space<hbm>>
    %dma_start3A_409 = tpu.memref_squeeze %dma_start3A_408 : memref<1x4096xf32, #tpu.memory_space<hbm>> -> memref<4096xf32, #tpu.memory_space<hbm>>
    %dma_start3A_410 = arith.constant 12288 : i32
    %dma_start3A_411 = tpu.memref_slice %arg5[%add3A_283, %dma_start3A_410] : memref<128x16384xf32, #tpu.memory_space<hbm>> -> memref<1x4096xf32, #tpu.memory_space<hbm>>
    %dma_start3A_412 = tpu.memref_squeeze %dma_start3A_411 : memref<1x4096xf32, #tpu.memory_space<hbm>> -> memref<4096xf32, #tpu.memory_space<hbm>>
    %dma_start3A_413 = arith.constant 0 : i32
    %dma_start3A_414 = tpu.memref_slice %arg8[%dma_start3A_403, %dma_start3A_413] : memref<2x4096xf32, #tpu.memory_space<vmem>> -> memref<1x4096xf32, #tpu.memory_space<vmem>>
    %dma_start3A_415 = tpu.memref_squeeze %dma_start3A_414 : memref<1x4096xf32, #tpu.memory_space<vmem>> -> memref<4096xf32, #tpu.memory_space<vmem>>
    tpu.enqueue_dma source(%dma_start3A_415 : memref<4096xf32, #tpu.memory_space<vmem>>) target(%dma_start3A_412 : memref<4096xf32, #tpu.memory_space<hbm>>) target_semaphore(%arg9 : memref<!tpu.dma_semaphore, #tpu.memory_space<semaphore_mem>>)
    %mul3A_416 = arith.constant 4 : i32
    %mul3A_417 = arith.muli %rem3A_2, %mul3A_416 : i32
    %add3A_418 = arith.constant 3 : i32
    %add3A_419 = arith.addi %mul3A_417, %add3A_418 : i32
    %convert_element_type3A_420 = arith.extui %lt3A_1 : i1 to i32
    %cond3A_421 = arith.constant 0 : i32
    %cond3A_422 = arith.cmpi ne, %convert_element_type3A_420, %cond3A_421 : i32
    scf.if %cond3A_422 {
      "tpu.region"() ({
        %run_scoped3A = tpu.sem_alloc : memref<!tpu.dma_semaphore, #tpu.memory_space<semaphore_mem>>
        %dma_start3A_590 = arith.constant 0 : i32
        %dma_start3A_591 = tpu.memref_slice %arg3[%add3A_419, %dma_start3A_590] : memref<64x100000xf32, #tpu.memory_space<hbm>> -> memref<1x100000xf32, #tpu.memory_space<hbm>>
        %dma_start3A_592 = tpu.memref_squeeze %dma_start3A_591 : memref<1x100000xf32, #tpu.memory_space<hbm>> -> memref<100000xf32, #tpu.memory_space<hbm>>
        %dma_start3A_593 = arith.constant 0 : i32
        %dma_start3A_594 = tpu.memref_slice %arg3[%add3A_419, %dma_start3A_593] : memref<64x100000xf32, #tpu.memory_space<hbm>> -> memref<1x100000xf32, #tpu.memory_space<hbm>>
        %dma_start3A_595 = tpu.memref_squeeze %dma_start3A_594 : memref<1x100000xf32, #tpu.memory_space<hbm>> -> memref<100000xf32, #tpu.memory_space<hbm>>
        tpu.enqueue_dma source(%dma_start3A_595 : memref<100000xf32, #tpu.memory_space<hbm>>) target(%arg6 : memref<100000xf32, #tpu.memory_space<vmem>>) target_semaphore(%run_scoped3A : memref<!tpu.dma_semaphore, #tpu.memory_space<semaphore_mem>>)
        %dma_wait3A_596 = arith.constant 0 : i32
        %dma_wait3A_597 = tpu.memref_slice %arg3[%add3A_419, %dma_wait3A_596] : memref<64x100000xf32, #tpu.memory_space<hbm>> -> memref<1x100000xf32, #tpu.memory_space<hbm>>
        %dma_wait3A_598 = tpu.memref_squeeze %dma_wait3A_597 : memref<1x100000xf32, #tpu.memory_space<hbm>> -> memref<100000xf32, #tpu.memory_space<hbm>>
        %dma_wait3A_599 = arith.constant 0 : i32
        %dma_wait3A_600 = tpu.memref_slice %arg3[%add3A_419, %dma_wait3A_599] : memref<64x100000xf32, #tpu.memory_space<hbm>> -> memref<1x100000xf32, #tpu.memory_space<hbm>>
        %dma_wait3A_601 = tpu.memref_squeeze %dma_wait3A_600 : memref<1x100000xf32, #tpu.memory_space<hbm>> -> memref<100000xf32, #tpu.memory_space<hbm>>
        tpu.wait_dma2 semaphore(%run_scoped3A : memref<!tpu.dma_semaphore, #tpu.memory_space<semaphore_mem>>) src(%dma_wait3A_601 : memref<100000xf32, #tpu.memory_space<hbm>>) dst(%arg6 : memref<100000xf32, #tpu.memory_space<vmem>>)
        tpu.yield
      }) : () -> ()
    } else {
    }
    %not3A_423 = arith.constant true
    %not3A_424 = arith.xori %lt3A_1, %not3A_423 : i1
    %convert_element_type3A_425 = arith.extui %not3A_424 : i1 to i32
    %cond3A_426 = arith.constant 0 : i32
    %cond3A_427 = arith.cmpi ne, %convert_element_type3A_425, %cond3A_426 : i32
    scf.if %cond3A_427 {
      "tpu.region"() ({
        %run_scoped3A = tpu.sem_alloc : memref<!tpu.dma_semaphore, #tpu.memory_space<semaphore_mem>>
        %dma_start3A_590 = arith.constant 0 : i32
        %dma_start3A_591 = tpu.memref_slice %arg4[%add3A_419, %dma_start3A_590] : memref<64x100000xf32, #tpu.memory_space<hbm>> -> memref<1x100000xf32, #tpu.memory_space<hbm>>
        %dma_start3A_592 = tpu.memref_squeeze %dma_start3A_591 : memref<1x100000xf32, #tpu.memory_space<hbm>> -> memref<100000xf32, #tpu.memory_space<hbm>>
        %dma_start3A_593 = arith.constant 0 : i32
        %dma_start3A_594 = tpu.memref_slice %arg4[%add3A_419, %dma_start3A_593] : memref<64x100000xf32, #tpu.memory_space<hbm>> -> memref<1x100000xf32, #tpu.memory_space<hbm>>
        %dma_start3A_595 = tpu.memref_squeeze %dma_start3A_594 : memref<1x100000xf32, #tpu.memory_space<hbm>> -> memref<100000xf32, #tpu.memory_space<hbm>>
        tpu.enqueue_dma source(%dma_start3A_595 : memref<100000xf32, #tpu.memory_space<hbm>>) target(%arg6 : memref<100000xf32, #tpu.memory_space<vmem>>) target_semaphore(%run_scoped3A : memref<!tpu.dma_semaphore, #tpu.memory_space<semaphore_mem>>)
        %dma_wait3A_596 = arith.constant 0 : i32
        %dma_wait3A_597 = tpu.memref_slice %arg4[%add3A_419, %dma_wait3A_596] : memref<64x100000xf32, #tpu.memory_space<hbm>> -> memref<1x100000xf32, #tpu.memory_space<hbm>>
        %dma_wait3A_598 = tpu.memref_squeeze %dma_wait3A_597 : memref<1x100000xf32, #tpu.memory_space<hbm>> -> memref<100000xf32, #tpu.memory_space<hbm>>
        %dma_wait3A_599 = arith.constant 0 : i32
        %dma_wait3A_600 = tpu.memref_slice %arg4[%add3A_419, %dma_wait3A_599] : memref<64x100000xf32, #tpu.memory_space<hbm>> -> memref<1x100000xf32, #tpu.memory_space<hbm>>
        %dma_wait3A_601 = tpu.memref_squeeze %dma_wait3A_600 : memref<1x100000xf32, #tpu.memory_space<hbm>> -> memref<100000xf32, #tpu.memory_space<hbm>>
        tpu.wait_dma2 semaphore(%run_scoped3A : memref<!tpu.dma_semaphore, #tpu.memory_space<semaphore_mem>>) src(%dma_wait3A_601 : memref<100000xf32, #tpu.memory_space<hbm>>) dst(%arg6 : memref<100000xf32, #tpu.memory_space<vmem>>)
        tpu.yield
      }) : () -> ()
    } else {
    }
    %jit3A_428 = arith.constant 0 : i32
    %jit3A_429 = arith.constant 64 : i32
    %select_n3A_430 = arith.select %lt3A_1, %jit3A_428, %jit3A_429 : i32
    %add3A_431 = arith.addi %add3A_419, %select_n3A_430 : i32
    %dma_wait3A_432 = arith.constant 0 : i32
    %dma_wait3A_433 = arith.constant 0 : i32
    %dma_wait3A_434 = tpu.memref_slice %arg8[%dma_wait3A_432, %dma_wait3A_433] : memref<2x4096xf32, #tpu.memory_space<vmem>> -> memref<1x4096xf32, #tpu.memory_space<vmem>>
    %dma_wait3A_435 = tpu.memref_squeeze %dma_wait3A_434 : memref<1x4096xf32, #tpu.memory_space<vmem>> -> memref<4096xf32, #tpu.memory_space<vmem>>
    %dma_wait3A_436 = arith.constant 8192 : i32
    %dma_wait3A_437 = tpu.memref_slice %arg5[%add3A_283, %dma_wait3A_436] : memref<128x16384xf32, #tpu.memory_space<hbm>> -> memref<1x4096xf32, #tpu.memory_space<hbm>>
    %dma_wait3A_438 = tpu.memref_squeeze %dma_wait3A_437 : memref<1x4096xf32, #tpu.memory_space<hbm>> -> memref<4096xf32, #tpu.memory_space<hbm>>
    %dma_wait3A_439 = arith.constant 8192 : i32
    %dma_wait3A_440 = tpu.memref_slice %arg5[%add3A_283, %dma_wait3A_439] : memref<128x16384xf32, #tpu.memory_space<hbm>> -> memref<1x4096xf32, #tpu.memory_space<hbm>>
    %dma_wait3A_441 = tpu.memref_squeeze %dma_wait3A_440 : memref<1x4096xf32, #tpu.memory_space<hbm>> -> memref<4096xf32, #tpu.memory_space<hbm>>
    %dma_wait3A_442 = arith.constant 0 : i32
    %dma_wait3A_443 = tpu.memref_slice %arg8[%dma_wait3A_432, %dma_wait3A_442] : memref<2x4096xf32, #tpu.memory_space<vmem>> -> memref<1x4096xf32, #tpu.memory_space<vmem>>
    %dma_wait3A_444 = tpu.memref_squeeze %dma_wait3A_443 : memref<1x4096xf32, #tpu.memory_space<vmem>> -> memref<4096xf32, #tpu.memory_space<vmem>>
    tpu.wait_dma2 semaphore(%arg9 : memref<!tpu.dma_semaphore, #tpu.memory_space<semaphore_mem>>) src(%dma_wait3A_444 : memref<4096xf32, #tpu.memory_space<vmem>>) dst(%dma_wait3A_441 : memref<4096xf32, #tpu.memory_space<hbm>>)
    %scan3A_445 = arith.constant 0 : i32
    %scan3A_446 = arith.constant 0 : i32
    %scan3A_447 = arith.constant 256 : i32
    %scan3A_448 = arith.addi %scan3A_446, %scan3A_447 : i32
    %scan3A_449 = arith.constant 1 : i32
    %scan3A_450 = scf.for %scan3A_590 = %scan3A_446 to %scan3A_448 step %scan3A_449 iter_args(%scan3A_591 = %scan3A_445) -> (i32)  : i32 {
      %mul3A_592 = arith.constant 16 : i32
      %mul3A_593 = arith.muli %scan3A_590, %mul3A_592 : i32
      %add3A_594 = arith.constant 0 : i32
      %add3A_595 = arith.addi %add3A_594, %mul3A_593 : i32
      %get3A = arith.index_cast %add3A_595 : i32 to index
      %get3A_596 = tpu.vector_load %arg7[%get3A] {strides = array<i32>} : memref<16384xi32, #tpu.memory_space<vmem>>, vector<16xi32>,
      %gather3A = tpu.vector_load_idx %arg6[%get3A_596] : memref<100000xf32, #tpu.memory_space<vmem>>[vector<16xi32>], vector<16xf32>,
      %mul3A_597 = arith.constant 16 : i32
      %mul3A_598 = arith.muli %scan3A_590, %mul3A_597 : i32
      %swap3A = arith.constant 0 : i32
      %swap3A_599 = arith.index_cast %swap3A : i32 to index
      %swap3A_600 = arith.index_cast %mul3A_598 : i32 to index
      %swap3A_601 = tpu.vector_load %arg8[%swap3A_599, %swap3A_600] {strides = array<i32>} : memref<2x4096xf32, #tpu.memory_space<vmem>>, vector<16xf32>,
      tpu.vector_store %arg8[%swap3A_599, %swap3A_600], %gather3A {strides = array<i32>} : memref<2x4096xf32, #tpu.memory_space<vmem>>, vector<16xf32>,
      %scan3A_602 = arith.constant 0 : i32
      scf.yield %scan3A_602 : i32
    }
    %scan3A_451 = arith.constant 256 : i32
    %dma_start3A_452 = arith.constant 0 : i32
    %dma_start3A_453 = arith.constant 0 : i32
    %dma_start3A_454 = tpu.memref_slice %arg8[%dma_start3A_452, %dma_start3A_453] : memref<2x4096xf32, #tpu.memory_space<vmem>> -> memref<1x4096xf32, #tpu.memory_space<vmem>>
    %dma_start3A_455 = tpu.memref_squeeze %dma_start3A_454 : memref<1x4096xf32, #tpu.memory_space<vmem>> -> memref<4096xf32, #tpu.memory_space<vmem>>
    %dma_start3A_456 = arith.constant 0 : i32
    %dma_start3A_457 = tpu.memref_slice %arg5[%add3A_431, %dma_start3A_456] : memref<128x16384xf32, #tpu.memory_space<hbm>> -> memref<1x4096xf32, #tpu.memory_space<hbm>>
    %dma_start3A_458 = tpu.memref_squeeze %dma_start3A_457 : memref<1x4096xf32, #tpu.memory_space<hbm>> -> memref<4096xf32, #tpu.memory_space<hbm>>
    %dma_start3A_459 = arith.constant 0 : i32
    %dma_start3A_460 = tpu.memref_slice %arg5[%add3A_431, %dma_start3A_459] : memref<128x16384xf32, #tpu.memory_space<hbm>> -> memref<1x4096xf32, #tpu.memory_space<hbm>>
    %dma_start3A_461 = tpu.memref_squeeze %dma_start3A_460 : memref<1x4096xf32, #tpu.memory_space<hbm>> -> memref<4096xf32, #tpu.memory_space<hbm>>
    %dma_start3A_462 = arith.constant 0 : i32
    %dma_start3A_463 = tpu.memref_slice %arg8[%dma_start3A_452, %dma_start3A_462] : memref<2x4096xf32, #tpu.memory_space<vmem>> -> memref<1x4096xf32, #tpu.memory_space<vmem>>
    %dma_start3A_464 = tpu.memref_squeeze %dma_start3A_463 : memref<1x4096xf32, #tpu.memory_space<vmem>> -> memref<4096xf32, #tpu.memory_space<vmem>>
    tpu.enqueue_dma source(%dma_start3A_464 : memref<4096xf32, #tpu.memory_space<vmem>>) target(%dma_start3A_461 : memref<4096xf32, #tpu.memory_space<hbm>>) target_semaphore(%arg9 : memref<!tpu.dma_semaphore, #tpu.memory_space<semaphore_mem>>)
    %dma_wait3A_465 = arith.constant 1 : i32
    %dma_wait3A_466 = arith.constant 0 : i32
    %dma_wait3A_467 = tpu.memref_slice %arg8[%dma_wait3A_465, %dma_wait3A_466] : memref<2x4096xf32, #tpu.memory_space<vmem>> -> memref<1x4096xf32, #tpu.memory_space<vmem>>
    %dma_wait3A_468 = tpu.memref_squeeze %dma_wait3A_467 : memref<1x4096xf32, #tpu.memory_space<vmem>> -> memref<4096xf32, #tpu.memory_space<vmem>>
    %dma_wait3A_469 = arith.constant 12288 : i32
    %dma_wait3A_470 = tpu.memref_slice %arg5[%add3A_283, %dma_wait3A_469] : memref<128x16384xf32, #tpu.memory_space<hbm>> -> memref<1x4096xf32, #tpu.memory_space<hbm>>
    %dma_wait3A_471 = tpu.memref_squeeze %dma_wait3A_470 : memref<1x4096xf32, #tpu.memory_space<hbm>> -> memref<4096xf32, #tpu.memory_space<hbm>>
    %dma_wait3A_472 = arith.constant 12288 : i32
    %dma_wait3A_473 = tpu.memref_slice %arg5[%add3A_283, %dma_wait3A_472] : memref<128x16384xf32, #tpu.memory_space<hbm>> -> memref<1x4096xf32, #tpu.memory_space<hbm>>
    %dma_wait3A_474 = tpu.memref_squeeze %dma_wait3A_473 : memref<1x4096xf32, #tpu.memory_space<hbm>> -> memref<4096xf32, #tpu.memory_space<hbm>>
    %dma_wait3A_475 = arith.constant 0 : i32
    %dma_wait3A_476 = tpu.memref_slice %arg8[%dma_wait3A_465, %dma_wait3A_475] : memref<2x4096xf32, #tpu.memory_space<vmem>> -> memref<1x4096xf32, #tpu.memory_space<vmem>>
    %dma_wait3A_477 = tpu.memref_squeeze %dma_wait3A_476 : memref<1x4096xf32, #tpu.memory_space<vmem>> -> memref<4096xf32, #tpu.memory_space<vmem>>
    tpu.wait_dma2 semaphore(%arg9 : memref<!tpu.dma_semaphore, #tpu.memory_space<semaphore_mem>>) src(%dma_wait3A_477 : memref<4096xf32, #tpu.memory_space<vmem>>) dst(%dma_wait3A_474 : memref<4096xf32, #tpu.memory_space<hbm>>)
    %scan3A_478 = arith.constant 0 : i32
    %scan3A_479 = arith.constant 0 : i32
    %scan3A_480 = arith.constant 256 : i32
    %scan3A_481 = arith.addi %scan3A_479, %scan3A_480 : i32
    %scan3A_482 = arith.constant 1 : i32
    %scan3A_483 = scf.for %scan3A_590 = %scan3A_479 to %scan3A_481 step %scan3A_482 iter_args(%scan3A_591 = %scan3A_478) -> (i32)  : i32 {
      %mul3A_592 = arith.constant 16 : i32
      %mul3A_593 = arith.muli %scan3A_590, %mul3A_592 : i32
      %add3A_594 = arith.constant 4096 : i32
      %add3A_595 = arith.addi %add3A_594, %mul3A_593 : i32
      %get3A = arith.index_cast %add3A_595 : i32 to index
      %get3A_596 = tpu.vector_load %arg7[%get3A] {strides = array<i32>} : memref<16384xi32, #tpu.memory_space<vmem>>, vector<16xi32>,
      %gather3A = tpu.vector_load_idx %arg6[%get3A_596] : memref<100000xf32, #tpu.memory_space<vmem>>[vector<16xi32>], vector<16xf32>,
      %mul3A_597 = arith.constant 16 : i32
      %mul3A_598 = arith.muli %scan3A_590, %mul3A_597 : i32
      %swap3A = arith.constant 1 : i32
      %swap3A_599 = arith.index_cast %swap3A : i32 to index
      %swap3A_600 = arith.index_cast %mul3A_598 : i32 to index
      %swap3A_601 = tpu.vector_load %arg8[%swap3A_599, %swap3A_600] {strides = array<i32>} : memref<2x4096xf32, #tpu.memory_space<vmem>>, vector<16xf32>,
      tpu.vector_store %arg8[%swap3A_599, %swap3A_600], %gather3A {strides = array<i32>} : memref<2x4096xf32, #tpu.memory_space<vmem>>, vector<16xf32>,
      %scan3A_602 = arith.constant 0 : i32
      scf.yield %scan3A_602 : i32
    }
    %scan3A_484 = arith.constant 256 : i32
    %dma_start3A_485 = arith.constant 1 : i32
    %dma_start3A_486 = arith.constant 0 : i32
    %dma_start3A_487 = tpu.memref_slice %arg8[%dma_start3A_485, %dma_start3A_486] : memref<2x4096xf32, #tpu.memory_space<vmem>> -> memref<1x4096xf32, #tpu.memory_space<vmem>>
    %dma_start3A_488 = tpu.memref_squeeze %dma_start3A_487 : memref<1x4096xf32, #tpu.memory_space<vmem>> -> memref<4096xf32, #tpu.memory_space<vmem>>
    %dma_start3A_489 = arith.constant 4096 : i32
    %dma_start3A_490 = tpu.memref_slice %arg5[%add3A_431, %dma_start3A_489] : memref<128x16384xf32, #tpu.memory_space<hbm>> -> memref<1x4096xf32, #tpu.memory_space<hbm>>
    %dma_start3A_491 = tpu.memref_squeeze %dma_start3A_490 : memref<1x4096xf32, #tpu.memory_space<hbm>> -> memref<4096xf32, #tpu.memory_space<hbm>>
    %dma_start3A_492 = arith.constant 4096 : i32
    %dma_start3A_493 = tpu.memref_slice %arg5[%add3A_431, %dma_start3A_492] : memref<128x16384xf32, #tpu.memory_space<hbm>> -> memref<1x4096xf32, #tpu.memory_space<hbm>>
    %dma_start3A_494 = tpu.memref_squeeze %dma_start3A_493 : memref<1x4096xf32, #tpu.memory_space<hbm>> -> memref<4096xf32, #tpu.memory_space<hbm>>
    %dma_start3A_495 = arith.constant 0 : i32
    %dma_start3A_496 = tpu.memref_slice %arg8[%dma_start3A_485, %dma_start3A_495] : memref<2x4096xf32, #tpu.memory_space<vmem>> -> memref<1x4096xf32, #tpu.memory_space<vmem>>
    %dma_start3A_497 = tpu.memref_squeeze %dma_start3A_496 : memref<1x4096xf32, #tpu.memory_space<vmem>> -> memref<4096xf32, #tpu.memory_space<vmem>>
    tpu.enqueue_dma source(%dma_start3A_497 : memref<4096xf32, #tpu.memory_space<vmem>>) target(%dma_start3A_494 : memref<4096xf32, #tpu.memory_space<hbm>>) target_semaphore(%arg9 : memref<!tpu.dma_semaphore, #tpu.memory_space<semaphore_mem>>)
    %dma_wait3A_498 = arith.constant 0 : i32
    %dma_wait3A_499 = arith.constant 0 : i32
    %dma_wait3A_500 = tpu.memref_slice %arg8[%dma_wait3A_498, %dma_wait3A_499] : memref<2x4096xf32, #tpu.memory_space<vmem>> -> memref<1x4096xf32, #tpu.memory_space<vmem>>
    %dma_wait3A_501 = tpu.memref_squeeze %dma_wait3A_500 : memref<1x4096xf32, #tpu.memory_space<vmem>> -> memref<4096xf32, #tpu.memory_space<vmem>>
    %dma_wait3A_502 = arith.constant 0 : i32
    %dma_wait3A_503 = tpu.memref_slice %arg5[%add3A_431, %dma_wait3A_502] : memref<128x16384xf32, #tpu.memory_space<hbm>> -> memref<1x4096xf32, #tpu.memory_space<hbm>>
    %dma_wait3A_504 = tpu.memref_squeeze %dma_wait3A_503 : memref<1x4096xf32, #tpu.memory_space<hbm>> -> memref<4096xf32, #tpu.memory_space<hbm>>
    %dma_wait3A_505 = arith.constant 0 : i32
    %dma_wait3A_506 = tpu.memref_slice %arg5[%add3A_431, %dma_wait3A_505] : memref<128x16384xf32, #tpu.memory_space<hbm>> -> memref<1x4096xf32, #tpu.memory_space<hbm>>
    %dma_wait3A_507 = tpu.memref_squeeze %dma_wait3A_506 : memref<1x4096xf32, #tpu.memory_space<hbm>> -> memref<4096xf32, #tpu.memory_space<hbm>>
    %dma_wait3A_508 = arith.constant 0 : i32
    %dma_wait3A_509 = tpu.memref_slice %arg8[%dma_wait3A_498, %dma_wait3A_508] : memref<2x4096xf32, #tpu.memory_space<vmem>> -> memref<1x4096xf32, #tpu.memory_space<vmem>>
    %dma_wait3A_510 = tpu.memref_squeeze %dma_wait3A_509 : memref<1x4096xf32, #tpu.memory_space<vmem>> -> memref<4096xf32, #tpu.memory_space<vmem>>
    tpu.wait_dma2 semaphore(%arg9 : memref<!tpu.dma_semaphore, #tpu.memory_space<semaphore_mem>>) src(%dma_wait3A_510 : memref<4096xf32, #tpu.memory_space<vmem>>) dst(%dma_wait3A_507 : memref<4096xf32, #tpu.memory_space<hbm>>)
    %scan3A_511 = arith.constant 0 : i32
    %scan3A_512 = arith.constant 0 : i32
    %scan3A_513 = arith.constant 256 : i32
    %scan3A_514 = arith.addi %scan3A_512, %scan3A_513 : i32
    %scan3A_515 = arith.constant 1 : i32
    %scan3A_516 = scf.for %scan3A_590 = %scan3A_512 to %scan3A_514 step %scan3A_515 iter_args(%scan3A_591 = %scan3A_511) -> (i32)  : i32 {
      %mul3A_592 = arith.constant 16 : i32
      %mul3A_593 = arith.muli %scan3A_590, %mul3A_592 : i32
      %add3A_594 = arith.constant 8192 : i32
      %add3A_595 = arith.addi %add3A_594, %mul3A_593 : i32
      %get3A = arith.index_cast %add3A_595 : i32 to index
      %get3A_596 = tpu.vector_load %arg7[%get3A] {strides = array<i32>} : memref<16384xi32, #tpu.memory_space<vmem>>, vector<16xi32>,
      %gather3A = tpu.vector_load_idx %arg6[%get3A_596] : memref<100000xf32, #tpu.memory_space<vmem>>[vector<16xi32>], vector<16xf32>,
      %mul3A_597 = arith.constant 16 : i32
      %mul3A_598 = arith.muli %scan3A_590, %mul3A_597 : i32
      %swap3A = arith.constant 0 : i32
      %swap3A_599 = arith.index_cast %swap3A : i32 to index
      %swap3A_600 = arith.index_cast %mul3A_598 : i32 to index
      %swap3A_601 = tpu.vector_load %arg8[%swap3A_599, %swap3A_600] {strides = array<i32>} : memref<2x4096xf32, #tpu.memory_space<vmem>>, vector<16xf32>,
      tpu.vector_store %arg8[%swap3A_599, %swap3A_600], %gather3A {strides = array<i32>} : memref<2x4096xf32, #tpu.memory_space<vmem>>, vector<16xf32>,
      %scan3A_602 = arith.constant 0 : i32
      scf.yield %scan3A_602 : i32
    }
    %scan3A_517 = arith.constant 256 : i32
    %dma_start3A_518 = arith.constant 0 : i32
    %dma_start3A_519 = arith.constant 0 : i32
    %dma_start3A_520 = tpu.memref_slice %arg8[%dma_start3A_518, %dma_start3A_519] : memref<2x4096xf32, #tpu.memory_space<vmem>> -> memref<1x4096xf32, #tpu.memory_space<vmem>>
    %dma_start3A_521 = tpu.memref_squeeze %dma_start3A_520 : memref<1x4096xf32, #tpu.memory_space<vmem>> -> memref<4096xf32, #tpu.memory_space<vmem>>
    %dma_start3A_522 = arith.constant 8192 : i32
    %dma_start3A_523 = tpu.memref_slice %arg5[%add3A_431, %dma_start3A_522] : memref<128x16384xf32, #tpu.memory_space<hbm>> -> memref<1x4096xf32, #tpu.memory_space<hbm>>
    %dma_start3A_524 = tpu.memref_squeeze %dma_start3A_523 : memref<1x4096xf32, #tpu.memory_space<hbm>> -> memref<4096xf32, #tpu.memory_space<hbm>>
    %dma_start3A_525 = arith.constant 8192 : i32
    %dma_start3A_526 = tpu.memref_slice %arg5[%add3A_431, %dma_start3A_525] : memref<128x16384xf32, #tpu.memory_space<hbm>> -> memref<1x4096xf32, #tpu.memory_space<hbm>>
    %dma_start3A_527 = tpu.memref_squeeze %dma_start3A_526 : memref<1x4096xf32, #tpu.memory_space<hbm>> -> memref<4096xf32, #tpu.memory_space<hbm>>
    %dma_start3A_528 = arith.constant 0 : i32
    %dma_start3A_529 = tpu.memref_slice %arg8[%dma_start3A_518, %dma_start3A_528] : memref<2x4096xf32, #tpu.memory_space<vmem>> -> memref<1x4096xf32, #tpu.memory_space<vmem>>
    %dma_start3A_530 = tpu.memref_squeeze %dma_start3A_529 : memref<1x4096xf32, #tpu.memory_space<vmem>> -> memref<4096xf32, #tpu.memory_space<vmem>>
    tpu.enqueue_dma source(%dma_start3A_530 : memref<4096xf32, #tpu.memory_space<vmem>>) target(%dma_start3A_527 : memref<4096xf32, #tpu.memory_space<hbm>>) target_semaphore(%arg9 : memref<!tpu.dma_semaphore, #tpu.memory_space<semaphore_mem>>)
    %dma_wait3A_531 = arith.constant 1 : i32
    %dma_wait3A_532 = arith.constant 0 : i32
    %dma_wait3A_533 = tpu.memref_slice %arg8[%dma_wait3A_531, %dma_wait3A_532] : memref<2x4096xf32, #tpu.memory_space<vmem>> -> memref<1x4096xf32, #tpu.memory_space<vmem>>
    %dma_wait3A_534 = tpu.memref_squeeze %dma_wait3A_533 : memref<1x4096xf32, #tpu.memory_space<vmem>> -> memref<4096xf32, #tpu.memory_space<vmem>>
    %dma_wait3A_535 = arith.constant 4096 : i32
    %dma_wait3A_536 = tpu.memref_slice %arg5[%add3A_431, %dma_wait3A_535] : memref<128x16384xf32, #tpu.memory_space<hbm>> -> memref<1x4096xf32, #tpu.memory_space<hbm>>
    %dma_wait3A_537 = tpu.memref_squeeze %dma_wait3A_536 : memref<1x4096xf32, #tpu.memory_space<hbm>> -> memref<4096xf32, #tpu.memory_space<hbm>>
    %dma_wait3A_538 = arith.constant 4096 : i32
    %dma_wait3A_539 = tpu.memref_slice %arg5[%add3A_431, %dma_wait3A_538] : memref<128x16384xf32, #tpu.memory_space<hbm>> -> memref<1x4096xf32, #tpu.memory_space<hbm>>
    %dma_wait3A_540 = tpu.memref_squeeze %dma_wait3A_539 : memref<1x4096xf32, #tpu.memory_space<hbm>> -> memref<4096xf32, #tpu.memory_space<hbm>>
    %dma_wait3A_541 = arith.constant 0 : i32
    %dma_wait3A_542 = tpu.memref_slice %arg8[%dma_wait3A_531, %dma_wait3A_541] : memref<2x4096xf32, #tpu.memory_space<vmem>> -> memref<1x4096xf32, #tpu.memory_space<vmem>>
    %dma_wait3A_543 = tpu.memref_squeeze %dma_wait3A_542 : memref<1x4096xf32, #tpu.memory_space<vmem>> -> memref<4096xf32, #tpu.memory_space<vmem>>
    tpu.wait_dma2 semaphore(%arg9 : memref<!tpu.dma_semaphore, #tpu.memory_space<semaphore_mem>>) src(%dma_wait3A_543 : memref<4096xf32, #tpu.memory_space<vmem>>) dst(%dma_wait3A_540 : memref<4096xf32, #tpu.memory_space<hbm>>)
    %scan3A_544 = arith.constant 0 : i32
    %scan3A_545 = arith.constant 0 : i32
    %scan3A_546 = arith.constant 256 : i32
    %scan3A_547 = arith.addi %scan3A_545, %scan3A_546 : i32
    %scan3A_548 = arith.constant 1 : i32
    %scan3A_549 = scf.for %scan3A_590 = %scan3A_545 to %scan3A_547 step %scan3A_548 iter_args(%scan3A_591 = %scan3A_544) -> (i32)  : i32 {
      %mul3A_592 = arith.constant 16 : i32
      %mul3A_593 = arith.muli %scan3A_590, %mul3A_592 : i32
      %add3A_594 = arith.constant 12288 : i32
      %add3A_595 = arith.addi %add3A_594, %mul3A_593 : i32
      %get3A = arith.index_cast %add3A_595 : i32 to index
      %get3A_596 = tpu.vector_load %arg7[%get3A] {strides = array<i32>} : memref<16384xi32, #tpu.memory_space<vmem>>, vector<16xi32>,
      %gather3A = tpu.vector_load_idx %arg6[%get3A_596] : memref<100000xf32, #tpu.memory_space<vmem>>[vector<16xi32>], vector<16xf32>,
      %mul3A_597 = arith.constant 16 : i32
      %mul3A_598 = arith.muli %scan3A_590, %mul3A_597 : i32
      %swap3A = arith.constant 1 : i32
      %swap3A_599 = arith.index_cast %swap3A : i32 to index
      %swap3A_600 = arith.index_cast %mul3A_598 : i32 to index
      %swap3A_601 = tpu.vector_load %arg8[%swap3A_599, %swap3A_600] {strides = array<i32>} : memref<2x4096xf32, #tpu.memory_space<vmem>>, vector<16xf32>,
      tpu.vector_store %arg8[%swap3A_599, %swap3A_600], %gather3A {strides = array<i32>} : memref<2x4096xf32, #tpu.memory_space<vmem>>, vector<16xf32>,
      %scan3A_602 = arith.constant 0 : i32
      scf.yield %scan3A_602 : i32
    }
    %scan3A_550 = arith.constant 256 : i32
    %dma_start3A_551 = arith.constant 1 : i32
    %dma_start3A_552 = arith.constant 0 : i32
    %dma_start3A_553 = tpu.memref_slice %arg8[%dma_start3A_551, %dma_start3A_552] : memref<2x4096xf32, #tpu.memory_space<vmem>> -> memref<1x4096xf32, #tpu.memory_space<vmem>>
    %dma_start3A_554 = tpu.memref_squeeze %dma_start3A_553 : memref<1x4096xf32, #tpu.memory_space<vmem>> -> memref<4096xf32, #tpu.memory_space<vmem>>
    %dma_start3A_555 = arith.constant 12288 : i32
    %dma_start3A_556 = tpu.memref_slice %arg5[%add3A_431, %dma_start3A_555] : memref<128x16384xf32, #tpu.memory_space<hbm>> -> memref<1x4096xf32, #tpu.memory_space<hbm>>
    %dma_start3A_557 = tpu.memref_squeeze %dma_start3A_556 : memref<1x4096xf32, #tpu.memory_space<hbm>> -> memref<4096xf32, #tpu.memory_space<hbm>>
    %dma_start3A_558 = arith.constant 12288 : i32
    %dma_start3A_559 = tpu.memref_slice %arg5[%add3A_431, %dma_start3A_558] : memref<128x16384xf32, #tpu.memory_space<hbm>> -> memref<1x4096xf32, #tpu.memory_space<hbm>>
    %dma_start3A_560 = tpu.memref_squeeze %dma_start3A_559 : memref<1x4096xf32, #tpu.memory_space<hbm>> -> memref<4096xf32, #tpu.memory_space<hbm>>
    %dma_start3A_561 = arith.constant 0 : i32
    %dma_start3A_562 = tpu.memref_slice %arg8[%dma_start3A_551, %dma_start3A_561] : memref<2x4096xf32, #tpu.memory_space<vmem>> -> memref<1x4096xf32, #tpu.memory_space<vmem>>
    %dma_start3A_563 = tpu.memref_squeeze %dma_start3A_562 : memref<1x4096xf32, #tpu.memory_space<vmem>> -> memref<4096xf32, #tpu.memory_space<vmem>>
    tpu.enqueue_dma source(%dma_start3A_563 : memref<4096xf32, #tpu.memory_space<vmem>>) target(%dma_start3A_560 : memref<4096xf32, #tpu.memory_space<hbm>>) target_semaphore(%arg9 : memref<!tpu.dma_semaphore, #tpu.memory_space<semaphore_mem>>)
    %dma_wait3A_564 = arith.constant 0 : i32
    %dma_wait3A_565 = arith.constant 0 : i32
    %dma_wait3A_566 = tpu.memref_slice %arg8[%dma_wait3A_564, %dma_wait3A_565] : memref<2x4096xf32, #tpu.memory_space<vmem>> -> memref<1x4096xf32, #tpu.memory_space<vmem>>
    %dma_wait3A_567 = tpu.memref_squeeze %dma_wait3A_566 : memref<1x4096xf32, #tpu.memory_space<vmem>> -> memref<4096xf32, #tpu.memory_space<vmem>>
    %dma_wait3A_568 = arith.constant 8192 : i32
    %dma_wait3A_569 = tpu.memref_slice %arg5[%add3A_431, %dma_wait3A_568] : memref<128x16384xf32, #tpu.memory_space<hbm>> -> memref<1x4096xf32, #tpu.memory_space<hbm>>
    %dma_wait3A_570 = tpu.memref_squeeze %dma_wait3A_569 : memref<1x4096xf32, #tpu.memory_space<hbm>> -> memref<4096xf32, #tpu.memory_space<hbm>>
    %dma_wait3A_571 = arith.constant 8192 : i32
    %dma_wait3A_572 = tpu.memref_slice %arg5[%add3A_431, %dma_wait3A_571] : memref<128x16384xf32, #tpu.memory_space<hbm>> -> memref<1x4096xf32, #tpu.memory_space<hbm>>
    %dma_wait3A_573 = tpu.memref_squeeze %dma_wait3A_572 : memref<1x4096xf32, #tpu.memory_space<hbm>> -> memref<4096xf32, #tpu.memory_space<hbm>>
    %dma_wait3A_574 = arith.constant 0 : i32
    %dma_wait3A_575 = tpu.memref_slice %arg8[%dma_wait3A_564, %dma_wait3A_574] : memref<2x4096xf32, #tpu.memory_space<vmem>> -> memref<1x4096xf32, #tpu.memory_space<vmem>>
    %dma_wait3A_576 = tpu.memref_squeeze %dma_wait3A_575 : memref<1x4096xf32, #tpu.memory_space<vmem>> -> memref<4096xf32, #tpu.memory_space<vmem>>
    tpu.wait_dma2 semaphore(%arg9 : memref<!tpu.dma_semaphore, #tpu.memory_space<semaphore_mem>>) src(%dma_wait3A_576 : memref<4096xf32, #tpu.memory_space<vmem>>) dst(%dma_wait3A_573 : memref<4096xf32, #tpu.memory_space<hbm>>)
    %dma_wait3A_577 = arith.constant 1 : i32
    %dma_wait3A_578 = arith.constant 0 : i32
    %dma_wait3A_579 = tpu.memref_slice %arg8[%dma_wait3A_577, %dma_wait3A_578] : memref<2x4096xf32, #tpu.memory_space<vmem>> -> memref<1x4096xf32, #tpu.memory_space<vmem>>
    %dma_wait3A_580 = tpu.memref_squeeze %dma_wait3A_579 : memref<1x4096xf32, #tpu.memory_space<vmem>> -> memref<4096xf32, #tpu.memory_space<vmem>>
    %dma_wait3A_581 = arith.constant 12288 : i32
    %dma_wait3A_582 = tpu.memref_slice %arg5[%add3A_431, %dma_wait3A_581] : memref<128x16384xf32, #tpu.memory_space<hbm>> -> memref<1x4096xf32, #tpu.memory_space<hbm>>
    %dma_wait3A_583 = tpu.memref_squeeze %dma_wait3A_582 : memref<1x4096xf32, #tpu.memory_space<hbm>> -> memref<4096xf32, #tpu.memory_space<hbm>>
    %dma_wait3A_584 = arith.constant 12288 : i32
    %dma_wait3A_585 = tpu.memref_slice %arg5[%add3A_431, %dma_wait3A_584] : memref<128x16384xf32, #tpu.memory_space<hbm>> -> memref<1x4096xf32, #tpu.memory_space<hbm>>
    %dma_wait3A_586 = tpu.memref_squeeze %dma_wait3A_585 : memref<1x4096xf32, #tpu.memory_space<hbm>> -> memref<4096xf32, #tpu.memory_space<hbm>>
    %dma_wait3A_587 = arith.constant 0 : i32
    %dma_wait3A_588 = tpu.memref_slice %arg8[%dma_wait3A_577, %dma_wait3A_587] : memref<2x4096xf32, #tpu.memory_space<vmem>> -> memref<1x4096xf32, #tpu.memory_space<vmem>>
    %dma_wait3A_589 = tpu.memref_squeeze %dma_wait3A_588 : memref<1x4096xf32, #tpu.memory_space<vmem>> -> memref<4096xf32, #tpu.memory_space<vmem>>
    tpu.wait_dma2 semaphore(%arg9 : memref<!tpu.dma_semaphore, #tpu.memory_space<semaphore_mem>>) src(%dma_wait3A_589 : memref<4096xf32, #tpu.memory_space<vmem>>) dst(%dma_wait3A_586 : memref<4096xf32, #tpu.memory_space<hbm>>)
    return
  }
}

module attributes {stable_mosaic.version = 14 : i64} {
  func.func @_mlp_body(%arg0: i32, %arg1: memref<1024x256xf32, #tpu.memory_space<vmem>>, %arg2: memref<358x1024xf32, #tpu.memory_space<vmem>>, %arg3: memref<128x1024xf32, #tpu.memory_space<vmem>>, %arg4: memref<256x1024xbf16, #tpu.memory_space<vmem>>, %arg5: memref<358x1024xbf16, #tpu.memory_space<vmem>>, %arg6: memref<1x1024xf32, #tpu.memory_space<vmem>>, %arg7: memref<1024x1024xbf16, #tpu.memory_space<vmem>>, %arg8: memref<1x1024xf32, #tpu.memory_space<vmem>>, %arg9: memref<1024x512xbf16, #tpu.memory_space<vmem>>, %arg10: memref<1x512xf32, #tpu.memory_space<vmem>>, %arg11: memref<512x256xbf16, #tpu.memory_space<vmem>>, %arg12: memref<1x256xf32, #tpu.memory_space<vmem>>, %arg13: memref<1x256xf32, #tpu.memory_space<vmem>>, %arg14: memref<64x1xf32, #tpu.memory_space<vmem>>, %arg15: memref<1x1xf32, #tpu.memory_space<vmem>>, %arg16: memref<1x1024xf32, #tpu.memory_space<vmem>>) attributes {dimension_semantics = [#tpu.dimension_semantics<arbitrary>], iteration_bounds = array<i64: 16>, scalar_prefetch = 0 : i64, scratch_operands = 0 : i64, tpu.core_type = #tpu.core_type<tc>, window_params = [{transform_indices = @transform_0, window_bounds = array<i64: 1024, 256>}, {transform_indices = @transform_1, window_bounds = array<i64: 358, 1024>}, {transform_indices = @transform_2, window_bounds = array<i64: 128, 1024>}, {pipeline_mode = #tpu.pipeline_mode<synchronous>, transform_indices = @transform_3, window_bounds = array<i64: 256, 1024>}, {pipeline_mode = #tpu.pipeline_mode<synchronous>, transform_indices = @transform_4, window_bounds = array<i64: 358, 1024>}, {pipeline_mode = #tpu.pipeline_mode<synchronous>, transform_indices = @transform_5, window_bounds = array<i64: 1, 1024>}, {pipeline_mode = #tpu.pipeline_mode<synchronous>, transform_indices = @transform_6, window_bounds = array<i64: 1024, 1024>}, {pipeline_mode = #tpu.pipeline_mode<synchronous>, transform_indices = @transform_7, window_bounds = array<i64: 1, 1024>}, {pipeline_mode = #tpu.pipeline_mode<synchronous>, transform_indices = @transform_8, window_bounds = array<i64: 1024, 512>}, {pipeline_mode = #tpu.pipeline_mode<synchronous>, transform_indices = @transform_9, window_bounds = array<i64: 1, 512>}, {pipeline_mode = #tpu.pipeline_mode<synchronous>, transform_indices = @transform_10, window_bounds = array<i64: 512, 256>}, {pipeline_mode = #tpu.pipeline_mode<synchronous>, transform_indices = @transform_11, window_bounds = array<i64: 1, 256>}, {pipeline_mode = #tpu.pipeline_mode<synchronous>, transform_indices = @transform_12, window_bounds = array<i64: 1, 256>}, {pipeline_mode = #tpu.pipeline_mode<synchronous>, transform_indices = @transform_13, window_bounds = array<i64: 64, 1>}, {pipeline_mode = #tpu.pipeline_mode<synchronous>, transform_indices = @transform_14, window_bounds = array<i64: 1, 1>}, {transform_indices = @transform_15, window_bounds = array<i64: 1, 1024>}]} {
    %get3A = arith.constant 0 : index
    %get3A_0 = arith.constant 0 : index
    %get3A_1 = vector.load %arg1[%get3A, %get3A_0] : memref<1024x256xf32, #tpu.memory_space<vmem>>, vector<1024x256xf32>
    %convert_element_type3A = arith.truncf %get3A_1 : vector<1024x256xf32> to vector<1024x256xbf16>
    %get3A_2 = arith.constant 0 : index
    %get3A_3 = arith.constant 0 : index
    %get3A_4 = vector.load %arg4[%get3A_2, %get3A_3] : memref<256x1024xbf16, #tpu.memory_space<vmem>>, vector<256x1024xbf16>
    %dot_general3A = arith.constant dense<0.000000e+00> : vector<1024x1024xf32>
    %dot_general3A_5 = tpu.matmul %convert_element_type3A, %get3A_4, %dot_general3A {dimension_numbers = #tpu.dot_dimension_numbers<[1], [0], [0], [1], [0, 0, 1, 1], [], []>, transpose_lhs_hint = false} : vector<1024x256xbf16>, vector<256x1024xbf16>, vector<1024x1024xf32> -> vector<1024x1024xf32>
    %get3A_6 = arith.constant 0 : index
    %get3A_7 = arith.constant 0 : index
    %get3A_8 = vector.load %arg2[%get3A_6, %get3A_7] : memref<358x1024xf32, #tpu.memory_space<vmem>>, vector<358x1024xf32>
    %convert_element_type3A_9 = arith.truncf %get3A_8 : vector<358x1024xf32> to vector<358x1024xbf16>
    %get3A_10 = arith.constant 0 : index
    %get3A_11 = arith.constant 0 : index
    %get3A_12 = vector.load %arg5[%get3A_10, %get3A_11] : memref<358x1024xbf16, #tpu.memory_space<vmem>>, vector<358x1024xbf16>
    %dot_general3A_13 = arith.constant dense<0.000000e+00> : vector<1024x1024xf32>
    %dot_general3A_14 = tpu.matmul %convert_element_type3A_9, %get3A_12, %dot_general3A_13 {dimension_numbers = #tpu.dot_dimension_numbers<[0], [0], [1], [1], [0, 1, 1, 1], [], []>, transpose_lhs_hint = false} : vector<358x1024xbf16>, vector<358x1024xbf16>, vector<1024x1024xf32> -> vector<1024x1024xf32>
    %add3A = arith.addf %dot_general3A_5, %dot_general3A_14 : vector<1024x1024xf32>
    %get3A_15 = arith.constant 0 : index
    %get3A_16 = arith.constant 0 : index
    %get3A_17 = vector.load %arg6[%get3A_15, %get3A_16] : memref<1x1024xf32, #tpu.memory_space<vmem>>, vector<1x1024xf32>
    %add3A_18 = vector.broadcast %get3A_17 : vector<1x1024xf32> to vector<1024x1024xf32>
    %add3A_19 = arith.addf %add3A, %add3A_18 : vector<1024x1024xf32>
    %max3A = arith.constant 0.000000e+00 : f32
    %max3A_20 = vector.broadcast %max3A : f32 to vector<1024x1024xf32>
    %max3A_21 = arith.maximumf %add3A_19, %max3A_20 : vector<1024x1024xf32>
    %convert_element_type3A_22 = arith.truncf %max3A_21 : vector<1024x1024xf32> to vector<1024x1024xbf16>
    %get3A_23 = arith.constant 0 : index
    %get3A_24 = arith.constant 0 : index
    %get3A_25 = vector.load %arg7[%get3A_23, %get3A_24] : memref<1024x1024xbf16, #tpu.memory_space<vmem>>, vector<1024x1024xbf16>
    %dot_general3A_26 = arith.constant dense<0.000000e+00> : vector<1024x1024xf32>
    %dot_general3A_27 = tpu.matmul %convert_element_type3A_22, %get3A_25, %dot_general3A_26 {dimension_numbers = #tpu.dot_dimension_numbers<[1], [0], [0], [1], [0, 0, 1, 1], [], []>, transpose_lhs_hint = false} : vector<1024x1024xbf16>, vector<1024x1024xbf16>, vector<1024x1024xf32> -> vector<1024x1024xf32>
    %get3A_28 = arith.constant 0 : index
    %get3A_29 = arith.constant 0 : index
    %get3A_30 = vector.load %arg8[%get3A_28, %get3A_29] : memref<1x1024xf32, #tpu.memory_space<vmem>>, vector<1x1024xf32>
    %add3A_31 = vector.broadcast %get3A_30 : vector<1x1024xf32> to vector<1024x1024xf32>
    %add3A_32 = arith.addf %dot_general3A_27, %add3A_31 : vector<1024x1024xf32>
    %max3A_33 = arith.constant 0.000000e+00 : f32
    %max3A_34 = vector.broadcast %max3A_33 : f32 to vector<1024x1024xf32>
    %max3A_35 = arith.maximumf %add3A_32, %max3A_34 : vector<1024x1024xf32>
    %convert_element_type3A_36 = arith.truncf %max3A_35 : vector<1024x1024xf32> to vector<1024x1024xbf16>
    %get3A_37 = arith.constant 0 : index
    %get3A_38 = arith.constant 0 : index
    %get3A_39 = vector.load %arg9[%get3A_37, %get3A_38] : memref<1024x512xbf16, #tpu.memory_space<vmem>>, vector<1024x512xbf16>
    %dot_general3A_40 = arith.constant dense<0.000000e+00> : vector<1024x512xf32>
    %dot_general3A_41 = tpu.matmul %convert_element_type3A_36, %get3A_39, %dot_general3A_40 {dimension_numbers = #tpu.dot_dimension_numbers<[1], [0], [0], [1], [0, 0, 1, 1], [], []>, transpose_lhs_hint = false} : vector<1024x1024xbf16>, vector<1024x512xbf16>, vector<1024x512xf32> -> vector<1024x512xf32>
    %get3A_42 = arith.constant 0 : index
    %get3A_43 = arith.constant 0 : index
    %get3A_44 = vector.load %arg10[%get3A_42, %get3A_43] : memref<1x512xf32, #tpu.memory_space<vmem>>, vector<1x512xf32>
    %add3A_45 = vector.broadcast %get3A_44 : vector<1x512xf32> to vector<1024x512xf32>
    %add3A_46 = arith.addf %dot_general3A_41, %add3A_45 : vector<1024x512xf32>
    %max3A_47 = arith.constant 0.000000e+00 : f32
    %max3A_48 = vector.broadcast %max3A_47 : f32 to vector<1024x512xf32>
    %max3A_49 = arith.maximumf %add3A_46, %max3A_48 : vector<1024x512xf32>
    %convert_element_type3A_50 = arith.truncf %max3A_49 : vector<1024x512xf32> to vector<1024x512xbf16>
    %get3A_51 = arith.constant 0 : index
    %get3A_52 = arith.constant 0 : index
    %get3A_53 = vector.load %arg11[%get3A_51, %get3A_52] : memref<512x256xbf16, #tpu.memory_space<vmem>>, vector<512x256xbf16>
    %dot_general3A_54 = arith.constant dense<0.000000e+00> : vector<1024x256xf32>
    %dot_general3A_55 = tpu.matmul %convert_element_type3A_50, %get3A_53, %dot_general3A_54 {dimension_numbers = #tpu.dot_dimension_numbers<[1], [0], [0], [1], [0, 0, 1, 1], [], []>, transpose_lhs_hint = false} : vector<1024x512xbf16>, vector<512x256xbf16>, vector<1024x256xf32> -> vector<1024x256xf32>
    %get3A_56 = arith.constant 0 : index
    %get3A_57 = arith.constant 0 : index
    %get3A_58 = vector.load %arg12[%get3A_56, %get3A_57] : memref<1x256xf32, #tpu.memory_space<vmem>>, vector<1x256xf32>
    %add3A_59 = vector.broadcast %get3A_58 : vector<1x256xf32> to vector<1024x256xf32>
    %add3A_60 = arith.addf %dot_general3A_55, %add3A_59 : vector<1024x256xf32>
    %max3A_61 = arith.constant 0.000000e+00 : f32
    %max3A_62 = vector.broadcast %max3A_61 : f32 to vector<1024x256xf32>
    %max3A_63 = arith.maximumf %add3A_60, %max3A_62 : vector<1024x256xf32>
    %get3A_64 = arith.constant 0 : index
    %get3A_65 = arith.constant 0 : index
    %get3A_66 = vector.load %arg13[%get3A_64, %get3A_65] : memref<1x256xf32, #tpu.memory_space<vmem>>, vector<1x256xf32>
    %mul3A = vector.broadcast %get3A_66 : vector<1x256xf32> to vector<1024x256xf32>
    %mul3A_67 = arith.mulf %max3A_63, %mul3A : vector<1024x256xf32>
    %reduce_sum3A = arith.constant dense<0.000000e+00> : vector<1024xf32>
    %reduce_sum3A_68 = vector.multi_reduction <add>, %mul3A_67, %reduce_sum3A [1] : vector<1024x256xf32> to vector<1024xf32>
    %broadcast_in_dim3A = vector.shape_cast %reduce_sum3A_68 : vector<1024xf32> to vector<1024x1xf32>
    %get3A_69 = arith.constant 0 : index
    %get3A_70 = arith.constant 0 : index
    %get3A_71 = vector.load %arg3[%get3A_69, %get3A_70] : memref<128x1024xf32, #tpu.memory_space<vmem>>, vector<128x1024xf32>
    %slice3A = vector.extract_strided_slice %get3A_71 {offsets = [0, 0], sizes = [64, 1024], strides = [1, 1]} : vector<128x1024xf32> to vector<64x1024xf32>
    %slice3A_72 = vector.extract_strided_slice %get3A_71 {offsets = [64, 0], sizes = [64, 1024], strides = [1, 1]} : vector<128x1024xf32> to vector<64x1024xf32>
    %mul3A_73 = arith.mulf %slice3A, %slice3A_72 : vector<64x1024xf32>
    %get3A_74 = arith.constant 0 : index
    %get3A_75 = arith.constant 0 : index
    %get3A_76 = vector.load %arg14[%get3A_74, %get3A_75] : memref<64x1xf32, #tpu.memory_space<vmem>>, vector<64x1xf32>
    %mul3A_77 = vector.broadcast %get3A_76 : vector<64x1xf32> to vector<64x1024xf32>
    %mul3A_78 = arith.mulf %mul3A_73, %mul3A_77 : vector<64x1024xf32>
    %reduce_sum3A_79 = arith.constant dense<0.000000e+00> : vector<1024xf32>
    %reduce_sum3A_80 = vector.multi_reduction <add>, %mul3A_78, %reduce_sum3A_79 [0] : vector<64x1024xf32> to vector<1024xf32>
    %broadcast_in_dim3A_81 = vector.shape_cast %reduce_sum3A_80 : vector<1024xf32> to vector<1x1024xf32>
    %get3A_82 = arith.constant 0 : index
    %get3A_83 = arith.constant 0 : index
    %get3A_84 = vector.load %arg15[%get3A_82, %get3A_83] : memref<1x1xf32, #tpu.memory_space<vmem>>, vector<1x1xf32>
    %add3A_85 = vector.broadcast %get3A_84 : vector<1x1xf32> to vector<1024x1xf32>
    %add3A_86 = arith.addf %broadcast_in_dim3A, %add3A_85 : vector<1024x1xf32>
    %transpose3A = tpu.transpose %add3A_86, [1, 0] : vector<1024x1xf32> -> vector<1x1024xf32>
    %add3A_87 = arith.addf %transpose3A, %broadcast_in_dim3A_81 : vector<1x1024xf32>
    %neg3A = arith.constant 0.000000e+00 : f32
    %neg3A_88 = vector.broadcast %neg3A : f32 to vector<1x1024xf32>
    %neg3A_89 = arith.subf %neg3A_88, %add3A_87 : vector<1x1024xf32>
    %exp3A = math.exp %neg3A_89 : vector<1x1024xf32>
    %add3A_90 = arith.constant 1.000000e+00 : f32
    %add3A_91 = vector.broadcast %add3A_90 : f32 to vector<1x1024xf32>
    %add3A_92 = arith.addf %add3A_91, %exp3A : vector<1x1024xf32>
    %div3A = arith.constant 1.000000e+00 : f32
    %div3A_93 = vector.broadcast %div3A : f32 to vector<1x1024xf32>
    %div3A_94 = arith.divf %div3A_93, %add3A_92 : vector<1x1024xf32>
    %swap3A = arith.constant 0 : index
    %swap3A_95 = arith.constant 0 : index
    %swap3A_96 = vector.load %arg16[%swap3A, %swap3A_95] : memref<1x1024xf32, #tpu.memory_space<vmem>>, vector<1x1024xf32>
    tpu.vector_store %arg16[%swap3A, %swap3A_95], %div3A_94 {strides = array<i32>} : memref<1x1024xf32, #tpu.memory_space<vmem>>, vector<1x1024xf32>,
    return
  }
  func.func @transform_0(%arg0: i32) -> (i32, i32) {
    %c0_i32 = arith.constant 0 : i32
    %c0_i32_0 = arith.constant 0 : i32
    return %arg0, %c0_i32 : i32, i32
  }
  func.func @transform_1(%arg0: i32) -> (i32, i32) {
    %c0_i32 = arith.constant 0 : i32
    %c0_i32_0 = arith.constant 0 : i32
    return %c0_i32, %arg0 : i32, i32
  }
  func.func @transform_2(%arg0: i32) -> (i32, i32) {
    %c0_i32 = arith.constant 0 : i32
    %c0_i32_0 = arith.constant 0 : i32
    return %c0_i32, %arg0 : i32, i32
  }
  func.func @transform_3(%arg0: i32) -> (i32, i32) {
    %c0_i32 = arith.constant 0 : i32
    %c0_i32_0 = arith.constant 0 : i32
    %c0_i32_1 = arith.constant 0 : i32
    return %c0_i32, %c0_i32_0 : i32, i32
  }
  func.func @transform_4(%arg0: i32) -> (i32, i32) {
    %c0_i32 = arith.constant 0 : i32
    %c0_i32_0 = arith.constant 0 : i32
    %c0_i32_1 = arith.constant 0 : i32
    return %c0_i32, %c0_i32_0 : i32, i32
  }
  func.func @transform_5(%arg0: i32) -> (i32, i32) {
    %c0_i32 = arith.constant 0 : i32
    %c0_i32_0 = arith.constant 0 : i32
    %c0_i32_1 = arith.constant 0 : i32
    return %c0_i32, %c0_i32_0 : i32, i32
  }
  func.func @transform_6(%arg0: i32) -> (i32, i32) {
    %c0_i32 = arith.constant 0 : i32
    %c0_i32_0 = arith.constant 0 : i32
    %c0_i32_1 = arith.constant 0 : i32
    return %c0_i32, %c0_i32_0 : i32, i32
  }
  func.func @transform_7(%arg0: i32) -> (i32, i32) {
    %c0_i32 = arith.constant 0 : i32
    %c0_i32_0 = arith.constant 0 : i32
    %c0_i32_1 = arith.constant 0 : i32
    return %c0_i32, %c0_i32_0 : i32, i32
  }
  func.func @transform_8(%arg0: i32) -> (i32, i32) {
    %c0_i32 = arith.constant 0 : i32
    %c0_i32_0 = arith.constant 0 : i32
    %c0_i32_1 = arith.constant 0 : i32
    return %c0_i32, %c0_i32_0 : i32, i32
  }
  func.func @transform_9(%arg0: i32) -> (i32, i32) {
    %c0_i32 = arith.constant 0 : i32
    %c0_i32_0 = arith.constant 0 : i32
    %c0_i32_1 = arith.constant 0 : i32
    return %c0_i32, %c0_i32_0 : i32, i32
  }
  func.func @transform_10(%arg0: i32) -> (i32, i32) {
    %c0_i32 = arith.constant 0 : i32
    %c0_i32_0 = arith.constant 0 : i32
    %c0_i32_1 = arith.constant 0 : i32
    return %c0_i32, %c0_i32_0 : i32, i32
  }
  func.func @transform_11(%arg0: i32) -> (i32, i32) {
    %c0_i32 = arith.constant 0 : i32
    %c0_i32_0 = arith.constant 0 : i32
    %c0_i32_1 = arith.constant 0 : i32
    return %c0_i32, %c0_i32_0 : i32, i32
  }
  func.func @transform_12(%arg0: i32) -> (i32, i32) {
    %c0_i32 = arith.constant 0 : i32
    %c0_i32_0 = arith.constant 0 : i32
    %c0_i32_1 = arith.constant 0 : i32
    return %c0_i32, %c0_i32_0 : i32, i32
  }
  func.func @transform_13(%arg0: i32) -> (i32, i32) {
    %c0_i32 = arith.constant 0 : i32
    %c0_i32_0 = arith.constant 0 : i32
    %c0_i32_1 = arith.constant 0 : i32
    return %c0_i32, %c0_i32_0 : i32, i32
  }
  func.func @transform_14(%arg0: i32) -> (i32, i32) {
    %c0_i32 = arith.constant 0 : i32
    %c0_i32_0 = arith.constant 0 : i32
    %c0_i32_1 = arith.constant 0 : i32
    return %c0_i32, %c0_i32_0 : i32, i32
  }
  func.func @transform_15(%arg0: i32) -> (i32, i32) {
    %c0_i32 = arith.constant 0 : i32
    %c0_i32_0 = arith.constant 0 : i32
    return %c0_i32, %arg0 : i32, i32
  }
}

</mosaic_0001>

<sc_bundles>
// kernel: kernel.5.cloned.1.call-start
scs
__scs_entry_jumppad:
0x0: {  	(pc) =	sbr.rel $0x88, $3  }
0x1: {  	(tag) =	ssettag $0x0;
	lr =	simm.s32 $0x1  }
0x2: {  	[smem:$0x3F8E] =	sst lr;
	_ =	strace $0xD0000000  }
0x3: {  	_ = 	snop  }
0x4: {  	_ = 	snop  }
0x5: {  	_ = 	snop  }
0x6: {  	_ = 	snop  }
0x7: {  	_ = 	snop  }
__scs_overlays_trampoline_lowered:
0x8: {  	[smem:$0x3F9D] =	sst s0  }
0x9: {  	[smem:$0x3F9E] =	sst s1  }
0xa: {  	[smem:$0x3F9F] =	sst s2  }
0xb: {  	[smem:$0x3FA0] =	sst s3  }
0xc: {  	[smem:$0x3FA1] =	sst s4  }
0xd: {  	[smem:$0x3FA2] =	sst s5  }
0xe: {  	[smem:$0x3FA3] =	sst s6  }
0xf: {  	[smem:$0x3FA4] =	sst s7  }
0x10: {  	[smem:$0x3FA5] =	sst s8  }
0x11: {  	[smem:$0x3FA6] =	sst s9;
	s0 =	simm.s32 @!p0 $0x0  }
0x12: {  	s1 =	sld [smem:$0x3F8C];
	s0 =	simm.s32 @p0 $0x1  }
0x13: {  	[smem:$0x3FA7] =	sst s0;
	s0 =	simm.s32 @!p1 $0x0  }
0x14: {  	s2 =	sld [smem:$0x3F8B];
	s0 =	simm.s32 @p1 $0x1  }
0x15: {  	[smem:$0x3FA8] =	sst s0;
	s0 =	simm.s32 @!p2 $0x0  }
0x16: {  	s3 =	sld [smem:$0x3FDB];
	s0 =	simm.s32 @p2 $0x1  }
0x17: {  	s4 =	simm.s32 $0x1BF5;
	[smem:$0x3FAA] =	sst s0  }
0x18: {  	s0 =	sld [smem:$0x3F8D];
	_ =	swait.ge [sflag:s4], $0x0  }
0x19: {  	s7 =	sld [smem:$0x3F8E]  }
0x1a: {  	s8 =	sadd.s32 $0xFFFFE003, lr  }
0x1b: {  	s9 =	sadd.s32 $0xFFFFFEF7, lr;
	s5 =	simm.s32 $0xFFFFFFFF;
	p2 =	slt.u32 s8, $0xFFFFF086  }
0x1c: {  	p1 =	slt.u32 s9, $0xF7A;
	s5 =	simm.s32 @!p2 $0x0  }
0x1d: {  	s5 =	simm.s32 @p1 $0x1;
	p0 =	seq.s32 s7, s2  }
0x1e: {  	s7 =	smul.u32 @!p0 $0xF7A, s2;
	p2 =	seq.s32 @!p0 s5, $0x0  }
0x1f: {  	s9 =	smul.u32 $0xF7A, s1;
	s8 =	simm.s32 @!p0 $0x1BF5;
	p2 =	por !p2, p0  }
0x20: {  	[sflag:s8] =	ssyncset.s32 @!p0 $0xFFFFF086;
	s6 =	sadd.s32 @!p0 s3, s7;
	s7 =	simm.s32 @!p0 $0x108  }
0x21: {  	s3 =	sadd.s32 s3, s9;
	s6 =	sadd.s32 @!p0 $0x88, s6;
	s7 =	simm.s32 @p2 $0x1082  }
0x22: {  	[simem:s7], [sflag:s8] =	dma.local @!p0 [hbm:s6], $0xF7A  }
0x23: {  	s9 =	sor.u32 $0xD0000000, s2;
	s6 =	simm.s32 $0x108;
	_ =	swait.ge @!p0 [sflag:s8], $0x0  }
0x24: {  	s3 =	sadd.s32 $0x88, s3;
	s6 =	simm.s32 @!p1 $0x1082;
	[sflag:s4] =	ssyncset.s32 $0xFFFFF086  }
0x25: {  	[simem:s6], [sflag:s4] =	dma.local [hbm:s3], $0xF7A  }
0x26: {  	[smem:$0x3F8E] =	sst s1;
	(tag) =	ssettag s2;
	_ =	strace s9  }
0x27: {  	s1 =	sld [smem:$0x3F9E]  }
0x28: {  	s2 =	sld [smem:$0x3F9F]  }
0x29: {  	s4 =	sld [smem:$0x3FA1]  }
0x2a: {  	p0 =	seq.s32 s5, $0x0;
	s5 =	sld [smem:$0x3FA2]  }
0x2b: {  	s6 =	sld [smem:$0x3FA3]  }
0x2c: {  	s7 =	sld [smem:$0x3FA4]  }
0x2d: {  	s3 =	simm.s32 $0x108;
	s8 =	sld [smem:$0x3FA5]  }
0x2e: {  	s3 =	simm.s32 @!p0 $0x1082;
	s9 =	sld [smem:$0x3FA6]  }
0x2f: {  	lr =	sadd.s32 s0, s3;
	s0 =	sld [smem:$0x3F9D]  }
0x30: {  	s3 =	sld [smem:$0x3FA0]  }
0x31: {  	[smem:$0x3FA9] =	sst s10  }
0x32: {  	s10 =	sld [smem:$0x3FA7];
	_ =	sdelay $0x3  }
0x33: {  	p0 =	seq.s32 s10, $0x1;
	s10 =	sld [smem:$0x3FA9];
	_ =	sdelay $0x3  }
0x34: {  	[smem:$0x3FA9] =	sst s10  }
0x35: {  	s10 =	sld [smem:$0x3FA8];
	_ =	sdelay $0x3  }
0x36: {  	p1 =	seq.s32 s10, $0x1;
	s10 =	sld [smem:$0x3FA9];
	_ =	sdelay $0x3  }
0x37: {  	[smem:$0x3FA9] =	sst s10  }
0x38: {  	s10 =	sld [smem:$0x3FAA]  }
0x39: {  	_ = 	snop;
	(pc) =	sbr.ind lr, $3  }
0x3a: {  	_ = 	snop  }
0x3b: {  	_ = 	snop  }
0x3c: {  	p2 =	seq.s32 s10, $0x1;
	s10 =	sld [smem:$0x3FA9]  }
0x3d: {  	_ =	shalt  }
0x3e: {  	_ =	shalt  }
0x3f: {  	_ =	shalt  }
0x40: {  	_ =	shalt  }
0x41: {  	_ =	shalt  }
0x42: {  	_ =	shalt  }
0x43: {  	_ =	shalt  }
0x44: {  	_ =	shalt  }
0x45: {  	_ =	shalt  }
0x46: {  	_ =	shalt  }
0x47: {  	_ =	shalt  }
0x48: {  	_ =	shalt  }
0x49: {  	_ =	shalt  }
0x4a: {  	_ =	shalt  }
0x4b: {  	_ =	shalt  }
0x4c: {  	_ =	shalt  }
0x4d: {  	_ =	shalt  }
0x4e: {  	_ =	shalt  }
0x4f: {  	_ =	shalt  }
0x50: {  	_ =	shalt  }
0x51: {  	_ =	shalt  }
0x52: {  	_ =	shalt  }
0x53: {  	_ =	shalt  }
0x54: {  	_ =	shalt  }
0x55: {  	_ =	shalt  }
0x56: {  	_ =	shalt  }
0x57: {  	_ =	shalt  }
0x58: {  	_ =	shalt  }
0x59: {  	_ =	shalt  }
0x5a: {  	_ =	shalt  }
0x5b: {  	_ =	shalt  }
0x5c: {  	_ =	shalt  }
0x5d: {  	_ =	shalt  }
0x5e: {  	_ =	shalt  }
0x5f: {  	_ =	shalt  }
0x60: {  	_ =	shalt  }
0x61: {  	_ =	shalt  }
0x62: {  	_ =	shalt  }
0x63: {  	_ =	shalt  }
0x64: {  	_ =	shalt  }
0x65: {  	_ =	shalt  }
0x66: {  	_ =	shalt  }
0x67: {  	_ =	shalt  }
0x68: {  	_ =	shalt  }
0x69: {  	_ =	shalt  }
0x6a: {  	_ =	shalt  }
0x6b: {  	_ =	shalt  }
0x6c: {  	_ =	shalt  }
0x6d: {  	_ =	shalt  }
0x6e: {  	_ =	shalt  }
0x6f: {  	_ =	shalt  }
0x70: {  	_ =	shalt  }
0x71: {  	_ =	shalt  }
0x72: {  	_ =	shalt  }
0x73: {  	_ =	shalt  }
0x74: {  	_ =	shalt  }
0x75: {  	_ =	shalt  }
0x76: {  	_ =	shalt  }
0x77: {  	_ =	shalt  }
0x78: {  	_ =	shalt  }
0x79: {  	_ =	shalt  }
0x7a: {  	_ =	shalt  }
0x7b: {  	_ =	shalt  }
0x7c: {  	_ =	shalt  }
0x7d: {  	_ =	shalt  }
0x7e: {  	_ =	shalt  }
0x7f: {  	_ =	shalt  }
0x80: {  	_ =	shalt  }
0x81: {  	_ =	shalt  }
0x82: {  	_ =	shalt  }
0x83: {  	_ =	shalt  }
0x84: {  	_ =	shalt  }
0x85: {  	_ =	shalt  }
0x86: {  	_ =	shalt  }
0x87: {  	_ =	shalt  }
.Lfunc_end0:
.L_simem_size_0:
called_computation_lowered:
.L_overlay_start_0:
0x88: {  	s2 =	sld [smem:$0x3FD9]  }
0x89: {  	s3 =	sld [smem:$0x3FFE];
	_ =	sdelay $0x1  }
0x8a: {  	s1 =	srdreg.scid  }
0x8b: {  	s0 =	sand.u32 $0x1, s1  }
0x8c: {  	s17 =	sshll.u32 s0, $0xA;
	s2 =	sadd.s32 s3, s2  }
0x8d: {  	s2 =	sadd.s32 s2, s17  }
0x8e: {  	[smem:$0x3FB5] =	sst s2  }
0x8f: {  	_ = 	snop  }
0x90: {  	s18 =	sld [smem:$0x3FC9]  }
0x91: {  	s4 =	sld [smem:$0x3FC8]  }
0x92: {  	s5 =	sld [smem:$0x3FC6]  }
0x93: {  	s6 =	sld [smem:$0x3FC5];
	(tm) =	ssettm $0x1  }
0x94: {  	s19 =	sld [smem:$0x3FFB];
	_ =	sdelay $0x3  }
0x95: {  	_ =	strace s19  }
0x96: {  	s2 =	sld [smem:$0x3FFC];
	_ =	sdelay $0x3  }
0x97: {  	_ =	strace s2  }
0x98: {  	s2 =	sld [smem:$0x3FFD];
	_ =	sdelay $0x3  }
0x99: {  	_ =	strace s2  }
0x9a: {  	_ =	strace $0x8FFFFFFF  }
0x9b: {  	s20 =	sld [smem:$0x3FDB];
	_ =	sdelay $0x1  }
0x9c: {  	s7 =	simm.s32 $_scs_section_size  }
0x9d: {  	s8 =	simm.s32 $_size__tile_overlayer_lowered;
	s9 =	simm.s32 $_tile_overlayer_lowered  }
0x9e: {  	s10 =	simm.s32 $0x1BFF;
	s21 =	sshll.u32 s9, $0x1;
	s7 =	sadd.s32 s7, s20  }
0x9f: {  	s22 =	simm.s32 $0x0;
	s8 =	sshll.u32 s8, $0x1;
	s9 =	sadd.s32 s21, s7  }
0xa0: {  	[timem:s22], [sflag:s10] =	dma.local [hbm:s9], s8  }
0xa1: {  	_ =	swait.ge [sflag:s10], s8  }
0xa2: {  	s8 =	ssub.s32 $0x0, s8;
	[sflag:s10] =	ssyncset.done $0x0  }
0xa3: {  	[sflag:s10] =	ssyncadd.s32 s8;
	_ =	sdelay $0x1  }
0xa4: {  	s23 =	simm.s32 $0x1B8B  }
0xa5: {  	_ =	swait.ge [sflag:s23], $0x1  }
0xa6: {  	[sflag:s23] =	ssyncset.done $0x0  }
0xa7: {  	[sflag:s23] =	ssyncadd.s32 $0xFFFFFFFF  }
0xa8: {  	s8 =	sld [smem:$0x0]  }
0xa9: {  	s9 =	sand.u32 $0xFFFFFFFE, s1  }
0xaa: {  	p0 =	sne.s32 s1, s9  }
0xab: {  	s9 =	sshll.u32 @p0 s9, $0xE  }
0xac: {  	s9 =	sadd.s32 @p0 $0x11B8D, s9;
	s10 =	sshll.u32 @p0 s8, $0x11  }
0xad: {  	s9 =	sor.u32 @p0 s10, s9  }
0xae: {  	[sflag:s9] =	ssyncadd.remote.s32 @p0 $0x1;
	_ =	sdelay $0x1  }
0xaf: {  	s9 =	simm.s32 @p0 $0x1B8D  }
0xb0: {  	_ =	swait.eq @p0 [sflag:s9], $0x1  }
0xb1: {  	[sflag:s9] =	ssyncadd.s32 @p0 $0xFFFFFFFF  }
0xb2: {  	s10 =	sshll.u32 @!p0 s1, $0xE  }
0xb3: {  	s10 =	sor.u32 @!p0 $0x4000, s10;
	s9 =	simm.s32 @!p0 $0x1B8D  }
0xb4: {  	s8 =	sshll.u32 @!p0 s8, $0x11;
	s10 =	sadd.s32 @!p0 $0x11B8D, s10;
	_ =	swait.eq @!p0 [sflag:s9], $0x1  }
0xb5: {  	s8 =	sor.u32 @!p0 s8, s10;
	[sflag:s9] =	ssyncadd.s32 @!p0 $0xFFFFFFFF  }
0xb6: {  	s25 =	simm.s32 $0x1B8E;
	s24 =	sld [smem:$0x3FFE];
	[sflag:s8] =	ssyncadd.remote.s32 @!p0 $0x1  }
0xb7: {  	s26 =	simm.s32 $execute0_lowered;
	[smem:$0x3FD2] =	sst s25  }
0xb8: {  	s9 =	sshll.u32 s26, $0x1;
	_ =	strace $0x80000049;
	[dreg:$0x1] =	wrdreg $0xFFFFFFFF  }
0xb9: {  	s28 =	simm.s32 $_size_execute0_lowered;
	s7 =	sadd.s32 s7, s9;
	[dreg:$0x0] =	wrdreg $0x0  }
0xba: {  	s9 =	sshll.u32 s28, $0x1;
	[dreg:$0x2] =	wrdreg s7  }
0xbb: {  	[dreg:$0x3] =	wrdreg s9  }
0xbc: {  	[dreg:$0x4] =	wrdreg $0xC0  }
0xbd: {  	_ =	task [dreg:s22], $0x5FFFF  }
0xbe: {  	[dreg:$0x1] =	wrdreg $0xFFFFFFFF  }
0xbf: {  	[dreg:$0x0] =	wrdreg $0x60  }
0xc0: {  	[dreg:$0x2] =	wrdreg s18  }
0xc1: {  	[dreg:$0x3] =	wrdreg s4  }
0xc2: {  	[dreg:$0x4] =	wrdreg s5  }
0xc3: {  	[dreg:$0x5] =	wrdreg s6  }
0xc4: {  	[dreg:$0x6] =	wrdreg s24  }
0xc5: {  	[dreg:$0x7] =	wrdreg $0x9  }
0xc6: {  	_ =	task.clear_ibuf [dreg:s22], $0x8FFFF;
	_ =	strace $0x90000049  }
0xc7: {  	s29 =	simm.s32 $0x9;
	_ =	strace $0x8000004B  }
0xc8: {  	_ =	swait.ge [sflag:s29], $0x1  }
0xc9: {  	[sflag:s29] =	ssyncadd.s32 $0xFFFFFFFF  }
0xca: {  	_ =	strace $0x9000004B  }
0xcb: {  	_ =	sfence  }
0xcc: {  	s30 =	sld [smem:$0x0];
	_ =	sdelay $0x2  }
0xcd: {  	s31 =	sshll.u32 s1, $0xD;
	s1 =	sshrl.u32 s1, $0x2  }
0xce: {  	s4 =	sand.u32 $0x4000, s31;
	s1 =	sadd.s32 s1, s30  }
0xcf: {  	s0 =	sor.u32 s4, s0;
	s1 =	sshll.u32 s1, $0x11  }
0xd0: {  	s0 =	sor.u32 s1, s0  }
0xd1: {  	s0 =	sadd.s32 $0x8F2B, s0  }
0xd2: {  	[sflag:s0] =	ssyncadd.remote.s32 $0x1  }
0xd3: {  	_ =	sfence.sel $0xFFFF  }
0xd4: {  	[dreg:$0x0] =	wrdreg $0xFFFFFFFF;
	(pc) =	sbr.abs _section_cstart, $3  }
0xd5: {  	[dreg:$0x1] =	wrdreg $0xFFFFFFFF  }
0xd6: {  	_ =	task.clear_ibuf [dreg:s22], $0x2FFFF;
	_ =	strace $0x9FFFFFFF  }
0xd7: {  	(tm) =	ssettm $0x7FFFFFFF  }
tec
execute0_lowered:
.L_overlay_start_1:
0x0: {  	(tag) =	ssettag $0x1  }
0x1: {  	s0 =	rddreg [dreg:$0x0]  }
0x2: {  	s1 =	rddreg [dreg:$0x1];
	s4 =	srdreg.scid  }
0x3: {  	s2 =	rddreg [dreg:$0x2];
	s15 =	stileid.u32;
	s4 =	sand.u32 $0x1, s4  }
0x4: {  	s3 =	rddreg [dreg:$0x3];
	s6 =	sshll.u32 s15, $0xA;
	s7 =	sshll.u32 s4, $0x9  }
0x5: {  	s5 =	rddreg [dreg:$0x4];
	s21 =	simm.s32 $0x0;
	s6 =	sor.u32 s7, s6  }
0x6: {  	s30 =	simm.s32 $0x3;
	[smem:$0x7FF] =	sst s21;
	s7 =	sshrl.u32 s6, $0x3  }
0x7: {  	_ =	strace $0x8000004A;
	s6 =	sshll.u32 s6, $0x5;
	s0 =	sadd.s32 s0, s7  }
0x8: {  	s5 =	sadd.s32 s6, s5;
	s6 =	sadd.s32 s1, s7;
	[dreg:$0x6] =	wrdreg s0  }
0x9: {  	s29 =	simm.s32 $0x200;
	[dreg:$0x7] =	wrdreg s6;
	s7 =	sadd.s32 $0x42E00, s5  }
0xa: {  	s28 =	simm.s32 $0x80;
	s8 =	sadd.s32 $0x42E80, s5;
	[dreg:$0x8] =	wrdreg s7  }
0xb: {  	s31 =	simm.s32 $0x280;
	s9 =	sadd.s32 $0x43600, s5;
	[dreg:$0x9] =	wrdreg s8  }
0xc: {  	s25 =	simm.s32 $0xC0;
	s10 =	sadd.s32 $0x43680, s5;
	[dreg:$0xa] =	wrdreg s9  }
0xd: {  	s26 =	simm.s32 $0x2C0;
	s11 =	sadd.s32 $0x43E00, s5;
	[dreg:$0xb] =	wrdreg s10  }
0xe: {  	s24 =	simm.s32 $0x300;
	s12 =	sadd.s32 $0x43E80, s5;
	[dreg:$0xc] =	wrdreg s11  }
0xf: {  	p0 =	por $0x0, $0x0;
	s13 =	sadd.s32 $0x44600, s5;
	[dreg:$0xd] =	wrdreg s12  }
0x10: {  	s19 =	ssub.s32 $0x2, s4;
	s14 =	sadd.s32 $0x44680, s5;
	[dreg:$0xe] =	wrdreg s13  }
0x11: {  	s4 =	sshrl.u32 s19, $0x1;
	s16 =	sadd.s32 $0x44E00, s5;
	[dreg:$0xf] =	wrdreg s14  }
0x12: {  	s1 =	ssub.s32 s19, s4;
	s17 =	sadd.s32 $0x44E80, s5;
	[dreg:$0x10] =	wrdreg s16  }
0x13: {  	s19 =	simm.s32 $0x380;
	s18 =	sadd.s32 $0x45600, s5;
	[dreg:$0x11] =	wrdreg s17  }
0x14: {  	s20 =	sadd.s32 $0x45680, s5;
	s22 =	sadd.s32 $0x45E00, s5;
	[dreg:$0x12] =	wrdreg s18  }
0x15: {  	s4 =	sadd.s32 $0x46600, s5;
	s23 =	smax.u32 s1, $0x1;
	[dreg:$0x13] =	wrdreg s20  }
0x16: {  	s1 =	simm.s32 $0x240;
	s6 =	simm.s32 $0x2;
	[dreg:$0x14] =	wrdreg s22  }
0x17: {  	s8 =	sadd.s32 $0x45E80, s5;
	s5 =	sadd.s32 $0x46680, s5;
	p1 =	sne.s32 s23, $0x1  }
.Ltmp0:
0x18: {  	s14 =	simm.s32 $0x40;
	s7 =	simm.s32 $0x400;
	(pc) =	sbr.rel @!p1 .LBB2_1-.Ltmp0, $4  }
0x19: {  	s13 =	simm.s32 $0x4400;
	s9 =	simm.s32 $0x2400;
	s10 =	simm.s32 $0x6400  }
0x1a: {  	s12 =	simm.s32 $0x1;
	s11 =	simm.s32 $0x800;
	s23 =	sadd.s32 $0xFFFFFFFF, s23  }
0x1b: {  	s20 =	simm.s32 $0x140;
	s22 =	simm.s32 $0x340;
	s18 =	simm.s32 $0x180  }
0x1c: {  	s16 =	simm.s32 $0x1C0;
	s17 =	simm.s32 $0x3C0;
	s0 =	rddreg [dreg:$0x6]  }
0x1d: {  	[tilespmem:s21], [sflag:$0x3] =	stream.linear.gather [hbm4b:s0+s21], $0x200, $0x38;
	[tilespmem:$0x8400] =	vst v63  }
0x1e: {  	_ =	swait.ge [sflag:s30], $0x200  }
0x1f: {  	[sflag:s30] =	ssyncset.done $0x0  }
0x20: {  	s15 =	rddreg [dreg:$0x7];
	[sflag:s30] =	ssyncadd.s32 $0xFFFFFE00  }
0x21: {  	[tilespmem:s29], [sflag:$0x3] =	stream.linear.gather [hbm4b:s15+s21], $0x200, $0x38;
	[tilespmem:$0x8400] =	vst v63  }
0x22: {  	_ =	swait.ge [sflag:s30], $0x200  }
0x23: {  	[sflag:s30] =	ssyncset.done $0x0  }
0x24: {  	[sflag:s30] =	ssyncadd.s32 $0xFFFFFE00  }
0x25: {  	[tilespmem:s7], [sflag:$0x1] =	stream.indirect.gather [hbm4b:s2+s14], $0x80, s21, s14, $0xb8;
	[tilespmem:$0x8400] =	vst v63  }
0x26: {  	_ = 	snop  }
0x27: {  	[tilespmem:s13], [sflag:$0x1] =	stream.indirect.gather [hbm4b:s3+s14], $0x80, s29, s14, $0xb8;
	[tilespmem:$0x8400] =	vst v63  }
0x28: {  	_ = 	snop  }
0x29: {  	[tilespmem:s9], [sflag:$0x1] =	stream.indirect.gather [hbm4b:s2+s14], $0x80, s14, s14, $0xb8;
	[tilespmem:$0x8400] =	vst v63  }
0x2a: {  	_ = 	snop  }
0x2b: {  	[tilespmem:s10], [sflag:$0x1] =	stream.indirect.gather [hbm4b:s3+s14], $0x80, s1, s14, $0xb8;
	[tilespmem:$0x8400] =	vst v63  }
0x2c: {  	_ =	swait.ge [sflag:s12], $0x2000  }
0x2d: {  	[sflag:s12] =	ssyncset.done $0x0  }
0x2e: {  	[sflag:s12] =	ssyncadd.s32 $0xFFFFE000  }
0x2f: {  	_ =	swait.ge [sflag:s12], $0x2000  }
0x30: {  	[sflag:s12] =	ssyncset.done $0x0  }
0x31: {  	s0 =	rddreg [dreg:$0x8];
	[sflag:s12] =	ssyncadd.s32 $0xFFFFE000  }
0x32: {  	[hbm4b:s0+s7] =	stream.strided.scatter [tilespmem:s7], [sflag:$0x2], $0x2000, s11, s7, $0x38;
	[tilespmem:$0x8400] =	vst v63  }
0x33: {  	s1 =	rddreg [dreg:$0x9]  }
0x34: {  	[hbm4b:s1+s7] =	stream.strided.scatter [tilespmem:s13], [sflag:$0x2], $0x2000, s11, s7, $0x38;
	[tilespmem:$0x8400] =	vst v63  }
0x35: {  	_ =	swait.ge [sflag:s6], $0x2000  }
0x36: {  	[sflag:s6] =	ssyncset.done $0x0  }
0x37: {  	[sflag:s6] =	ssyncadd.s32 $0xFFFFE000  }
0x38: {  	_ =	swait.ge [sflag:s6], $0x2000  }
0x39: {  	[sflag:s6] =	ssyncset.done $0x0  }
0x3a: {  	[sflag:s6] =	ssyncadd.s32 $0xFFFFE000  }
0x3b: {  	[tilespmem:s7], [sflag:$0x1] =	stream.indirect.gather [hbm4b:s2+s14], $0x80, s28, s14, $0xb8;
	[tilespmem:$0x8400] =	vst v63  }
0x3c: {  	_ = 	snop  }
0x3d: {  	[tilespmem:s13], [sflag:$0x1] =	stream.indirect.gather [hbm4b:s3+s14], $0x80, s31, s14, $0xb8;
	[tilespmem:$0x8400] =	vst v63  }
0x3e: {  	_ =	swait.ge [sflag:s12], $0x2000  }
0x3f: {  	[sflag:s12] =	ssyncset.done $0x0  }
0x40: {  	[sflag:s12] =	ssyncadd.s32 $0xFFFFE000  }
0x41: {  	_ =	swait.ge [sflag:s12], $0x2000  }
0x42: {  	[sflag:s12] =	ssyncset.done $0x0  }
0x43: {  	s0 =	rddreg [dreg:$0xa];
	[sflag:s12] =	ssyncadd.s32 $0xFFFFE000  }
0x44: {  	[hbm4b:s0+s7] =	stream.strided.scatter [tilespmem:s9], [sflag:$0x2], $0x2000, s11, s7, $0x38;
	[tilespmem:$0x8400] =	vst v63  }
0x45: {  	s1 =	rddreg [dreg:$0xb]  }
0x46: {  	[hbm4b:s1+s7] =	stream.strided.scatter [tilespmem:s10], [sflag:$0x2], $0x2000, s11, s7, $0x38;
	[tilespmem:$0x8400] =	vst v63  }
0x47: {  	_ =	swait.ge [sflag:s6], $0x2000  }
0x48: {  	[sflag:s6] =	ssyncset.done $0x0  }
0x49: {  	[sflag:s6] =	ssyncadd.s32 $0xFFFFE000  }
0x4a: {  	_ =	swait.ge [sflag:s6], $0x2000  }
0x4b: {  	[sflag:s6] =	ssyncset.done $0x0  }
0x4c: {  	[sflag:s6] =	ssyncadd.s32 $0xFFFFE000  }
0x4d: {  	[tilespmem:s9], [sflag:$0x1] =	stream.indirect.gather [hbm4b:s2+s14], $0x80, s25, s14, $0xb8;
	[tilespmem:$0x8400] =	vst v63  }
0x4e: {  	_ = 	snop  }
0x4f: {  	[tilespmem:s10], [sflag:$0x1] =	stream.indirect.gather [hbm4b:s3+s14], $0x80, s26, s14, $0xb8;
	[tilespmem:$0x8400] =	vst v63  }
0x50: {  	_ =	swait.ge [sflag:s12], $0x2000  }
0x51: {  	[sflag:s12] =	ssyncset.done $0x0  }
0x52: {  	[sflag:s12] =	ssyncadd.s32 $0xFFFFE000  }
0x53: {  	_ =	swait.ge [sflag:s12], $0x2000  }
0x54: {  	[sflag:s12] =	ssyncset.done $0x0  }
0x55: {  	s0 =	rddreg [dreg:$0xc];
	[sflag:s12] =	ssyncadd.s32 $0xFFFFE000  }
0x56: {  	[hbm4b:s0+s7] =	stream.strided.scatter [tilespmem:s7], [sflag:$0x2], $0x2000, s11, s7, $0x38;
	[tilespmem:$0x8400] =	vst v63  }
0x57: {  	s1 =	rddreg [dreg:$0xd]  }
0x58: {  	[hbm4b:s1+s7] =	stream.strided.scatter [tilespmem:s13], [sflag:$0x2], $0x2000, s11, s7, $0x38;
	[tilespmem:$0x8400] =	vst v63  }
0x59: {  	_ =	swait.ge [sflag:s6], $0x2000  }
0x5a: {  	[sflag:s6] =	ssyncset.done $0x0  }
0x5b: {  	[sflag:s6] =	ssyncadd.s32 $0xFFFFE000  }
0x5c: {  	_ =	swait.ge [sflag:s6], $0x2000  }
0x5d: {  	[sflag:s6] =	ssyncset.done $0x0  }
0x5e: {  	s1 =	simm.s32 $0x100;
	[sflag:s6] =	ssyncadd.s32 $0xFFFFE000  }
0x5f: {  	[tilespmem:s7], [sflag:$0x1] =	stream.indirect.gather [hbm4b:s2+s14], $0x80, s1, s14, $0xb8;
	[tilespmem:$0x8400] =	vst v63  }
0x60: {  	_ = 	snop  }
0x61: {  	[tilespmem:s13], [sflag:$0x1] =	stream.indirect.gather [hbm4b:s3+s14], $0x80, s24, s14, $0xb8;
	[tilespmem:$0x8400] =	vst v63  }
0x62: {  	_ =	swait.ge [sflag:s12], $0x2000  }
0x63: {  	[sflag:s12] =	ssyncset.done $0x0  }
0x64: {  	[sflag:s12] =	ssyncadd.s32 $0xFFFFE000  }
0x65: {  	_ =	swait.ge [sflag:s12], $0x2000  }
0x66: {  	[sflag:s12] =	ssyncset.done $0x0  }
0x67: {  	s0 =	rddreg [dreg:$0xe];
	[sflag:s12] =	ssyncadd.s32 $0xFFFFE000  }
0x68: {  	[hbm4b:s0+s7] =	stream.strided.scatter [tilespmem:s9], [sflag:$0x2], $0x2000, s11, s7, $0x38;
	[tilespmem:$0x8400] =	vst v63  }
0x69: {  	s1 =	rddreg [dreg:$0xf]  }
0x6a: {  	[hbm4b:s1+s7] =	stream.strided.scatter [tilespmem:s10], [sflag:$0x2], $0x2000, s11, s7, $0x38;
	[tilespmem:$0x8400] =	vst v63  }
0x6b: {  	_ =	swait.ge [sflag:s6], $0x2000  }
0x6c: {  	[sflag:s6] =	ssyncset.done $0x0  }
0x6d: {  	[sflag:s6] =	ssyncadd.s32 $0xFFFFE000  }
0x6e: {  	_ =	swait.ge [sflag:s6], $0x2000  }
0x6f: {  	[sflag:s6] =	ssyncset.done $0x0  }
0x70: {  	[sflag:s6] =	ssyncadd.s32 $0xFFFFE000  }
0x71: {  	[tilespmem:s9], [sflag:$0x1] =	stream.indirect.gather [hbm4b:s2+s14], $0x80, s20, s14, $0xb8;
	[tilespmem:$0x8400] =	vst v63  }
0x72: {  	_ = 	snop  }
0x73: {  	[tilespmem:s10], [sflag:$0x1] =	stream.indirect.gather [hbm4b:s3+s14], $0x80, s22, s14, $0xb8;
	[tilespmem:$0x8400] =	vst v63  }
0x74: {  	_ =	swait.ge [sflag:s12], $0x2000  }
0x75: {  	[sflag:s12] =	ssyncset.done $0x0  }
0x76: {  	[sflag:s12] =	ssyncadd.s32 $0xFFFFE000  }
0x77: {  	_ =	swait.ge [sflag:s12], $0x2000  }
0x78: {  	[sflag:s12] =	ssyncset.done $0x0  }
0x79: {  	s0 =	rddreg [dreg:$0x10];
	[sflag:s12] =	ssyncadd.s32 $0xFFFFE000  }
0x7a: {  	[hbm4b:s0+s7] =	stream.strided.scatter [tilespmem:s7], [sflag:$0x2], $0x2000, s11, s7, $0x38;
	[tilespmem:$0x8400] =	vst v63  }
0x7b: {  	s1 =	rddreg [dreg:$0x11]  }
0x7c: {  	[hbm4b:s1+s7] =	stream.strided.scatter [tilespmem:s13], [sflag:$0x2], $0x2000, s11, s7, $0x38;
	[tilespmem:$0x8400] =	vst v63  }
0x7d: {  	_ =	swait.ge [sflag:s6], $0x2000  }
0x7e: {  	[sflag:s6] =	ssyncset.done $0x0  }
0x7f: {  	[sflag:s6] =	ssyncadd.s32 $0xFFFFE000  }
0x80: {  	_ =	swait.ge [sflag:s6], $0x2000  }
0x81: {  	[sflag:s6] =	ssyncset.done $0x0  }
0x82: {  	[sflag:s6] =	ssyncadd.s32 $0xFFFFE000  }
0x83: {  	[tilespmem:s7], [sflag:$0x1] =	stream.indirect.gather [hbm4b:s2+s14], $0x80, s18, s14, $0xb8;
	[tilespmem:$0x8400] =	vst v63  }
0x84: {  	_ = 	snop  }
0x85: {  	[tilespmem:s13], [sflag:$0x1] =	stream.indirect.gather [hbm4b:s3+s14], $0x80, s19, s14, $0xb8;
	[tilespmem:$0x8400] =	vst v63  }
0x86: {  	_ =	swait.ge [sflag:s12], $0x2000  }
0x87: {  	[sflag:s12] =	ssyncset.done $0x0  }
0x88: {  	[sflag:s12] =	ssyncadd.s32 $0xFFFFE000  }
0x89: {  	_ =	swait.ge [sflag:s12], $0x2000  }
0x8a: {  	[sflag:s12] =	ssyncset.done $0x0  }
0x8b: {  	s0 =	rddreg [dreg:$0x12];
	[sflag:s12] =	ssyncadd.s32 $0xFFFFE000  }
0x8c: {  	[hbm4b:s0+s7] =	stream.strided.scatter [tilespmem:s9], [sflag:$0x2], $0x2000, s11, s7, $0x38;
	[tilespmem:$0x8400] =	vst v63  }
0x8d: {  	s1 =	rddreg [dreg:$0x13]  }
0x8e: {  	[hbm4b:s1+s7] =	stream.strided.scatter [tilespmem:s10], [sflag:$0x2], $0x2000, s11, s7, $0x38;
	[tilespmem:$0x8400] =	vst v63  }
0x8f: {  	_ =	swait.ge [sflag:s6], $0x2000  }
0x90: {  	[sflag:s6] =	ssyncset.done $0x0  }
0x91: {  	[sflag:s6] =	ssyncadd.s32 $0xFFFFE000  }
0x92: {  	_ =	swait.ge [sflag:s6], $0x2000  }
0x93: {  	[sflag:s6] =	ssyncset.done $0x0  }
0x94: {  	[sflag:s6] =	ssyncadd.s32 $0xFFFFE000  }
0x95: {  	[tilespmem:s9], [sflag:$0x1] =	stream.indirect.gather [hbm4b:s2+s14], $0x80, s16, s14, $0xb8;
	[tilespmem:$0x8400] =	vst v63  }
0x96: {  	_ = 	snop  }
0x97: {  	[tilespmem:s10], [sflag:$0x1] =	stream.indirect.gather [hbm4b:s3+s14], $0x80, s17, s14, $0xb8;
	[tilespmem:$0x8400] =	vst v63  }
0x98: {  	_ =	swait.ge [sflag:s12], $0x2000  }
0x99: {  	[sflag:s12] =	ssyncset.done $0x0  }
0x9a: {  	[sflag:s12] =	ssyncadd.s32 $0xFFFFE000  }
0x9b: {  	_ =	swait.ge [sflag:s12], $0x2000  }
0x9c: {  	[sflag:s12] =	ssyncset.done $0x0  }
0x9d: {  	s1 =	rddreg [dreg:$0x14];
	[sflag:s12] =	ssyncadd.s32 $0xFFFFE000  }
0x9e: {  	[hbm4b:s1+s7] =	stream.strided.scatter [tilespmem:s7], [sflag:$0x2], $0x2000, s11, s7, $0x38;
	[tilespmem:$0x8400] =	vst v63  }
0x9f: {  	_ = 	snop  }
0xa0: {  	[hbm4b:s8+s7] =	stream.strided.scatter [tilespmem:s13], [sflag:$0x2], $0x2000, s11, s7, $0x38;
	[tilespmem:$0x8400] =	vst v63  }
0xa1: {  	_ =	swait.ge [sflag:s12], $0x2000  }
0xa2: {  	[sflag:s12] =	ssyncset.done $0x0  }
0xa3: {  	[sflag:s12] =	ssyncadd.s32 $0xFFFFE000  }
0xa4: {  	_ =	swait.ge [sflag:s12], $0x2000  }
0xa5: {  	[sflag:s12] =	ssyncset.done $0x0  }
0xa6: {  	[sflag:s12] =	ssyncadd.s32 $0xFFFFE000  }
0xa7: {  	[hbm4b:s4+s7] =	stream.strided.scatter [tilespmem:s9], [sflag:$0x2], $0x2000, s11, s7, $0x38;
	[tilespmem:$0x8400] =	vst v63  }
0xa8: {  	_ = 	snop  }
0xa9: {  	[hbm4b:s5+s7] =	stream.strided.scatter [tilespmem:s10], [sflag:$0x2], $0x2000, s11, s7, $0x38;
	[tilespmem:$0x8400] =	vst v63  }
0xaa: {  	_ =	swait.ge [sflag:s6], $0x2000  }
0xab: {  	[sflag:s6] =	ssyncset.done $0x0  }
0xac: {  	[sflag:s6] =	ssyncadd.s32 $0xFFFFE000  }
0xad: {  	_ =	swait.ge [sflag:s6], $0x2000  }
0xae: {  	s15 =	smov.u32 s23;
	[sflag:s6] =	ssyncset.done $0x0  }
0xaf: {  	p1 =	sne.s32 s15, $0x1;
	[sflag:s6] =	ssyncadd.s32 $0xFFFFE000  }
.Ltmp1:
0xb0: {  	_ =	swait.ge [sflag:s6], $0x2000;
	(pc) =	sbr.rel @!p1 .LBB2_3-.Ltmp1, $4  }
0xb1: {  	[sflag:s6] =	ssyncset.done $0x0  }
0xb2: {  	[sflag:s6] =	ssyncadd.s32 $0xFFFFE000  }
0xb3: {  	p0 =	por $0x1, $0x1;
	s23 =	simm.s32 $0x240;
	_ =	swait.ge [sflag:s6], $0x2000  }
0xb4: {  	s1 =	sadd.s32 $0xFFFFFFFF, s15;
	s0 =	rddreg [dreg:$0x6];
	[sflag:s6] =	ssyncset.done $0x0  }
.LBB2_4:
0xb5: {  	[sflag:s6] =	ssyncadd.s32 $0xFFFFE000  }
0xb6: {  	[tilespmem:s21], [sflag:$0x3] =	stream.linear.gather [hbm4b:s0+s21], $0x200, $0x38;
	[tilespmem:$0x8400] =	vst v63  }
0xb7: {  	_ =	swait.ge [sflag:s30], $0x200  }
0xb8: {  	[sflag:s30] =	ssyncset.done $0x0  }
0xb9: {  	s15 =	rddreg [dreg:$0x7];
	[sflag:s30] =	ssyncadd.s32 $0xFFFFFE00  }
0xba: {  	[tilespmem:s29], [sflag:$0x3] =	stream.linear.gather [hbm4b:s15+s21], $0x200, $0x38;
	[tilespmem:$0x8400] =	vst v63  }
0xbb: {  	_ =	swait.ge [sflag:s30], $0x200  }
0xbc: {  	[sflag:s30] =	ssyncset.done $0x0  }
0xbd: {  	[sflag:s30] =	ssyncadd.s32 $0xFFFFFE00  }
0xbe: {  	[tilespmem:s7], [sflag:$0x1] =	stream.indirect.gather [hbm4b:s2+s14], $0x80, s21, s14, $0xb8;
	[tilespmem:$0x8400] =	vst v63  }
0xbf: {  	_ = 	snop  }
0xc0: {  	[tilespmem:s13], [sflag:$0x1] =	stream.indirect.gather [hbm4b:s3+s14], $0x80, s29, s14, $0xb8;
	[tilespmem:$0x8400] =	vst v63  }
0xc1: {  	_ = 	snop  }
0xc2: {  	[tilespmem:s9], [sflag:$0x1] =	stream.indirect.gather [hbm4b:s2+s14], $0x80, s14, s14, $0xb8;
	[tilespmem:$0x8400] =	vst v63  }
0xc3: {  	_ = 	snop  }
0xc4: {  	[tilespmem:s10], [sflag:$0x1] =	stream.indirect.gather [hbm4b:s3+s14], $0x80, s23, s14, $0xb8;
	[tilespmem:$0x8400] =	vst v63  }
0xc5: {  	_ =	swait.ge [sflag:s12], $0x2000  }
0xc6: {  	[sflag:s12] =	ssyncset.done $0x0  }
0xc7: {  	[sflag:s12] =	ssyncadd.s32 $0xFFFFE000  }
0xc8: {  	_ =	swait.ge [sflag:s12], $0x2000  }
0xc9: {  	[sflag:s12] =	ssyncset.done $0x0  }
0xca: {  	s0 =	rddreg [dreg:$0x8];
	[sflag:s12] =	ssyncadd.s32 $0xFFFFE000  }
0xcb: {  	[hbm4b:s0+s7] =	stream.strided.scatter [tilespmem:s7], [sflag:$0x2], $0x2000, s11, s7, $0x38;
	[tilespmem:$0x8400] =	vst v63  }
0xcc: {  	s15 =	rddreg [dreg:$0x9]  }
0xcd: {  	[hbm4b:s15+s7] =	stream.strided.scatter [tilespmem:s13], [sflag:$0x2], $0x2000, s11, s7, $0x38;
	[tilespmem:$0x8400] =	vst v63  }
0xce: {  	_ =	swait.ge [sflag:s6], $0x2000  }
0xcf: {  	[sflag:s6] =	ssyncset.done $0x0  }
0xd0: {  	[sflag:s6] =	ssyncadd.s32 $0xFFFFE000  }
0xd1: {  	_ =	swait.ge [sflag:s6], $0x2000  }
0xd2: {  	[sflag:s6] =	ssyncset.done $0x0  }
0xd3: {  	[sflag:s6] =	ssyncadd.s32 $0xFFFFE000  }
0xd4: {  	[tilespmem:s7], [sflag:$0x1] =	stream.indirect.gather [hbm4b:s2+s14], $0x80, s28, s14, $0xb8;
	[tilespmem:$0x8400] =	vst v63  }
0xd5: {  	_ = 	snop  }
0xd6: {  	[tilespmem:s13], [sflag:$0x1] =	stream.indirect.gather [hbm4b:s3+s14], $0x80, s31, s14, $0xb8;
	[tilespmem:$0x8400] =	vst v63  }
0xd7: {  	_ =	swait.ge [sflag:s12], $0x2000  }
0xd8: {  	[sflag:s12] =	ssyncset.done $0x0  }
0xd9: {  	[sflag:s12] =	ssyncadd.s32 $0xFFFFE000  }
0xda: {  	_ =	swait.ge [sflag:s12], $0x2000  }
0xdb: {  	[sflag:s12] =	ssyncset.done $0x0  }
0xdc: {  	s0 =	rddreg [dreg:$0xa];
	[sflag:s12] =	ssyncadd.s32 $0xFFFFE000  }
0xdd: {  	[hbm4b:s0+s7] =	stream.strided.scatter [tilespmem:s9], [sflag:$0x2], $0x2000, s11, s7, $0x38;
	[tilespmem:$0x8400] =	vst v63  }
0xde: {  	s15 =	rddreg [dreg:$0xb]  }
0xdf: {  	[hbm4b:s15+s7] =	stream.strided.scatter [tilespmem:s10], [sflag:$0x2], $0x2000, s11, s7, $0x38;
	[tilespmem:$0x8400] =	vst v63  }
0xe0: {  	_ =	swait.ge [sflag:s6], $0x2000  }
0xe1: {  	[sflag:s6] =	ssyncset.done $0x0  }
0xe2: {  	[sflag:s6] =	ssyncadd.s32 $0xFFFFE000  }
0xe3: {  	_ =	swait.ge [sflag:s6], $0x2000  }
0xe4: {  	[sflag:s6] =	ssyncset.done $0x0  }
0xe5: {  	[sflag:s6] =	ssyncadd.s32 $0xFFFFE000  }
0xe6: {  	[tilespmem:s9], [sflag:$0x1] =	stream.indirect.gather [hbm4b:s2+s14], $0x80, s25, s14, $0xb8;
	[tilespmem:$0x8400] =	vst v63  }
0xe7: {  	_ = 	snop  }
0xe8: {  	[tilespmem:s10], [sflag:$0x1] =	stream.indirect.gather [hbm4b:s3+s14], $0x80, s26, s14, $0xb8;
	[tilespmem:$0x8400] =	vst v63  }
0xe9: {  	_ =	swait.ge [sflag:s12], $0x2000  }
0xea: {  	[sflag:s12] =	ssyncset.done $0x0  }
0xeb: {  	[sflag:s12] =	ssyncadd.s32 $0xFFFFE000  }
0xec: {  	_ =	swait.ge [sflag:s12], $0x2000  }
0xed: {  	[sflag:s12] =	ssyncset.done $0x0  }
0xee: {  	s0 =	rddreg [dreg:$0xc];
	[sflag:s12] =	ssyncadd.s32 $0xFFFFE000  }
0xef: {  	[hbm4b:s0+s7] =	stream.strided.scatter [tilespmem:s7], [sflag:$0x2], $0x2000, s11, s7, $0x38;
	[tilespmem:$0x8400] =	vst v63  }
0xf0: {  	s15 =	rddreg [dreg:$0xd]  }
0xf1: {  	[hbm4b:s15+s7] =	stream.strided.scatter [tilespmem:s13], [sflag:$0x2], $0x2000, s11, s7, $0x38;
	[tilespmem:$0x8400] =	vst v63  }
0xf2: {  	_ =	swait.ge [sflag:s6], $0x2000  }
0xf3: {  	[sflag:s6] =	ssyncset.done $0x0  }
0xf4: {  	[sflag:s6] =	ssyncadd.s32 $0xFFFFE000  }
0xf5: {  	_ =	swait.ge [sflag:s6], $0x2000  }
0xf6: {  	[sflag:s6] =	ssyncset.done $0x0  }
0xf7: {  	s15 =	simm.s32 $0x100;
	[sflag:s6] =	ssyncadd.s32 $0xFFFFE000  }
0xf8: {  	[tilespmem:s7], [sflag:$0x1] =	stream.indirect.gather [hbm4b:s2+s14], $0x80, s15, s14, $0xb8;
	[tilespmem:$0x8400] =	vst v63  }
0xf9: {  	_ = 	snop  }
0xfa: {  	[tilespmem:s13], [sflag:$0x1] =	stream.indirect.gather [hbm4b:s3+s14], $0x80, s24, s14, $0xb8;
	[tilespmem:$0x8400] =	vst v63  }
0xfb: {  	_ =	swait.ge [sflag:s12], $0x2000  }
0xfc: {  	[sflag:s12] =	ssyncset.done $0x0  }
0xfd: {  	[sflag:s12] =	ssyncadd.s32 $0xFFFFE000  }
0xfe: {  	_ =	swait.ge [sflag:s12], $0x2000  }
0xff: {  	[sflag:s12] =	ssyncset.done $0x0  }
0x100: {  	s0 =	rddreg [dreg:$0xe];
	[sflag:s12] =	ssyncadd.s32 $0xFFFFE000  }
0x101: {  	[hbm4b:s0+s7] =	stream.strided.scatter [tilespmem:s9], [sflag:$0x2], $0x2000, s11, s7, $0x38;
	[tilespmem:$0x8400] =	vst v63  }
0x102: {  	s15 =	rddreg [dreg:$0xf]  }
0x103: {  	[hbm4b:s15+s7] =	stream.strided.scatter [tilespmem:s10], [sflag:$0x2], $0x2000, s11, s7, $0x38;
	[tilespmem:$0x8400] =	vst v63  }
0x104: {  	_ =	swait.ge [sflag:s6], $0x2000  }
0x105: {  	[sflag:s6] =	ssyncset.done $0x0  }
0x106: {  	[sflag:s6] =	ssyncadd.s32 $0xFFFFE000  }
0x107: {  	_ =	swait.ge [sflag:s6], $0x2000  }
0x108: {  	[sflag:s6] =	ssyncset.done $0x0  }
0x109: {  	[sflag:s6] =	ssyncadd.s32 $0xFFFFE000  }
0x10a: {  	[tilespmem:s9], [sflag:$0x1] =	stream.indirect.gather [hbm4b:s2+s14], $0x80, s20, s14, $0xb8;
	[tilespmem:$0x8400] =	vst v63  }
0x10b: {  	_ = 	snop  }
0x10c: {  	[tilespmem:s10], [sflag:$0x1] =	stream.indirect.gather [hbm4b:s3+s14], $0x80, s22, s14, $0xb8;
	[tilespmem:$0x8400] =	vst v63  }
0x10d: {  	_ =	swait.ge [sflag:s12], $0x2000  }
0x10e: {  	[sflag:s12] =	ssyncset.done $0x0  }
0x10f: {  	[sflag:s12] =	ssyncadd.s32 $0xFFFFE000  }
0x110: {  	_ =	swait.ge [sflag:s12], $0x2000  }
0x111: {  	[sflag:s12] =	ssyncset.done $0x0  }
0x112: {  	s0 =	rddreg [dreg:$0x10];
	[sflag:s12] =	ssyncadd.s32 $0xFFFFE000  }
0x113: {  	[hbm4b:s0+s7] =	stream.strided.scatter [tilespmem:s7], [sflag:$0x2], $0x2000, s11, s7, $0x38;
	[tilespmem:$0x8400] =	vst v63  }
0x114: {  	s15 =	rddreg [dreg:$0x11]  }
0x115: {  	[hbm4b:s15+s7] =	stream.strided.scatter [tilespmem:s13], [sflag:$0x2], $0x2000, s11, s7, $0x38;
	[tilespmem:$0x8400] =	vst v63  }
0x116: {  	_ =	swait.ge [sflag:s6], $0x2000  }
0x117: {  	[sflag:s6] =	ssyncset.done $0x0  }
0x118: {  	[sflag:s6] =	ssyncadd.s32 $0xFFFFE000  }
0x119: {  	_ =	swait.ge [sflag:s6], $0x2000  }
0x11a: {  	[sflag:s6] =	ssyncset.done $0x0  }
0x11b: {  	[sflag:s6] =	ssyncadd.s32 $0xFFFFE000  }
0x11c: {  	[tilespmem:s7], [sflag:$0x1] =	stream.indirect.gather [hbm4b:s2+s14], $0x80, s18, s14, $0xb8;
	[tilespmem:$0x8400] =	vst v63  }
0x11d: {  	_ = 	snop  }
0x11e: {  	[tilespmem:s13], [sflag:$0x1] =	stream.indirect.gather [hbm4b:s3+s14], $0x80, s19, s14, $0xb8;
	[tilespmem:$0x8400] =	vst v63  }
0x11f: {  	_ =	swait.ge [sflag:s12], $0x2000  }
0x120: {  	[sflag:s12] =	ssyncset.done $0x0  }
0x121: {  	[sflag:s12] =	ssyncadd.s32 $0xFFFFE000  }
0x122: {  	_ =	swait.ge [sflag:s12], $0x2000  }
0x123: {  	[sflag:s12] =	ssyncset.done $0x0  }
0x124: {  	s0 =	rddreg [dreg:$0x12];
	[sflag:s12] =	ssyncadd.s32 $0xFFFFE000  }
0x125: {  	[hbm4b:s0+s7] =	stream.strided.scatter [tilespmem:s9], [sflag:$0x2], $0x2000, s11, s7, $0x38;
	[tilespmem:$0x8400] =	vst v63  }
0x126: {  	s15 =	rddreg [dreg:$0x13]  }
0x127: {  	[hbm4b:s15+s7] =	stream.strided.scatter [tilespmem:s10], [sflag:$0x2], $0x2000, s11, s7, $0x38;
	[tilespmem:$0x8400] =	vst v63  }
0x128: {  	_ =	swait.ge [sflag:s6], $0x2000  }
0x129: {  	[sflag:s6] =	ssyncset.done $0x0  }
0x12a: {  	[sflag:s6] =	ssyncadd.s32 $0xFFFFE000  }
0x12b: {  	_ =	swait.ge [sflag:s6], $0x2000  }
0x12c: {  	[sflag:s6] =	ssyncset.done $0x0  }
0x12d: {  	[sflag:s6] =	ssyncadd.s32 $0xFFFFE000  }
0x12e: {  	[tilespmem:s9], [sflag:$0x1] =	stream.indirect.gather [hbm4b:s2+s14], $0x80, s16, s14, $0xb8;
	[tilespmem:$0x8400] =	vst v63  }
0x12f: {  	_ = 	snop  }
0x130: {  	[tilespmem:s10], [sflag:$0x1] =	stream.indirect.gather [hbm4b:s3+s14], $0x80, s17, s14, $0xb8;
	[tilespmem:$0x8400] =	vst v63  }
0x131: {  	_ =	swait.ge [sflag:s12], $0x2000  }
0x132: {  	[sflag:s12] =	ssyncset.done $0x0  }
0x133: {  	[sflag:s12] =	ssyncadd.s32 $0xFFFFE000  }
0x134: {  	_ =	swait.ge [sflag:s12], $0x2000  }
0x135: {  	[sflag:s12] =	ssyncset.done $0x0  }
0x136: {  	s15 =	rddreg [dreg:$0x14];
	[sflag:s12] =	ssyncadd.s32 $0xFFFFE000  }
0x137: {  	[hbm4b:s15+s7] =	stream.strided.scatter [tilespmem:s7], [sflag:$0x2], $0x2000, s11, s7, $0x38;
	[tilespmem:$0x8400] =	vst v63  }
0x138: {  	_ = 	snop  }
0x139: {  	[hbm4b:s8+s7] =	stream.strided.scatter [tilespmem:s13], [sflag:$0x2], $0x2000, s11, s7, $0x38;
	[tilespmem:$0x8400] =	vst v63  }
0x13a: {  	_ =	swait.ge [sflag:s12], $0x2000  }
0x13b: {  	[sflag:s12] =	ssyncset.done $0x0  }
0x13c: {  	[sflag:s12] =	ssyncadd.s32 $0xFFFFE000  }
0x13d: {  	_ =	swait.ge [sflag:s12], $0x2000  }
0x13e: {  	[sflag:s12] =	ssyncset.done $0x0  }
0x13f: {  	[sflag:s12] =	ssyncadd.s32 $0xFFFFE000  }
0x140: {  	[hbm4b:s4+s7] =	stream.strided.scatter [tilespmem:s9], [sflag:$0x2], $0x2000, s11, s7, $0x38;
	[tilespmem:$0x8400] =	vst v63  }
0x141: {  	_ = 	snop  }
0x142: {  	[hbm4b:s5+s7] =	stream.strided.scatter [tilespmem:s10], [sflag:$0x2], $0x2000, s11, s7, $0x38;
	[tilespmem:$0x8400] =	vst v63  }
0x143: {  	_ =	swait.ge [sflag:s6], $0x2000  }
0x144: {  	[sflag:s6] =	ssyncset.done $0x0  }
0x145: {  	[sflag:s6] =	ssyncadd.s32 $0xFFFFE000  }
0x146: {  	_ =	swait.ge [sflag:s6], $0x2000  }
0x147: {  	[sflag:s6] =	ssyncset.done $0x0  }
0x148: {  	p1 =	sne.s32 s1, $0x1;
	[sflag:s6] =	ssyncadd.s32 $0xFFFFE000  }
.Ltmp2:
0x149: {  	_ =	swait.ge [sflag:s6], $0x2000;
	(pc) =	sbr.rel @p1 .LBB2_4-.Ltmp2, $4  }
0x14a: {  	[sflag:s6] =	ssyncset.done $0x0  }
0x14b: {  	[sflag:s6] =	ssyncadd.s32 $0xFFFFE000  }
0x14c: {  	_ =	swait.ge [sflag:s6], $0x2000  }
0x14d: {  	s1 =	sadd.s32 $0xFFFFFFFF, s1;
	s0 =	rddreg [dreg:$0x6];
	[sflag:s6] =	ssyncset.done $0x0  }
0x14e: {  	s31 =	simm.s32 $0x280;
	s28 =	simm.s32 $0x80  }
0x14f: {  	s26 =	simm.s32 $0x2C0;
	s25 =	simm.s32 $0xC0;
	s24 =	simm.s32 $0x300  }
0x150: {  	s23 =	simm.s32 $0x100;
	s22 =	simm.s32 $0x340;
	s20 =	simm.s32 $0x140  }
0x151: {  	s19 =	simm.s32 $0x380;
	s18 =	simm.s32 $0x180;
	s17 =	simm.s32 $0x3C0  }
0x152: {  	s16 =	simm.s32 $0x1C0;
	s15 =	stileid.u32;
	s1 =	simm.s32 $0x240  }
.LBB2_6:
0x153: {  	[sflag:s6] =	ssyncadd.s32 @p0 $0xFFFFE000  }
0x154: {  	[tilespmem:s21], [sflag:$0x3] =	stream.linear.gather [hbm4b:s0+s21], $0x200, $0x38;
	[tilespmem:$0x8400] =	vst v63  }
0x155: {  	_ =	swait.ge [sflag:s30], $0x200  }
0x156: {  	[sflag:s30] =	ssyncset.done $0x0  }
0x157: {  	s0 =	rddreg [dreg:$0x7];
	[sflag:s30] =	ssyncadd.s32 $0xFFFFFE00  }
0x158: {  	[tilespmem:s29], [sflag:$0x3] =	stream.linear.gather [hbm4b:s0+s21], $0x200, $0x38;
	[tilespmem:$0x8400] =	vst v63  }
0x159: {  	_ =	swait.ge [sflag:s30], $0x200  }
0x15a: {  	[sflag:s30] =	ssyncset.done $0x0  }
0x15b: {  	[sflag:s30] =	ssyncadd.s32 $0xFFFFFE00  }
0x15c: {  	[tilespmem:s7], [sflag:$0x1] =	stream.indirect.gather [hbm4b:s2+s14], $0x80, s21, s14, $0xb8;
	[tilespmem:$0x8400] =	vst v63  }
0x15d: {  	_ = 	snop  }
0x15e: {  	[tilespmem:s13], [sflag:$0x1] =	stream.indirect.gather [hbm4b:s3+s14], $0x80, s29, s14, $0xb8;
	[tilespmem:$0x8400] =	vst v63  }
0x15f: {  	_ = 	snop  }
0x160: {  	[tilespmem:s9], [sflag:$0x1] =	stream.indirect.gather [hbm4b:s2+s14], $0x80, s14, s14, $0xb8;
	[tilespmem:$0x8400] =	vst v63  }
0x161: {  	_ = 	snop  }
0x162: {  	[tilespmem:s10], [sflag:$0x1] =	stream.indirect.gather [hbm4b:s3+s14], $0x80, s1, s14, $0xb8;
	[tilespmem:$0x8400] =	vst v63  }
0x163: {  	_ =	swait.ge [sflag:s12], $0x2000  }
0x164: {  	[sflag:s12] =	ssyncset.done $0x0  }
0x165: {  	[sflag:s12] =	ssyncadd.s32 $0xFFFFE000  }
0x166: {  	_ =	swait.ge [sflag:s12], $0x2000  }
0x167: {  	[sflag:s12] =	ssyncset.done $0x0  }
0x168: {  	s21 =	rddreg [dreg:$0x8];
	[sflag:s12] =	ssyncadd.s32 $0xFFFFE000  }
0x169: {  	[hbm4b:s21+s7] =	stream.strided.scatter [tilespmem:s7], [sflag:$0x2], $0x2000, s11, s7, $0x38;
	[tilespmem:$0x8400] =	vst v63  }
0x16a: {  	s29 =	rddreg [dreg:$0x9]  }
0x16b: {  	[hbm4b:s29+s7] =	stream.strided.scatter [tilespmem:s13], [sflag:$0x2], $0x2000, s11, s7, $0x38;
	[tilespmem:$0x8400] =	vst v63  }
0x16c: {  	_ =	swait.ge [sflag:s6], $0x2000  }
0x16d: {  	[sflag:s6] =	ssyncset.done $0x0  }
0x16e: {  	[sflag:s6] =	ssyncadd.s32 $0xFFFFE000  }
0x16f: {  	_ =	swait.ge [sflag:s6], $0x2000  }
0x170: {  	[sflag:s6] =	ssyncset.done $0x0  }
0x171: {  	[sflag:s6] =	ssyncadd.s32 $0xFFFFE000  }
0x172: {  	[tilespmem:s7], [sflag:$0x1] =	stream.indirect.gather [hbm4b:s2+s14], $0x80, s28, s14, $0xb8;
	[tilespmem:$0x8400] =	vst v63  }
0x173: {  	_ = 	snop  }
0x174: {  	[tilespmem:s13], [sflag:$0x1] =	stream.indirect.gather [hbm4b:s3+s14], $0x80, s31, s14, $0xb8;
	[tilespmem:$0x8400] =	vst v63  }
0x175: {  	_ =	swait.ge [sflag:s12], $0x2000  }
0x176: {  	[sflag:s12] =	ssyncset.done $0x0  }
0x177: {  	[sflag:s12] =	ssyncadd.s32 $0xFFFFE000  }
0x178: {  	_ =	swait.ge [sflag:s12], $0x2000  }
0x179: {  	[sflag:s12] =	ssyncset.done $0x0  }
0x17a: {  	s30 =	rddreg [dreg:$0xa];
	[sflag:s12] =	ssyncadd.s32 $0xFFFFE000  }
0x17b: {  	[hbm4b:s30+s7] =	stream.strided.scatter [tilespmem:s9], [sflag:$0x2], $0x2000, s11, s7, $0x38;
	[tilespmem:$0x8400] =	vst v63  }
0x17c: {  	s31 =	rddreg [dreg:$0xb]  }
0x17d: {  	[hbm4b:s31+s7] =	stream.strided.scatter [tilespmem:s10], [sflag:$0x2], $0x2000, s11, s7, $0x38;
	[tilespmem:$0x8400] =	vst v63  }
0x17e: {  	_ =	swait.ge [sflag:s6], $0x2000  }
0x17f: {  	[sflag:s6] =	ssyncset.done $0x0  }
0x180: {  	[sflag:s6] =	ssyncadd.s32 $0xFFFFE000  }
0x181: {  	_ =	swait.ge [sflag:s6], $0x2000  }
0x182: {  	[sflag:s6] =	ssyncset.done $0x0  }
0x183: {  	[sflag:s6] =	ssyncadd.s32 $0xFFFFE000  }
0x184: {  	[tilespmem:s9], [sflag:$0x1] =	stream.indirect.gather [hbm4b:s2+s14], $0x80, s25, s14, $0xb8;
	[tilespmem:$0x8400] =	vst v63  }
0x185: {  	_ = 	snop  }
0x186: {  	[tilespmem:s10], [sflag:$0x1] =	stream.indirect.gather [hbm4b:s3+s14], $0x80, s26, s14, $0xb8;
	[tilespmem:$0x8400] =	vst v63  }
0x187: {  	_ =	swait.ge [sflag:s12], $0x2000  }
0x188: {  	[sflag:s12] =	ssyncset.done $0x0  }
0x189: {  	[sflag:s12] =	ssyncadd.s32 $0xFFFFE000  }
0x18a: {  	_ =	swait.ge [sflag:s12], $0x2000  }
0x18b: {  	[sflag:s12] =	ssyncset.done $0x0  }
0x18c: {  	s1 =	rddreg [dreg:$0xc];
	[sflag:s12] =	ssyncadd.s32 $0xFFFFE000  }
0x18d: {  	[hbm4b:s1+s7] =	stream.strided.scatter [tilespmem:s7], [sflag:$0x2], $0x2000, s11, s7, $0x38;
	[tilespmem:$0x8400] =	vst v63  }
0x18e: {  	s21 =	rddreg [dreg:$0xd]  }
0x18f: {  	[hbm4b:s21+s7] =	stream.strided.scatter [tilespmem:s13], [sflag:$0x2], $0x2000, s11, s7, $0x38;
	[tilespmem:$0x8400] =	vst v63  }
0x190: {  	_ =	swait.ge [sflag:s6], $0x2000  }
0x191: {  	[sflag:s6] =	ssyncset.done $0x0  }
0x192: {  	[sflag:s6] =	ssyncadd.s32 $0xFFFFE000  }
0x193: {  	_ =	swait.ge [sflag:s6], $0x2000  }
0x194: {  	[sflag:s6] =	ssyncset.done $0x0  }
0x195: {  	[sflag:s6] =	ssyncadd.s32 $0xFFFFE000  }
0x196: {  	[tilespmem:s7], [sflag:$0x1] =	stream.indirect.gather [hbm4b:s2+s14], $0x80, s23, s14, $0xb8;
	[tilespmem:$0x8400] =	vst v63  }
0x197: {  	_ = 	snop  }
0x198: {  	[tilespmem:s13], [sflag:$0x1] =	stream.indirect.gather [hbm4b:s3+s14], $0x80, s24, s14, $0xb8;
	[tilespmem:$0x8400] =	vst v63  }
0x199: {  	_ =	swait.ge [sflag:s12], $0x2000  }
0x19a: {  	[sflag:s12] =	ssyncset.done $0x0  }
0x19b: {  	[sflag:s12] =	ssyncadd.s32 $0xFFFFE000  }
0x19c: {  	_ =	swait.ge [sflag:s12], $0x2000  }
0x19d: {  	[sflag:s12] =	ssyncset.done $0x0  }
0x19e: {  	s24 =	rddreg [dreg:$0xe];
	[sflag:s12] =	ssyncadd.s32 $0xFFFFE000  }
0x19f: {  	[hbm4b:s24+s7] =	stream.strided.scatter [tilespmem:s9], [sflag:$0x2], $0x2000, s11, s7, $0x38;
	[tilespmem:$0x8400] =	vst v63  }
0x1a0: {  	s25 =	rddreg [dreg:$0xf]  }
0x1a1: {  	[hbm4b:s25+s7] =	stream.strided.scatter [tilespmem:s10], [sflag:$0x2], $0x2000, s11, s7, $0x38;
	[tilespmem:$0x8400] =	vst v63  }
0x1a2: {  	_ =	swait.ge [sflag:s6], $0x2000  }
0x1a3: {  	[sflag:s6] =	ssyncset.done $0x0  }
0x1a4: {  	[sflag:s6] =	ssyncadd.s32 $0xFFFFE000  }
0x1a5: {  	_ =	swait.ge [sflag:s6], $0x2000  }
0x1a6: {  	[sflag:s6] =	ssyncset.done $0x0  }
0x1a7: {  	[sflag:s6] =	ssyncadd.s32 $0xFFFFE000  }
0x1a8: {  	[tilespmem:s9], [sflag:$0x1] =	stream.indirect.gather [hbm4b:s2+s14], $0x80, s20, s14, $0xb8;
	[tilespmem:$0x8400] =	vst v63  }
0x1a9: {  	_ = 	snop  }
0x1aa: {  	[tilespmem:s10], [sflag:$0x1] =	stream.indirect.gather [hbm4b:s3+s14], $0x80, s22, s14, $0xb8;
	[tilespmem:$0x8400] =	vst v63  }
0x1ab: {  	_ =	swait.ge [sflag:s12], $0x2000  }
0x1ac: {  	[sflag:s12] =	ssyncset.done $0x0  }
0x1ad: {  	[sflag:s12] =	ssyncadd.s32 $0xFFFFE000  }
0x1ae: {  	_ =	swait.ge [sflag:s12], $0x2000  }
0x1af: {  	[sflag:s12] =	ssyncset.done $0x0  }
0x1b0: {  	s26 =	rddreg [dreg:$0x10];
	[sflag:s12] =	ssyncadd.s32 $0xFFFFE000  }
0x1b1: {  	[hbm4b:s26+s7] =	stream.strided.scatter [tilespmem:s7], [sflag:$0x2], $0x2000, s11, s7, $0x38;
	[tilespmem:$0x8400] =	vst v63  }
0x1b2: {  	s28 =	rddreg [dreg:$0x11]  }
0x1b3: {  	[hbm4b:s28+s7] =	stream.strided.scatter [tilespmem:s13], [sflag:$0x2], $0x2000, s11, s7, $0x38;
	[tilespmem:$0x8400] =	vst v63  }
0x1b4: {  	_ =	swait.ge [sflag:s6], $0x2000  }
0x1b5: {  	[sflag:s6] =	ssyncset.done $0x0  }
0x1b6: {  	[sflag:s6] =	ssyncadd.s32 $0xFFFFE000  }
0x1b7: {  	_ =	swait.ge [sflag:s6], $0x2000  }
0x1b8: {  	[sflag:s6] =	ssyncset.done $0x0  }
0x1b9: {  	[sflag:s6] =	ssyncadd.s32 $0xFFFFE000  }
0x1ba: {  	[tilespmem:s7], [sflag:$0x1] =	stream.indirect.gather [hbm4b:s2+s14], $0x80, s18, s14, $0xb8;
	[tilespmem:$0x8400] =	vst v63  }
0x1bb: {  	_ = 	snop  }
0x1bc: {  	[tilespmem:s13], [sflag:$0x1] =	stream.indirect.gather [hbm4b:s3+s14], $0x80, s19, s14, $0xb8;
	[tilespmem:$0x8400] =	vst v63  }
0x1bd: {  	_ =	swait.ge [sflag:s12], $0x2000  }
0x1be: {  	[sflag:s12] =	ssyncset.done $0x0  }
0x1bf: {  	[sflag:s12] =	ssyncadd.s32 $0xFFFFE000  }
0x1c0: {  	_ =	swait.ge [sflag:s12], $0x2000  }
0x1c1: {  	[sflag:s12] =	ssyncset.done $0x0  }
0x1c2: {  	s29 =	rddreg [dreg:$0x12];
	[sflag:s12] =	ssyncadd.s32 $0xFFFFE000  }
0x1c3: {  	[hbm4b:s29+s7] =	stream.strided.scatter [tilespmem:s9], [sflag:$0x2], $0x2000, s11, s7, $0x38;
	[tilespmem:$0x8400] =	vst v63  }
0x1c4: {  	s30 =	rddreg [dreg:$0x13]  }
0x1c5: {  	[hbm4b:s30+s7] =	stream.strided.scatter [tilespmem:s10], [sflag:$0x2], $0x2000, s11, s7, $0x38;
	[tilespmem:$0x8400] =	vst v63  }
0x1c6: {  	_ =	swait.ge [sflag:s6], $0x2000  }
0x1c7: {  	[sflag:s6] =	ssyncset.done $0x0  }
0x1c8: {  	[sflag:s6] =	ssyncadd.s32 $0xFFFFE000  }
0x1c9: {  	_ =	swait.ge [sflag:s6], $0x2000  }
0x1ca: {  	[sflag:s6] =	ssyncset.done $0x0  }
0x1cb: {  	[sflag:s6] =	ssyncadd.s32 $0xFFFFE000  }
0x1cc: {  	[tilespmem:s9], [sflag:$0x1] =	stream.indirect.gather [hbm4b:s2+s14], $0x80, s16, s14, $0xb8;
	[tilespmem:$0x8400] =	vst v63  }
0x1cd: {  	_ = 	snop  }
0x1ce: {  	[tilespmem:s10], [sflag:$0x1] =	stream.indirect.gather [hbm4b:s3+s14], $0x80, s17, s14, $0xb8;
	[tilespmem:$0x8400] =	vst v63  }
0x1cf: {  	_ =	swait.ge [sflag:s12], $0x2000  }
0x1d0: {  	[sflag:s12] =	ssyncset.done $0x0  }
0x1d1: {  	[sflag:s12] =	ssyncadd.s32 $0xFFFFE000  }
0x1d2: {  	_ =	swait.ge [sflag:s12], $0x2000  }
0x1d3: {  	[sflag:s12] =	ssyncset.done $0x0  }
0x1d4: {  	s31 =	rddreg [dreg:$0x14];
	[sflag:s12] =	ssyncadd.s32 $0xFFFFE000  }
0x1d5: {  	[hbm4b:s31+s7] =	stream.strided.scatter [tilespmem:s7], [sflag:$0x2], $0x2000, s11, s7, $0x38;
	[tilespmem:$0x8400] =	vst v63  }
0x1d6: {  	_ = 	snop  }
0x1d7: {  	[hbm4b:s8+s7] =	stream.strided.scatter [tilespmem:s13], [sflag:$0x2], $0x2000, s11, s7, $0x38;
	[tilespmem:$0x8400] =	vst v63  }
0x1d8: {  	_ =	swait.ge [sflag:s12], $0x2000  }
0x1d9: {  	[sflag:s12] =	ssyncset.done $0x0  }
0x1da: {  	[sflag:s12] =	ssyncadd.s32 $0xFFFFE000  }
0x1db: {  	_ =	swait.ge [sflag:s12], $0x2000  }
0x1dc: {  	[sflag:s12] =	ssyncset.done $0x0  }
0x1dd: {  	[sflag:s12] =	ssyncadd.s32 $0xFFFFE000  }
0x1de: {  	[hbm4b:s4+s7] =	stream.strided.scatter [tilespmem:s9], [sflag:$0x2], $0x2000, s11, s7, $0x38;
	[tilespmem:$0x8400] =	vst v63  }
0x1df: {  	_ = 	snop  }
0x1e0: {  	[hbm4b:s5+s7] =	stream.strided.scatter [tilespmem:s10], [sflag:$0x2], $0x2000, s11, s7, $0x38;
	[tilespmem:$0x8400] =	vst v63  }
0x1e1: {  	_ =	swait.ge [sflag:s6], $0x2000  }
0x1e2: {  	[sflag:s6] =	ssyncset.done $0x0  }
0x1e3: {  	[sflag:s6] =	ssyncadd.s32 $0xFFFFE000  }
0x1e4: {  	_ =	swait.ge [sflag:s6], $0x2000  }
0x1e5: {  	[sflag:s6] =	ssyncset.done $0x0  }
0x1e6: {  	[sflag:s6] =	ssyncadd.s32 $0xFFFFE000  }
0x1e7: {  	_ =	swait.ge [sflag:s6], $0x2000  }
0x1e8: {  	[sflag:s6] =	ssyncset.done $0x0  }
0x1e9: {  	[sflag:s6] =	ssyncadd.s32 $0xFFFFE000  }
0x1ea: {  	_ =	swait.ge [sflag:s6], $0x2000  }
0x1eb: {  	[sflag:s6] =	ssyncset.done $0x0  }
0x1ec: {  	[sflag:s6] =	ssyncadd.s32 $0xFFFFE000  }
0x1ed: {  	_ =	sfence.sel $0x180000  }
0x1ee: {  	[bflag:$0x0] =	sbarrier.arrive $0xFFFF  }
0x1ef: {  	_ =	strace $0x9000004A  }
0x1f0: {  	[bflag:$0x2] =	sbarrier.arrive $0xFFFF  }
0x1f1: {  	p0 =	sne.s32 s15, $0x0;
	s0 =	rddreg [dreg:$0x5]  }
0x1f2: {  	s0 =	sadd.s32 @!p0 $0x100000, s0  }
0x1f3: {  	[sflag:s0] =	ssyncadd.tile.s32 @!p0 $0x1;
	_ =	shalt  }
.LBB2_1:
.Ltmp3:
0x1f4: {  	(pc) =	sbr.rel .LBB2_6-.Ltmp3, $4  }
0x1f5: {  	s31 =	simm.s32 $0x280;
	s28 =	simm.s32 $0x80;
	s26 =	simm.s32 $0x2C0  }
0x1f6: {  	s25 =	simm.s32 $0xC0;
	s24 =	simm.s32 $0x300;
	s23 =	simm.s32 $0x100  }
0x1f7: {  	s22 =	simm.s32 $0x340;
	s20 =	simm.s32 $0x140;
	s19 =	simm.s32 $0x380  }
0x1f8: {  	s18 =	simm.s32 $0x180;
	s17 =	simm.s32 $0x3C0;
	s16 =	simm.s32 $0x1C0  }
.LBB2_3:
.Ltmp4:
0x1f9: {  	s31 =	simm.s32 $0x280;
	s28 =	simm.s32 $0x80;
	(pc) =	sbr.rel .LBB2_6-.Ltmp4, $4  }
0x1fa: {  	s26 =	simm.s32 $0x2C0;
	s25 =	simm.s32 $0xC0;
	s24 =	simm.s32 $0x300  }
0x1fb: {  	s23 =	simm.s32 $0x100;
	s22 =	simm.s32 $0x340;
	s20 =	simm.s32 $0x140  }
0x1fc: {  	s19 =	simm.s32 $0x380;
	s18 =	simm.s32 $0x180;
	s17 =	simm.s32 $0x3C0  }
0x1fd: {  	s16 =	simm.s32 $0x1C0;
	s15 =	stileid.u32;
	s1 =	simm.s32 $0x240  }
.Lfunc_end2:
_tile_overlayer_lowered:
.L_overlay_start_2:
0x1fe: {  	(tag) =	ssettag $0x2  }
0x1ff: {  	s0 =	rddreg [dreg:$0x0];
	s2 =	stileid.u32  }
0x200: {  	s1 =	rddreg [dreg:$0x1];
	p0 =	sne.s32 s2, $0x0  }
0x201: {  	s3 =	rddreg [dreg:$0x2];
	[bflag:$0x3] =	sbarrier.arrive $0xFFFF;
	s2 =	simm.s32 @!p0 $0x1C03  }
0x202: {  	[timem:s3], [sflag:s2] =	dma.local @!p0 [hbm:s0], s1  }
0x203: {  	s0 =	simm.s32 @!p0 $0x3  }
0x204: {  	_ =	swait.ge @!p0 [sflag:s0], s1  }
0x205: {  	s1 =	ssub.s32 @!p0 $0x0, s1;
	[sflag:s0] =	ssyncset.done @!p0 $0x0  }
0x206: {  	[sflag:s0] =	ssyncadd.s32 @!p0 s1  }
0x207: {  	[bflag:$0x3] =	sbarrier.arrive $0xFFFF  }
0x208: {  	_ =	shalt  }

// kernel: kernel.8.cloned.1.call-start
scs
__scs_entry_jumppad:
0x0: {  	(pc) =	sbr.rel $0x88, $3  }
0x1: {  	(tag) =	ssettag $0x0;
	lr =	simm.s32 $0x1  }
0x2: {  	[smem:$0x3F8E] =	sst lr;
	_ =	strace $0xD0000000  }
0x3: {  	_ = 	snop  }
0x4: {  	_ = 	snop  }
0x5: {  	_ = 	snop  }
0x6: {  	_ = 	snop  }
0x7: {  	_ = 	snop  }
__scs_overlays_trampoline_lowered:
0x8: {  	[smem:$0x3F9D] =	sst s0  }
0x9: {  	[smem:$0x3F9E] =	sst s1  }
0xa: {  	[smem:$0x3F9F] =	sst s2  }
0xb: {  	[smem:$0x3FA0] =	sst s3  }
0xc: {  	[smem:$0x3FA1] =	sst s4  }
0xd: {  	[smem:$0x3FA2] =	sst s5  }
0xe: {  	[smem:$0x3FA3] =	sst s6  }
0xf: {  	[smem:$0x3FA4] =	sst s7  }
0x10: {  	[smem:$0x3FA5] =	sst s8  }
0x11: {  	[smem:$0x3FA6] =	sst s9;
	s0 =	simm.s32 @!p0 $0x0  }
0x12: {  	s1 =	sld [smem:$0x3F8C];
	s0 =	simm.s32 @p0 $0x1  }
0x13: {  	[smem:$0x3FA7] =	sst s0;
	s0 =	simm.s32 @!p1 $0x0  }
0x14: {  	s2 =	sld [smem:$0x3F8B];
	s0 =	simm.s32 @p1 $0x1  }
0x15: {  	[smem:$0x3FA8] =	sst s0;
	s0 =	simm.s32 @!p2 $0x0  }
0x16: {  	s3 =	sld [smem:$0x3FDB];
	s0 =	simm.s32 @p2 $0x1  }
0x17: {  	s4 =	simm.s32 $0x1BF5;
	[smem:$0x3FAA] =	sst s0  }
0x18: {  	s0 =	sld [smem:$0x3F8D];
	_ =	swait.ge [sflag:s4], $0x0  }
0x19: {  	s7 =	sld [smem:$0x3F8E]  }
0x1a: {  	s8 =	sadd.s32 $0xFFFFE003, lr  }
0x1b: {  	s9 =	sadd.s32 $0xFFFFFEF7, lr;
	s5 =	simm.s32 $0xFFFFFFFF;
	p2 =	slt.u32 s8, $0xFFFFF086  }
0x1c: {  	p1 =	slt.u32 s9, $0xF7A;
	s5 =	simm.s32 @!p2 $0x0  }
0x1d: {  	s5 =	simm.s32 @p1 $0x1;
	p0 =	seq.s32 s7, s2  }
0x1e: {  	s7 =	smul.u32 @!p0 $0xF7A, s2;
	p2 =	seq.s32 @!p0 s5, $0x0  }
0x1f: {  	s9 =	smul.u32 $0xF7A, s1;
	s8 =	simm.s32 @!p0 $0x1BF5;
	p2 =	por !p2, p0  }
0x20: {  	[sflag:s8] =	ssyncset.s32 @!p0 $0xFFFFF086;
	s6 =	sadd.s32 @!p0 s3, s7;
	s7 =	simm.s32 @!p0 $0x108  }
0x21: {  	s3 =	sadd.s32 s3, s9;
	s6 =	sadd.s32 @!p0 $0x88, s6;
	s7 =	simm.s32 @p2 $0x1082  }
0x22: {  	[simem:s7], [sflag:s8] =	dma.local @!p0 [hbm:s6], $0xF7A  }
0x23: {  	s9 =	sor.u32 $0xD0000000, s2;
	s6 =	simm.s32 $0x108;
	_ =	swait.ge @!p0 [sflag:s8], $0x0  }
0x24: {  	s3 =	sadd.s32 $0x88, s3;
	s6 =	simm.s32 @!p1 $0x1082;
	[sflag:s4] =	ssyncset.s32 $0xFFFFF086  }
0x25: {  	[simem:s6], [sflag:s4] =	dma.local [hbm:s3], $0xF7A  }
0x26: {  	[smem:$0x3F8E] =	sst s1;
	(tag) =	ssettag s2;
	_ =	strace s9  }
0x27: {  	s1 =	sld [smem:$0x3F9E]  }
0x28: {  	s2 =	sld [smem:$0x3F9F]  }
0x29: {  	s4 =	sld [smem:$0x3FA1]  }
0x2a: {  	p0 =	seq.s32 s5, $0x0;
	s5 =	sld [smem:$0x3FA2]  }
0x2b: {  	s6 =	sld [smem:$0x3FA3]  }
0x2c: {  	s7 =	sld [smem:$0x3FA4]  }
0x2d: {  	s3 =	simm.s32 $0x108;
	s8 =	sld [smem:$0x3FA5]  }
0x2e: {  	s3 =	simm.s32 @!p0 $0x1082;
	s9 =	sld [smem:$0x3FA6]  }
0x2f: {  	lr =	sadd.s32 s0, s3;
	s0 =	sld [smem:$0x3F9D]  }
0x30: {  	s3 =	sld [smem:$0x3FA0]  }
0x31: {  	[smem:$0x3FA9] =	sst s10  }
0x32: {  	s10 =	sld [smem:$0x3FA7];
	_ =	sdelay $0x3  }
0x33: {  	p0 =	seq.s32 s10, $0x1;
	s10 =	sld [smem:$0x3FA9];
	_ =	sdelay $0x3  }
0x34: {  	[smem:$0x3FA9] =	sst s10  }
0x35: {  	s10 =	sld [smem:$0x3FA8];
	_ =	sdelay $0x3  }
0x36: {  	p1 =	seq.s32 s10, $0x1;
	s10 =	sld [smem:$0x3FA9];
	_ =	sdelay $0x3  }
0x37: {  	[smem:$0x3FA9] =	sst s10  }
0x38: {  	s10 =	sld [smem:$0x3FAA]  }
0x39: {  	_ = 	snop;
	(pc) =	sbr.ind lr, $3  }
0x3a: {  	_ = 	snop  }
0x3b: {  	_ = 	snop  }
0x3c: {  	p2 =	seq.s32 s10, $0x1;
	s10 =	sld [smem:$0x3FA9]  }
0x3d: {  	_ =	shalt  }
0x3e: {  	_ =	shalt  }
0x3f: {  	_ =	shalt  }
0x40: {  	_ =	shalt  }
0x41: {  	_ =	shalt  }
0x42: {  	_ =	shalt  }
0x43: {  	_ =	shalt  }
0x44: {  	_ =	shalt  }
0x45: {  	_ =	shalt  }
0x46: {  	_ =	shalt  }
0x47: {  	_ =	shalt  }
0x48: {  	_ =	shalt  }
0x49: {  	_ =	shalt  }
0x4a: {  	_ =	shalt  }
0x4b: {  	_ =	shalt  }
0x4c: {  	_ =	shalt  }
0x4d: {  	_ =	shalt  }
0x4e: {  	_ =	shalt  }
0x4f: {  	_ =	shalt  }
0x50: {  	_ =	shalt  }
0x51: {  	_ =	shalt  }
0x52: {  	_ =	shalt  }
0x53: {  	_ =	shalt  }
0x54: {  	_ =	shalt  }
0x55: {  	_ =	shalt  }
0x56: {  	_ =	shalt  }
0x57: {  	_ =	shalt  }
0x58: {  	_ =	shalt  }
0x59: {  	_ =	shalt  }
0x5a: {  	_ =	shalt  }
0x5b: {  	_ =	shalt  }
0x5c: {  	_ =	shalt  }
0x5d: {  	_ =	shalt  }
0x5e: {  	_ =	shalt  }
0x5f: {  	_ =	shalt  }
0x60: {  	_ =	shalt  }
0x61: {  	_ =	shalt  }
0x62: {  	_ =	shalt  }
0x63: {  	_ =	shalt  }
0x64: {  	_ =	shalt  }
0x65: {  	_ =	shalt  }
0x66: {  	_ =	shalt  }
0x67: {  	_ =	shalt  }
0x68: {  	_ =	shalt  }
0x69: {  	_ =	shalt  }
0x6a: {  	_ =	shalt  }
0x6b: {  	_ =	shalt  }
0x6c: {  	_ =	shalt  }
0x6d: {  	_ =	shalt  }
0x6e: {  	_ =	shalt  }
0x6f: {  	_ =	shalt  }
0x70: {  	_ =	shalt  }
0x71: {  	_ =	shalt  }
0x72: {  	_ =	shalt  }
0x73: {  	_ =	shalt  }
0x74: {  	_ =	shalt  }
0x75: {  	_ =	shalt  }
0x76: {  	_ =	shalt  }
0x77: {  	_ =	shalt  }
0x78: {  	_ =	shalt  }
0x79: {  	_ =	shalt  }
0x7a: {  	_ =	shalt  }
0x7b: {  	_ =	shalt  }
0x7c: {  	_ =	shalt  }
0x7d: {  	_ =	shalt  }
0x7e: {  	_ =	shalt  }
0x7f: {  	_ =	shalt  }
0x80: {  	_ =	shalt  }
0x81: {  	_ =	shalt  }
0x82: {  	_ =	shalt  }
0x83: {  	_ =	shalt  }
0x84: {  	_ =	shalt  }
0x85: {  	_ =	shalt  }
0x86: {  	_ =	shalt  }
0x87: {  	_ =	shalt  }
.Lfunc_end0:
.L_simem_size_0:
called_computation.1_lowered:
.L_overlay_start_0:
0x88: {  	s2 =	sld [smem:$0x3FD9]  }
0x89: {  	s3 =	sld [smem:$0x3FFE];
	_ =	sdelay $0x1  }
0x8a: {  	s1 =	srdreg.scid  }
0x8b: {  	s0 =	sand.u32 $0x1, s1  }
0x8c: {  	s17 =	sshll.u32 s0, $0xA;
	s2 =	sadd.s32 s3, s2  }
0x8d: {  	s2 =	sadd.s32 s2, s17  }
0x8e: {  	[smem:$0x3FB5] =	sst s2  }
0x8f: {  	_ = 	snop  }
0x90: {  	s2 =	sld [smem:$0x3FBA]  }
0x91: {  	s18 =	sld [smem:$0x3FB9];
	(tm) =	ssettm $0x1  }
0x92: {  	s4 =	sld [smem:$0x3FFB];
	_ =	sdelay $0x3  }
0x93: {  	_ =	strace s4  }
0x94: {  	s4 =	sld [smem:$0x3FFC];
	_ =	sdelay $0x3  }
0x95: {  	_ =	strace s4  }
0x96: {  	s4 =	sld [smem:$0x3FFD];
	_ =	sdelay $0x3  }
0x97: {  	_ =	strace s4  }
0x98: {  	_ =	strace $0x8FFFFFFF  }
0x99: {  	s19 =	sld [smem:$0x3FDB];
	_ =	sdelay $0x1  }
0x9a: {  	s5 =	simm.s32 $_scs_section_size  }
0x9b: {  	s6 =	simm.s32 $_size__tile_overlayer_lowered;
	s7 =	simm.s32 $_tile_overlayer_lowered  }
0x9c: {  	s22 =	simm.s32 $0x1BFF;
	s21 =	sshll.u32 s7, $0x1;
	s4 =	sadd.s32 s5, s19  }
0x9d: {  	s8 =	simm.s32 $0x0;
	s20 =	sshll.u32 s6, $0x1;
	s6 =	sadd.s32 s21, s4  }
0x9e: {  	[timem:s8], [sflag:s22] =	dma.local [hbm:s6], s20  }
0x9f: {  	_ =	swait.ge [sflag:s22], s20  }
0xa0: {  	s5 =	ssub.s32 $0x0, s20;
	[sflag:s22] =	ssyncset.done $0x0  }
0xa1: {  	[sflag:s22] =	ssyncadd.s32 s5;
	_ =	sdelay $0x1  }
0xa2: {  	s23 =	simm.s32 $0x1B8B  }
0xa3: {  	_ =	swait.ge [sflag:s23], $0x1  }
0xa4: {  	[sflag:s23] =	ssyncset.done $0x0  }
0xa5: {  	s25 =	simm.s32 $0x1B8E;
	s24 =	sld [smem:$0x3FFE];
	[sflag:s23] =	ssyncadd.s32 $0xFFFFFFFF  }
0xa6: {  	s26 =	simm.s32 $execute0_lowered;
	[smem:$0x3FD2] =	sst s25  }
0xa7: {  	s6 =	sshll.u32 s26, $0x1;
	_ =	strace $0x80000046;
	[dreg:$0x1] =	wrdreg $0xFFFFFFFF  }
0xa8: {  	s28 =	simm.s32 $_size_execute0_lowered;
	s4 =	sadd.s32 s4, s6;
	[dreg:$0x0] =	wrdreg $0x0  }
0xa9: {  	s6 =	sshll.u32 s28, $0x1;
	[dreg:$0x2] =	wrdreg s4  }
0xaa: {  	[dreg:$0x3] =	wrdreg s6  }
0xab: {  	[dreg:$0x4] =	wrdreg $0xC0  }
0xac: {  	_ =	task [dreg:s8], $0x5FFFF  }
0xad: {  	[dreg:$0x1] =	wrdreg $0xFFFFFFFF  }
0xae: {  	[dreg:$0x0] =	wrdreg $0x60  }
0xaf: {  	[dreg:$0x2] =	wrdreg s24  }
0xb0: {  	[dreg:$0x3] =	wrdreg s2  }
0xb1: {  	[dreg:$0x4] =	wrdreg s18  }
0xb2: {  	[dreg:$0x5] =	wrdreg $0xA  }
0xb3: {  	_ =	task.clear_ibuf [dreg:s8], $0x6FFFF;
	_ =	strace $0x90000046  }
0xb4: {  	s29 =	simm.s32 $0xA;
	_ =	strace $0x80000048  }
0xb5: {  	_ =	swait.ge [sflag:s29], $0x1  }
0xb6: {  	[sflag:s29] =	ssyncadd.s32 $0xFFFFFFFF  }
0xb7: {  	_ =	strace $0x90000048  }
0xb8: {  	_ =	sfence  }
0xb9: {  	s30 =	sld [smem:$0x0];
	_ =	sdelay $0x2  }
0xba: {  	s31 =	sshll.u32 s1, $0xD;
	s1 =	sshrl.u32 s1, $0x2  }
0xbb: {  	s3 =	sand.u32 $0x4000, s31;
	s1 =	sadd.s32 s1, s30  }
0xbc: {  	s0 =	sor.u32 s3, s0;
	s1 =	sshll.u32 s1, $0x11  }
0xbd: {  	s0 =	sor.u32 s1, s0  }
0xbe: {  	s0 =	sadd.s32 $0x8F2B, s0  }
0xbf: {  	[sflag:s0] =	ssyncadd.remote.s32 $0x1  }
0xc0: {  	_ =	sfence.sel $0xFFFF  }
0xc1: {  	[dreg:$0x0] =	wrdreg $0xFFFFFFFF;
	(pc) =	sbr.abs _section_cstart, $3  }
0xc2: {  	[dreg:$0x1] =	wrdreg $0xFFFFFFFF  }
0xc3: {  	_ =	task.clear_ibuf [dreg:s8], $0x2FFFF;
	_ =	strace $0x9FFFFFFF  }
0xc4: {  	(tm) =	ssettm $0x7FFFFFFF  }
0xc5: {  	_ =	shalt  }
tec
execute0_lowered:
.L_overlay_start_1:
0x0: {  	(tag) =	ssettag $0x1  }
0x1: {  	s0 =	rddreg [dreg:$0x0]  }
0x2: {  	s1 =	rddreg [dreg:$0x1]  }
0x3: {  	s3 =	rddreg [dreg:$0x2];
	s2 =	simm.s32 $0x0;
	s9 =	stileid.u32  }
0x4: {  	s4 =	simm.s32 $0x800;
	s5 =	srdreg.scid;
	s28 =	simm.s32 $0x400  }
0x5: {  	s29 =	simm.s32 $0x1;
	s30 =	simm.s32 $0x0;
	[smem:$0x7FF] =	sst s2  }
0x6: {  	p0 =	sgt.u32 s9, $0x7;
	s5 =	sand.u32 $0x1, s5;
	s6 =	sshll.u32 s9, $0x1  }
0x7: {  	s24 =	sadd.s32 $0x2E00, s0;
	s9 =	smul.u32 $0xC3800, s9;
	_ =	strace $0x80000047  }
0x8: {  	s4 =	simm.s32 @!p0 $0x0;
	s7 =	ssub.s32 $0x2, s5;
	s6 =	sand.u32 $0xE, s6  }
0x9: {  	s11 =	sshll.u32 s5, $0x9;
	s4 =	sadd.s32 s4, s0;
	s8 =	sshrl.u32 s7, $0x1  }
0xa: {  	s10 =	sshrl.u32 s6, $0x1;
	s5 =	sor.u32 s5, s6;
	s20 =	sor.u32 s11, s9  }
0xb: {  	s13 =	sor.u32 $0x80, s11;
	s17 =	sor.u32 $0x100, s11;
	s19 =	sor.u32 $0x180, s11  }
0xc: {  	s8 =	ssub.s32 s7, s8;
	s16 =	smul.u32 $0xC3800, s10;
	s4 =	sadd.s32 $0x1E00, s4  }
0xd: {  	s18 =	sshll.u32 s5, $0x10;
	s22 =	sor.u32 s9, s13;
	s26 =	sor.u32 s9, s17  }
0xe: {  	s9 =	sor.u32 s9, s19;
	[dreg:$0x4] =	wrdreg s4;
	s4 =	sshrl.u32 s20, $0x3  }
0xf: {  	s6 =	sshrl.u32 s26, $0x3;
	s9 =	sshrl.u32 s9, $0x3;
	s8 =	smax.u32 s8, $0x1  }
0x10: {  	s21 =	sor.u32 s11, s16;
	s4 =	sadd.s32 s1, s4;
	s23 =	sor.u32 s16, s13  }
0x11: {  	s12 =	sor.u32 s16, s17;
	s6 =	sadd.s32 s1, s6;
	s14 =	sor.u32 s16, s19  }
0x12: {  	s7 =	sadd.s32 s1, s9;
	[dreg:$0x6] =	wrdreg s8;
	s5 =	sshrl.u32 s21, $0x3  }
0x13: {  	s21 =	sadd.s32 $0x3E00, s0;
	s0 =	sshrl.u32 s22, $0x3;
	s25 =	sshrl.u32 s23, $0x3  }
0x14: {  	s12 =	sshrl.u32 s12, $0x3;
	s31 =	sshrl.u32 s14, $0x3;
	s10 =	sadd.s32 s3, s5  }
0x15: {  	s5 =	sadd.s32 s1, s0;
	s20 =	sadd.s32 s3, s12;
	s12 =	sor.u32 $0x100000, s18  }
0x16: {  	s0 =	sadd.s32 s3, s25;
	s1 =	sadd.s32 s3, s31;
	s18 =	smov.u32 @p0 s12  }
0x17: {  	s4 =	smov.u32 @p0 s10;
	s5 =	smov.u32 @p0 s0;
	s6 =	smov.u32 @p0 s20  }
0x18: {  	s7 =	smov.u32 @p0 s1;
	s22 =	sand.u32 $0x1E0000, s18;
	[dreg:$0x5] =	wrdreg s4  }
0x19: {  	s23 =	sor.u32 s13, s18;
	s9 =	sor.u32 s11, s22;
	s11 =	sor.u32 s11, s18  }
0x1a: {  	s16 =	sor.u32 s13, s22;
	s26 =	sshrl.u32 s23, $0x3;
	s8 =	sor.u32 s17, s22  }
0x1b: {  	s3 =	sshrl.u32 s9, $0x3;
	s12 =	sshrl.u32 s11, $0x3;
	s25 =	sshrl.u32 s16, $0x3  }
0x1c: {  	s31 =	sor.u32 $0x2000, s26;
	s4 =	sor.u32 $0x3000, s26;
	s23 =	sshrl.u32 s8, $0x3  }
0x1d: {  	s26 =	sor.u32 s19, s22;
	s9 =	sadd.s32 s24, s3;
	s14 =	sor.u32 $0x2000, s12  }
0x1e: {  	s10 =	sadd.s32 s3, s21;
	s15 =	sor.u32 $0x3000, s12;
	s13 =	sadd.s32 s24, s25  }
0x1f: {  	s16 =	sadd.s32 s24, s4;
	s11 =	sadd.s32 s24, s14;
	s12 =	sadd.s32 s24, s15  }
0x20: {  	s14 =	sadd.s32 s25, s21;
	s15 =	sadd.s32 s24, s31;
	s25 =	sor.u32 s17, s18  }
0x21: {  	s17 =	sadd.s32 s24, s23;
	s31 =	sor.u32 s19, s18;
	s18 =	sadd.s32 s23, s21  }
0x22: {  	s23 =	sshrl.u32 s26, $0x3;
	s3 =	sshrl.u32 s25, $0x3;
	s25 =	sshrl.u32 s31, $0x3  }
0x23: {  	s21 =	sadd.s32 s23, s21;
	s22 =	sadd.s32 s24, s23;
	s4 =	sor.u32 $0x2000, s3  }
0x24: {  	s20 =	sor.u32 $0x3000, s3;
	s26 =	sor.u32 $0x2000, s25;
	s31 =	sor.u32 $0x3000, s25  }
0x25: {  	s25 =	simm.s32 $0x2;
	s19 =	sadd.s32 s24, s4;
	s20 =	sadd.s32 s24, s20  }
0x26: {  	s23 =	sadd.s32 s24, s26;
	s24 =	sadd.s32 s24, s31;
	s26 =	simm.s32 $0x80  }
.LBB2_1:
0x27: {  	s0 =	simm.s32 $0x18700;
	s1 =	rddreg [dreg:$0x4]  }
0x28: {  	[tilespmem:s0], [sflag:$0x2] =	stream.linear.gather [hbm4b:s1+s2], $0x4000, $0x38;
	[tilespmem:$0x1E700] =	vst v63  }
0x29: {  	_ =	swait.ge [sflag:s25], $0x4000  }
0x2a: {  	[sflag:s25] =	ssyncset.done $0x0  }
0x2b: {  	s3 =	rddreg [dreg:$0x5];
	[sflag:s25] =	ssyncadd.s32 $0xFFFFC000  }
0x2c: {  	[tilespmem:s2], [sflag:$0x2] =	stream.strided.gather [hbm4b:s3+s26], $0x18700, s28, s26, $0x38;
	[tilespmem:$0x1E700] =	vst v63  }
0x2d: {  	_ =	swait.ge [sflag:s25], $0x18700  }
0x2e: {  	[sflag:s25] =	ssyncset.done $0x0  }
0x2f: {  	[sflag:s25] =	ssyncadd.s32 $0xFFFE7900  }
0x30: {  	v0 =	vld [tilespmem:s0+$0x0];
	_ =	sdelay $0x7  }
0x31: {  	v0 =	vld.idx.msk [tilespmem:v0+s2+$0x0], $0xffff;
	_ =	sdelay $0x2  }
0x32: {  	s4 =	sand.u32 $0x70, s2;
	s8 =	sand.u32 $0x1F00, s2  }
0x33: {  	s0 =	sor.u32 s4, s8  }
0x34: {  	s31 =	simm.s32 $0x18710;
	[tilespmem:s0+$0x1C700] =	vst v0  }
0x35: {  	s1 =	simm.s32 $0x0;
	s3 =	simm.s32 $0x20;
	s0 =	simm.s32 $0x10;
	v0 =	vld [tilespmem:s31+$0x0]  }
.LBB2_2:
0x36: {  	p0 =	sne.s32 s3, $0xFF0;
	_ =	sdelay $0x6  }
0x37: {  	v0 =	vld.idx.msk [tilespmem:v0+s2+$0x0], $0xffff;
	_ =	sdelay $0x2  }
.Ltmp0:
0x38: {  	s1 =	sadd.s32 $0x20, s1;
	(pc) =	sbr.rel @p0 .LBB2_2-.Ltmp0, $4  }
0x39: {  	s8 =	sand.u32 $0x70, s0;
	s0 =	smov.u32 s3;
	s4 =	sand.u32 $0x1F00, s1  }
0x3a: {  	s4 =	sor.u32 s8, s4  }
0x3b: {  	s31 =	sadd.s32 $0x10, s31;
	[tilespmem:s4+$0x1C700] =	vst v0  }
0x3c: {  	s3 =	sadd.s32 $0x10, s3;
	v0 =	vld [tilespmem:s31+$0x0]  }
0x3d: {  	_ =	sdelay $0x7  }
0x3e: {  	v0 =	vld.idx.msk [tilespmem:v0+s2+$0x0], $0xffff;
	_ =	sdelay $0x1  }
0x3f: {  	s1 =	sadd.s32 $0x20, s1  }
0x40: {  	s0 =	sand.u32 $0x70, s0;
	s1 =	sand.u32 $0x1F00, s1  }
0x41: {  	s31 =	simm.s32 $0x0;
	s8 =	sadd.s32 $0x0, s9;
	s1 =	sor.u32 s0, s1  }
0x42: {  	s3 =	simm.s32 $0x1C800;
	s0 =	simm.s32 $0x1C700;
	[tilespmem:s1+$0x1C700] =	vst v0;
	s1 =	simm.s32 $0x80  }
.LBB2_4:
0x43: {  	[hbm4b:s8+s31] =	stream.linear.scatter [tilespmem:s0], [sflag:$0x1], $0x80, $0x38;
	[tilespmem:$0x1E700] =	vst v63  }
0x44: {  	s4 =	smov.u32 s1;
	s0 =	smov.u32 s3;
	p0 =	sne.s32 s1, $0xF80  }
.Ltmp1:
0x45: {  	s1 =	sadd.s32 $0x80, s1;
	(pc) =	sbr.rel @p0 .LBB2_4-.Ltmp1, $2  }
0x46: {  	_ =	sdelay $0x2  }
0x47: {  	s3 =	sadd.s32 $0x100, s3;
	s8 =	sadd.s32 s4, s9  }
0x48: {  	[hbm4b:s8+s31] =	stream.linear.scatter [tilespmem:s0], [sflag:$0x1], $0x80, $0x38;
	[tilespmem:$0x1E700] =	vst v63  }
0x49: {  	s8 =	sand.u32 $0xFF0, s31  }
0x4a: {  	v0 =	vld [tilespmem:s8+$0x19700];
	_ =	sdelay $0x7  }
0x4b: {  	v0 =	vld.idx.msk [tilespmem:v0+s2+$0x0], $0xffff;
	_ =	sdelay $0x2  }
0x4c: {  	s1 =	sand.u32 $0x70, s31;
	s3 =	sand.u32 $0x1F00, s31  }
0x4d: {  	s0 =	simm.s32 $0x10;
	s4 =	sor.u32 s1, s3  }
0x4e: {  	s3 =	sand.u32 $0xFF0, s0;
	s1 =	simm.s32 $0x20;
	[tilespmem:s4+$0x1C780] =	vst v0  }
.LBB2_6:
0x4f: {  	p0 =	sne.s32 s1, $0xFF0;
	v0 =	vld [tilespmem:s3+$0x19700];
	_ =	sdelay $0x7  }
0x50: {  	v0 =	vld.idx.msk [tilespmem:v0+s2+$0x0], $0xffff;
	_ =	sdelay $0x1  }
.Ltmp2:
0x51: {  	(pc) =	sbr.rel @p0 .LBB2_6-.Ltmp2, $4  }
0x52: {  	s31 =	sadd.s32 $0x20, s31  }
0x53: {  	s3 =	sand.u32 $0x70, s0;
	s0 =	smov.u32 s1;
	s4 =	sand.u32 $0x1F00, s31  }
0x54: {  	s4 =	sor.u32 s3, s4  }
0x55: {  	s1 =	sadd.s32 $0x10, s1;
	s3 =	sand.u32 $0xFF0, s0;
	[tilespmem:s4+$0x1C780] =	vst v0  }
0x56: {  	v0 =	vld [tilespmem:s3+$0x19700];
	_ =	sdelay $0x7  }
0x57: {  	v0 =	vld.idx.msk [tilespmem:v0+s2+$0x0], $0xffff;
	_ =	sdelay $0x1  }
0x58: {  	s1 =	sadd.s32 $0x20, s31  }
0x59: {  	s0 =	sand.u32 $0x70, s0;
	s1 =	sand.u32 $0x1F00, s1  }
0x5a: {  	s8 =	sadd.s32 $0x0, s10;
	s1 =	sor.u32 s0, s1  }
0x5b: {  	s3 =	simm.s32 $0x1C880;
	s0 =	simm.s32 $0x1C780;
	[tilespmem:s1+$0x1C780] =	vst v0;
	s1 =	simm.s32 $0x80  }
.LBB2_8:
0x5c: {  	[hbm4b:s8+s2] =	stream.linear.scatter [tilespmem:s0], [sflag:$0x1], $0x80, $0x38;
	[tilespmem:$0x1E700] =	vst v63  }
0x5d: {  	s4 =	smov.u32 s1;
	s0 =	smov.u32 s3;
	p0 =	sne.s32 s1, $0xF80  }
.Ltmp3:
0x5e: {  	s1 =	sadd.s32 $0x80, s1;
	(pc) =	sbr.rel @p0 .LBB2_8-.Ltmp3, $2  }
0x5f: {  	_ =	sdelay $0x2  }
0x60: {  	s3 =	sadd.s32 $0x100, s3;
	s8 =	sadd.s32 s4, s10  }
0x61: {  	[hbm4b:s8+s2] =	stream.linear.scatter [tilespmem:s0], [sflag:$0x1], $0x80, $0x38;
	[tilespmem:$0x1E700] =	vst v63  }
0x62: {  	_ =	swait.ge [sflag:s29], $0x1000  }
0x63: {  	s31 =	simm.s32 $0x0;
	[sflag:s29] =	ssyncset.done $0x0  }
0x64: {  	s8 =	sand.u32 $0xFF0, s31;
	[sflag:s29] =	ssyncadd.s32 $0xFFFFF000  }
0x65: {  	v0 =	vld [tilespmem:s8+$0x1A700];
	_ =	sdelay $0x7  }
0x66: {  	v0 =	vld.idx.msk [tilespmem:v0+s2+$0x0], $0xffff;
	_ =	sdelay $0x2  }
0x67: {  	s1 =	sand.u32 $0x70, s31;
	s3 =	sand.u32 $0x1F00, s31  }
0x68: {  	s0 =	simm.s32 $0x10;
	s4 =	sor.u32 s1, s3  }
0x69: {  	s3 =	sand.u32 $0xFF0, s0;
	s1 =	simm.s32 $0x20;
	[tilespmem:s4+$0x1C700] =	vst v0  }
.LBB2_10:
0x6a: {  	p0 =	sne.s32 s1, $0xFF0;
	v0 =	vld [tilespmem:s3+$0x1A700];
	_ =	sdelay $0x7  }
0x6b: {  	v0 =	vld.idx.msk [tilespmem:v0+s2+$0x0], $0xffff;
	_ =	sdelay $0x1  }
.Ltmp4:
0x6c: {  	(pc) =	sbr.rel @p0 .LBB2_10-.Ltmp4, $4  }
0x6d: {  	s31 =	sadd.s32 $0x20, s31  }
0x6e: {  	s3 =	sand.u32 $0x70, s0;
	s0 =	smov.u32 s1;
	s4 =	sand.u32 $0x1F00, s31  }
0x6f: {  	s4 =	sor.u32 s3, s4  }
0x70: {  	s1 =	sadd.s32 $0x10, s1;
	s3 =	sand.u32 $0xFF0, s0;
	[tilespmem:s4+$0x1C700] =	vst v0  }
0x71: {  	v0 =	vld [tilespmem:s3+$0x1A700];
	_ =	sdelay $0x7  }
0x72: {  	v0 =	vld.idx.msk [tilespmem:v0+s2+$0x0], $0xffff;
	_ =	sdelay $0x1  }
0x73: {  	s1 =	sadd.s32 $0x20, s31  }
0x74: {  	s0 =	sand.u32 $0x70, s0;
	s1 =	sand.u32 $0x1F00, s1  }
0x75: {  	s8 =	sadd.s32 $0x0, s11;
	s1 =	sor.u32 s0, s1  }
0x76: {  	s3 =	simm.s32 $0x1C800;
	s0 =	simm.s32 $0x1C700;
	[tilespmem:s1+$0x1C700] =	vst v0;
	s1 =	simm.s32 $0x80  }
.LBB2_12:
0x77: {  	[hbm4b:s8+s2] =	stream.linear.scatter [tilespmem:s0], [sflag:$0x1], $0x80, $0x38;
	[tilespmem:$0x1E700] =	vst v63  }
0x78: {  	s4 =	smov.u32 s1;
	s0 =	smov.u32 s3;
	p0 =	sne.s32 s1, $0xF80  }
.Ltmp5:
0x79: {  	s1 =	sadd.s32 $0x80, s1;
	(pc) =	sbr.rel @p0 .LBB2_12-.Ltmp5, $2  }
0x7a: {  	_ =	sdelay $0x2  }
0x7b: {  	s3 =	sadd.s32 $0x100, s3;
	s8 =	sadd.s32 s4, s11  }
0x7c: {  	[hbm4b:s8+s2] =	stream.linear.scatter [tilespmem:s0], [sflag:$0x1], $0x80, $0x38;
	[tilespmem:$0x1E700] =	vst v63  }
0x7d: {  	_ =	swait.ge [sflag:s29], $0x1000  }
0x7e: {  	s31 =	simm.s32 $0x0;
	[sflag:s29] =	ssyncset.done $0x0  }
0x7f: {  	s8 =	sand.u32 $0xFF0, s31;
	[sflag:s29] =	ssyncadd.s32 $0xFFFFF000  }
0x80: {  	v0 =	vld [tilespmem:s8+$0x1B700];
	_ =	sdelay $0x7  }
0x81: {  	v0 =	vld.idx.msk [tilespmem:v0+s2+$0x0], $0xffff;
	_ =	sdelay $0x2  }
0x82: {  	s1 =	sand.u32 $0x70, s31;
	s3 =	sand.u32 $0x1F00, s31  }
0x83: {  	s0 =	simm.s32 $0x10;
	s4 =	sor.u32 s1, s3  }
0x84: {  	s3 =	sand.u32 $0xFF0, s0;
	s1 =	simm.s32 $0x20;
	[tilespmem:s4+$0x1C780] =	vst v0  }
.LBB2_14:
0x85: {  	p0 =	sne.s32 s1, $0xFF0;
	v0 =	vld [tilespmem:s3+$0x1B700];
	_ =	sdelay $0x7  }
0x86: {  	v0 =	vld.idx.msk [tilespmem:v0+s2+$0x0], $0xffff;
	_ =	sdelay $0x1  }
.Ltmp6:
0x87: {  	(pc) =	sbr.rel @p0 .LBB2_14-.Ltmp6, $4  }
0x88: {  	s31 =	sadd.s32 $0x20, s31  }
0x89: {  	s3 =	sand.u32 $0x70, s0;
	s0 =	smov.u32 s1;
	s4 =	sand.u32 $0x1F00, s31  }
0x8a: {  	s4 =	sor.u32 s3, s4  }
0x8b: {  	s1 =	sadd.s32 $0x10, s1;
	s3 =	sand.u32 $0xFF0, s0;
	[tilespmem:s4+$0x1C780] =	vst v0  }
0x8c: {  	v0 =	vld [tilespmem:s3+$0x1B700];
	_ =	sdelay $0x7  }
0x8d: {  	v0 =	vld.idx.msk [tilespmem:v0+s2+$0x0], $0xffff;
	_ =	sdelay $0x1  }
0x8e: {  	s1 =	sadd.s32 $0x20, s31  }
0x8f: {  	s0 =	sand.u32 $0x70, s0;
	s1 =	sand.u32 $0x1F00, s1  }
0x90: {  	s8 =	sadd.s32 $0x0, s12;
	s1 =	sor.u32 s0, s1  }
0x91: {  	s3 =	simm.s32 $0x1C880;
	s0 =	simm.s32 $0x1C780;
	[tilespmem:s1+$0x1C780] =	vst v0;
	s1 =	simm.s32 $0x80  }
.LBB2_16:
0x92: {  	[hbm4b:s8+s2] =	stream.linear.scatter [tilespmem:s0], [sflag:$0x1], $0x80, $0x38;
	[tilespmem:$0x1E700] =	vst v63  }
0x93: {  	s4 =	smov.u32 s1;
	s0 =	smov.u32 s3;
	p0 =	sne.s32 s1, $0xF80  }
.Ltmp7:
0x94: {  	s1 =	sadd.s32 $0x80, s1;
	(pc) =	sbr.rel @p0 .LBB2_16-.Ltmp7, $2  }
0x95: {  	_ =	sdelay $0x2  }
0x96: {  	s3 =	sadd.s32 $0x100, s3;
	s8 =	sadd.s32 s4, s12  }
0x97: {  	[hbm4b:s8+s2] =	stream.linear.scatter [tilespmem:s0], [sflag:$0x1], $0x80, $0x38;
	[tilespmem:$0x1E700] =	vst v63  }
0x98: {  	s31 =	simm.s32 $0x0  }
0x99: {  	[tilespmem:s31], [sflag:$0x2] =	stream.strided.gather [hbm4b:s5+s26], $0x18700, s28, s26, $0x38;
	[tilespmem:$0x1E700] =	vst v63  }
0x9a: {  	_ =	swait.ge [sflag:s25], $0x18700  }
0x9b: {  	[sflag:s25] =	ssyncset.done $0x0  }
0x9c: {  	[sflag:s25] =	ssyncadd.s32 $0xFFFE7900  }
0x9d: {  	_ =	swait.ge [sflag:s29], $0x1000  }
0x9e: {  	[sflag:s29] =	ssyncset.done $0x0  }
0x9f: {  	s4 =	simm.s32 $0x18700;
	[sflag:s29] =	ssyncadd.s32 $0xFFFFF000  }
0xa0: {  	v0 =	vld [tilespmem:s4+$0x0];
	_ =	sdelay $0x7  }
0xa1: {  	v0 =	vld.idx.msk [tilespmem:v0+s2+$0x0], $0xffff;
	_ =	sdelay $0x2  }
0xa2: {  	s8 =	sand.u32 $0x70, s31;
	s1 =	sand.u32 $0x1F00, s31  }
0xa3: {  	s0 =	sor.u32 s8, s1  }
0xa4: {  	s1 =	simm.s32 $0x18710;
	[tilespmem:s0+$0x1C700] =	vst v0  }
0xa5: {  	s3 =	simm.s32 $0x20;
	s0 =	simm.s32 $0x10;
	v0 =	vld [tilespmem:s1+$0x0]  }
.LBB2_18:
0xa6: {  	p0 =	sne.s32 s3, $0xFF0;
	_ =	sdelay $0x6  }
0xa7: {  	v0 =	vld.idx.msk [tilespmem:v0+s2+$0x0], $0xffff;
	_ =	sdelay $0x2  }
.Ltmp8:
0xa8: {  	s31 =	sadd.s32 $0x20, s31;
	(pc) =	sbr.rel @p0 .LBB2_18-.Ltmp8, $4  }
0xa9: {  	s4 =	sand.u32 $0x70, s0;
	s0 =	smov.u32 s3;
	s8 =	sand.u32 $0x1F00, s31  }
0xaa: {  	s4 =	sor.u32 s4, s8  }
0xab: {  	s1 =	sadd.s32 $0x10, s1;
	[tilespmem:s4+$0x1C700] =	vst v0  }
0xac: {  	s3 =	sadd.s32 $0x10, s3;
	v0 =	vld [tilespmem:s1+$0x0]  }
0xad: {  	_ =	sdelay $0x7  }
0xae: {  	v0 =	vld.idx.msk [tilespmem:v0+s2+$0x0], $0xffff;
	_ =	sdelay $0x1  }
0xaf: {  	s1 =	sadd.s32 $0x20, s31  }
0xb0: {  	s0 =	sand.u32 $0x70, s0;
	s1 =	sand.u32 $0x1F00, s1  }
0xb1: {  	s8 =	sadd.s32 $0x0, s13;
	s1 =	sor.u32 s0, s1  }
0xb2: {  	s3 =	simm.s32 $0x1C800;
	s0 =	simm.s32 $0x1C700;
	[tilespmem:s1+$0x1C700] =	vst v0;
	s1 =	simm.s32 $0x80  }
.LBB2_20:
0xb3: {  	[hbm4b:s8+s2] =	stream.linear.scatter [tilespmem:s0], [sflag:$0x1], $0x80, $0x38;
	[tilespmem:$0x1E700] =	vst v63  }
0xb4: {  	s4 =	smov.u32 s1;
	s0 =	smov.u32 s3;
	p0 =	sne.s32 s1, $0xF80  }
.Ltmp9:
0xb5: {  	s1 =	sadd.s32 $0x80, s1;
	(pc) =	sbr.rel @p0 .LBB2_20-.Ltmp9, $2  }
0xb6: {  	_ =	sdelay $0x2  }
0xb7: {  	s3 =	sadd.s32 $0x100, s3;
	s8 =	sadd.s32 s4, s13  }
0xb8: {  	[hbm4b:s8+s2] =	stream.linear.scatter [tilespmem:s0], [sflag:$0x1], $0x80, $0x38;
	[tilespmem:$0x1E700] =	vst v63  }
0xb9: {  	_ =	swait.ge [sflag:s29], $0x1000  }
0xba: {  	s31 =	simm.s32 $0x0;
	[sflag:s29] =	ssyncset.done $0x0  }
0xbb: {  	s8 =	sand.u32 $0xFF0, s31;
	[sflag:s29] =	ssyncadd.s32 $0xFFFFF000  }
0xbc: {  	v0 =	vld [tilespmem:s8+$0x19700];
	_ =	sdelay $0x7  }
0xbd: {  	v0 =	vld.idx.msk [tilespmem:v0+s2+$0x0], $0xffff;
	_ =	sdelay $0x2  }
0xbe: {  	s1 =	sand.u32 $0x70, s31;
	s3 =	sand.u32 $0x1F00, s31  }
0xbf: {  	s0 =	simm.s32 $0x10;
	s4 =	sor.u32 s1, s3  }
0xc0: {  	s3 =	sand.u32 $0xFF0, s0;
	s1 =	simm.s32 $0x20;
	[tilespmem:s4+$0x1C780] =	vst v0  }
.LBB2_22:
0xc1: {  	p0 =	sne.s32 s1, $0xFF0;
	v0 =	vld [tilespmem:s3+$0x19700];
	_ =	sdelay $0x7  }
0xc2: {  	v0 =	vld.idx.msk [tilespmem:v0+s2+$0x0], $0xffff;
	_ =	sdelay $0x1  }
.Ltmp10:
0xc3: {  	(pc) =	sbr.rel @p0 .LBB2_22-.Ltmp10, $4  }
0xc4: {  	s31 =	sadd.s32 $0x20, s31  }
0xc5: {  	s3 =	sand.u32 $0x70, s0;
	s0 =	smov.u32 s1;
	s4 =	sand.u32 $0x1F00, s31  }
0xc6: {  	s4 =	sor.u32 s3, s4  }
0xc7: {  	s1 =	sadd.s32 $0x10, s1;
	s3 =	sand.u32 $0xFF0, s0;
	[tilespmem:s4+$0x1C780] =	vst v0  }
0xc8: {  	v0 =	vld [tilespmem:s3+$0x19700];
	_ =	sdelay $0x7  }
0xc9: {  	v0 =	vld.idx.msk [tilespmem:v0+s2+$0x0], $0xffff;
	_ =	sdelay $0x1  }
0xca: {  	s1 =	sadd.s32 $0x20, s31  }
0xcb: {  	s0 =	sand.u32 $0x70, s0;
	s1 =	sand.u32 $0x1F00, s1  }
0xcc: {  	s8 =	sadd.s32 $0x0, s14;
	s1 =	sor.u32 s0, s1  }
0xcd: {  	s3 =	simm.s32 $0x1C880;
	s0 =	simm.s32 $0x1C780;
	[tilespmem:s1+$0x1C780] =	vst v0;
	s1 =	simm.s32 $0x80  }
.LBB2_24:
0xce: {  	[hbm4b:s8+s2] =	stream.linear.scatter [tilespmem:s0], [sflag:$0x1], $0x80, $0x38;
	[tilespmem:$0x1E700] =	vst v63  }
0xcf: {  	s4 =	smov.u32 s1;
	s0 =	smov.u32 s3;
	p0 =	sne.s32 s1, $0xF80  }
.Ltmp11:
0xd0: {  	s1 =	sadd.s32 $0x80, s1;
	(pc) =	sbr.rel @p0 .LBB2_24-.Ltmp11, $2  }
0xd1: {  	_ =	sdelay $0x2  }
0xd2: {  	s3 =	sadd.s32 $0x100, s3;
	s8 =	sadd.s32 s4, s14  }
0xd3: {  	[hbm4b:s8+s2] =	stream.linear.scatter [tilespmem:s0], [sflag:$0x1], $0x80, $0x38;
	[tilespmem:$0x1E700] =	vst v63  }
0xd4: {  	_ =	swait.ge [sflag:s29], $0x1000  }
0xd5: {  	s31 =	simm.s32 $0x0;
	[sflag:s29] =	ssyncset.done $0x0  }
0xd6: {  	s8 =	sand.u32 $0xFF0, s31;
	[sflag:s29] =	ssyncadd.s32 $0xFFFFF000  }
0xd7: {  	v0 =	vld [tilespmem:s8+$0x1A700];
	_ =	sdelay $0x7  }
0xd8: {  	v0 =	vld.idx.msk [tilespmem:v0+s2+$0x0], $0xffff;
	_ =	sdelay $0x2  }
0xd9: {  	s1 =	sand.u32 $0x70, s31;
	s3 =	sand.u32 $0x1F00, s31  }
0xda: {  	s0 =	simm.s32 $0x10;
	s4 =	sor.u32 s1, s3  }
0xdb: {  	s3 =	sand.u32 $0xFF0, s0;
	s1 =	simm.s32 $0x20;
	[tilespmem:s4+$0x1C700] =	vst v0  }
.LBB2_26:
0xdc: {  	p0 =	sne.s32 s1, $0xFF0;
	v0 =	vld [tilespmem:s3+$0x1A700];
	_ =	sdelay $0x7  }
0xdd: {  	v0 =	vld.idx.msk [tilespmem:v0+s2+$0x0], $0xffff;
	_ =	sdelay $0x1  }
.Ltmp12:
0xde: {  	(pc) =	sbr.rel @p0 .LBB2_26-.Ltmp12, $4  }
0xdf: {  	s31 =	sadd.s32 $0x20, s31  }
0xe0: {  	s3 =	sand.u32 $0x70, s0;
	s0 =	smov.u32 s1;
	s4 =	sand.u32 $0x1F00, s31  }
0xe1: {  	s4 =	sor.u32 s3, s4  }
0xe2: {  	s1 =	sadd.s32 $0x10, s1;
	s3 =	sand.u32 $0xFF0, s0;
	[tilespmem:s4+$0x1C700] =	vst v0  }
0xe3: {  	v0 =	vld [tilespmem:s3+$0x1A700];
	_ =	sdelay $0x7  }
0xe4: {  	v0 =	vld.idx.msk [tilespmem:v0+s2+$0x0], $0xffff;
	_ =	sdelay $0x1  }
0xe5: {  	s1 =	sadd.s32 $0x20, s31  }
0xe6: {  	s0 =	sand.u32 $0x70, s0;
	s1 =	sand.u32 $0x1F00, s1  }
0xe7: {  	s8 =	sadd.s32 $0x0, s15;
	s1 =	sor.u32 s0, s1  }
0xe8: {  	s3 =	simm.s32 $0x1C800;
	s0 =	simm.s32 $0x1C700;
	[tilespmem:s1+$0x1C700] =	vst v0;
	s1 =	simm.s32 $0x80  }
.LBB2_28:
0xe9: {  	[hbm4b:s8+s2] =	stream.linear.scatter [tilespmem:s0], [sflag:$0x1], $0x80, $0x38;
	[tilespmem:$0x1E700] =	vst v63  }
0xea: {  	s4 =	smov.u32 s1;
	s0 =	smov.u32 s3;
	p0 =	sne.s32 s1, $0xF80  }
.Ltmp13:
0xeb: {  	s1 =	sadd.s32 $0x80, s1;
	(pc) =	sbr.rel @p0 .LBB2_28-.Ltmp13, $2  }
0xec: {  	_ =	sdelay $0x2  }
0xed: {  	s3 =	sadd.s32 $0x100, s3;
	s8 =	sadd.s32 s4, s15  }
0xee: {  	[hbm4b:s8+s2] =	stream.linear.scatter [tilespmem:s0], [sflag:$0x1], $0x80, $0x38;
	[tilespmem:$0x1E700] =	vst v63  }
0xef: {  	_ =	swait.ge [sflag:s29], $0x1000  }
0xf0: {  	s31 =	simm.s32 $0x0;
	[sflag:s29] =	ssyncset.done $0x0  }
0xf1: {  	s8 =	sand.u32 $0xFF0, s31;
	[sflag:s29] =	ssyncadd.s32 $0xFFFFF000  }
0xf2: {  	v0 =	vld [tilespmem:s8+$0x1B700];
	_ =	sdelay $0x7  }
0xf3: {  	v0 =	vld.idx.msk [tilespmem:v0+s2+$0x0], $0xffff;
	_ =	sdelay $0x2  }
0xf4: {  	s1 =	sand.u32 $0x70, s31;
	s3 =	sand.u32 $0x1F00, s31  }
0xf5: {  	s0 =	simm.s32 $0x10;
	s4 =	sor.u32 s1, s3  }
0xf6: {  	s3 =	sand.u32 $0xFF0, s0;
	s1 =	simm.s32 $0x20;
	[tilespmem:s4+$0x1C780] =	vst v0  }
.LBB2_30:
0xf7: {  	p0 =	sne.s32 s1, $0xFF0;
	v0 =	vld [tilespmem:s3+$0x1B700];
	_ =	sdelay $0x7  }
0xf8: {  	v0 =	vld.idx.msk [tilespmem:v0+s2+$0x0], $0xffff;
	_ =	sdelay $0x1  }
.Ltmp14:
0xf9: {  	(pc) =	sbr.rel @p0 .LBB2_30-.Ltmp14, $4  }
0xfa: {  	s31 =	sadd.s32 $0x20, s31  }
0xfb: {  	s3 =	sand.u32 $0x70, s0;
	s0 =	smov.u32 s1;
	s4 =	sand.u32 $0x1F00, s31  }
0xfc: {  	s4 =	sor.u32 s3, s4  }
0xfd: {  	s1 =	sadd.s32 $0x10, s1;
	s3 =	sand.u32 $0xFF0, s0;
	[tilespmem:s4+$0x1C780] =	vst v0  }
0xfe: {  	v0 =	vld [tilespmem:s3+$0x1B700];
	_ =	sdelay $0x7  }
0xff: {  	v0 =	vld.idx.msk [tilespmem:v0+s2+$0x0], $0xffff;
	_ =	sdelay $0x1  }
0x100: {  	s1 =	sadd.s32 $0x20, s31  }
0x101: {  	s0 =	sand.u32 $0x70, s0;
	s1 =	sand.u32 $0x1F00, s1  }
0x102: {  	s8 =	sadd.s32 $0x0, s16;
	s1 =	sor.u32 s0, s1  }
0x103: {  	s3 =	simm.s32 $0x1C880;
	s0 =	simm.s32 $0x1C780;
	[tilespmem:s1+$0x1C780] =	vst v0;
	s1 =	simm.s32 $0x80  }
.LBB2_32:
0x104: {  	[hbm4b:s8+s2] =	stream.linear.scatter [tilespmem:s0], [sflag:$0x1], $0x80, $0x38;
	[tilespmem:$0x1E700] =	vst v63  }
0x105: {  	s4 =	smov.u32 s1;
	s0 =	smov.u32 s3;
	p0 =	sne.s32 s1, $0xF80  }
.Ltmp15:
0x106: {  	s1 =	sadd.s32 $0x80, s1;
	(pc) =	sbr.rel @p0 .LBB2_32-.Ltmp15, $2  }
0x107: {  	_ =	sdelay $0x2  }
0x108: {  	s3 =	sadd.s32 $0x100, s3;
	s8 =	sadd.s32 s4, s16  }
0x109: {  	[hbm4b:s8+s2] =	stream.linear.scatter [tilespmem:s0], [sflag:$0x1], $0x80, $0x38;
	[tilespmem:$0x1E700] =	vst v63  }
0x10a: {  	s31 =	simm.s32 $0x0  }
0x10b: {  	[tilespmem:s31], [sflag:$0x2] =	stream.strided.gather [hbm4b:s6+s26], $0x18700, s28, s26, $0x38;
	[tilespmem:$0x1E700] =	vst v63  }
0x10c: {  	_ =	swait.ge [sflag:s25], $0x18700  }
0x10d: {  	[sflag:s25] =	ssyncset.done $0x0  }
0x10e: {  	[sflag:s25] =	ssyncadd.s32 $0xFFFE7900  }
0x10f: {  	_ =	swait.ge [sflag:s29], $0x1000  }
0x110: {  	[sflag:s29] =	ssyncset.done $0x0  }
0x111: {  	s4 =	simm.s32 $0x18700;
	[sflag:s29] =	ssyncadd.s32 $0xFFFFF000  }
0x112: {  	v0 =	vld [tilespmem:s4+$0x0];
	_ =	sdelay $0x7  }
0x113: {  	v0 =	vld.idx.msk [tilespmem:v0+s2+$0x0], $0xffff;
	_ =	sdelay $0x2  }
0x114: {  	s8 =	sand.u32 $0x70, s31;
	s1 =	sand.u32 $0x1F00, s31  }
0x115: {  	s0 =	sor.u32 s8, s1  }
0x116: {  	s1 =	simm.s32 $0x18710;
	[tilespmem:s0+$0x1C700] =	vst v0  }
0x117: {  	s3 =	simm.s32 $0x20;
	s0 =	simm.s32 $0x10;
	v0 =	vld [tilespmem:s1+$0x0]  }
.LBB2_34:
0x118: {  	p0 =	sne.s32 s3, $0xFF0;
	_ =	sdelay $0x6  }
0x119: {  	v0 =	vld.idx.msk [tilespmem:v0+s2+$0x0], $0xffff;
	_ =	sdelay $0x2  }
.Ltmp16:
0x11a: {  	s31 =	sadd.s32 $0x20, s31;
	(pc) =	sbr.rel @p0 .LBB2_34-.Ltmp16, $4  }
0x11b: {  	s4 =	sand.u32 $0x70, s0;
	s0 =	smov.u32 s3;
	s8 =	sand.u32 $0x1F00, s31  }
0x11c: {  	s4 =	sor.u32 s4, s8  }
0x11d: {  	s1 =	sadd.s32 $0x10, s1;
	[tilespmem:s4+$0x1C700] =	vst v0  }
0x11e: {  	s3 =	sadd.s32 $0x10, s3;
	v0 =	vld [tilespmem:s1+$0x0]  }
0x11f: {  	_ =	sdelay $0x7  }
0x120: {  	v0 =	vld.idx.msk [tilespmem:v0+s2+$0x0], $0xffff;
	_ =	sdelay $0x1  }
0x121: {  	s1 =	sadd.s32 $0x20, s31  }
0x122: {  	s0 =	sand.u32 $0x70, s0;
	s1 =	sand.u32 $0x1F00, s1  }
0x123: {  	s8 =	sadd.s32 $0x0, s17;
	s1 =	sor.u32 s0, s1  }
0x124: {  	s3 =	simm.s32 $0x1C800;
	s0 =	simm.s32 $0x1C700;
	[tilespmem:s1+$0x1C700] =	vst v0;
	s1 =	simm.s32 $0x80  }
.LBB2_36:
0x125: {  	[hbm4b:s8+s2] =	stream.linear.scatter [tilespmem:s0], [sflag:$0x1], $0x80, $0x38;
	[tilespmem:$0x1E700] =	vst v63  }
0x126: {  	s4 =	smov.u32 s1;
	s0 =	smov.u32 s3;
	p0 =	sne.s32 s1, $0xF80  }
.Ltmp17:
0x127: {  	s1 =	sadd.s32 $0x80, s1;
	(pc) =	sbr.rel @p0 .LBB2_36-.Ltmp17, $2  }
0x128: {  	_ =	sdelay $0x2  }
0x129: {  	s3 =	sadd.s32 $0x100, s3;
	s8 =	sadd.s32 s4, s17  }
0x12a: {  	[hbm4b:s8+s2] =	stream.linear.scatter [tilespmem:s0], [sflag:$0x1], $0x80, $0x38;
	[tilespmem:$0x1E700] =	vst v63  }
0x12b: {  	_ =	swait.ge [sflag:s29], $0x1000  }
0x12c: {  	s31 =	simm.s32 $0x0;
	[sflag:s29] =	ssyncset.done $0x0  }
0x12d: {  	s8 =	sand.u32 $0xFF0, s31;
	[sflag:s29] =	ssyncadd.s32 $0xFFFFF000  }
0x12e: {  	v0 =	vld [tilespmem:s8+$0x19700];
	_ =	sdelay $0x7  }
0x12f: {  	v0 =	vld.idx.msk [tilespmem:v0+s2+$0x0], $0xffff;
	_ =	sdelay $0x2  }
0x130: {  	s1 =	sand.u32 $0x70, s31;
	s3 =	sand.u32 $0x1F00, s31  }
0x131: {  	s0 =	simm.s32 $0x10;
	s4 =	sor.u32 s1, s3  }
0x132: {  	s3 =	sand.u32 $0xFF0, s0;
	s1 =	simm.s32 $0x20;
	[tilespmem:s4+$0x1C780] =	vst v0  }
.LBB2_38:
0x133: {  	p0 =	sne.s32 s1, $0xFF0;
	v0 =	vld [tilespmem:s3+$0x19700];
	_ =	sdelay $0x7  }
0x134: {  	v0 =	vld.idx.msk [tilespmem:v0+s2+$0x0], $0xffff;
	_ =	sdelay $0x1  }
.Ltmp18:
0x135: {  	(pc) =	sbr.rel @p0 .LBB2_38-.Ltmp18, $4  }
0x136: {  	s31 =	sadd.s32 $0x20, s31  }
0x137: {  	s3 =	sand.u32 $0x70, s0;
	s0 =	smov.u32 s1;
	s4 =	sand.u32 $0x1F00, s31  }
0x138: {  	s4 =	sor.u32 s3, s4  }
0x139: {  	s1 =	sadd.s32 $0x10, s1;
	s3 =	sand.u32 $0xFF0, s0;
	[tilespmem:s4+$0x1C780] =	vst v0  }
0x13a: {  	v0 =	vld [tilespmem:s3+$0x19700];
	_ =	sdelay $0x7  }
0x13b: {  	v0 =	vld.idx.msk [tilespmem:v0+s2+$0x0], $0xffff;
	_ =	sdelay $0x1  }
0x13c: {  	s1 =	sadd.s32 $0x20, s31  }
0x13d: {  	s0 =	sand.u32 $0x70, s0;
	s1 =	sand.u32 $0x1F00, s1  }
0x13e: {  	s8 =	sadd.s32 $0x0, s18;
	s1 =	sor.u32 s0, s1  }
0x13f: {  	s3 =	simm.s32 $0x1C880;
	s0 =	simm.s32 $0x1C780;
	[tilespmem:s1+$0x1C780] =	vst v0;
	s1 =	simm.s32 $0x80  }
.LBB2_40:
0x140: {  	[hbm4b:s8+s2] =	stream.linear.scatter [tilespmem:s0], [sflag:$0x1], $0x80, $0x38;
	[tilespmem:$0x1E700] =	vst v63  }
0x141: {  	s4 =	smov.u32 s1;
	s0 =	smov.u32 s3;
	p0 =	sne.s32 s1, $0xF80  }
.Ltmp19:
0x142: {  	s1 =	sadd.s32 $0x80, s1;
	(pc) =	sbr.rel @p0 .LBB2_40-.Ltmp19, $2  }
0x143: {  	_ =	sdelay $0x2  }
0x144: {  	s3 =	sadd.s32 $0x100, s3;
	s8 =	sadd.s32 s4, s18  }
0x145: {  	[hbm4b:s8+s2] =	stream.linear.scatter [tilespmem:s0], [sflag:$0x1], $0x80, $0x38;
	[tilespmem:$0x1E700] =	vst v63  }
0x146: {  	_ =	swait.ge [sflag:s29], $0x1000  }
0x147: {  	s31 =	simm.s32 $0x0;
	[sflag:s29] =	ssyncset.done $0x0  }
0x148: {  	s8 =	sand.u32 $0xFF0, s31;
	[sflag:s29] =	ssyncadd.s32 $0xFFFFF000  }
0x149: {  	v0 =	vld [tilespmem:s8+$0x1A700];
	_ =	sdelay $0x7  }
0x14a: {  	v0 =	vld.idx.msk [tilespmem:v0+s2+$0x0], $0xffff;
	_ =	sdelay $0x2  }
0x14b: {  	s1 =	sand.u32 $0x70, s31;
	s3 =	sand.u32 $0x1F00, s31  }
0x14c: {  	s0 =	simm.s32 $0x10;
	s4 =	sor.u32 s1, s3  }
0x14d: {  	s3 =	sand.u32 $0xFF0, s0;
	s1 =	simm.s32 $0x20;
	[tilespmem:s4+$0x1C700] =	vst v0  }
.LBB2_42:
0x14e: {  	p0 =	sne.s32 s1, $0xFF0;
	v0 =	vld [tilespmem:s3+$0x1A700];
	_ =	sdelay $0x7  }
0x14f: {  	v0 =	vld.idx.msk [tilespmem:v0+s2+$0x0], $0xffff;
	_ =	sdelay $0x1  }
.Ltmp20:
0x150: {  	(pc) =	sbr.rel @p0 .LBB2_42-.Ltmp20, $4  }
0x151: {  	s31 =	sadd.s32 $0x20, s31  }
0x152: {  	s3 =	sand.u32 $0x70, s0;
	s0 =	smov.u32 s1;
	s4 =	sand.u32 $0x1F00, s31  }
0x153: {  	s4 =	sor.u32 s3, s4  }
0x154: {  	s1 =	sadd.s32 $0x10, s1;
	s3 =	sand.u32 $0xFF0, s0;
	[tilespmem:s4+$0x1C700] =	vst v0  }
0x155: {  	v0 =	vld [tilespmem:s3+$0x1A700];
	_ =	sdelay $0x7  }
0x156: {  	v0 =	vld.idx.msk [tilespmem:v0+s2+$0x0], $0xffff;
	_ =	sdelay $0x1  }
0x157: {  	s1 =	sadd.s32 $0x20, s31  }
0x158: {  	s0 =	sand.u32 $0x70, s0;
	s1 =	sand.u32 $0x1F00, s1  }
0x159: {  	s8 =	sadd.s32 $0x0, s19;
	s1 =	sor.u32 s0, s1  }
0x15a: {  	s3 =	simm.s32 $0x1C800;
	s0 =	simm.s32 $0x1C700;
	[tilespmem:s1+$0x1C700] =	vst v0;
	s1 =	simm.s32 $0x80  }
.LBB2_44:
0x15b: {  	[hbm4b:s8+s2] =	stream.linear.scatter [tilespmem:s0], [sflag:$0x1], $0x80, $0x38;
	[tilespmem:$0x1E700] =	vst v63  }
0x15c: {  	s4 =	smov.u32 s1;
	s0 =	smov.u32 s3;
	p0 =	sne.s32 s1, $0xF80  }
.Ltmp21:
0x15d: {  	s1 =	sadd.s32 $0x80, s1;
	(pc) =	sbr.rel @p0 .LBB2_44-.Ltmp21, $2  }
0x15e: {  	_ =	sdelay $0x2  }
0x15f: {  	s3 =	sadd.s32 $0x100, s3;
	s8 =	sadd.s32 s4, s19  }
0x160: {  	[hbm4b:s8+s2] =	stream.linear.scatter [tilespmem:s0], [sflag:$0x1], $0x80, $0x38;
	[tilespmem:$0x1E700] =	vst v63  }
0x161: {  	_ =	swait.ge [sflag:s29], $0x1000  }
0x162: {  	s31 =	simm.s32 $0x0;
	[sflag:s29] =	ssyncset.done $0x0  }
0x163: {  	s8 =	sand.u32 $0xFF0, s31;
	[sflag:s29] =	ssyncadd.s32 $0xFFFFF000  }
0x164: {  	v0 =	vld [tilespmem:s8+$0x1B700];
	_ =	sdelay $0x7  }
0x165: {  	v0 =	vld.idx.msk [tilespmem:v0+s2+$0x0], $0xffff;
	_ =	sdelay $0x2  }
0x166: {  	s1 =	sand.u32 $0x70, s31;
	s3 =	sand.u32 $0x1F00, s31  }
0x167: {  	s0 =	simm.s32 $0x10;
	s4 =	sor.u32 s1, s3  }
0x168: {  	s3 =	sand.u32 $0xFF0, s0;
	s1 =	simm.s32 $0x20;
	[tilespmem:s4+$0x1C780] =	vst v0  }
.LBB2_46:
0x169: {  	p0 =	sne.s32 s1, $0xFF0;
	v0 =	vld [tilespmem:s3+$0x1B700];
	_ =	sdelay $0x7  }
0x16a: {  	v0 =	vld.idx.msk [tilespmem:v0+s2+$0x0], $0xffff;
	_ =	sdelay $0x1  }
.Ltmp22:
0x16b: {  	(pc) =	sbr.rel @p0 .LBB2_46-.Ltmp22, $4  }
0x16c: {  	s31 =	sadd.s32 $0x20, s31  }
0x16d: {  	s3 =	sand.u32 $0x70, s0;
	s0 =	smov.u32 s1;
	s4 =	sand.u32 $0x1F00, s31  }
0x16e: {  	s4 =	sor.u32 s3, s4  }
0x16f: {  	s1 =	sadd.s32 $0x10, s1;
	s3 =	sand.u32 $0xFF0, s0;
	[tilespmem:s4+$0x1C780] =	vst v0  }
0x170: {  	v0 =	vld [tilespmem:s3+$0x1B700];
	_ =	sdelay $0x7  }
0x171: {  	v0 =	vld.idx.msk [tilespmem:v0+s2+$0x0], $0xffff;
	_ =	sdelay $0x1  }
0x172: {  	s1 =	sadd.s32 $0x20, s31  }
0x173: {  	s0 =	sand.u32 $0x70, s0;
	s1 =	sand.u32 $0x1F00, s1  }
0x174: {  	s8 =	sadd.s32 $0x0, s20;
	s1 =	sor.u32 s0, s1  }
0x175: {  	s3 =	simm.s32 $0x1C880;
	s0 =	simm.s32 $0x1C780;
	[tilespmem:s1+$0x1C780] =	vst v0;
	s1 =	simm.s32 $0x80  }
.LBB2_48:
0x176: {  	[hbm4b:s8+s2] =	stream.linear.scatter [tilespmem:s0], [sflag:$0x1], $0x80, $0x38;
	[tilespmem:$0x1E700] =	vst v63  }
0x177: {  	s4 =	smov.u32 s1;
	s0 =	smov.u32 s3;
	p0 =	sne.s32 s1, $0xF80  }
.Ltmp23:
0x178: {  	s1 =	sadd.s32 $0x80, s1;
	(pc) =	sbr.rel @p0 .LBB2_48-.Ltmp23, $2  }
0x179: {  	_ =	sdelay $0x2  }
0x17a: {  	s3 =	sadd.s32 $0x100, s3;
	s8 =	sadd.s32 s4, s20  }
0x17b: {  	[hbm4b:s8+s2] =	stream.linear.scatter [tilespmem:s0], [sflag:$0x1], $0x80, $0x38;
	[tilespmem:$0x1E700] =	vst v63  }
0x17c: {  	s31 =	simm.s32 $0x0  }
0x17d: {  	[tilespmem:s31], [sflag:$0x2] =	stream.strided.gather [hbm4b:s7+s26], $0x18700, s28, s26, $0x38;
	[tilespmem:$0x1E700] =	vst v63  }
0x17e: {  	_ =	swait.ge [sflag:s25], $0x18700  }
0x17f: {  	[sflag:s25] =	ssyncset.done $0x0  }
0x180: {  	[sflag:s25] =	ssyncadd.s32 $0xFFFE7900  }
0x181: {  	_ =	swait.ge [sflag:s29], $0x1000  }
0x182: {  	[sflag:s29] =	ssyncset.done $0x0  }
0x183: {  	s4 =	simm.s32 $0x18700;
	[sflag:s29] =	ssyncadd.s32 $0xFFFFF000  }
0x184: {  	v0 =	vld [tilespmem:s4+$0x0];
	_ =	sdelay $0x7  }
0x185: {  	v0 =	vld.idx.msk [tilespmem:v0+s2+$0x0], $0xffff;
	_ =	sdelay $0x2  }
0x186: {  	s8 =	sand.u32 $0x70, s31;
	s1 =	sand.u32 $0x1F00, s31  }
0x187: {  	s0 =	sor.u32 s8, s1  }
0x188: {  	s1 =	simm.s32 $0x18710;
	[tilespmem:s0+$0x1C700] =	vst v0  }
0x189: {  	s3 =	simm.s32 $0x20;
	s0 =	simm.s32 $0x10;
	v0 =	vld [tilespmem:s1+$0x0]  }
.LBB2_50:
0x18a: {  	p0 =	sne.s32 s3, $0xFF0;
	_ =	sdelay $0x6  }
0x18b: {  	v0 =	vld.idx.msk [tilespmem:v0+s2+$0x0], $0xffff;
	_ =	sdelay $0x2  }
.Ltmp24:
0x18c: {  	s31 =	sadd.s32 $0x20, s31;
	(pc) =	sbr.rel @p0 .LBB2_50-.Ltmp24, $4  }
0x18d: {  	s4 =	sand.u32 $0x70, s0;
	s0 =	smov.u32 s3;
	s8 =	sand.u32 $0x1F00, s31  }
0x18e: {  	s4 =	sor.u32 s4, s8  }
0x18f: {  	s1 =	sadd.s32 $0x10, s1;
	[tilespmem:s4+$0x1C700] =	vst v0  }
0x190: {  	s3 =	sadd.s32 $0x10, s3;
	v0 =	vld [tilespmem:s1+$0x0]  }
0x191: {  	_ =	sdelay $0x7  }
0x192: {  	v0 =	vld.idx.msk [tilespmem:v0+s2+$0x0], $0xffff;
	_ =	sdelay $0x1  }
0x193: {  	s1 =	sadd.s32 $0x20, s31  }
0x194: {  	s0 =	sand.u32 $0x70, s0;
	s1 =	sand.u32 $0x1F00, s1  }
0x195: {  	s8 =	sadd.s32 $0x0, s22;
	s1 =	sor.u32 s0, s1  }
0x196: {  	s3 =	simm.s32 $0x1C800;
	s0 =	simm.s32 $0x1C700;
	[tilespmem:s1+$0x1C700] =	vst v0;
	s1 =	simm.s32 $0x80  }
.LBB2_52:
0x197: {  	[hbm4b:s8+s2] =	stream.linear.scatter [tilespmem:s0], [sflag:$0x1], $0x80, $0x38;
	[tilespmem:$0x1E700] =	vst v63  }
0x198: {  	s4 =	smov.u32 s1;
	s0 =	smov.u32 s3;
	p0 =	sne.s32 s1, $0xF80  }
.Ltmp25:
0x199: {  	s1 =	sadd.s32 $0x80, s1;
	(pc) =	sbr.rel @p0 .LBB2_52-.Ltmp25, $2  }
0x19a: {  	_ =	sdelay $0x2  }
0x19b: {  	s3 =	sadd.s32 $0x100, s3;
	s8 =	sadd.s32 s4, s22  }
0x19c: {  	[hbm4b:s8+s2] =	stream.linear.scatter [tilespmem:s0], [sflag:$0x1], $0x80, $0x38;
	[tilespmem:$0x1E700] =	vst v63  }
0x19d: {  	_ =	swait.ge [sflag:s29], $0x1000  }
0x19e: {  	s31 =	simm.s32 $0x0;
	[sflag:s29] =	ssyncset.done $0x0  }
0x19f: {  	s8 =	sand.u32 $0xFF0, s31;
	[sflag:s29] =	ssyncadd.s32 $0xFFFFF000  }
0x1a0: {  	v0 =	vld [tilespmem:s8+$0x19700];
	_ =	sdelay $0x7  }
0x1a1: {  	v0 =	vld.idx.msk [tilespmem:v0+s2+$0x0], $0xffff;
	_ =	sdelay $0x2  }
0x1a2: {  	s1 =	sand.u32 $0x70, s31;
	s3 =	sand.u32 $0x1F00, s31  }
0x1a3: {  	s0 =	simm.s32 $0x10;
	s4 =	sor.u32 s1, s3  }
0x1a4: {  	s3 =	sand.u32 $0xFF0, s0;
	s1 =	simm.s32 $0x20;
	[tilespmem:s4+$0x1C780] =	vst v0  }
.LBB2_54:
0x1a5: {  	p0 =	sne.s32 s1, $0xFF0;
	v0 =	vld [tilespmem:s3+$0x19700];
	_ =	sdelay $0x7  }
0x1a6: {  	v0 =	vld.idx.msk [tilespmem:v0+s2+$0x0], $0xffff;
	_ =	sdelay $0x1  }
.Ltmp26:
0x1a7: {  	(pc) =	sbr.rel @p0 .LBB2_54-.Ltmp26, $4  }
0x1a8: {  	s31 =	sadd.s32 $0x20, s31  }
0x1a9: {  	s3 =	sand.u32 $0x70, s0;
	s0 =	smov.u32 s1;
	s4 =	sand.u32 $0x1F00, s31  }
0x1aa: {  	s4 =	sor.u32 s3, s4  }
0x1ab: {  	s1 =	sadd.s32 $0x10, s1;
	s3 =	sand.u32 $0xFF0, s0;
	[tilespmem:s4+$0x1C780] =	vst v0  }
0x1ac: {  	v0 =	vld [tilespmem:s3+$0x19700];
	_ =	sdelay $0x7  }
0x1ad: {  	v0 =	vld.idx.msk [tilespmem:v0+s2+$0x0], $0xffff;
	_ =	sdelay $0x1  }
0x1ae: {  	s1 =	sadd.s32 $0x20, s31  }
0x1af: {  	s0 =	sand.u32 $0x70, s0;
	s1 =	sand.u32 $0x1F00, s1  }
0x1b0: {  	s8 =	sadd.s32 $0x0, s21;
	s1 =	sor.u32 s0, s1  }
0x1b1: {  	s3 =	simm.s32 $0x1C880;
	s0 =	simm.s32 $0x1C780;
	[tilespmem:s1+$0x1C780] =	vst v0;
	s1 =	simm.s32 $0x80  }
.LBB2_56:
0x1b2: {  	[hbm4b:s8+s2] =	stream.linear.scatter [tilespmem:s0], [sflag:$0x1], $0x80, $0x38;
	[tilespmem:$0x1E700] =	vst v63  }
0x1b3: {  	s4 =	smov.u32 s1;
	s0 =	smov.u32 s3;
	p0 =	sne.s32 s1, $0xF80  }
.Ltmp27:
0x1b4: {  	s1 =	sadd.s32 $0x80, s1;
	(pc) =	sbr.rel @p0 .LBB2_56-.Ltmp27, $2  }
0x1b5: {  	_ =	sdelay $0x2  }
0x1b6: {  	s3 =	sadd.s32 $0x100, s3;
	s8 =	sadd.s32 s4, s21  }
0x1b7: {  	[hbm4b:s8+s2] =	stream.linear.scatter [tilespmem:s0], [sflag:$0x1], $0x80, $0x38;
	[tilespmem:$0x1E700] =	vst v63  }
0x1b8: {  	_ =	swait.ge [sflag:s29], $0x1000  }
0x1b9: {  	s31 =	simm.s32 $0x0;
	[sflag:s29] =	ssyncset.done $0x0  }
0x1ba: {  	s8 =	sand.u32 $0xFF0, s31;
	[sflag:s29] =	ssyncadd.s32 $0xFFFFF000  }
0x1bb: {  	v0 =	vld [tilespmem:s8+$0x1A700];
	_ =	sdelay $0x7  }
0x1bc: {  	v0 =	vld.idx.msk [tilespmem:v0+s2+$0x0], $0xffff;
	_ =	sdelay $0x2  }
0x1bd: {  	s1 =	sand.u32 $0x70, s31;
	s3 =	sand.u32 $0x1F00, s31  }
0x1be: {  	s0 =	simm.s32 $0x10;
	s4 =	sor.u32 s1, s3  }
0x1bf: {  	s3 =	sand.u32 $0xFF0, s0;
	s1 =	simm.s32 $0x20;
	[tilespmem:s4+$0x1C700] =	vst v0  }
.LBB2_58:
0x1c0: {  	p0 =	sne.s32 s1, $0xFF0;
	v0 =	vld [tilespmem:s3+$0x1A700];
	_ =	sdelay $0x7  }
0x1c1: {  	v0 =	vld.idx.msk [tilespmem:v0+s2+$0x0], $0xffff;
	_ =	sdelay $0x1  }
.Ltmp28:
0x1c2: {  	(pc) =	sbr.rel @p0 .LBB2_58-.Ltmp28, $4  }
0x1c3: {  	s31 =	sadd.s32 $0x20, s31  }
0x1c4: {  	s3 =	sand.u32 $0x70, s0;
	s0 =	smov.u32 s1;
	s4 =	sand.u32 $0x1F00, s31  }
0x1c5: {  	s4 =	sor.u32 s3, s4  }
0x1c6: {  	s1 =	sadd.s32 $0x10, s1;
	s3 =	sand.u32 $0xFF0, s0;
	[tilespmem:s4+$0x1C700] =	vst v0  }
0x1c7: {  	v0 =	vld [tilespmem:s3+$0x1A700];
	_ =	sdelay $0x7  }
0x1c8: {  	v0 =	vld.idx.msk [tilespmem:v0+s2+$0x0], $0xffff;
	_ =	sdelay $0x1  }
0x1c9: {  	s1 =	sadd.s32 $0x20, s31  }
0x1ca: {  	s0 =	sand.u32 $0x70, s0;
	s1 =	sand.u32 $0x1F00, s1  }
0x1cb: {  	s8 =	sadd.s32 $0x0, s23;
	s1 =	sor.u32 s0, s1  }
0x1cc: {  	s3 =	simm.s32 $0x1C800;
	s0 =	simm.s32 $0x1C700;
	[tilespmem:s1+$0x1C700] =	vst v0;
	s1 =	simm.s32 $0x80  }
.LBB2_60:
0x1cd: {  	[hbm4b:s8+s2] =	stream.linear.scatter [tilespmem:s0], [sflag:$0x1], $0x80, $0x38;
	[tilespmem:$0x1E700] =	vst v63  }
0x1ce: {  	s4 =	smov.u32 s1;
	s0 =	smov.u32 s3;
	p0 =	sne.s32 s1, $0xF80  }
.Ltmp29:
0x1cf: {  	s1 =	sadd.s32 $0x80, s1;
	(pc) =	sbr.rel @p0 .LBB2_60-.Ltmp29, $2  }
0x1d0: {  	_ =	sdelay $0x2  }
0x1d1: {  	s3 =	sadd.s32 $0x100, s3;
	s8 =	sadd.s32 s4, s23  }
0x1d2: {  	[hbm4b:s8+s2] =	stream.linear.scatter [tilespmem:s0], [sflag:$0x1], $0x80, $0x38;
	[tilespmem:$0x1E700] =	vst v63  }
0x1d3: {  	_ =	swait.ge [sflag:s29], $0x1000  }
0x1d4: {  	s31 =	simm.s32 $0x0;
	[sflag:s29] =	ssyncset.done $0x0  }
0x1d5: {  	s8 =	sand.u32 $0xFF0, s31;
	[sflag:s29] =	ssyncadd.s32 $0xFFFFF000  }
0x1d6: {  	v0 =	vld [tilespmem:s8+$0x1B700];
	_ =	sdelay $0x7  }
0x1d7: {  	v0 =	vld.idx.msk [tilespmem:v0+s2+$0x0], $0xffff;
	_ =	sdelay $0x2  }
0x1d8: {  	s1 =	sand.u32 $0x70, s31;
	s3 =	sand.u32 $0x1F00, s31  }
0x1d9: {  	s0 =	simm.s32 $0x10;
	s4 =	sor.u32 s1, s3  }
0x1da: {  	s3 =	sand.u32 $0xFF0, s0;
	s1 =	simm.s32 $0x20;
	[tilespmem:s4+$0x1C780] =	vst v0  }
.LBB2_62:
0x1db: {  	p0 =	sne.s32 s1, $0xFF0;
	v0 =	vld [tilespmem:s3+$0x1B700];
	_ =	sdelay $0x7  }
0x1dc: {  	v0 =	vld.idx.msk [tilespmem:v0+s2+$0x0], $0xffff;
	_ =	sdelay $0x1  }
.Ltmp30:
0x1dd: {  	(pc) =	sbr.rel @p0 .LBB2_62-.Ltmp30, $4  }
0x1de: {  	s31 =	sadd.s32 $0x20, s31  }
0x1df: {  	s3 =	sand.u32 $0x70, s0;
	s0 =	smov.u32 s1;
	s4 =	sand.u32 $0x1F00, s31  }
0x1e0: {  	s4 =	sor.u32 s3, s4  }
0x1e1: {  	s1 =	sadd.s32 $0x10, s1;
	s3 =	sand.u32 $0xFF0, s0;
	[tilespmem:s4+$0x1C780] =	vst v0  }
0x1e2: {  	v0 =	vld [tilespmem:s3+$0x1B700];
	_ =	sdelay $0x7  }
0x1e3: {  	v0 =	vld.idx.msk [tilespmem:v0+s2+$0x0], $0xffff;
	_ =	sdelay $0x1  }
0x1e4: {  	s1 =	sadd.s32 $0x20, s31  }
0x1e5: {  	s0 =	sand.u32 $0x70, s0;
	s1 =	sand.u32 $0x1F00, s1  }
0x1e6: {  	s8 =	sadd.s32 $0x0, s24;
	s1 =	sor.u32 s0, s1  }
0x1e7: {  	s3 =	simm.s32 $0x1C880;
	s0 =	simm.s32 $0x1C780;
	[tilespmem:s1+$0x1C780] =	vst v0;
	s1 =	simm.s32 $0x80  }
.LBB2_64:
0x1e8: {  	[hbm4b:s8+s2] =	stream.linear.scatter [tilespmem:s0], [sflag:$0x1], $0x80, $0x38;
	[tilespmem:$0x1E700] =	vst v63  }
0x1e9: {  	s4 =	smov.u32 s1;
	s0 =	smov.u32 s3;
	p0 =	sne.s32 s1, $0xF80  }
.Ltmp31:
0x1ea: {  	s1 =	sadd.s32 $0x80, s1;
	(pc) =	sbr.rel @p0 .LBB2_64-.Ltmp31, $2  }
0x1eb: {  	_ =	sdelay $0x2  }
0x1ec: {  	s3 =	sadd.s32 $0x100, s3;
	s8 =	sadd.s32 s4, s24  }
0x1ed: {  	[hbm4b:s8+s2] =	stream.linear.scatter [tilespmem:s0], [sflag:$0x1], $0x80, $0x38;
	[tilespmem:$0x1E700] =	vst v63  }
0x1ee: {  	_ =	swait.ge [sflag:s29], $0x1000  }
0x1ef: {  	[sflag:s29] =	ssyncset.done $0x0  }
0x1f0: {  	[sflag:s29] =	ssyncadd.s32 $0xFFFFF000  }
0x1f1: {  	_ =	swait.ge [sflag:s29], $0x1000  }
0x1f2: {  	s30 =	sadd.s32 $0x1, s30;
	s31 =	rddreg [dreg:$0x6]  }
0x1f3: {  	p0 =	sne.s32 s30, s31  }
.Ltmp32:
0x1f4: {  	_ = 	snop;
	(pc) =	sbr.rel @p0 .LBB2_1-.Ltmp32, $3  }
0x1f5: {  	_ =	sdelay $0x1  }
0x1f6: {  	[sflag:s29] =	ssyncset.done $0x0  }
0x1f7: {  	[sflag:s29] =	ssyncadd.s32 $0xFFFFF000  }
0x1f8: {  	_ =	sfence.sel $0x180000  }
0x1f9: {  	[bflag:$0x0] =	sbarrier.arrive $0xFFFF  }
0x1fa: {  	_ =	strace $0x90000047  }
0x1fb: {  	s0 =	stileid.u32;
	[bflag:$0x2] =	sbarrier.arrive $0xFFFF  }
0x1fc: {  	p0 =	sne.s32 s0, $0x0;
	s0 =	rddreg [dreg:$0x3]  }
0x1fd: {  	s0 =	sadd.s32 @!p0 $0x100000, s0  }
0x1fe: {  	[sflag:s0] =	ssyncadd.tile.s32 @!p0 $0x1;
	_ =	shalt  }
.Lfunc_end2:
_tile_overlayer_lowered:
.L_overlay_start_2:
0x1ff: {  	(tag) =	ssettag $0x2  }
0x200: {  	s0 =	rddreg [dreg:$0x0];
	s2 =	stileid.u32  }
0x201: {  	s1 =	rddreg [dreg:$0x1];
	p0 =	sne.s32 s2, $0x0  }
0x202: {  	s3 =	rddreg [dreg:$0x2];
	[bflag:$0x3] =	sbarrier.arrive $0xFFFF;
	s2 =	simm.s32 @!p0 $0x1C02  }
0x203: {  	[timem:s3], [sflag:s2] =	dma.local @!p0 [hbm:s0], s1  }
0x204: {  	s0 =	simm.s32 @!p0 $0x2  }
0x205: {  	_ =	swait.ge @!p0 [sflag:s0], s1  }
0x206: {  	s1 =	ssub.s32 @!p0 $0x0, s1;
	[sflag:s0] =	ssyncset.done @!p0 $0x0  }
0x207: {  	[sflag:s0] =	ssyncadd.s32 @!p0 s1  }
0x208: {  	[bflag:$0x3] =	sbarrier.arrive $0xFFFF  }
0x209: {  	_ =	shalt  }

</sc_bundles>
